<compile_context>
chip_gen: v7x
topology: tpu7x:2x2x1
jax: 0.10.2.dev20260603
libtpu: 0.0.44.dev20260713+nightly
codegen_flags: <defaults>
</compile_context>

<pallas_src>
import functools

import jax
import jax.numpy as jnp
from jax.experimental import pallas as pl
from jax.experimental.pallas import tpu as pltpu
from jax.experimental.pallas import tpu_sc as plsc

N = 8192
K = 20
NUM_GRAPHS = 8
OUT_DIM = 40

_BIG = 1e30
_BIG2 = 2e30



_WINS = (1536, 2560, N)


def _extract_topk(d, lane, idx_ref):
    cols = []
    for _ in range(K):
        m = jnp.min(d, axis=1, keepdims=True)
        am = jnp.min(jnp.where(d <= m, lane, N), axis=1, keepdims=True)
        cols.append(am)
        d = jnp.where(lane == am, _BIG2, d)
    idx_ref[...] = jnp.concatenate(cols, axis=1)


def _knn_body(info_ref, x_ref, xt_ref, bc_ref, br_ref, idx_ref, *, rows):
    pid = pl.program_id(0)
    start = pl.multiple_of(info_ref[0, pid], 256)
    sel = info_ref[1, pid]
    x = x_ref[...]
    sqc = jnp.sum(x * x, axis=1, keepdims=True)
    bc = bc_ref[...]

    def _tier(win, s):
        xt = xt_ref[:, pl.ds(s, win)] if win < N else xt_ref[...]
        br = br_ref[:, pl.ds(s, win)] if win < N else br_ref[...]
        sqr = jnp.sum(xt * xt, axis=0, keepdims=True)
        d = sqc + sqr - 2.0 * jnp.dot(x, xt, preferred_element_type=jnp.float32)
        d = jnp.where(bc != br, _BIG, d)
        lane = jax.lax.broadcasted_iota(jnp.int32, (rows, win), 1) + s
        _extract_topk(d, lane, idx_ref)

    for t, w in enumerate(_WINS):
        s = start if w < N else 0

        @pl.when(sel == t)
        def _(w=w, s=s):
            _tier(w, s)


def _knn(info, x, xt, batch_col, batch_row, rows=128):
    f = x.shape[1]
    grid = N // rows
    return pl.pallas_call(
        functools.partial(_knn_body, rows=rows),
        grid_spec=pltpu.PrefetchScalarGridSpec(
            num_scalar_prefetch=1,
            grid=(grid,),
            in_specs=[
                pl.BlockSpec((rows, f), lambda i, inf: (i, 0)),
                pl.BlockSpec((f, N), lambda i, inf: (0, 0)),
                pl.BlockSpec((rows, 1), lambda i, inf: (i, 0)),
                pl.BlockSpec((1, N), lambda i, inf: (0, 0)),
            ],
            out_specs=pl.BlockSpec((rows, K), lambda i, inf: (i, 0)),
        ),
        out_shape=jax.ShapeDtypeStruct((N, K), jnp.int32),
    )(info, x, xt, batch_col, batch_row)


def _knn_window_info(batch, rows=128):
    br = batch.reshape(N // rows, rows)
    seg_start = jnp.searchsorted(batch, jnp.arange(NUM_GRAPHS), side="left")
    seg_end = jnp.searchsorted(batch, jnp.arange(NUM_GRAPHS) + 1, side="left")
    cs = seg_start[br[:, 0]]
    ce = seg_end[br[:, -1]]
    s = (cs // 256) * 256
    sel = jnp.full(s.shape, len(_WINS) - 1, jnp.int32)
    for t in range(len(_WINS) - 2, -1, -1):
        st = jnp.minimum(s, N - _WINS[t])
        sel = jnp.where(ce - st <= _WINS[t], t, sel)
    s_final = jnp.minimum(s, N - jnp.asarray(_WINS)[sel])
    return jnp.stack([s_final.astype(jnp.int32), sel])




def _make_sc_gather(b_total, d, chunk):
    info = plsc.get_sparse_core_info()
    nc, ns = info.num_cores, info.num_subcores
    nw = nc * ns
    b_per_w = b_total // nw
    nchunks = b_per_w // chunk
    assert b_per_w % chunk == 0 and chunk % 8 == 0
    mesh = plsc.VectorSubcoreMesh(core_axis_name="c", subcore_axis_name="s")

    @functools.partial(
        pl.kernel,
        mesh=mesh,
        compiler_params=pltpu.CompilerParams(use_tc_tiling_on_sc=False),
        out_type=jax.ShapeDtypeStruct((b_total, d), jnp.float32),
        scratch_types=[
            pltpu.VMEM((chunk,), jnp.int32),
            pltpu.VMEM((chunk, d), jnp.float32),
            pltpu.SemaphoreType.DMA,
        ],
    )
    def gather(table_hbm, idx_hbm, out_hbm, idx_v, rows_v, sem):
        wid = jax.lax.axis_index("s") * nc + jax.lax.axis_index("c")
        base = wid * b_per_w
        for c in range(nchunks):
            off = base + c * chunk
            pltpu.sync_copy(idx_hbm.at[pl.ds(off, chunk)], idx_v)
            pltpu.async_copy(table_hbm.at[idx_v], rows_v, sem).wait()
            pltpu.sync_copy(rows_v, out_hbm.at[pl.ds(off, chunk)])

    return gather




def _pre1(pos_blk, posg_blk, wa_ref, wb_ref, b_ref):
    return (jnp.dot(pos_blk, wa_ref[...], preferred_element_type=jnp.float32)
            + jnp.dot(posg_blk - pos_blk, wb_ref[...], preferred_element_type=jnp.float32)
            + b_ref[...])


def _stats1_body(pg_ref, p_ref, wa_ref, wb_ref, b_ref, s_ref, q_ref):
    first = (pl.program_id(0) == 0) & (pl.program_id(1) == 0)

    @pl.when(first)
    def _():
        s_ref[...] = jnp.zeros_like(s_ref)
        q_ref[...] = jnp.zeros_like(q_ref)

    pre = _pre1(p_ref[...], pg_ref[0], wa_ref, wb_ref, b_ref)
    s_ref[...] += jnp.sum(pre, axis=0, keepdims=True)
    q_ref[...] += jnp.sum(pre * pre, axis=0, keepdims=True)


def _stats1(pos_g, pos_pad, wa, wb, b1, rows=1024):
    fp = pos_pad.shape[1]
    grid = (K, N // rows)
    return pl.pallas_call(
        _stats1_body,
        grid=grid,
        in_specs=[
            pl.BlockSpec((1, rows, fp), lambda k, j: (k, j, 0)),
            pl.BlockSpec((rows, fp), lambda k, j: (j, 0)),
            pl.BlockSpec((fp, 64), lambda k, j: (0, 0)),
            pl.BlockSpec((fp, 64), lambda k, j: (0, 0)),
            pl.BlockSpec((1, 64), lambda k, j: (0, 0)),
        ],
        out_specs=[
            pl.BlockSpec((1, 64), lambda k, j: (0, 0)),
            pl.BlockSpec((1, 64), lambda k, j: (0, 0)),
        ],
        out_shape=[
            jax.ShapeDtypeStruct((1, 64), jnp.float32),
            jax.ShapeDtypeStruct((1, 64), jnp.float32),
        ],
    )(pos_g, pos_pad, wa, wb, b1)




def _bn_fold_k(s, q, g, bt):
    e = float(N * K)
    m = s / e
    var = jnp.maximum(q / e - m * m, 0.0)
    a = g / jnp.sqrt(var + 1e-5)
    return a, bt - m * a


def _l2_body(pg_ref, p_ref, wa_ref, wb_ref, b_ref, s1_ref, q1_ref, g_ref,
             bt_ref, w_ref, b2_ref, e_ref, s_ref, q_ref):
    first = (pl.program_id(0) == 0) & (pl.program_id(1) == 0)

    @pl.when(first)
    def _():
        s_ref[...] = jnp.zeros_like(s_ref)
        q_ref[...] = jnp.zeros_like(q_ref)

    a1, b1f = _bn_fold_k(s1_ref[...], q1_ref[...], g_ref[...], bt_ref[...])
    pre = _pre1(p_ref[...], pg_ref[0], wa_ref, wb_ref, b_ref)
    r = jnp.maximum(pre * a1 + b1f, 0.0)
    h = jnp.dot(r, w_ref[...], preferred_element_type=jnp.float32) + b2_ref[...]
    e_ref[...] = h[None]
    s_ref[...] += jnp.sum(h, axis=0, keepdims=True)
    q_ref[...] += jnp.sum(h * h, axis=0, keepdims=True)


def _l2(pos_g, pos_pad, wa, wb, b1, s1, q1, g1, bt1, w2, b2, rows=1024):
    fp = pos_pad.shape[1]
    grid = (K, N // rows)
    return pl.pallas_call(
        _l2_body,
        grid=grid,
        in_specs=[
            pl.BlockSpec((1, rows, fp), lambda k, j: (k, j, 0)),
            pl.BlockSpec((rows, fp), lambda k, j: (j, 0)),
            pl.BlockSpec((fp, 64), lambda k, j: (0, 0)),
            pl.BlockSpec((fp, 64), lambda k, j: (0, 0)),
            pl.BlockSpec((1, 64), lambda k, j: (0, 0)),
            pl.BlockSpec((1, 64), lambda k, j: (0, 0)),
            pl.BlockSpec((1, 64), lambda k, j: (0, 0)),
            pl.BlockSpec((1, 64), lambda k, j: (0, 0)),
            pl.BlockSpec((1, 64), lambda k, j: (0, 0)),
            pl.BlockSpec((64, 64), lambda k, j: (0, 0)),
            pl.BlockSpec((1, 64), lambda k, j: (0, 0)),
        ],
        out_specs=[
            pl.BlockSpec((1, rows, 64), lambda k, j: (k, j, 0)),
            pl.BlockSpec((1, 64), lambda k, j: (0, 0)),
            pl.BlockSpec((1, 64), lambda k, j: (0, 0)),
        ],
        out_shape=[
            jax.ShapeDtypeStruct((K, N, 64), jnp.float32),
            jax.ShapeDtypeStruct((1, 64), jnp.float32),
            jax.ShapeDtypeStruct((1, 64), jnp.float32),
        ],
    )(pos_g, pos_pad, wa, wb, b1, s1, q1, g1, bt1, w2, b2)




def _l3_body(e_ref, s2_ref, q2_ref, g_ref, bt_ref, w_ref, b3_ref,
             x1_ref, x1t_ref):
    a2, b2f = _bn_fold_k(s2_ref[...], q2_ref[...], g_ref[...], bt_ref[...])
    acc = None
    for k in range(K):
        r = jnp.maximum(e_ref[k] * a2 + b2f, 0.0)
        h = jnp.dot(r, w_ref[...], preferred_element_type=jnp.float32)
        acc = h if acc is None else jnp.maximum(acc, h)
    x1 = acc + b3_ref[...]
    x1_ref[...] = x1
    x1t_ref[...] = x1.T


def _l3(e2, s2, q2, g2, bt2, w3, b3, rows=256):
    f = w3.shape[0]
    grid = (N // rows,)
    return pl.pallas_call(
        _l3_body,
        grid=grid,
        in_specs=[
            pl.BlockSpec((K, rows, f), lambda i: (0, i, 0)),
            pl.BlockSpec((1, f), lambda i: (0, 0)),
            pl.BlockSpec((1, f), lambda i: (0, 0)),
            pl.BlockSpec((1, f), lambda i: (0, 0)),
            pl.BlockSpec((1, f), lambda i: (0, 0)),
            pl.BlockSpec((f, f), lambda i: (0, 0)),
            pl.BlockSpec((1, f), lambda i: (0, 0)),
        ],
        out_specs=[
            pl.BlockSpec((rows, f), lambda i: (i, 0)),
            pl.BlockSpec((f, rows), lambda i: (0, i)),
        ],
        out_shape=[
            jax.ShapeDtypeStruct((N, f), jnp.float32),
            jax.ShapeDtypeStruct((f, N), jnp.float32),
        ],
    )(e2, s2, q2, g2, bt2, w3, b3)




def _conv2_body(xg_ref, x_ref, wa_ref, wb_ref, b4_ref, x2_ref):
    x = x_ref[...]
    a = jnp.dot(x, wa_ref[...], preferred_element_type=jnp.float32) + b4_ref[...]
    acc = None
    for k in range(K):
        h = a + jnp.dot(xg_ref[k] - x, wb_ref[...], preferred_element_type=jnp.float32)
        acc = h if acc is None else jnp.maximum(acc, h)
    x2_ref[...] = acc


def _conv2(x1_g, x1, wa, wb, b4, rows=256):
    grid = (N // rows,)
    return pl.pallas_call(
        _conv2_body,
        grid=grid,
        in_specs=[
            pl.BlockSpec((K, rows, 64), lambda i: (0, i, 0)),
            pl.BlockSpec((rows, 64), lambda i: (i, 0)),
            pl.BlockSpec((64, 128), lambda i: (0, 0)),
            pl.BlockSpec((64, 128), lambda i: (0, 0)),
            pl.BlockSpec((1, 128), lambda i: (0, 0)),
        ],
        out_specs=pl.BlockSpec((rows, 128), lambda i: (i, 0)),
        out_shape=jax.ShapeDtypeStruct((N, 128), jnp.float32),
    )(x1_g, x1, wa, wb, b4)




def _pool_head_body(x1_ref, x2_ref, bc_ref, wa_ref, wb_ref, b5_ref, w6_ref,
                    b6_ref, w7_ref, b7_ref, w8_ref, b8_ref, o_ref, p_ref):
    @pl.when(pl.program_id(0) == 0)
    def _():
        p_ref[...] = jnp.full_like(p_ref, -jnp.inf)

    o = (jnp.dot(x1_ref[...], wa_ref[...], preferred_element_type=jnp.float32)
         + jnp.dot(x2_ref[...], wb_ref[...], preferred_element_type=jnp.float32)
         + b5_ref[...])
    b = bc_ref[...]
    for g in range(NUM_GRAPHS):
        mg = jnp.max(jnp.where(b == g, o, -jnp.inf), axis=0, keepdims=True)
        p_ref[g:g + 1, :] = jnp.maximum(p_ref[g:g + 1, :], mg)

    @pl.when(pl.program_id(0) == pl.num_programs(0) - 1)
    def _():
        h = jnp.maximum(jnp.dot(p_ref[...], w6_ref[...], preferred_element_type=jnp.float32) + b6_ref[...], 0.0)
        h = jnp.maximum(jnp.dot(h, w7_ref[...], preferred_element_type=jnp.float32) + b7_ref[...], 0.0)
        o_ref[...] = jnp.dot(h, w8_ref[...], preferred_element_type=jnp.float32) + b8_ref[...]


def _pool_head(x1, x2, batch_col, w5a, w5b, b5, w6, b6, w7, b7, w8, b8,
               rows=256):
    grid = (N // rows,)
    const = lambda i: (0, 0)
    return pl.pallas_call(
        _pool_head_body,
        grid=grid,
        in_specs=[
            pl.BlockSpec((rows, x1.shape[1]), lambda i: (i, 0)),
            pl.BlockSpec((rows, x2.shape[1]), lambda i: (i, 0)),
            pl.BlockSpec((rows, 1), lambda i: (i, 0)),
            pl.BlockSpec(w5a.shape, const),
            pl.BlockSpec(w5b.shape, const),
            pl.BlockSpec((1, b5.shape[1]), const),
            pl.BlockSpec(w6.shape, const),
            pl.BlockSpec((1, b6.shape[1]), const),
            pl.BlockSpec(w7.shape, const),
            pl.BlockSpec((1, b7.shape[1]), const),
            pl.BlockSpec(w8.shape, const),
            pl.BlockSpec((1, b8.shape[1]), const),
        ],
        out_specs=pl.BlockSpec((NUM_GRAPHS, OUT_DIM), const),
        out_shape=jax.ShapeDtypeStruct((NUM_GRAPHS, OUT_DIM), jnp.float32),
        scratch_shapes=[pltpu.VMEM((NUM_GRAPHS, w5a.shape[1]), jnp.float32)],
    )(x1, x2, batch_col, w5a, w5b, b5, w6, b6, w7, b7, w8, b8)




def kernel(pos, batch, W1, b1, g1, bt1, W2, b2, g2, bt2, W3, b3, W4, b4,
           W5, b5, W6, b6, W7, b7, W8, b8):
    batch = batch.astype(jnp.int32)
    batch_col = batch.reshape(N, 1)
    batch_row = batch.reshape(1, N)

    pos_pad = jnp.pad(pos, ((0, 0), (0, 13)))
    w1a = jnp.pad(W1[:3], ((0, 13), (0, 0)))
    w1b = jnp.pad(W1[3:], ((0, 13), (0, 0)))
    b1r = b1.reshape(1, -1)

    info = _knn_window_info(batch)
    idx1 = _knn(info, pos_pad, pos_pad.T, batch_col, batch_row)
    idx1_flat = idx1.T.reshape(-1)

    pos_g = _make_sc_gather(N * K, 16, 512)(pos_pad, idx1_flat).reshape(K, N, 16)

    s1, q1 = _stats1(pos_g, pos_pad, w1a, w1b, b1r)

    e2, s2, q2 = _l2(pos_g, pos_pad, w1a, w1b, b1r, s1, q1,
                     g1.reshape(1, -1), bt1.reshape(1, -1), W2,
                     b2.reshape(1, -1))

    x1, x1t = _l3(e2, s2, q2, g2.reshape(1, -1), bt2.reshape(1, -1), W3,
                  b3.reshape(1, -1))

    idx2 = _knn(info, x1, x1t, batch_col, batch_row)
    idx2_flat = idx2.T.reshape(-1)

    x1_g = _make_sc_gather(N * K, 64, 512)(x1, idx2_flat).reshape(K, N, 64)

    x2 = _conv2(x1_g, x1, W4[:64], W4[64:], b4.reshape(1, -1))

    return _pool_head(x1, x2, batch_col, W5[:64], W5[64:], b5.reshape(1, -1),
                      W6, b6.reshape(1, -1), W7, b7.reshape(1, -1), W8,
                      b8.reshape(1, -1))

# --- scband reference (transcript-rebuilt; emitter-appended) ---
"""Pipeline reference for scband-dgcnn-16844861735561 (READ-ONLY COPY).

The authoritative reference and input builder live on the scoring server;
editing this copy changes nothing except your own understanding.
"""

import jax, jax.numpy as jnp
import numpy as np

N = 8192
K = 20
NUM_GRAPHS = 8
OUT_DIM = 40

def _lin(key, fin, fout):
    return jax.random.normal(key, (fin, fout), dtype=jnp.float32) * (1.0 / np.sqrt(fin))

def setup_inputs(seed: int = 0) -> dict:
    key = jax.random.key(seed)
    ks = jax.random.split(key, 24)
    pos = jax.random.normal(ks[0], (N, 3), dtype=jnp.float32)
    batch = jnp.sort(jax.random.randint(ks[1], (N,), 0, NUM_GRAPHS)).astype(jnp.int32)
    d = {"pos": pos, "batch": batch}
    # conv1 MLP([6,64,64,64]) with batch_norm + relu on first two layers, plain last
    d["W1"] = _lin(ks[2], 6, 64);   d["b1"] = jnp.zeros((64,), jnp.float32)
    d["g1"] = jnp.ones((64,), jnp.float32); d["bt1"] = jnp.zeros((64,), jnp.float32)
    d["W2"] = _lin(ks[3], 64, 64);  d["b2"] = jnp.zeros((64,), jnp.float32)
    d["g2"] = jnp.ones((64,), jnp.float32); d["bt2"] = jnp.zeros((64,), jnp.float32)
    d["W3"] = _lin(ks[4], 64, 64);  d["b3"] = jnp.zeros((64,), jnp.float32)
    # conv2 MLP([128,128]): single plain Linear
    d["W4"] = _lin(ks[5], 128, 128); d["b4"] = jnp.zeros((128,), jnp.float32)
    # lin1: Linear(192, 1024)
    d["W5"] = _lin(ks[6], 192, 1024); d["b5"] = jnp.zeros((1024,), jnp.float32)
    # head MLP([1024,512,256,40]), norm=None, dropout inactive at eval
    d["W6"] = _lin(ks[7], 1024, 512); d["b6"] = jnp.zeros((512,), jnp.float32)
    d["W7"] = _lin(ks[8], 512, 256);  d["b7"] = jnp.zeros((256,), jnp.float32)
    d["W8"] = _lin(ks[9], 256, OUT_DIM); d["b8"] = jnp.zeros((OUT_DIM,), jnp.float32)
    return d

def _bn(h, g, b):
    m = jnp.mean(h, axis=0, keepdims=True)
    v = jnp.var(h, axis=0, keepdims=True)
    return g * (h - m) / jnp.sqrt(v + 1e-5) + b

def _knn_idx(x, batch, k):
    sq = jnp.sum(x * x, axis=1)
    dist = sq[:, None] + sq[None, :] - 2.0 * (x @ x.T)
    mask = batch[:, None] != batch[None, :]
    dist = jnp.where(mask, jnp.inf, dist)
    _, idx = jax.lax.top_k(-dist, k)
    return idx

def _edge_conv(x, idx, mlp_fn):
    xj = x[idx]                                  # [N, K, F] gather
    xi = jnp.broadcast_to(x[:, None, :], xj.shape)
    msg = jnp.concatenate([xi, xj - xi], axis=-1)  # [N, K, 2F]
    n, k, f2 = msg.shape
    h = mlp_fn(msg.reshape(n * k, f2))
    return jnp.max(h.reshape(n, k, -1), axis=1)    # max aggregation

def reference(pos, batch, W1, b1, g1, bt1, W2, b2, g2, bt2, W3, b3, W4, b4, W5, b5, W6, b6, W7, b7, W8, b8):
    batch = batch.astype(jnp.int32)

    def mlp1(h):
        h = jax.nn.relu(_bn(h @ W1 + b1, g1, bt1))
        h = jax.nn.relu(_bn(h @ W2 + b2, g2, bt2))
        return h @ W3 + b3

    idx1 = _knn_idx(pos, batch, K)
    x1 = _edge_conv(pos, idx1, mlp1)             # [N, 64]
    idx2 = _knn_idx(x1, batch, K)
    x2 = _edge_conv(x1, idx2, lambda m: m @ W4 + b4)  # [N, 128]
    out = jnp.concatenate([x1, x2], axis=1) @ W5 + b5  # [N, 1024]
    pooled = jax.ops.segment_max(out, batch, num_segments=NUM_GRAPHS)  # [8, 1024]
    h = jax.nn.relu(pooled @ W6 + b6)
    h = jax.nn.relu(h @ W7 + b7)
    return h @ W8 + b8

if __name__ == "__main__":
    import jax
    _d = setup_inputs()
    print(jax.jit(kernel)(*tuple(_d.values())))

</pallas_src>

<mosaic_0001>
#map = affine_map<(d0, d1) -> (0, 0)>
#map1 = affine_map<(d0, d1) -> (0)>
module attributes {stable_mosaic.version = 14 : i64} {
  func.func @gather(%arg0: i32, %arg1: i32, %arg2: memref<8192x16xf32, #tpu.memory_space<hbm>>, %arg3: memref<163840xi32, #tpu.memory_space<hbm>>, %arg4: memref<163840x16xf32, #tpu.memory_space<hbm>>, %arg5: memref<512xi32, #tpu.memory_space<vmem>>, %arg6: memref<512x16xf32, #tpu.memory_space<vmem>>, %arg7: memref<!tpu.dma_semaphore, #tpu.memory_space<semaphore_mem>>) attributes {dimension_semantics = [#tpu.dimension_semantics<core_parallel>, #tpu.dimension_semantics<subcore_parallel>], iteration_bounds = array<i64: 2, 16>, scalar_prefetch = 0 : i64, scratch_operands = 3 : i64, tpu.core_type = #tpu.core_type<sc_vector_subcore>, window_params = [{transform_indices = #map}, {transform_indices = #map1}, {transform_indices = #map}]} {
    %mul3A = arith.constant 2 : i32
    %mul3A_0 = arith.muli %arg1, %mul3A : i32
    %add3A = arith.addi %mul3A_0, %arg0 : i32
    %mul3A_1 = arith.constant 5120 : i32
    %mul3A_2 = arith.muli %add3A, %mul3A_1 : i32
    %add3A_3 = arith.constant 0 : i32
    %add3A_4 = arith.addi %mul3A_2, %add3A_3 : i32
    "tpu.region"() ({
      %run_scoped3A = tpu.sem_alloc : memref<!tpu.dma_semaphore, #tpu.memory_space<semaphore_mem>>
      %dma_start3A_81 = tpu.memref_slice %arg3[%add3A_4] : memref<163840xi32, #tpu.memory_space<hbm>> -> memref<512xi32, #tpu.memory_space<hbm>>
      %dma_start3A_82 = tpu.memref_slice %arg3[%add3A_4] : memref<163840xi32, #tpu.memory_space<hbm>> -> memref<512xi32, #tpu.memory_space<hbm>>
      tpu.enqueue_dma source(%dma_start3A_82 : memref<512xi32, #tpu.memory_space<hbm>>) target(%arg5 : memref<512xi32, #tpu.memory_space<vmem>>) target_semaphore(%run_scoped3A : memref<!tpu.dma_semaphore, #tpu.memory_space<semaphore_mem>>)
      %dma_wait3A_83 = tpu.memref_slice %arg3[%add3A_4] : memref<163840xi32, #tpu.memory_space<hbm>> -> memref<512xi32, #tpu.memory_space<hbm>>
      %dma_wait3A_84 = tpu.memref_slice %arg3[%add3A_4] : memref<163840xi32, #tpu.memory_space<hbm>> -> memref<512xi32, #tpu.memory_space<hbm>>
      tpu.wait_dma2 semaphore(%run_scoped3A : memref<!tpu.dma_semaphore, #tpu.memory_space<semaphore_mem>>) src(%dma_wait3A_84 : memref<512xi32, #tpu.memory_space<hbm>>) dst(%arg5 : memref<512xi32, #tpu.memory_space<vmem>>)
      tpu.yield
    }) : () -> ()
    %dma_start3A = arith.constant 0 : i32
    %dma_start3A_5 = arith.constant 0 : i32
    %dma_start3A_6 = tpu.memref_slice %arg2[%dma_start3A, %dma_start3A_5] : memref<8192x16xf32, #tpu.memory_space<hbm>> -> memref<8192x16xf32, #tpu.memory_space<hbm>>
    tpu.enqueue_indirect_dma source(%dma_start3A_6 : memref<8192x16xf32, #tpu.memory_space<hbm>>) target(%arg6 : memref<512x16xf32, #tpu.memory_space<vmem>>) offsets(%arg5 : memref<512xi32, #tpu.memory_space<vmem>>) semaphore(%arg7 : memref<!tpu.dma_semaphore, #tpu.memory_space<semaphore_mem>>)
    %dma_wait3A = arith.constant 0 : i32
    %dma_wait3A_7 = arith.constant 0 : i32
    %dma_wait3A_8 = tpu.memref_slice %arg2[%dma_wait3A, %dma_wait3A_7] : memref<8192x16xf32, #tpu.memory_space<hbm>> -> memref<8192x16xf32, #tpu.memory_space<hbm>>
    tpu.wait_indirect_dma semaphore(%arg7 : memref<!tpu.dma_semaphore, #tpu.memory_space<semaphore_mem>>) src(%dma_wait3A_8 : memref<8192x16xf32, #tpu.memory_space<hbm>>) dst(%arg6 : memref<512x16xf32, #tpu.memory_space<vmem>>)
    "tpu.region"() ({
      %run_scoped3A = tpu.sem_alloc : memref<!tpu.dma_semaphore, #tpu.memory_space<semaphore_mem>>
      %dma_start3A_81 = arith.constant 0 : i32
      %dma_start3A_82 = tpu.memref_slice %arg4[%add3A_4, %dma_start3A_81] : memref<163840x16xf32, #tpu.memory_space<hbm>> -> memref<512x16xf32, #tpu.memory_space<hbm>>
      %dma_start3A_83 = arith.constant 0 : i32
      %dma_start3A_84 = tpu.memref_slice %arg4[%add3A_4, %dma_start3A_83] : memref<163840x16xf32, #tpu.memory_space<hbm>> -> memref<512x16xf32, #tpu.memory_space<hbm>>
      tpu.enqueue_dma source(%arg6 : memref<512x16xf32, #tpu.memory_space<vmem>>) target(%dma_start3A_84 : memref<512x16xf32, #tpu.memory_space<hbm>>) target_semaphore(%run_scoped3A : memref<!tpu.dma_semaphore, #tpu.memory_space<semaphore_mem>>)
      %dma_wait3A_85 = arith.constant 0 : i32
      %dma_wait3A_86 = tpu.memref_slice %arg4[%add3A_4, %dma_wait3A_85] : memref<163840x16xf32, #tpu.memory_space<hbm>> -> memref<512x16xf32, #tpu.memory_space<hbm>>
      %dma_wait3A_87 = arith.constant 0 : i32
      %dma_wait3A_88 = tpu.memref_slice %arg4[%add3A_4, %dma_wait3A_87] : memref<163840x16xf32, #tpu.memory_space<hbm>> -> memref<512x16xf32, #tpu.memory_space<hbm>>
      tpu.wait_dma2 semaphore(%run_scoped3A : memref<!tpu.dma_semaphore, #tpu.memory_space<semaphore_mem>>) src(%arg6 : memref<512x16xf32, #tpu.memory_space<vmem>>) dst(%dma_wait3A_88 : memref<512x16xf32, #tpu.memory_space<hbm>>)
      tpu.yield
    }) : () -> ()
    %add3A_9 = arith.constant 512 : i32
    %add3A_10 = arith.addi %mul3A_2, %add3A_9 : i32
    "tpu.region"() ({
      %run_scoped3A = tpu.sem_alloc : memref<!tpu.dma_semaphore, #tpu.memory_space<semaphore_mem>>
      %dma_start3A_81 = tpu.memref_slice %arg3[%add3A_10] : memref<163840xi32, #tpu.memory_space<hbm>> -> memref<512xi32, #tpu.memory_space<hbm>>
      %dma_start3A_82 = tpu.memref_slice %arg3[%add3A_10] : memref<163840xi32, #tpu.memory_space<hbm>> -> memref<512xi32, #tpu.memory_space<hbm>>
      tpu.enqueue_dma source(%dma_start3A_82 : memref<512xi32, #tpu.memory_space<hbm>>) target(%arg5 : memref<512xi32, #tpu.memory_space<vmem>>) target_semaphore(%run_scoped3A : memref<!tpu.dma_semaphore, #tpu.memory_space<semaphore_mem>>)
      %dma_wait3A_83 = tpu.memref_slice %arg3[%add3A_10] : memref<163840xi32, #tpu.memory_space<hbm>> -> memref<512xi32, #tpu.memory_space<hbm>>
      %dma_wait3A_84 = tpu.memref_slice %arg3[%add3A_10] : memref<163840xi32, #tpu.memory_space<hbm>> -> memref<512xi32, #tpu.memory_space<hbm>>
      tpu.wait_dma2 semaphore(%run_scoped3A : memref<!tpu.dma_semaphore, #tpu.memory_space<semaphore_mem>>) src(%dma_wait3A_84 : memref<512xi32, #tpu.memory_space<hbm>>) dst(%arg5 : memref<512xi32, #tpu.memory_space<vmem>>)
      tpu.yield
    }) : () -> ()
    %dma_start3A_11 = arith.constant 0 : i32
    %dma_start3A_12 = arith.constant 0 : i32
    %dma_start3A_13 = tpu.memref_slice %arg2[%dma_start3A_11, %dma_start3A_12] : memref<8192x16xf32, #tpu.memory_space<hbm>> -> memref<8192x16xf32, #tpu.memory_space<hbm>>
    tpu.enqueue_indirect_dma source(%dma_start3A_13 : memref<8192x16xf32, #tpu.memory_space<hbm>>) target(%arg6 : memref<512x16xf32, #tpu.memory_space<vmem>>) offsets(%arg5 : memref<512xi32, #tpu.memory_space<vmem>>) semaphore(%arg7 : memref<!tpu.dma_semaphore, #tpu.memory_space<semaphore_mem>>)
    %dma_wait3A_14 = arith.constant 0 : i32
    %dma_wait3A_15 = arith.constant 0 : i32
    %dma_wait3A_16 = tpu.memref_slice %arg2[%dma_wait3A_14, %dma_wait3A_15] : memref<8192x16xf32, #tpu.memory_space<hbm>> -> memref<8192x16xf32, #tpu.memory_space<hbm>>
    tpu.wait_indirect_dma semaphore(%arg7 : memref<!tpu.dma_semaphore, #tpu.memory_space<semaphore_mem>>) src(%dma_wait3A_16 : memref<8192x16xf32, #tpu.memory_space<hbm>>) dst(%arg6 : memref<512x16xf32, #tpu.memory_space<vmem>>)
    "tpu.region"() ({
      %run_scoped3A = tpu.sem_alloc : memref<!tpu.dma_semaphore, #tpu.memory_space<semaphore_mem>>
      %dma_start3A_81 = arith.constant 0 : i32
      %dma_start3A_82 = tpu.memref_slice %arg4[%add3A_10, %dma_start3A_81] : memref<163840x16xf32, #tpu.memory_space<hbm>> -> memref<512x16xf32, #tpu.memory_space<hbm>>
      %dma_start3A_83 = arith.constant 0 : i32
      %dma_start3A_84 = tpu.memref_slice %arg4[%add3A_10, %dma_start3A_83] : memref<163840x16xf32, #tpu.memory_space<hbm>> -> memref<512x16xf32, #tpu.memory_space<hbm>>
      tpu.enqueue_dma source(%arg6 : memref<512x16xf32, #tpu.memory_space<vmem>>) target(%dma_start3A_84 : memref<512x16xf32, #tpu.memory_space<hbm>>) target_semaphore(%run_scoped3A : memref<!tpu.dma_semaphore, #tpu.memory_space<semaphore_mem>>)
      %dma_wait3A_85 = arith.constant 0 : i32
      %dma_wait3A_86 = tpu.memref_slice %arg4[%add3A_10, %dma_wait3A_85] : memref<163840x16xf32, #tpu.memory_space<hbm>> -> memref<512x16xf32, #tpu.memory_space<hbm>>
      %dma_wait3A_87 = arith.constant 0 : i32
      %dma_wait3A_88 = tpu.memref_slice %arg4[%add3A_10, %dma_wait3A_87] : memref<163840x16xf32, #tpu.memory_space<hbm>> -> memref<512x16xf32, #tpu.memory_space<hbm>>
      tpu.wait_dma2 semaphore(%run_scoped3A : memref<!tpu.dma_semaphore, #tpu.memory_space<semaphore_mem>>) src(%arg6 : memref<512x16xf32, #tpu.memory_space<vmem>>) dst(%dma_wait3A_88 : memref<512x16xf32, #tpu.memory_space<hbm>>)
      tpu.yield
    }) : () -> ()
    %add3A_17 = arith.constant 1024 : i32
    %add3A_18 = arith.addi %mul3A_2, %add3A_17 : i32
    "tpu.region"() ({
      %run_scoped3A = tpu.sem_alloc : memref<!tpu.dma_semaphore, #tpu.memory_space<semaphore_mem>>
      %dma_start3A_81 = tpu.memref_slice %arg3[%add3A_18] : memref<163840xi32, #tpu.memory_space<hbm>> -> memref<512xi32, #tpu.memory_space<hbm>>
      %dma_start3A_82 = tpu.memref_slice %arg3[%add3A_18] : memref<163840xi32, #tpu.memory_space<hbm>> -> memref<512xi32, #tpu.memory_space<hbm>>
      tpu.enqueue_dma source(%dma_start3A_82 : memref<512xi32, #tpu.memory_space<hbm>>) target(%arg5 : memref<512xi32, #tpu.memory_space<vmem>>) target_semaphore(%run_scoped3A : memref<!tpu.dma_semaphore, #tpu.memory_space<semaphore_mem>>)
      %dma_wait3A_83 = tpu.memref_slice %arg3[%add3A_18] : memref<163840xi32, #tpu.memory_space<hbm>> -> memref<512xi32, #tpu.memory_space<hbm>>
      %dma_wait3A_84 = tpu.memref_slice %arg3[%add3A_18] : memref<163840xi32, #tpu.memory_space<hbm>> -> memref<512xi32, #tpu.memory_space<hbm>>
      tpu.wait_dma2 semaphore(%run_scoped3A : memref<!tpu.dma_semaphore, #tpu.memory_space<semaphore_mem>>) src(%dma_wait3A_84 : memref<512xi32, #tpu.memory_space<hbm>>) dst(%arg5 : memref<512xi32, #tpu.memory_space<vmem>>)
      tpu.yield
    }) : () -> ()
    %dma_start3A_19 = arith.constant 0 : i32
    %dma_start3A_20 = arith.constant 0 : i32
    %dma_start3A_21 = tpu.memref_slice %arg2[%dma_start3A_19, %dma_start3A_20] : memref<8192x16xf32, #tpu.memory_space<hbm>> -> memref<8192x16xf32, #tpu.memory_space<hbm>>
    tpu.enqueue_indirect_dma source(%dma_start3A_21 : memref<8192x16xf32, #tpu.memory_space<hbm>>) target(%arg6 : memref<512x16xf32, #tpu.memory_space<vmem>>) offsets(%arg5 : memref<512xi32, #tpu.memory_space<vmem>>) semaphore(%arg7 : memref<!tpu.dma_semaphore, #tpu.memory_space<semaphore_mem>>)
    %dma_wait3A_22 = arith.constant 0 : i32
    %dma_wait3A_23 = arith.constant 0 : i32
    %dma_wait3A_24 = tpu.memref_slice %arg2[%dma_wait3A_22, %dma_wait3A_23] : memref<8192x16xf32, #tpu.memory_space<hbm>> -> memref<8192x16xf32, #tpu.memory_space<hbm>>
    tpu.wait_indirect_dma semaphore(%arg7 : memref<!tpu.dma_semaphore, #tpu.memory_space<semaphore_mem>>) src(%dma_wait3A_24 : memref<8192x16xf32, #tpu.memory_space<hbm>>) dst(%arg6 : memref<512x16xf32, #tpu.memory_space<vmem>>)
    "tpu.region"() ({
      %run_scoped3A = tpu.sem_alloc : memref<!tpu.dma_semaphore, #tpu.memory_space<semaphore_mem>>
      %dma_start3A_81 = arith.constant 0 : i32
      %dma_start3A_82 = tpu.memref_slice %arg4[%add3A_18, %dma_start3A_81] : memref<163840x16xf32, #tpu.memory_space<hbm>> -> memref<512x16xf32, #tpu.memory_space<hbm>>
      %dma_start3A_83 = arith.constant 0 : i32
      %dma_start3A_84 = tpu.memref_slice %arg4[%add3A_18, %dma_start3A_83] : memref<163840x16xf32, #tpu.memory_space<hbm>> -> memref<512x16xf32, #tpu.memory_space<hbm>>
      tpu.enqueue_dma source(%arg6 : memref<512x16xf32, #tpu.memory_space<vmem>>) target(%dma_start3A_84 : memref<512x16xf32, #tpu.memory_space<hbm>>) target_semaphore(%run_scoped3A : memref<!tpu.dma_semaphore, #tpu.memory_space<semaphore_mem>>)
      %dma_wait3A_85 = arith.constant 0 : i32
      %dma_wait3A_86 = tpu.memref_slice %arg4[%add3A_18, %dma_wait3A_85] : memref<163840x16xf32, #tpu.memory_space<hbm>> -> memref<512x16xf32, #tpu.memory_space<hbm>>
      %dma_wait3A_87 = arith.constant 0 : i32
      %dma_wait3A_88 = tpu.memref_slice %arg4[%add3A_18, %dma_wait3A_87] : memref<163840x16xf32, #tpu.memory_space<hbm>> -> memref<512x16xf32, #tpu.memory_space<hbm>>
      tpu.wait_dma2 semaphore(%run_scoped3A : memref<!tpu.dma_semaphore, #tpu.memory_space<semaphore_mem>>) src(%arg6 : memref<512x16xf32, #tpu.memory_space<vmem>>) dst(%dma_wait3A_88 : memref<512x16xf32, #tpu.memory_space<hbm>>)
      tpu.yield
    }) : () -> ()
    %add3A_25 = arith.constant 1536 : i32
    %add3A_26 = arith.addi %mul3A_2, %add3A_25 : i32
    "tpu.region"() ({
      %run_scoped3A = tpu.sem_alloc : memref<!tpu.dma_semaphore, #tpu.memory_space<semaphore_mem>>
      %dma_start3A_81 = tpu.memref_slice %arg3[%add3A_26] : memref<163840xi32, #tpu.memory_space<hbm>> -> memref<512xi32, #tpu.memory_space<hbm>>
      %dma_start3A_82 = tpu.memref_slice %arg3[%add3A_26] : memref<163840xi32, #tpu.memory_space<hbm>> -> memref<512xi32, #tpu.memory_space<hbm>>
      tpu.enqueue_dma source(%dma_start3A_82 : memref<512xi32, #tpu.memory_space<hbm>>) target(%arg5 : memref<512xi32, #tpu.memory_space<vmem>>) target_semaphore(%run_scoped3A : memref<!tpu.dma_semaphore, #tpu.memory_space<semaphore_mem>>)
      %dma_wait3A_83 = tpu.memref_slice %arg3[%add3A_26] : memref<163840xi32, #tpu.memory_space<hbm>> -> memref<512xi32, #tpu.memory_space<hbm>>
      %dma_wait3A_84 = tpu.memref_slice %arg3[%add3A_26] : memref<163840xi32, #tpu.memory_space<hbm>> -> memref<512xi32, #tpu.memory_space<hbm>>
      tpu.wait_dma2 semaphore(%run_scoped3A : memref<!tpu.dma_semaphore, #tpu.memory_space<semaphore_mem>>) src(%dma_wait3A_84 : memref<512xi32, #tpu.memory_space<hbm>>) dst(%arg5 : memref<512xi32, #tpu.memory_space<vmem>>)
      tpu.yield
    }) : () -> ()
    %dma_start3A_27 = arith.constant 0 : i32
    %dma_start3A_28 = arith.constant 0 : i32
    %dma_start3A_29 = tpu.memref_slice %arg2[%dma_start3A_27, %dma_start3A_28] : memref<8192x16xf32, #tpu.memory_space<hbm>> -> memref<8192x16xf32, #tpu.memory_space<hbm>>
    tpu.enqueue_indirect_dma source(%dma_start3A_29 : memref<8192x16xf32, #tpu.memory_space<hbm>>) target(%arg6 : memref<512x16xf32, #tpu.memory_space<vmem>>) offsets(%arg5 : memref<512xi32, #tpu.memory_space<vmem>>) semaphore(%arg7 : memref<!tpu.dma_semaphore, #tpu.memory_space<semaphore_mem>>)
    %dma_wait3A_30 = arith.constant 0 : i32
    %dma_wait3A_31 = arith.constant 0 : i32
    %dma_wait3A_32 = tpu.memref_slice %arg2[%dma_wait3A_30, %dma_wait3A_31] : memref<8192x16xf32, #tpu.memory_space<hbm>> -> memref<8192x16xf32, #tpu.memory_space<hbm>>
    tpu.wait_indirect_dma semaphore(%arg7 : memref<!tpu.dma_semaphore, #tpu.memory_space<semaphore_mem>>) src(%dma_wait3A_32 : memref<8192x16xf32, #tpu.memory_space<hbm>>) dst(%arg6 : memref<512x16xf32, #tpu.memory_space<vmem>>)
    "tpu.region"() ({
      %run_scoped3A = tpu.sem_alloc : memref<!tpu.dma_semaphore, #tpu.memory_space<semaphore_mem>>
      %dma_start3A_81 = arith.constant 0 : i32
      %dma_start3A_82 = tpu.memref_slice %arg4[%add3A_26, %dma_start3A_81] : memref<163840x16xf32, #tpu.memory_space<hbm>> -> memref<512x16xf32, #tpu.memory_space<hbm>>
      %dma_start3A_83 = arith.constant 0 : i32
      %dma_start3A_84 = tpu.memref_slice %arg4[%add3A_26, %dma_start3A_83] : memref<163840x16xf32, #tpu.memory_space<hbm>> -> memref<512x16xf32, #tpu.memory_space<hbm>>
      tpu.enqueue_dma source(%arg6 : memref<512x16xf32, #tpu.memory_space<vmem>>) target(%dma_start3A_84 : memref<512x16xf32, #tpu.memory_space<hbm>>) target_semaphore(%run_scoped3A : memref<!tpu.dma_semaphore, #tpu.memory_space<semaphore_mem>>)
      %dma_wait3A_85 = arith.constant 0 : i32
      %dma_wait3A_86 = tpu.memref_slice %arg4[%add3A_26, %dma_wait3A_85] : memref<163840x16xf32, #tpu.memory_space<hbm>> -> memref<512x16xf32, #tpu.memory_space<hbm>>
      %dma_wait3A_87 = arith.constant 0 : i32
      %dma_wait3A_88 = tpu.memref_slice %arg4[%add3A_26, %dma_wait3A_87] : memref<163840x16xf32, #tpu.memory_space<hbm>> -> memref<512x16xf32, #tpu.memory_space<hbm>>
      tpu.wait_dma2 semaphore(%run_scoped3A : memref<!tpu.dma_semaphore, #tpu.memory_space<semaphore_mem>>) src(%arg6 : memref<512x16xf32, #tpu.memory_space<vmem>>) dst(%dma_wait3A_88 : memref<512x16xf32, #tpu.memory_space<hbm>>)
      tpu.yield
    }) : () -> ()
    %add3A_33 = arith.constant 2048 : i32
    %add3A_34 = arith.addi %mul3A_2, %add3A_33 : i32
    "tpu.region"() ({
      %run_scoped3A = tpu.sem_alloc : memref<!tpu.dma_semaphore, #tpu.memory_space<semaphore_mem>>
      %dma_start3A_81 = tpu.memref_slice %arg3[%add3A_34] : memref<163840xi32, #tpu.memory_space<hbm>> -> memref<512xi32, #tpu.memory_space<hbm>>
      %dma_start3A_82 = tpu.memref_slice %arg3[%add3A_34] : memref<163840xi32, #tpu.memory_space<hbm>> -> memref<512xi32, #tpu.memory_space<hbm>>
      tpu.enqueue_dma source(%dma_start3A_82 : memref<512xi32, #tpu.memory_space<hbm>>) target(%arg5 : memref<512xi32, #tpu.memory_space<vmem>>) target_semaphore(%run_scoped3A : memref<!tpu.dma_semaphore, #tpu.memory_space<semaphore_mem>>)
      %dma_wait3A_83 = tpu.memref_slice %arg3[%add3A_34] : memref<163840xi32, #tpu.memory_space<hbm>> -> memref<512xi32, #tpu.memory_space<hbm>>
      %dma_wait3A_84 = tpu.memref_slice %arg3[%add3A_34] : memref<163840xi32, #tpu.memory_space<hbm>> -> memref<512xi32, #tpu.memory_space<hbm>>
      tpu.wait_dma2 semaphore(%run_scoped3A : memref<!tpu.dma_semaphore, #tpu.memory_space<semaphore_mem>>) src(%dma_wait3A_84 : memref<512xi32, #tpu.memory_space<hbm>>) dst(%arg5 : memref<512xi32, #tpu.memory_space<vmem>>)
      tpu.yield
    }) : () -> ()
    %dma_start3A_35 = arith.constant 0 : i32
    %dma_start3A_36 = arith.constant 0 : i32
    %dma_start3A_37 = tpu.memref_slice %arg2[%dma_start3A_35, %dma_start3A_36] : memref<8192x16xf32, #tpu.memory_space<hbm>> -> memref<8192x16xf32, #tpu.memory_space<hbm>>
    tpu.enqueue_indirect_dma source(%dma_start3A_37 : memref<8192x16xf32, #tpu.memory_space<hbm>>) target(%arg6 : memref<512x16xf32, #tpu.memory_space<vmem>>) offsets(%arg5 : memref<512xi32, #tpu.memory_space<vmem>>) semaphore(%arg7 : memref<!tpu.dma_semaphore, #tpu.memory_space<semaphore_mem>>)
    %dma_wait3A_38 = arith.constant 0 : i32
    %dma_wait3A_39 = arith.constant 0 : i32
    %dma_wait3A_40 = tpu.memref_slice %arg2[%dma_wait3A_38, %dma_wait3A_39] : memref<8192x16xf32, #tpu.memory_space<hbm>> -> memref<8192x16xf32, #tpu.memory_space<hbm>>
    tpu.wait_indirect_dma semaphore(%arg7 : memref<!tpu.dma_semaphore, #tpu.memory_space<semaphore_mem>>) src(%dma_wait3A_40 : memref<8192x16xf32, #tpu.memory_space<hbm>>) dst(%arg6 : memref<512x16xf32, #tpu.memory_space<vmem>>)
    "tpu.region"() ({
      %run_scoped3A = tpu.sem_alloc : memref<!tpu.dma_semaphore, #tpu.memory_space<semaphore_mem>>
      %dma_start3A_81 = arith.constant 0 : i32
      %dma_start3A_82 = tpu.memref_slice %arg4[%add3A_34, %dma_start3A_81] : memref<163840x16xf32, #tpu.memory_space<hbm>> -> memref<512x16xf32, #tpu.memory_space<hbm>>
      %dma_start3A_83 = arith.constant 0 : i32
      %dma_start3A_84 = tpu.memref_slice %arg4[%add3A_34, %dma_start3A_83] : memref<163840x16xf32, #tpu.memory_space<hbm>> -> memref<512x16xf32, #tpu.memory_space<hbm>>
      tpu.enqueue_dma source(%arg6 : memref<512x16xf32, #tpu.memory_space<vmem>>) target(%dma_start3A_84 : memref<512x16xf32, #tpu.memory_space<hbm>>) target_semaphore(%run_scoped3A : memref<!tpu.dma_semaphore, #tpu.memory_space<semaphore_mem>>)
      %dma_wait3A_85 = arith.constant 0 : i32
      %dma_wait3A_86 = tpu.memref_slice %arg4[%add3A_34, %dma_wait3A_85] : memref<163840x16xf32, #tpu.memory_space<hbm>> -> memref<512x16xf32, #tpu.memory_space<hbm>>
      %dma_wait3A_87 = arith.constant 0 : i32
      %dma_wait3A_88 = tpu.memref_slice %arg4[%add3A_34, %dma_wait3A_87] : memref<163840x16xf32, #tpu.memory_space<hbm>> -> memref<512x16xf32, #tpu.memory_space<hbm>>
      tpu.wait_dma2 semaphore(%run_scoped3A : memref<!tpu.dma_semaphore, #tpu.memory_space<semaphore_mem>>) src(%arg6 : memref<512x16xf32, #tpu.memory_space<vmem>>) dst(%dma_wait3A_88 : memref<512x16xf32, #tpu.memory_space<hbm>>)
      tpu.yield
    }) : () -> ()
    %add3A_41 = arith.constant 2560 : i32
    %add3A_42 = arith.addi %mul3A_2, %add3A_41 : i32
    "tpu.region"() ({
      %run_scoped3A = tpu.sem_alloc : memref<!tpu.dma_semaphore, #tpu.memory_space<semaphore_mem>>
      %dma_start3A_81 = tpu.memref_slice %arg3[%add3A_42] : memref<163840xi32, #tpu.memory_space<hbm>> -> memref<512xi32, #tpu.memory_space<hbm>>
      %dma_start3A_82 = tpu.memref_slice %arg3[%add3A_42] : memref<163840xi32, #tpu.memory_space<hbm>> -> memref<512xi32, #tpu.memory_space<hbm>>
      tpu.enqueue_dma source(%dma_start3A_82 : memref<512xi32, #tpu.memory_space<hbm>>) target(%arg5 : memref<512xi32, #tpu.memory_space<vmem>>) target_semaphore(%run_scoped3A : memref<!tpu.dma_semaphore, #tpu.memory_space<semaphore_mem>>)
      %dma_wait3A_83 = tpu.memref_slice %arg3[%add3A_42] : memref<163840xi32, #tpu.memory_space<hbm>> -> memref<512xi32, #tpu.memory_space<hbm>>
      %dma_wait3A_84 = tpu.memref_slice %arg3[%add3A_42] : memref<163840xi32, #tpu.memory_space<hbm>> -> memref<512xi32, #tpu.memory_space<hbm>>
      tpu.wait_dma2 semaphore(%run_scoped3A : memref<!tpu.dma_semaphore, #tpu.memory_space<semaphore_mem>>) src(%dma_wait3A_84 : memref<512xi32, #tpu.memory_space<hbm>>) dst(%arg5 : memref<512xi32, #tpu.memory_space<vmem>>)
      tpu.yield
    }) : () -> ()
    %dma_start3A_43 = arith.constant 0 : i32
    %dma_start3A_44 = arith.constant 0 : i32
    %dma_start3A_45 = tpu.memref_slice %arg2[%dma_start3A_43, %dma_start3A_44] : memref<8192x16xf32, #tpu.memory_space<hbm>> -> memref<8192x16xf32, #tpu.memory_space<hbm>>
    tpu.enqueue_indirect_dma source(%dma_start3A_45 : memref<8192x16xf32, #tpu.memory_space<hbm>>) target(%arg6 : memref<512x16xf32, #tpu.memory_space<vmem>>) offsets(%arg5 : memref<512xi32, #tpu.memory_space<vmem>>) semaphore(%arg7 : memref<!tpu.dma_semaphore, #tpu.memory_space<semaphore_mem>>)
    %dma_wait3A_46 = arith.constant 0 : i32
    %dma_wait3A_47 = arith.constant 0 : i32
    %dma_wait3A_48 = tpu.memref_slice %arg2[%dma_wait3A_46, %dma_wait3A_47] : memref<8192x16xf32, #tpu.memory_space<hbm>> -> memref<8192x16xf32, #tpu.memory_space<hbm>>
    tpu.wait_indirect_dma semaphore(%arg7 : memref<!tpu.dma_semaphore, #tpu.memory_space<semaphore_mem>>) src(%dma_wait3A_48 : memref<8192x16xf32, #tpu.memory_space<hbm>>) dst(%arg6 : memref<512x16xf32, #tpu.memory_space<vmem>>)
    "tpu.region"() ({
      %run_scoped3A = tpu.sem_alloc : memref<!tpu.dma_semaphore, #tpu.memory_space<semaphore_mem>>
      %dma_start3A_81 = arith.constant 0 : i32
      %dma_start3A_82 = tpu.memref_slice %arg4[%add3A_42, %dma_start3A_81] : memref<163840x16xf32, #tpu.memory_space<hbm>> -> memref<512x16xf32, #tpu.memory_space<hbm>>
      %dma_start3A_83 = arith.constant 0 : i32
      %dma_start3A_84 = tpu.memref_slice %arg4[%add3A_42, %dma_start3A_83] : memref<163840x16xf32, #tpu.memory_space<hbm>> -> memref<512x16xf32, #tpu.memory_space<hbm>>
      tpu.enqueue_dma source(%arg6 : memref<512x16xf32, #tpu.memory_space<vmem>>) target(%dma_start3A_84 : memref<512x16xf32, #tpu.memory_space<hbm>>) target_semaphore(%run_scoped3A : memref<!tpu.dma_semaphore, #tpu.memory_space<semaphore_mem>>)
      %dma_wait3A_85 = arith.constant 0 : i32
      %dma_wait3A_86 = tpu.memref_slice %arg4[%add3A_42, %dma_wait3A_85] : memref<163840x16xf32, #tpu.memory_space<hbm>> -> memref<512x16xf32, #tpu.memory_space<hbm>>
      %dma_wait3A_87 = arith.constant 0 : i32
      %dma_wait3A_88 = tpu.memref_slice %arg4[%add3A_42, %dma_wait3A_87] : memref<163840x16xf32, #tpu.memory_space<hbm>> -> memref<512x16xf32, #tpu.memory_space<hbm>>
      tpu.wait_dma2 semaphore(%run_scoped3A : memref<!tpu.dma_semaphore, #tpu.memory_space<semaphore_mem>>) src(%arg6 : memref<512x16xf32, #tpu.memory_space<vmem>>) dst(%dma_wait3A_88 : memref<512x16xf32, #tpu.memory_space<hbm>>)
      tpu.yield
    }) : () -> ()
    %add3A_49 = arith.constant 3072 : i32
    %add3A_50 = arith.addi %mul3A_2, %add3A_49 : i32
    "tpu.region"() ({
      %run_scoped3A = tpu.sem_alloc : memref<!tpu.dma_semaphore, #tpu.memory_space<semaphore_mem>>
      %dma_start3A_81 = tpu.memref_slice %arg3[%add3A_50] : memref<163840xi32, #tpu.memory_space<hbm>> -> memref<512xi32, #tpu.memory_space<hbm>>
      %dma_start3A_82 = tpu.memref_slice %arg3[%add3A_50] : memref<163840xi32, #tpu.memory_space<hbm>> -> memref<512xi32, #tpu.memory_space<hbm>>
      tpu.enqueue_dma source(%dma_start3A_82 : memref<512xi32, #tpu.memory_space<hbm>>) target(%arg5 : memref<512xi32, #tpu.memory_space<vmem>>) target_semaphore(%run_scoped3A : memref<!tpu.dma_semaphore, #tpu.memory_space<semaphore_mem>>)
      %dma_wait3A_83 = tpu.memref_slice %arg3[%add3A_50] : memref<163840xi32, #tpu.memory_space<hbm>> -> memref<512xi32, #tpu.memory_space<hbm>>
      %dma_wait3A_84 = tpu.memref_slice %arg3[%add3A_50] : memref<163840xi32, #tpu.memory_space<hbm>> -> memref<512xi32, #tpu.memory_space<hbm>>
      tpu.wait_dma2 semaphore(%run_scoped3A : memref<!tpu.dma_semaphore, #tpu.memory_space<semaphore_mem>>) src(%dma_wait3A_84 : memref<512xi32, #tpu.memory_space<hbm>>) dst(%arg5 : memref<512xi32, #tpu.memory_space<vmem>>)
      tpu.yield
    }) : () -> ()
    %dma_start3A_51 = arith.constant 0 : i32
    %dma_start3A_52 = arith.constant 0 : i32
    %dma_start3A_53 = tpu.memref_slice %arg2[%dma_start3A_51, %dma_start3A_52] : memref<8192x16xf32, #tpu.memory_space<hbm>> -> memref<8192x16xf32, #tpu.memory_space<hbm>>
    tpu.enqueue_indirect_dma source(%dma_start3A_53 : memref<8192x16xf32, #tpu.memory_space<hbm>>) target(%arg6 : memref<512x16xf32, #tpu.memory_space<vmem>>) offsets(%arg5 : memref<512xi32, #tpu.memory_space<vmem>>) semaphore(%arg7 : memref<!tpu.dma_semaphore, #tpu.memory_space<semaphore_mem>>)
    %dma_wait3A_54 = arith.constant 0 : i32
    %dma_wait3A_55 = arith.constant 0 : i32
    %dma_wait3A_56 = tpu.memref_slice %arg2[%dma_wait3A_54, %dma_wait3A_55] : memref<8192x16xf32, #tpu.memory_space<hbm>> -> memref<8192x16xf32, #tpu.memory_space<hbm>>
    tpu.wait_indirect_dma semaphore(%arg7 : memref<!tpu.dma_semaphore, #tpu.memory_space<semaphore_mem>>) src(%dma_wait3A_56 : memref<8192x16xf32, #tpu.memory_space<hbm>>) dst(%arg6 : memref<512x16xf32, #tpu.memory_space<vmem>>)
    "tpu.region"() ({
      %run_scoped3A = tpu.sem_alloc : memref<!tpu.dma_semaphore, #tpu.memory_space<semaphore_mem>>
      %dma_start3A_81 = arith.constant 0 : i32
      %dma_start3A_82 = tpu.memref_slice %arg4[%add3A_50, %dma_start3A_81] : memref<163840x16xf32, #tpu.memory_space<hbm>> -> memref<512x16xf32, #tpu.memory_space<hbm>>
      %dma_start3A_83 = arith.constant 0 : i32
      %dma_start3A_84 = tpu.memref_slice %arg4[%add3A_50, %dma_start3A_83] : memref<163840x16xf32, #tpu.memory_space<hbm>> -> memref<512x16xf32, #tpu.memory_space<hbm>>
      tpu.enqueue_dma source(%arg6 : memref<512x16xf32, #tpu.memory_space<vmem>>) target(%dma_start3A_84 : memref<512x16xf32, #tpu.memory_space<hbm>>) target_semaphore(%run_scoped3A : memref<!tpu.dma_semaphore, #tpu.memory_space<semaphore_mem>>)
      %dma_wait3A_85 = arith.constant 0 : i32
      %dma_wait3A_86 = tpu.memref_slice %arg4[%add3A_50, %dma_wait3A_85] : memref<163840x16xf32, #tpu.memory_space<hbm>> -> memref<512x16xf32, #tpu.memory_space<hbm>>
      %dma_wait3A_87 = arith.constant 0 : i32
      %dma_wait3A_88 = tpu.memref_slice %arg4[%add3A_50, %dma_wait3A_87] : memref<163840x16xf32, #tpu.memory_space<hbm>> -> memref<512x16xf32, #tpu.memory_space<hbm>>
      tpu.wait_dma2 semaphore(%run_scoped3A : memref<!tpu.dma_semaphore, #tpu.memory_space<semaphore_mem>>) src(%arg6 : memref<512x16xf32, #tpu.memory_space<vmem>>) dst(%dma_wait3A_88 : memref<512x16xf32, #tpu.memory_space<hbm>>)
      tpu.yield
    }) : () -> ()
    %add3A_57 = arith.constant 3584 : i32
    %add3A_58 = arith.addi %mul3A_2, %add3A_57 : i32
    "tpu.region"() ({
      %run_scoped3A = tpu.sem_alloc : memref<!tpu.dma_semaphore, #tpu.memory_space<semaphore_mem>>
      %dma_start3A_81 = tpu.memref_slice %arg3[%add3A_58] : memref<163840xi32, #tpu.memory_space<hbm>> -> memref<512xi32, #tpu.memory_space<hbm>>
      %dma_start3A_82 = tpu.memref_slice %arg3[%add3A_58] : memref<163840xi32, #tpu.memory_space<hbm>> -> memref<512xi32, #tpu.memory_space<hbm>>
      tpu.enqueue_dma source(%dma_start3A_82 : memref<512xi32, #tpu.memory_space<hbm>>) target(%arg5 : memref<512xi32, #tpu.memory_space<vmem>>) target_semaphore(%run_scoped3A : memref<!tpu.dma_semaphore, #tpu.memory_space<semaphore_mem>>)
      %dma_wait3A_83 = tpu.memref_slice %arg3[%add3A_58] : memref<163840xi32, #tpu.memory_space<hbm>> -> memref<512xi32, #tpu.memory_space<hbm>>
      %dma_wait3A_84 = tpu.memref_slice %arg3[%add3A_58] : memref<163840xi32, #tpu.memory_space<hbm>> -> memref<512xi32, #tpu.memory_space<hbm>>
      tpu.wait_dma2 semaphore(%run_scoped3A : memref<!tpu.dma_semaphore, #tpu.memory_space<semaphore_mem>>) src(%dma_wait3A_84 : memref<512xi32, #tpu.memory_space<hbm>>) dst(%arg5 : memref<512xi32, #tpu.memory_space<vmem>>)
      tpu.yield
    }) : () -> ()
    %dma_start3A_59 = arith.constant 0 : i32
    %dma_start3A_60 = arith.constant 0 : i32
    %dma_start3A_61 = tpu.memref_slice %arg2[%dma_start3A_59, %dma_start3A_60] : memref<8192x16xf32, #tpu.memory_space<hbm>> -> memref<8192x16xf32, #tpu.memory_space<hbm>>
    tpu.enqueue_indirect_dma source(%dma_start3A_61 : memref<8192x16xf32, #tpu.memory_space<hbm>>) target(%arg6 : memref<512x16xf32, #tpu.memory_space<vmem>>) offsets(%arg5 : memref<512xi32, #tpu.memory_space<vmem>>) semaphore(%arg7 : memref<!tpu.dma_semaphore, #tpu.memory_space<semaphore_mem>>)
    %dma_wait3A_62 = arith.constant 0 : i32
    %dma_wait3A_63 = arith.constant 0 : i32
    %dma_wait3A_64 = tpu.memref_slice %arg2[%dma_wait3A_62, %dma_wait3A_63] : memref<8192x16xf32, #tpu.memory_space<hbm>> -> memref<8192x16xf32, #tpu.memory_space<hbm>>
    tpu.wait_indirect_dma semaphore(%arg7 : memref<!tpu.dma_semaphore, #tpu.memory_space<semaphore_mem>>) src(%dma_wait3A_64 : memref<8192x16xf32, #tpu.memory_space<hbm>>) dst(%arg6 : memref<512x16xf32, #tpu.memory_space<vmem>>)
    "tpu.region"() ({
      %run_scoped3A = tpu.sem_alloc : memref<!tpu.dma_semaphore, #tpu.memory_space<semaphore_mem>>
      %dma_start3A_81 = arith.constant 0 : i32
      %dma_start3A_82 = tpu.memref_slice %arg4[%add3A_58, %dma_start3A_81] : memref<163840x16xf32, #tpu.memory_space<hbm>> -> memref<512x16xf32, #tpu.memory_space<hbm>>
      %dma_start3A_83 = arith.constant 0 : i32
      %dma_start3A_84 = tpu.memref_slice %arg4[%add3A_58, %dma_start3A_83] : memref<163840x16xf32, #tpu.memory_space<hbm>> -> memref<512x16xf32, #tpu.memory_space<hbm>>
      tpu.enqueue_dma source(%arg6 : memref<512x16xf32, #tpu.memory_space<vmem>>) target(%dma_start3A_84 : memref<512x16xf32, #tpu.memory_space<hbm>>) target_semaphore(%run_scoped3A : memref<!tpu.dma_semaphore, #tpu.memory_space<semaphore_mem>>)
      %dma_wait3A_85 = arith.constant 0 : i32
      %dma_wait3A_86 = tpu.memref_slice %arg4[%add3A_58, %dma_wait3A_85] : memref<163840x16xf32, #tpu.memory_space<hbm>> -> memref<512x16xf32, #tpu.memory_space<hbm>>
      %dma_wait3A_87 = arith.constant 0 : i32
      %dma_wait3A_88 = tpu.memref_slice %arg4[%add3A_58, %dma_wait3A_87] : memref<163840x16xf32, #tpu.memory_space<hbm>> -> memref<512x16xf32, #tpu.memory_space<hbm>>
      tpu.wait_dma2 semaphore(%run_scoped3A : memref<!tpu.dma_semaphore, #tpu.memory_space<semaphore_mem>>) src(%arg6 : memref<512x16xf32, #tpu.memory_space<vmem>>) dst(%dma_wait3A_88 : memref<512x16xf32, #tpu.memory_space<hbm>>)
      tpu.yield
    }) : () -> ()
    %add3A_65 = arith.constant 4096 : i32
    %add3A_66 = arith.addi %mul3A_2, %add3A_65 : i32
    "tpu.region"() ({
      %run_scoped3A = tpu.sem_alloc : memref<!tpu.dma_semaphore, #tpu.memory_space<semaphore_mem>>
      %dma_start3A_81 = tpu.memref_slice %arg3[%add3A_66] : memref<163840xi32, #tpu.memory_space<hbm>> -> memref<512xi32, #tpu.memory_space<hbm>>
      %dma_start3A_82 = tpu.memref_slice %arg3[%add3A_66] : memref<163840xi32, #tpu.memory_space<hbm>> -> memref<512xi32, #tpu.memory_space<hbm>>
      tpu.enqueue_dma source(%dma_start3A_82 : memref<512xi32, #tpu.memory_space<hbm>>) target(%arg5 : memref<512xi32, #tpu.memory_space<vmem>>) target_semaphore(%run_scoped3A : memref<!tpu.dma_semaphore, #tpu.memory_space<semaphore_mem>>)
      %dma_wait3A_83 = tpu.memref_slice %arg3[%add3A_66] : memref<163840xi32, #tpu.memory_space<hbm>> -> memref<512xi32, #tpu.memory_space<hbm>>
      %dma_wait3A_84 = tpu.memref_slice %arg3[%add3A_66] : memref<163840xi32, #tpu.memory_space<hbm>> -> memref<512xi32, #tpu.memory_space<hbm>>
      tpu.wait_dma2 semaphore(%run_scoped3A : memref<!tpu.dma_semaphore, #tpu.memory_space<semaphore_mem>>) src(%dma_wait3A_84 : memref<512xi32, #tpu.memory_space<hbm>>) dst(%arg5 : memref<512xi32, #tpu.memory_space<vmem>>)
      tpu.yield
    }) : () -> ()
    %dma_start3A_67 = arith.constant 0 : i32
    %dma_start3A_68 = arith.constant 0 : i32
    %dma_start3A_69 = tpu.memref_slice %arg2[%dma_start3A_67, %dma_start3A_68] : memref<8192x16xf32, #tpu.memory_space<hbm>> -> memref<8192x16xf32, #tpu.memory_space<hbm>>
    tpu.enqueue_indirect_dma source(%dma_start3A_69 : memref<8192x16xf32, #tpu.memory_space<hbm>>) target(%arg6 : memref<512x16xf32, #tpu.memory_space<vmem>>) offsets(%arg5 : memref<512xi32, #tpu.memory_space<vmem>>) semaphore(%arg7 : memref<!tpu.dma_semaphore, #tpu.memory_space<semaphore_mem>>)
    %dma_wait3A_70 = arith.constant 0 : i32
    %dma_wait3A_71 = arith.constant 0 : i32
    %dma_wait3A_72 = tpu.memref_slice %arg2[%dma_wait3A_70, %dma_wait3A_71] : memref<8192x16xf32, #tpu.memory_space<hbm>> -> memref<8192x16xf32, #tpu.memory_space<hbm>>
    tpu.wait_indirect_dma semaphore(%arg7 : memref<!tpu.dma_semaphore, #tpu.memory_space<semaphore_mem>>) src(%dma_wait3A_72 : memref<8192x16xf32, #tpu.memory_space<hbm>>) dst(%arg6 : memref<512x16xf32, #tpu.memory_space<vmem>>)
    "tpu.region"() ({
      %run_scoped3A = tpu.sem_alloc : memref<!tpu.dma_semaphore, #tpu.memory_space<semaphore_mem>>
      %dma_start3A_81 = arith.constant 0 : i32
      %dma_start3A_82 = tpu.memref_slice %arg4[%add3A_66, %dma_start3A_81] : memref<163840x16xf32, #tpu.memory_space<hbm>> -> memref<512x16xf32, #tpu.memory_space<hbm>>
      %dma_start3A_83 = arith.constant 0 : i32
      %dma_start3A_84 = tpu.memref_slice %arg4[%add3A_66, %dma_start3A_83] : memref<163840x16xf32, #tpu.memory_space<hbm>> -> memref<512x16xf32, #tpu.memory_space<hbm>>
      tpu.enqueue_dma source(%arg6 : memref<512x16xf32, #tpu.memory_space<vmem>>) target(%dma_start3A_84 : memref<512x16xf32, #tpu.memory_space<hbm>>) target_semaphore(%run_scoped3A : memref<!tpu.dma_semaphore, #tpu.memory_space<semaphore_mem>>)
      %dma_wait3A_85 = arith.constant 0 : i32
      %dma_wait3A_86 = tpu.memref_slice %arg4[%add3A_66, %dma_wait3A_85] : memref<163840x16xf32, #tpu.memory_space<hbm>> -> memref<512x16xf32, #tpu.memory_space<hbm>>
      %dma_wait3A_87 = arith.constant 0 : i32
      %dma_wait3A_88 = tpu.memref_slice %arg4[%add3A_66, %dma_wait3A_87] : memref<163840x16xf32, #tpu.memory_space<hbm>> -> memref<512x16xf32, #tpu.memory_space<hbm>>
      tpu.wait_dma2 semaphore(%run_scoped3A : memref<!tpu.dma_semaphore, #tpu.memory_space<semaphore_mem>>) src(%arg6 : memref<512x16xf32, #tpu.memory_space<vmem>>) dst(%dma_wait3A_88 : memref<512x16xf32, #tpu.memory_space<hbm>>)
      tpu.yield
    }) : () -> ()
    %add3A_73 = arith.constant 4608 : i32
    %add3A_74 = arith.addi %mul3A_2, %add3A_73 : i32
    "tpu.region"() ({
      %run_scoped3A = tpu.sem_alloc : memref<!tpu.dma_semaphore, #tpu.memory_space<semaphore_mem>>
      %dma_start3A_81 = tpu.memref_slice %arg3[%add3A_74] : memref<163840xi32, #tpu.memory_space<hbm>> -> memref<512xi32, #tpu.memory_space<hbm>>
      %dma_start3A_82 = tpu.memref_slice %arg3[%add3A_74] : memref<163840xi32, #tpu.memory_space<hbm>> -> memref<512xi32, #tpu.memory_space<hbm>>
      tpu.enqueue_dma source(%dma_start3A_82 : memref<512xi32, #tpu.memory_space<hbm>>) target(%arg5 : memref<512xi32, #tpu.memory_space<vmem>>) target_semaphore(%run_scoped3A : memref<!tpu.dma_semaphore, #tpu.memory_space<semaphore_mem>>)
      %dma_wait3A_83 = tpu.memref_slice %arg3[%add3A_74] : memref<163840xi32, #tpu.memory_space<hbm>> -> memref<512xi32, #tpu.memory_space<hbm>>
      %dma_wait3A_84 = tpu.memref_slice %arg3[%add3A_74] : memref<163840xi32, #tpu.memory_space<hbm>> -> memref<512xi32, #tpu.memory_space<hbm>>
      tpu.wait_dma2 semaphore(%run_scoped3A : memref<!tpu.dma_semaphore, #tpu.memory_space<semaphore_mem>>) src(%dma_wait3A_84 : memref<512xi32, #tpu.memory_space<hbm>>) dst(%arg5 : memref<512xi32, #tpu.memory_space<vmem>>)
      tpu.yield
    }) : () -> ()
    %dma_start3A_75 = arith.constant 0 : i32
    %dma_start3A_76 = arith.constant 0 : i32
    %dma_start3A_77 = tpu.memref_slice %arg2[%dma_start3A_75, %dma_start3A_76] : memref<8192x16xf32, #tpu.memory_space<hbm>> -> memref<8192x16xf32, #tpu.memory_space<hbm>>
    tpu.enqueue_indirect_dma source(%dma_start3A_77 : memref<8192x16xf32, #tpu.memory_space<hbm>>) target(%arg6 : memref<512x16xf32, #tpu.memory_space<vmem>>) offsets(%arg5 : memref<512xi32, #tpu.memory_space<vmem>>) semaphore(%arg7 : memref<!tpu.dma_semaphore, #tpu.memory_space<semaphore_mem>>)
    %dma_wait3A_78 = arith.constant 0 : i32
    %dma_wait3A_79 = arith.constant 0 : i32
    %dma_wait3A_80 = tpu.memref_slice %arg2[%dma_wait3A_78, %dma_wait3A_79] : memref<8192x16xf32, #tpu.memory_space<hbm>> -> memref<8192x16xf32, #tpu.memory_space<hbm>>
    tpu.wait_indirect_dma semaphore(%arg7 : memref<!tpu.dma_semaphore, #tpu.memory_space<semaphore_mem>>) src(%dma_wait3A_80 : memref<8192x16xf32, #tpu.memory_space<hbm>>) dst(%arg6 : memref<512x16xf32, #tpu.memory_space<vmem>>)
    "tpu.region"() ({
      %run_scoped3A = tpu.sem_alloc : memref<!tpu.dma_semaphore, #tpu.memory_space<semaphore_mem>>
      %dma_start3A_81 = arith.constant 0 : i32
      %dma_start3A_82 = tpu.memref_slice %arg4[%add3A_74, %dma_start3A_81] : memref<163840x16xf32, #tpu.memory_space<hbm>> -> memref<512x16xf32, #tpu.memory_space<hbm>>
      %dma_start3A_83 = arith.constant 0 : i32
      %dma_start3A_84 = tpu.memref_slice %arg4[%add3A_74, %dma_start3A_83] : memref<163840x16xf32, #tpu.memory_space<hbm>> -> memref<512x16xf32, #tpu.memory_space<hbm>>
      tpu.enqueue_dma source(%arg6 : memref<512x16xf32, #tpu.memory_space<vmem>>) target(%dma_start3A_84 : memref<512x16xf32, #tpu.memory_space<hbm>>) target_semaphore(%run_scoped3A : memref<!tpu.dma_semaphore, #tpu.memory_space<semaphore_mem>>)
      %dma_wait3A_85 = arith.constant 0 : i32
      %dma_wait3A_86 = tpu.memref_slice %arg4[%add3A_74, %dma_wait3A_85] : memref<163840x16xf32, #tpu.memory_space<hbm>> -> memref<512x16xf32, #tpu.memory_space<hbm>>
      %dma_wait3A_87 = arith.constant 0 : i32
      %dma_wait3A_88 = tpu.memref_slice %arg4[%add3A_74, %dma_wait3A_87] : memref<163840x16xf32, #tpu.memory_space<hbm>> -> memref<512x16xf32, #tpu.memory_space<hbm>>
      tpu.wait_dma2 semaphore(%run_scoped3A : memref<!tpu.dma_semaphore, #tpu.memory_space<semaphore_mem>>) src(%arg6 : memref<512x16xf32, #tpu.memory_space<vmem>>) dst(%dma_wait3A_88 : memref<512x16xf32, #tpu.memory_space<hbm>>)
      tpu.yield
    }) : () -> ()
    return
  }
}

#map = affine_map<(d0, d1) -> (0, 0)>
#map1 = affine_map<(d0, d1) -> (0)>
module attributes {stable_mosaic.version = 14 : i64} {
  func.func @gather(%arg0: i32, %arg1: i32, %arg2: memref<8192x64xf32, #tpu.memory_space<hbm>>, %arg3: memref<163840xi32, #tpu.memory_space<hbm>>, %arg4: memref<163840x64xf32, #tpu.memory_space<hbm>>, %arg5: memref<512xi32, #tpu.memory_space<vmem>>, %arg6: memref<512x64xf32, #tpu.memory_space<vmem>>, %arg7: memref<!tpu.dma_semaphore, #tpu.memory_space<semaphore_mem>>) attributes {dimension_semantics = [#tpu.dimension_semantics<core_parallel>, #tpu.dimension_semantics<subcore_parallel>], iteration_bounds = array<i64: 2, 16>, scalar_prefetch = 0 : i64, scratch_operands = 3 : i64, tpu.core_type = #tpu.core_type<sc_vector_subcore>, window_params = [{transform_indices = #map}, {transform_indices = #map1}, {transform_indices = #map}]} {
    %mul3A = arith.constant 2 : i32
    %mul3A_0 = arith.muli %arg1, %mul3A : i32
    %add3A = arith.addi %mul3A_0, %arg0 : i32
    %mul3A_1 = arith.constant 5120 : i32
    %mul3A_2 = arith.muli %add3A, %mul3A_1 : i32
    %add3A_3 = arith.constant 0 : i32
    %add3A_4 = arith.addi %mul3A_2, %add3A_3 : i32
    "tpu.region"() ({
      %run_scoped3A = tpu.sem_alloc : memref<!tpu.dma_semaphore, #tpu.memory_space<semaphore_mem>>
      %dma_start3A_81 = tpu.memref_slice %arg3[%add3A_4] : memref<163840xi32, #tpu.memory_space<hbm>> -> memref<512xi32, #tpu.memory_space<hbm>>
      %dma_start3A_82 = tpu.memref_slice %arg3[%add3A_4] : memref<163840xi32, #tpu.memory_space<hbm>> -> memref<512xi32, #tpu.memory_space<hbm>>
      tpu.enqueue_dma source(%dma_start3A_82 : memref<512xi32, #tpu.memory_space<hbm>>) target(%arg5 : memref<512xi32, #tpu.memory_space<vmem>>) target_semaphore(%run_scoped3A : memref<!tpu.dma_semaphore, #tpu.memory_space<semaphore_mem>>)
      %dma_wait3A_83 = tpu.memref_slice %arg3[%add3A_4] : memref<163840xi32, #tpu.memory_space<hbm>> -> memref<512xi32, #tpu.memory_space<hbm>>
      %dma_wait3A_84 = tpu.memref_slice %arg3[%add3A_4] : memref<163840xi32, #tpu.memory_space<hbm>> -> memref<512xi32, #tpu.memory_space<hbm>>
      tpu.wait_dma2 semaphore(%run_scoped3A : memref<!tpu.dma_semaphore, #tpu.memory_space<semaphore_mem>>) src(%dma_wait3A_84 : memref<512xi32, #tpu.memory_space<hbm>>) dst(%arg5 : memref<512xi32, #tpu.memory_space<vmem>>)
      tpu.yield
    }) : () -> ()
    %dma_start3A = arith.constant 0 : i32
    %dma_start3A_5 = arith.constant 0 : i32
    %dma_start3A_6 = tpu.memref_slice %arg2[%dma_start3A, %dma_start3A_5] : memref<8192x64xf32, #tpu.memory_space<hbm>> -> memref<8192x64xf32, #tpu.memory_space<hbm>>
    tpu.enqueue_indirect_dma source(%dma_start3A_6 : memref<8192x64xf32, #tpu.memory_space<hbm>>) target(%arg6 : memref<512x64xf32, #tpu.memory_space<vmem>>) offsets(%arg5 : memref<512xi32, #tpu.memory_space<vmem>>) semaphore(%arg7 : memref<!tpu.dma_semaphore, #tpu.memory_space<semaphore_mem>>)
    %dma_wait3A = arith.constant 0 : i32
    %dma_wait3A_7 = arith.constant 0 : i32
    %dma_wait3A_8 = tpu.memref_slice %arg2[%dma_wait3A, %dma_wait3A_7] : memref<8192x64xf32, #tpu.memory_space<hbm>> -> memref<8192x64xf32, #tpu.memory_space<hbm>>
    tpu.wait_indirect_dma semaphore(%arg7 : memref<!tpu.dma_semaphore, #tpu.memory_space<semaphore_mem>>) src(%dma_wait3A_8 : memref<8192x64xf32, #tpu.memory_space<hbm>>) dst(%arg6 : memref<512x64xf32, #tpu.memory_space<vmem>>)
    "tpu.region"() ({
      %run_scoped3A = tpu.sem_alloc : memref<!tpu.dma_semaphore, #tpu.memory_space<semaphore_mem>>
      %dma_start3A_81 = arith.constant 0 : i32
      %dma_start3A_82 = tpu.memref_slice %arg4[%add3A_4, %dma_start3A_81] : memref<163840x64xf32, #tpu.memory_space<hbm>> -> memref<512x64xf32, #tpu.memory_space<hbm>>
      %dma_start3A_83 = arith.constant 0 : i32
      %dma_start3A_84 = tpu.memref_slice %arg4[%add3A_4, %dma_start3A_83] : memref<163840x64xf32, #tpu.memory_space<hbm>> -> memref<512x64xf32, #tpu.memory_space<hbm>>
      tpu.enqueue_dma source(%arg6 : memref<512x64xf32, #tpu.memory_space<vmem>>) target(%dma_start3A_84 : memref<512x64xf32, #tpu.memory_space<hbm>>) target_semaphore(%run_scoped3A : memref<!tpu.dma_semaphore, #tpu.memory_space<semaphore_mem>>)
      %dma_wait3A_85 = arith.constant 0 : i32
      %dma_wait3A_86 = tpu.memref_slice %arg4[%add3A_4, %dma_wait3A_85] : memref<163840x64xf32, #tpu.memory_space<hbm>> -> memref<512x64xf32, #tpu.memory_space<hbm>>
      %dma_wait3A_87 = arith.constant 0 : i32
      %dma_wait3A_88 = tpu.memref_slice %arg4[%add3A_4, %dma_wait3A_87] : memref<163840x64xf32, #tpu.memory_space<hbm>> -> memref<512x64xf32, #tpu.memory_space<hbm>>
      tpu.wait_dma2 semaphore(%run_scoped3A : memref<!tpu.dma_semaphore, #tpu.memory_space<semaphore_mem>>) src(%arg6 : memref<512x64xf32, #tpu.memory_space<vmem>>) dst(%dma_wait3A_88 : memref<512x64xf32, #tpu.memory_space<hbm>>)
      tpu.yield
    }) : () -> ()
    %add3A_9 = arith.constant 512 : i32
    %add3A_10 = arith.addi %mul3A_2, %add3A_9 : i32
    "tpu.region"() ({
      %run_scoped3A = tpu.sem_alloc : memref<!tpu.dma_semaphore, #tpu.memory_space<semaphore_mem>>
      %dma_start3A_81 = tpu.memref_slice %arg3[%add3A_10] : memref<163840xi32, #tpu.memory_space<hbm>> -> memref<512xi32, #tpu.memory_space<hbm>>
      %dma_start3A_82 = tpu.memref_slice %arg3[%add3A_10] : memref<163840xi32, #tpu.memory_space<hbm>> -> memref<512xi32, #tpu.memory_space<hbm>>
      tpu.enqueue_dma source(%dma_start3A_82 : memref<512xi32, #tpu.memory_space<hbm>>) target(%arg5 : memref<512xi32, #tpu.memory_space<vmem>>) target_semaphore(%run_scoped3A : memref<!tpu.dma_semaphore, #tpu.memory_space<semaphore_mem>>)
      %dma_wait3A_83 = tpu.memref_slice %arg3[%add3A_10] : memref<163840xi32, #tpu.memory_space<hbm>> -> memref<512xi32, #tpu.memory_space<hbm>>
      %dma_wait3A_84 = tpu.memref_slice %arg3[%add3A_10] : memref<163840xi32, #tpu.memory_space<hbm>> -> memref<512xi32, #tpu.memory_space<hbm>>
      tpu.wait_dma2 semaphore(%run_scoped3A : memref<!tpu.dma_semaphore, #tpu.memory_space<semaphore_mem>>) src(%dma_wait3A_84 : memref<512xi32, #tpu.memory_space<hbm>>) dst(%arg5 : memref<512xi32, #tpu.memory_space<vmem>>)
      tpu.yield
    }) : () -> ()
    %dma_start3A_11 = arith.constant 0 : i32
    %dma_start3A_12 = arith.constant 0 : i32
    %dma_start3A_13 = tpu.memref_slice %arg2[%dma_start3A_11, %dma_start3A_12] : memref<8192x64xf32, #tpu.memory_space<hbm>> -> memref<8192x64xf32, #tpu.memory_space<hbm>>
    tpu.enqueue_indirect_dma source(%dma_start3A_13 : memref<8192x64xf32, #tpu.memory_space<hbm>>) target(%arg6 : memref<512x64xf32, #tpu.memory_space<vmem>>) offsets(%arg5 : memref<512xi32, #tpu.memory_space<vmem>>) semaphore(%arg7 : memref<!tpu.dma_semaphore, #tpu.memory_space<semaphore_mem>>)
    %dma_wait3A_14 = arith.constant 0 : i32
    %dma_wait3A_15 = arith.constant 0 : i32
    %dma_wait3A_16 = tpu.memref_slice %arg2[%dma_wait3A_14, %dma_wait3A_15] : memref<8192x64xf32, #tpu.memory_space<hbm>> -> memref<8192x64xf32, #tpu.memory_space<hbm>>
    tpu.wait_indirect_dma semaphore(%arg7 : memref<!tpu.dma_semaphore, #tpu.memory_space<semaphore_mem>>) src(%dma_wait3A_16 : memref<8192x64xf32, #tpu.memory_space<hbm>>) dst(%arg6 : memref<512x64xf32, #tpu.memory_space<vmem>>)
    "tpu.region"() ({
      %run_scoped3A = tpu.sem_alloc : memref<!tpu.dma_semaphore, #tpu.memory_space<semaphore_mem>>
      %dma_start3A_81 = arith.constant 0 : i32
      %dma_start3A_82 = tpu.memref_slice %arg4[%add3A_10, %dma_start3A_81] : memref<163840x64xf32, #tpu.memory_space<hbm>> -> memref<512x64xf32, #tpu.memory_space<hbm>>
      %dma_start3A_83 = arith.constant 0 : i32
      %dma_start3A_84 = tpu.memref_slice %arg4[%add3A_10, %dma_start3A_83] : memref<163840x64xf32, #tpu.memory_space<hbm>> -> memref<512x64xf32, #tpu.memory_space<hbm>>
      tpu.enqueue_dma source(%arg6 : memref<512x64xf32, #tpu.memory_space<vmem>>) target(%dma_start3A_84 : memref<512x64xf32, #tpu.memory_space<hbm>>) target_semaphore(%run_scoped3A : memref<!tpu.dma_semaphore, #tpu.memory_space<semaphore_mem>>)
      %dma_wait3A_85 = arith.constant 0 : i32
      %dma_wait3A_86 = tpu.memref_slice %arg4[%add3A_10, %dma_wait3A_85] : memref<163840x64xf32, #tpu.memory_space<hbm>> -> memref<512x64xf32, #tpu.memory_space<hbm>>
      %dma_wait3A_87 = arith.constant 0 : i32
      %dma_wait3A_88 = tpu.memref_slice %arg4[%add3A_10, %dma_wait3A_87] : memref<163840x64xf32, #tpu.memory_space<hbm>> -> memref<512x64xf32, #tpu.memory_space<hbm>>
      tpu.wait_dma2 semaphore(%run_scoped3A : memref<!tpu.dma_semaphore, #tpu.memory_space<semaphore_mem>>) src(%arg6 : memref<512x64xf32, #tpu.memory_space<vmem>>) dst(%dma_wait3A_88 : memref<512x64xf32, #tpu.memory_space<hbm>>)
      tpu.yield
    }) : () -> ()
    %add3A_17 = arith.constant 1024 : i32
    %add3A_18 = arith.addi %mul3A_2, %add3A_17 : i32
    "tpu.region"() ({
      %run_scoped3A = tpu.sem_alloc : memref<!tpu.dma_semaphore, #tpu.memory_space<semaphore_mem>>
      %dma_start3A_81 = tpu.memref_slice %arg3[%add3A_18] : memref<163840xi32, #tpu.memory_space<hbm>> -> memref<512xi32, #tpu.memory_space<hbm>>
      %dma_start3A_82 = tpu.memref_slice %arg3[%add3A_18] : memref<163840xi32, #tpu.memory_space<hbm>> -> memref<512xi32, #tpu.memory_space<hbm>>
      tpu.enqueue_dma source(%dma_start3A_82 : memref<512xi32, #tpu.memory_space<hbm>>) target(%arg5 : memref<512xi32, #tpu.memory_space<vmem>>) target_semaphore(%run_scoped3A : memref<!tpu.dma_semaphore, #tpu.memory_space<semaphore_mem>>)
      %dma_wait3A_83 = tpu.memref_slice %arg3[%add3A_18] : memref<163840xi32, #tpu.memory_space<hbm>> -> memref<512xi32, #tpu.memory_space<hbm>>
      %dma_wait3A_84 = tpu.memref_slice %arg3[%add3A_18] : memref<163840xi32, #tpu.memory_space<hbm>> -> memref<512xi32, #tpu.memory_space<hbm>>
      tpu.wait_dma2 semaphore(%run_scoped3A : memref<!tpu.dma_semaphore, #tpu.memory_space<semaphore_mem>>) src(%dma_wait3A_84 : memref<512xi32, #tpu.memory_space<hbm>>) dst(%arg5 : memref<512xi32, #tpu.memory_space<vmem>>)
      tpu.yield
    }) : () -> ()
    %dma_start3A_19 = arith.constant 0 : i32
    %dma_start3A_20 = arith.constant 0 : i32
    %dma_start3A_21 = tpu.memref_slice %arg2[%dma_start3A_19, %dma_start3A_20] : memref<8192x64xf32, #tpu.memory_space<hbm>> -> memref<8192x64xf32, #tpu.memory_space<hbm>>
    tpu.enqueue_indirect_dma source(%dma_start3A_21 : memref<8192x64xf32, #tpu.memory_space<hbm>>) target(%arg6 : memref<512x64xf32, #tpu.memory_space<vmem>>) offsets(%arg5 : memref<512xi32, #tpu.memory_space<vmem>>) semaphore(%arg7 : memref<!tpu.dma_semaphore, #tpu.memory_space<semaphore_mem>>)
    %dma_wait3A_22 = arith.constant 0 : i32
    %dma_wait3A_23 = arith.constant 0 : i32
    %dma_wait3A_24 = tpu.memref_slice %arg2[%dma_wait3A_22, %dma_wait3A_23] : memref<8192x64xf32, #tpu.memory_space<hbm>> -> memref<8192x64xf32, #tpu.memory_space<hbm>>
    tpu.wait_indirect_dma semaphore(%arg7 : memref<!tpu.dma_semaphore, #tpu.memory_space<semaphore_mem>>) src(%dma_wait3A_24 : memref<8192x64xf32, #tpu.memory_space<hbm>>) dst(%arg6 : memref<512x64xf32, #tpu.memory_space<vmem>>)
    "tpu.region"() ({
      %run_scoped3A = tpu.sem_alloc : memref<!tpu.dma_semaphore, #tpu.memory_space<semaphore_mem>>
      %dma_start3A_81 = arith.constant 0 : i32
      %dma_start3A_82 = tpu.memref_slice %arg4[%add3A_18, %dma_start3A_81] : memref<163840x64xf32, #tpu.memory_space<hbm>> -> memref<512x64xf32, #tpu.memory_space<hbm>>
      %dma_start3A_83 = arith.constant 0 : i32
      %dma_start3A_84 = tpu.memref_slice %arg4[%add3A_18, %dma_start3A_83] : memref<163840x64xf32, #tpu.memory_space<hbm>> -> memref<512x64xf32, #tpu.memory_space<hbm>>
      tpu.enqueue_dma source(%arg6 : memref<512x64xf32, #tpu.memory_space<vmem>>) target(%dma_start3A_84 : memref<512x64xf32, #tpu.memory_space<hbm>>) target_semaphore(%run_scoped3A : memref<!tpu.dma_semaphore, #tpu.memory_space<semaphore_mem>>)
      %dma_wait3A_85 = arith.constant 0 : i32
      %dma_wait3A_86 = tpu.memref_slice %arg4[%add3A_18, %dma_wait3A_85] : memref<163840x64xf32, #tpu.memory_space<hbm>> -> memref<512x64xf32, #tpu.memory_space<hbm>>
      %dma_wait3A_87 = arith.constant 0 : i32
      %dma_wait3A_88 = tpu.memref_slice %arg4[%add3A_18, %dma_wait3A_87] : memref<163840x64xf32, #tpu.memory_space<hbm>> -> memref<512x64xf32, #tpu.memory_space<hbm>>
      tpu.wait_dma2 semaphore(%run_scoped3A : memref<!tpu.dma_semaphore, #tpu.memory_space<semaphore_mem>>) src(%arg6 : memref<512x64xf32, #tpu.memory_space<vmem>>) dst(%dma_wait3A_88 : memref<512x64xf32, #tpu.memory_space<hbm>>)
      tpu.yield
    }) : () -> ()
    %add3A_25 = arith.constant 1536 : i32
    %add3A_26 = arith.addi %mul3A_2, %add3A_25 : i32
    "tpu.region"() ({
      %run_scoped3A = tpu.sem_alloc : memref<!tpu.dma_semaphore, #tpu.memory_space<semaphore_mem>>
      %dma_start3A_81 = tpu.memref_slice %arg3[%add3A_26] : memref<163840xi32, #tpu.memory_space<hbm>> -> memref<512xi32, #tpu.memory_space<hbm>>
      %dma_start3A_82 = tpu.memref_slice %arg3[%add3A_26] : memref<163840xi32, #tpu.memory_space<hbm>> -> memref<512xi32, #tpu.memory_space<hbm>>
      tpu.enqueue_dma source(%dma_start3A_82 : memref<512xi32, #tpu.memory_space<hbm>>) target(%arg5 : memref<512xi32, #tpu.memory_space<vmem>>) target_semaphore(%run_scoped3A : memref<!tpu.dma_semaphore, #tpu.memory_space<semaphore_mem>>)
      %dma_wait3A_83 = tpu.memref_slice %arg3[%add3A_26] : memref<163840xi32, #tpu.memory_space<hbm>> -> memref<512xi32, #tpu.memory_space<hbm>>
      %dma_wait3A_84 = tpu.memref_slice %arg3[%add3A_26] : memref<163840xi32, #tpu.memory_space<hbm>> -> memref<512xi32, #tpu.memory_space<hbm>>
      tpu.wait_dma2 semaphore(%run_scoped3A : memref<!tpu.dma_semaphore, #tpu.memory_space<semaphore_mem>>) src(%dma_wait3A_84 : memref<512xi32, #tpu.memory_space<hbm>>) dst(%arg5 : memref<512xi32, #tpu.memory_space<vmem>>)
      tpu.yield
    }) : () -> ()
    %dma_start3A_27 = arith.constant 0 : i32
    %dma_start3A_28 = arith.constant 0 : i32
    %dma_start3A_29 = tpu.memref_slice %arg2[%dma_start3A_27, %dma_start3A_28] : memref<8192x64xf32, #tpu.memory_space<hbm>> -> memref<8192x64xf32, #tpu.memory_space<hbm>>
    tpu.enqueue_indirect_dma source(%dma_start3A_29 : memref<8192x64xf32, #tpu.memory_space<hbm>>) target(%arg6 : memref<512x64xf32, #tpu.memory_space<vmem>>) offsets(%arg5 : memref<512xi32, #tpu.memory_space<vmem>>) semaphore(%arg7 : memref<!tpu.dma_semaphore, #tpu.memory_space<semaphore_mem>>)
    %dma_wait3A_30 = arith.constant 0 : i32
    %dma_wait3A_31 = arith.constant 0 : i32
    %dma_wait3A_32 = tpu.memref_slice %arg2[%dma_wait3A_30, %dma_wait3A_31] : memref<8192x64xf32, #tpu.memory_space<hbm>> -> memref<8192x64xf32, #tpu.memory_space<hbm>>
    tpu.wait_indirect_dma semaphore(%arg7 : memref<!tpu.dma_semaphore, #tpu.memory_space<semaphore_mem>>) src(%dma_wait3A_32 : memref<8192x64xf32, #tpu.memory_space<hbm>>) dst(%arg6 : memref<512x64xf32, #tpu.memory_space<vmem>>)
    "tpu.region"() ({
      %run_scoped3A = tpu.sem_alloc : memref<!tpu.dma_semaphore, #tpu.memory_space<semaphore_mem>>
      %dma_start3A_81 = arith.constant 0 : i32
      %dma_start3A_82 = tpu.memref_slice %arg4[%add3A_26, %dma_start3A_81] : memref<163840x64xf32, #tpu.memory_space<hbm>> -> memref<512x64xf32, #tpu.memory_space<hbm>>
      %dma_start3A_83 = arith.constant 0 : i32
      %dma_start3A_84 = tpu.memref_slice %arg4[%add3A_26, %dma_start3A_83] : memref<163840x64xf32, #tpu.memory_space<hbm>> -> memref<512x64xf32, #tpu.memory_space<hbm>>
      tpu.enqueue_dma source(%arg6 : memref<512x64xf32, #tpu.memory_space<vmem>>) target(%dma_start3A_84 : memref<512x64xf32, #tpu.memory_space<hbm>>) target_semaphore(%run_scoped3A : memref<!tpu.dma_semaphore, #tpu.memory_space<semaphore_mem>>)
      %dma_wait3A_85 = arith.constant 0 : i32
      %dma_wait3A_86 = tpu.memref_slice %arg4[%add3A_26, %dma_wait3A_85] : memref<163840x64xf32, #tpu.memory_space<hbm>> -> memref<512x64xf32, #tpu.memory_space<hbm>>
      %dma_wait3A_87 = arith.constant 0 : i32
      %dma_wait3A_88 = tpu.memref_slice %arg4[%add3A_26, %dma_wait3A_87] : memref<163840x64xf32, #tpu.memory_space<hbm>> -> memref<512x64xf32, #tpu.memory_space<hbm>>
      tpu.wait_dma2 semaphore(%run_scoped3A : memref<!tpu.dma_semaphore, #tpu.memory_space<semaphore_mem>>) src(%arg6 : memref<512x64xf32, #tpu.memory_space<vmem>>) dst(%dma_wait3A_88 : memref<512x64xf32, #tpu.memory_space<hbm>>)
      tpu.yield
    }) : () -> ()
    %add3A_33 = arith.constant 2048 : i32
    %add3A_34 = arith.addi %mul3A_2, %add3A_33 : i32
    "tpu.region"() ({
      %run_scoped3A = tpu.sem_alloc : memref<!tpu.dma_semaphore, #tpu.memory_space<semaphore_mem>>
      %dma_start3A_81 = tpu.memref_slice %arg3[%add3A_34] : memref<163840xi32, #tpu.memory_space<hbm>> -> memref<512xi32, #tpu.memory_space<hbm>>
      %dma_start3A_82 = tpu.memref_slice %arg3[%add3A_34] : memref<163840xi32, #tpu.memory_space<hbm>> -> memref<512xi32, #tpu.memory_space<hbm>>
      tpu.enqueue_dma source(%dma_start3A_82 : memref<512xi32, #tpu.memory_space<hbm>>) target(%arg5 : memref<512xi32, #tpu.memory_space<vmem>>) target_semaphore(%run_scoped3A : memref<!tpu.dma_semaphore, #tpu.memory_space<semaphore_mem>>)
      %dma_wait3A_83 = tpu.memref_slice %arg3[%add3A_34] : memref<163840xi32, #tpu.memory_space<hbm>> -> memref<512xi32, #tpu.memory_space<hbm>>
      %dma_wait3A_84 = tpu.memref_slice %arg3[%add3A_34] : memref<163840xi32, #tpu.memory_space<hbm>> -> memref<512xi32, #tpu.memory_space<hbm>>
      tpu.wait_dma2 semaphore(%run_scoped3A : memref<!tpu.dma_semaphore, #tpu.memory_space<semaphore_mem>>) src(%dma_wait3A_84 : memref<512xi32, #tpu.memory_space<hbm>>) dst(%arg5 : memref<512xi32, #tpu.memory_space<vmem>>)
      tpu.yield
    }) : () -> ()
    %dma_start3A_35 = arith.constant 0 : i32
    %dma_start3A_36 = arith.constant 0 : i32
    %dma_start3A_37 = tpu.memref_slice %arg2[%dma_start3A_35, %dma_start3A_36] : memref<8192x64xf32, #tpu.memory_space<hbm>> -> memref<8192x64xf32, #tpu.memory_space<hbm>>
    tpu.enqueue_indirect_dma source(%dma_start3A_37 : memref<8192x64xf32, #tpu.memory_space<hbm>>) target(%arg6 : memref<512x64xf32, #tpu.memory_space<vmem>>) offsets(%arg5 : memref<512xi32, #tpu.memory_space<vmem>>) semaphore(%arg7 : memref<!tpu.dma_semaphore, #tpu.memory_space<semaphore_mem>>)
    %dma_wait3A_38 = arith.constant 0 : i32
    %dma_wait3A_39 = arith.constant 0 : i32
    %dma_wait3A_40 = tpu.memref_slice %arg2[%dma_wait3A_38, %dma_wait3A_39] : memref<8192x64xf32, #tpu.memory_space<hbm>> -> memref<8192x64xf32, #tpu.memory_space<hbm>>
    tpu.wait_indirect_dma semaphore(%arg7 : memref<!tpu.dma_semaphore, #tpu.memory_space<semaphore_mem>>) src(%dma_wait3A_40 : memref<8192x64xf32, #tpu.memory_space<hbm>>) dst(%arg6 : memref<512x64xf32, #tpu.memory_space<vmem>>)
    "tpu.region"() ({
      %run_scoped3A = tpu.sem_alloc : memref<!tpu.dma_semaphore, #tpu.memory_space<semaphore_mem>>
      %dma_start3A_81 = arith.constant 0 : i32
      %dma_start3A_82 = tpu.memref_slice %arg4[%add3A_34, %dma_start3A_81] : memref<163840x64xf32, #tpu.memory_space<hbm>> -> memref<512x64xf32, #tpu.memory_space<hbm>>
      %dma_start3A_83 = arith.constant 0 : i32
      %dma_start3A_84 = tpu.memref_slice %arg4[%add3A_34, %dma_start3A_83] : memref<163840x64xf32, #tpu.memory_space<hbm>> -> memref<512x64xf32, #tpu.memory_space<hbm>>
      tpu.enqueue_dma source(%arg6 : memref<512x64xf32, #tpu.memory_space<vmem>>) target(%dma_start3A_84 : memref<512x64xf32, #tpu.memory_space<hbm>>) target_semaphore(%run_scoped3A : memref<!tpu.dma_semaphore, #tpu.memory_space<semaphore_mem>>)
      %dma_wait3A_85 = arith.constant 0 : i32
      %dma_wait3A_86 = tpu.memref_slice %arg4[%add3A_34, %dma_wait3A_85] : memref<163840x64xf32, #tpu.memory_space<hbm>> -> memref<512x64xf32, #tpu.memory_space<hbm>>
      %dma_wait3A_87 = arith.constant 0 : i32
      %dma_wait3A_88 = tpu.memref_slice %arg4[%add3A_34, %dma_wait3A_87] : memref<163840x64xf32, #tpu.memory_space<hbm>> -> memref<512x64xf32, #tpu.memory_space<hbm>>
      tpu.wait_dma2 semaphore(%run_scoped3A : memref<!tpu.dma_semaphore, #tpu.memory_space<semaphore_mem>>) src(%arg6 : memref<512x64xf32, #tpu.memory_space<vmem>>) dst(%dma_wait3A_88 : memref<512x64xf32, #tpu.memory_space<hbm>>)
      tpu.yield
    }) : () -> ()
    %add3A_41 = arith.constant 2560 : i32
    %add3A_42 = arith.addi %mul3A_2, %add3A_41 : i32
    "tpu.region"() ({
      %run_scoped3A = tpu.sem_alloc : memref<!tpu.dma_semaphore, #tpu.memory_space<semaphore_mem>>
      %dma_start3A_81 = tpu.memref_slice %arg3[%add3A_42] : memref<163840xi32, #tpu.memory_space<hbm>> -> memref<512xi32, #tpu.memory_space<hbm>>
      %dma_start3A_82 = tpu.memref_slice %arg3[%add3A_42] : memref<163840xi32, #tpu.memory_space<hbm>> -> memref<512xi32, #tpu.memory_space<hbm>>
      tpu.enqueue_dma source(%dma_start3A_82 : memref<512xi32, #tpu.memory_space<hbm>>) target(%arg5 : memref<512xi32, #tpu.memory_space<vmem>>) target_semaphore(%run_scoped3A : memref<!tpu.dma_semaphore, #tpu.memory_space<semaphore_mem>>)
      %dma_wait3A_83 = tpu.memref_slice %arg3[%add3A_42] : memref<163840xi32, #tpu.memory_space<hbm>> -> memref<512xi32, #tpu.memory_space<hbm>>
      %dma_wait3A_84 = tpu.memref_slice %arg3[%add3A_42] : memref<163840xi32, #tpu.memory_space<hbm>> -> memref<512xi32, #tpu.memory_space<hbm>>
      tpu.wait_dma2 semaphore(%run_scoped3A : memref<!tpu.dma_semaphore, #tpu.memory_space<semaphore_mem>>) src(%dma_wait3A_84 : memref<512xi32, #tpu.memory_space<hbm>>) dst(%arg5 : memref<512xi32, #tpu.memory_space<vmem>>)
      tpu.yield
    }) : () -> ()
    %dma_start3A_43 = arith.constant 0 : i32
    %dma_start3A_44 = arith.constant 0 : i32
    %dma_start3A_45 = tpu.memref_slice %arg2[%dma_start3A_43, %dma_start3A_44] : memref<8192x64xf32, #tpu.memory_space<hbm>> -> memref<8192x64xf32, #tpu.memory_space<hbm>>
    tpu.enqueue_indirect_dma source(%dma_start3A_45 : memref<8192x64xf32, #tpu.memory_space<hbm>>) target(%arg6 : memref<512x64xf32, #tpu.memory_space<vmem>>) offsets(%arg5 : memref<512xi32, #tpu.memory_space<vmem>>) semaphore(%arg7 : memref<!tpu.dma_semaphore, #tpu.memory_space<semaphore_mem>>)
    %dma_wait3A_46 = arith.constant 0 : i32
    %dma_wait3A_47 = arith.constant 0 : i32
    %dma_wait3A_48 = tpu.memref_slice %arg2[%dma_wait3A_46, %dma_wait3A_47] : memref<8192x64xf32, #tpu.memory_space<hbm>> -> memref<8192x64xf32, #tpu.memory_space<hbm>>
    tpu.wait_indirect_dma semaphore(%arg7 : memref<!tpu.dma_semaphore, #tpu.memory_space<semaphore_mem>>) src(%dma_wait3A_48 : memref<8192x64xf32, #tpu.memory_space<hbm>>) dst(%arg6 : memref<512x64xf32, #tpu.memory_space<vmem>>)
    "tpu.region"() ({
      %run_scoped3A = tpu.sem_alloc : memref<!tpu.dma_semaphore, #tpu.memory_space<semaphore_mem>>
      %dma_start3A_81 = arith.constant 0 : i32
      %dma_start3A_82 = tpu.memref_slice %arg4[%add3A_42, %dma_start3A_81] : memref<163840x64xf32, #tpu.memory_space<hbm>> -> memref<512x64xf32, #tpu.memory_space<hbm>>
      %dma_start3A_83 = arith.constant 0 : i32
      %dma_start3A_84 = tpu.memref_slice %arg4[%add3A_42, %dma_start3A_83] : memref<163840x64xf32, #tpu.memory_space<hbm>> -> memref<512x64xf32, #tpu.memory_space<hbm>>
      tpu.enqueue_dma source(%arg6 : memref<512x64xf32, #tpu.memory_space<vmem>>) target(%dma_start3A_84 : memref<512x64xf32, #tpu.memory_space<hbm>>) target_semaphore(%run_scoped3A : memref<!tpu.dma_semaphore, #tpu.memory_space<semaphore_mem>>)
      %dma_wait3A_85 = arith.constant 0 : i32
      %dma_wait3A_86 = tpu.memref_slice %arg4[%add3A_42, %dma_wait3A_85] : memref<163840x64xf32, #tpu.memory_space<hbm>> -> memref<512x64xf32, #tpu.memory_space<hbm>>
      %dma_wait3A_87 = arith.constant 0 : i32
      %dma_wait3A_88 = tpu.memref_slice %arg4[%add3A_42, %dma_wait3A_87] : memref<163840x64xf32, #tpu.memory_space<hbm>> -> memref<512x64xf32, #tpu.memory_space<hbm>>
      tpu.wait_dma2 semaphore(%run_scoped3A : memref<!tpu.dma_semaphore, #tpu.memory_space<semaphore_mem>>) src(%arg6 : memref<512x64xf32, #tpu.memory_space<vmem>>) dst(%dma_wait3A_88 : memref<512x64xf32, #tpu.memory_space<hbm>>)
      tpu.yield
    }) : () -> ()
    %add3A_49 = arith.constant 3072 : i32
    %add3A_50 = arith.addi %mul3A_2, %add3A_49 : i32
    "tpu.region"() ({
      %run_scoped3A = tpu.sem_alloc : memref<!tpu.dma_semaphore, #tpu.memory_space<semaphore_mem>>
      %dma_start3A_81 = tpu.memref_slice %arg3[%add3A_50] : memref<163840xi32, #tpu.memory_space<hbm>> -> memref<512xi32, #tpu.memory_space<hbm>>
      %dma_start3A_82 = tpu.memref_slice %arg3[%add3A_50] : memref<163840xi32, #tpu.memory_space<hbm>> -> memref<512xi32, #tpu.memory_space<hbm>>
      tpu.enqueue_dma source(%dma_start3A_82 : memref<512xi32, #tpu.memory_space<hbm>>) target(%arg5 : memref<512xi32, #tpu.memory_space<vmem>>) target_semaphore(%run_scoped3A : memref<!tpu.dma_semaphore, #tpu.memory_space<semaphore_mem>>)
      %dma_wait3A_83 = tpu.memref_slice %arg3[%add3A_50] : memref<163840xi32, #tpu.memory_space<hbm>> -> memref<512xi32, #tpu.memory_space<hbm>>
      %dma_wait3A_84 = tpu.memref_slice %arg3[%add3A_50] : memref<163840xi32, #tpu.memory_space<hbm>> -> memref<512xi32, #tpu.memory_space<hbm>>
      tpu.wait_dma2 semaphore(%run_scoped3A : memref<!tpu.dma_semaphore, #tpu.memory_space<semaphore_mem>>) src(%dma_wait3A_84 : memref<512xi32, #tpu.memory_space<hbm>>) dst(%arg5 : memref<512xi32, #tpu.memory_space<vmem>>)
      tpu.yield
    }) : () -> ()
    %dma_start3A_51 = arith.constant 0 : i32
    %dma_start3A_52 = arith.constant 0 : i32
    %dma_start3A_53 = tpu.memref_slice %arg2[%dma_start3A_51, %dma_start3A_52] : memref<8192x64xf32, #tpu.memory_space<hbm>> -> memref<8192x64xf32, #tpu.memory_space<hbm>>
    tpu.enqueue_indirect_dma source(%dma_start3A_53 : memref<8192x64xf32, #tpu.memory_space<hbm>>) target(%arg6 : memref<512x64xf32, #tpu.memory_space<vmem>>) offsets(%arg5 : memref<512xi32, #tpu.memory_space<vmem>>) semaphore(%arg7 : memref<!tpu.dma_semaphore, #tpu.memory_space<semaphore_mem>>)
    %dma_wait3A_54 = arith.constant 0 : i32
    %dma_wait3A_55 = arith.constant 0 : i32
    %dma_wait3A_56 = tpu.memref_slice %arg2[%dma_wait3A_54, %dma_wait3A_55] : memref<8192x64xf32, #tpu.memory_space<hbm>> -> memref<8192x64xf32, #tpu.memory_space<hbm>>
    tpu.wait_indirect_dma semaphore(%arg7 : memref<!tpu.dma_semaphore, #tpu.memory_space<semaphore_mem>>) src(%dma_wait3A_56 : memref<8192x64xf32, #tpu.memory_space<hbm>>) dst(%arg6 : memref<512x64xf32, #tpu.memory_space<vmem>>)
    "tpu.region"() ({
      %run_scoped3A = tpu.sem_alloc : memref<!tpu.dma_semaphore, #tpu.memory_space<semaphore_mem>>
      %dma_start3A_81 = arith.constant 0 : i32
      %dma_start3A_82 = tpu.memref_slice %arg4[%add3A_50, %dma_start3A_81] : memref<163840x64xf32, #tpu.memory_space<hbm>> -> memref<512x64xf32, #tpu.memory_space<hbm>>
      %dma_start3A_83 = arith.constant 0 : i32
      %dma_start3A_84 = tpu.memref_slice %arg4[%add3A_50, %dma_start3A_83] : memref<163840x64xf32, #tpu.memory_space<hbm>> -> memref<512x64xf32, #tpu.memory_space<hbm>>
      tpu.enqueue_dma source(%arg6 : memref<512x64xf32, #tpu.memory_space<vmem>>) target(%dma_start3A_84 : memref<512x64xf32, #tpu.memory_space<hbm>>) target_semaphore(%run_scoped3A : memref<!tpu.dma_semaphore, #tpu.memory_space<semaphore_mem>>)
      %dma_wait3A_85 = arith.constant 0 : i32
      %dma_wait3A_86 = tpu.memref_slice %arg4[%add3A_50, %dma_wait3A_85] : memref<163840x64xf32, #tpu.memory_space<hbm>> -> memref<512x64xf32, #tpu.memory_space<hbm>>
      %dma_wait3A_87 = arith.constant 0 : i32
      %dma_wait3A_88 = tpu.memref_slice %arg4[%add3A_50, %dma_wait3A_87] : memref<163840x64xf32, #tpu.memory_space<hbm>> -> memref<512x64xf32, #tpu.memory_space<hbm>>
      tpu.wait_dma2 semaphore(%run_scoped3A : memref<!tpu.dma_semaphore, #tpu.memory_space<semaphore_mem>>) src(%arg6 : memref<512x64xf32, #tpu.memory_space<vmem>>) dst(%dma_wait3A_88 : memref<512x64xf32, #tpu.memory_space<hbm>>)
      tpu.yield
    }) : () -> ()
    %add3A_57 = arith.constant 3584 : i32
    %add3A_58 = arith.addi %mul3A_2, %add3A_57 : i32
    "tpu.region"() ({
      %run_scoped3A = tpu.sem_alloc : memref<!tpu.dma_semaphore, #tpu.memory_space<semaphore_mem>>
      %dma_start3A_81 = tpu.memref_slice %arg3[%add3A_58] : memref<163840xi32, #tpu.memory_space<hbm>> -> memref<512xi32, #tpu.memory_space<hbm>>
      %dma_start3A_82 = tpu.memref_slice %arg3[%add3A_58] : memref<163840xi32, #tpu.memory_space<hbm>> -> memref<512xi32, #tpu.memory_space<hbm>>
      tpu.enqueue_dma source(%dma_start3A_82 : memref<512xi32, #tpu.memory_space<hbm>>) target(%arg5 : memref<512xi32, #tpu.memory_space<vmem>>) target_semaphore(%run_scoped3A : memref<!tpu.dma_semaphore, #tpu.memory_space<semaphore_mem>>)
      %dma_wait3A_83 = tpu.memref_slice %arg3[%add3A_58] : memref<163840xi32, #tpu.memory_space<hbm>> -> memref<512xi32, #tpu.memory_space<hbm>>
      %dma_wait3A_84 = tpu.memref_slice %arg3[%add3A_58] : memref<163840xi32, #tpu.memory_space<hbm>> -> memref<512xi32, #tpu.memory_space<hbm>>
      tpu.wait_dma2 semaphore(%run_scoped3A : memref<!tpu.dma_semaphore, #tpu.memory_space<semaphore_mem>>) src(%dma_wait3A_84 : memref<512xi32, #tpu.memory_space<hbm>>) dst(%arg5 : memref<512xi32, #tpu.memory_space<vmem>>)
      tpu.yield
    }) : () -> ()
    %dma_start3A_59 = arith.constant 0 : i32
    %dma_start3A_60 = arith.constant 0 : i32
    %dma_start3A_61 = tpu.memref_slice %arg2[%dma_start3A_59, %dma_start3A_60] : memref<8192x64xf32, #tpu.memory_space<hbm>> -> memref<8192x64xf32, #tpu.memory_space<hbm>>
    tpu.enqueue_indirect_dma source(%dma_start3A_61 : memref<8192x64xf32, #tpu.memory_space<hbm>>) target(%arg6 : memref<512x64xf32, #tpu.memory_space<vmem>>) offsets(%arg5 : memref<512xi32, #tpu.memory_space<vmem>>) semaphore(%arg7 : memref<!tpu.dma_semaphore, #tpu.memory_space<semaphore_mem>>)
    %dma_wait3A_62 = arith.constant 0 : i32
    %dma_wait3A_63 = arith.constant 0 : i32
    %dma_wait3A_64 = tpu.memref_slice %arg2[%dma_wait3A_62, %dma_wait3A_63] : memref<8192x64xf32, #tpu.memory_space<hbm>> -> memref<8192x64xf32, #tpu.memory_space<hbm>>
    tpu.wait_indirect_dma semaphore(%arg7 : memref<!tpu.dma_semaphore, #tpu.memory_space<semaphore_mem>>) src(%dma_wait3A_64 : memref<8192x64xf32, #tpu.memory_space<hbm>>) dst(%arg6 : memref<512x64xf32, #tpu.memory_space<vmem>>)
    "tpu.region"() ({
      %run_scoped3A = tpu.sem_alloc : memref<!tpu.dma_semaphore, #tpu.memory_space<semaphore_mem>>
      %dma_start3A_81 = arith.constant 0 : i32
      %dma_start3A_82 = tpu.memref_slice %arg4[%add3A_58, %dma_start3A_81] : memref<163840x64xf32, #tpu.memory_space<hbm>> -> memref<512x64xf32, #tpu.memory_space<hbm>>
      %dma_start3A_83 = arith.constant 0 : i32
      %dma_start3A_84 = tpu.memref_slice %arg4[%add3A_58, %dma_start3A_83] : memref<163840x64xf32, #tpu.memory_space<hbm>> -> memref<512x64xf32, #tpu.memory_space<hbm>>
      tpu.enqueue_dma source(%arg6 : memref<512x64xf32, #tpu.memory_space<vmem>>) target(%dma_start3A_84 : memref<512x64xf32, #tpu.memory_space<hbm>>) target_semaphore(%run_scoped3A : memref<!tpu.dma_semaphore, #tpu.memory_space<semaphore_mem>>)
      %dma_wait3A_85 = arith.constant 0 : i32
      %dma_wait3A_86 = tpu.memref_slice %arg4[%add3A_58, %dma_wait3A_85] : memref<163840x64xf32, #tpu.memory_space<hbm>> -> memref<512x64xf32, #tpu.memory_space<hbm>>
      %dma_wait3A_87 = arith.constant 0 : i32
      %dma_wait3A_88 = tpu.memref_slice %arg4[%add3A_58, %dma_wait3A_87] : memref<163840x64xf32, #tpu.memory_space<hbm>> -> memref<512x64xf32, #tpu.memory_space<hbm>>
      tpu.wait_dma2 semaphore(%run_scoped3A : memref<!tpu.dma_semaphore, #tpu.memory_space<semaphore_mem>>) src(%arg6 : memref<512x64xf32, #tpu.memory_space<vmem>>) dst(%dma_wait3A_88 : memref<512x64xf32, #tpu.memory_space<hbm>>)
      tpu.yield
    }) : () -> ()
    %add3A_65 = arith.constant 4096 : i32
    %add3A_66 = arith.addi %mul3A_2, %add3A_65 : i32
    "tpu.region"() ({
      %run_scoped3A = tpu.sem_alloc : memref<!tpu.dma_semaphore, #tpu.memory_space<semaphore_mem>>
      %dma_start3A_81 = tpu.memref_slice %arg3[%add3A_66] : memref<163840xi32, #tpu.memory_space<hbm>> -> memref<512xi32, #tpu.memory_space<hbm>>
      %dma_start3A_82 = tpu.memref_slice %arg3[%add3A_66] : memref<163840xi32, #tpu.memory_space<hbm>> -> memref<512xi32, #tpu.memory_space<hbm>>
      tpu.enqueue_dma source(%dma_start3A_82 : memref<512xi32, #tpu.memory_space<hbm>>) target(%arg5 : memref<512xi32, #tpu.memory_space<vmem>>) target_semaphore(%run_scoped3A : memref<!tpu.dma_semaphore, #tpu.memory_space<semaphore_mem>>)
      %dma_wait3A_83 = tpu.memref_slice %arg3[%add3A_66] : memref<163840xi32, #tpu.memory_space<hbm>> -> memref<512xi32, #tpu.memory_space<hbm>>
      %dma_wait3A_84 = tpu.memref_slice %arg3[%add3A_66] : memref<163840xi32, #tpu.memory_space<hbm>> -> memref<512xi32, #tpu.memory_space<hbm>>
      tpu.wait_dma2 semaphore(%run_scoped3A : memref<!tpu.dma_semaphore, #tpu.memory_space<semaphore_mem>>) src(%dma_wait3A_84 : memref<512xi32, #tpu.memory_space<hbm>>) dst(%arg5 : memref<512xi32, #tpu.memory_space<vmem>>)
      tpu.yield
    }) : () -> ()
    %dma_start3A_67 = arith.constant 0 : i32
    %dma_start3A_68 = arith.constant 0 : i32
    %dma_start3A_69 = tpu.memref_slice %arg2[%dma_start3A_67, %dma_start3A_68] : memref<8192x64xf32, #tpu.memory_space<hbm>> -> memref<8192x64xf32, #tpu.memory_space<hbm>>
    tpu.enqueue_indirect_dma source(%dma_start3A_69 : memref<8192x64xf32, #tpu.memory_space<hbm>>) target(%arg6 : memref<512x64xf32, #tpu.memory_space<vmem>>) offsets(%arg5 : memref<512xi32, #tpu.memory_space<vmem>>) semaphore(%arg7 : memref<!tpu.dma_semaphore, #tpu.memory_space<semaphore_mem>>)
    %dma_wait3A_70 = arith.constant 0 : i32
    %dma_wait3A_71 = arith.constant 0 : i32
    %dma_wait3A_72 = tpu.memref_slice %arg2[%dma_wait3A_70, %dma_wait3A_71] : memref<8192x64xf32, #tpu.memory_space<hbm>> -> memref<8192x64xf32, #tpu.memory_space<hbm>>
    tpu.wait_indirect_dma semaphore(%arg7 : memref<!tpu.dma_semaphore, #tpu.memory_space<semaphore_mem>>) src(%dma_wait3A_72 : memref<8192x64xf32, #tpu.memory_space<hbm>>) dst(%arg6 : memref<512x64xf32, #tpu.memory_space<vmem>>)
    "tpu.region"() ({
      %run_scoped3A = tpu.sem_alloc : memref<!tpu.dma_semaphore, #tpu.memory_space<semaphore_mem>>
      %dma_start3A_81 = arith.constant 0 : i32
      %dma_start3A_82 = tpu.memref_slice %arg4[%add3A_66, %dma_start3A_81] : memref<163840x64xf32, #tpu.memory_space<hbm>> -> memref<512x64xf32, #tpu.memory_space<hbm>>
      %dma_start3A_83 = arith.constant 0 : i32
      %dma_start3A_84 = tpu.memref_slice %arg4[%add3A_66, %dma_start3A_83] : memref<163840x64xf32, #tpu.memory_space<hbm>> -> memref<512x64xf32, #tpu.memory_space<hbm>>
      tpu.enqueue_dma source(%arg6 : memref<512x64xf32, #tpu.memory_space<vmem>>) target(%dma_start3A_84 : memref<512x64xf32, #tpu.memory_space<hbm>>) target_semaphore(%run_scoped3A : memref<!tpu.dma_semaphore, #tpu.memory_space<semaphore_mem>>)
      %dma_wait3A_85 = arith.constant 0 : i32
      %dma_wait3A_86 = tpu.memref_slice %arg4[%add3A_66, %dma_wait3A_85] : memref<163840x64xf32, #tpu.memory_space<hbm>> -> memref<512x64xf32, #tpu.memory_space<hbm>>
      %dma_wait3A_87 = arith.constant 0 : i32
      %dma_wait3A_88 = tpu.memref_slice %arg4[%add3A_66, %dma_wait3A_87] : memref<163840x64xf32, #tpu.memory_space<hbm>> -> memref<512x64xf32, #tpu.memory_space<hbm>>
      tpu.wait_dma2 semaphore(%run_scoped3A : memref<!tpu.dma_semaphore, #tpu.memory_space<semaphore_mem>>) src(%arg6 : memref<512x64xf32, #tpu.memory_space<vmem>>) dst(%dma_wait3A_88 : memref<512x64xf32, #tpu.memory_space<hbm>>)
      tpu.yield
    }) : () -> ()
    %add3A_73 = arith.constant 4608 : i32
    %add3A_74 = arith.addi %mul3A_2, %add3A_73 : i32
    "tpu.region"() ({
      %run_scoped3A = tpu.sem_alloc : memref<!tpu.dma_semaphore, #tpu.memory_space<semaphore_mem>>
      %dma_start3A_81 = tpu.memref_slice %arg3[%add3A_74] : memref<163840xi32, #tpu.memory_space<hbm>> -> memref<512xi32, #tpu.memory_space<hbm>>
      %dma_start3A_82 = tpu.memref_slice %arg3[%add3A_74] : memref<163840xi32, #tpu.memory_space<hbm>> -> memref<512xi32, #tpu.memory_space<hbm>>
      tpu.enqueue_dma source(%dma_start3A_82 : memref<512xi32, #tpu.memory_space<hbm>>) target(%arg5 : memref<512xi32, #tpu.memory_space<vmem>>) target_semaphore(%run_scoped3A : memref<!tpu.dma_semaphore, #tpu.memory_space<semaphore_mem>>)
      %dma_wait3A_83 = tpu.memref_slice %arg3[%add3A_74] : memref<163840xi32, #tpu.memory_space<hbm>> -> memref<512xi32, #tpu.memory_space<hbm>>
      %dma_wait3A_84 = tpu.memref_slice %arg3[%add3A_74] : memref<163840xi32, #tpu.memory_space<hbm>> -> memref<512xi32, #tpu.memory_space<hbm>>
      tpu.wait_dma2 semaphore(%run_scoped3A : memref<!tpu.dma_semaphore, #tpu.memory_space<semaphore_mem>>) src(%dma_wait3A_84 : memref<512xi32, #tpu.memory_space<hbm>>) dst(%arg5 : memref<512xi32, #tpu.memory_space<vmem>>)
      tpu.yield
    }) : () -> ()
    %dma_start3A_75 = arith.constant 0 : i32
    %dma_start3A_76 = arith.constant 0 : i32
    %dma_start3A_77 = tpu.memref_slice %arg2[%dma_start3A_75, %dma_start3A_76] : memref<8192x64xf32, #tpu.memory_space<hbm>> -> memref<8192x64xf32, #tpu.memory_space<hbm>>
    tpu.enqueue_indirect_dma source(%dma_start3A_77 : memref<8192x64xf32, #tpu.memory_space<hbm>>) target(%arg6 : memref<512x64xf32, #tpu.memory_space<vmem>>) offsets(%arg5 : memref<512xi32, #tpu.memory_space<vmem>>) semaphore(%arg7 : memref<!tpu.dma_semaphore, #tpu.memory_space<semaphore_mem>>)
    %dma_wait3A_78 = arith.constant 0 : i32
    %dma_wait3A_79 = arith.constant 0 : i32
    %dma_wait3A_80 = tpu.memref_slice %arg2[%dma_wait3A_78, %dma_wait3A_79] : memref<8192x64xf32, #tpu.memory_space<hbm>> -> memref<8192x64xf32, #tpu.memory_space<hbm>>
    tpu.wait_indirect_dma semaphore(%arg7 : memref<!tpu.dma_semaphore, #tpu.memory_space<semaphore_mem>>) src(%dma_wait3A_80 : memref<8192x64xf32, #tpu.memory_space<hbm>>) dst(%arg6 : memref<512x64xf32, #tpu.memory_space<vmem>>)
    "tpu.region"() ({
      %run_scoped3A = tpu.sem_alloc : memref<!tpu.dma_semaphore, #tpu.memory_space<semaphore_mem>>
      %dma_start3A_81 = arith.constant 0 : i32
      %dma_start3A_82 = tpu.memref_slice %arg4[%add3A_74, %dma_start3A_81] : memref<163840x64xf32, #tpu.memory_space<hbm>> -> memref<512x64xf32, #tpu.memory_space<hbm>>
      %dma_start3A_83 = arith.constant 0 : i32
      %dma_start3A_84 = tpu.memref_slice %arg4[%add3A_74, %dma_start3A_83] : memref<163840x64xf32, #tpu.memory_space<hbm>> -> memref<512x64xf32, #tpu.memory_space<hbm>>
      tpu.enqueue_dma source(%arg6 : memref<512x64xf32, #tpu.memory_space<vmem>>) target(%dma_start3A_84 : memref<512x64xf32, #tpu.memory_space<hbm>>) target_semaphore(%run_scoped3A : memref<!tpu.dma_semaphore, #tpu.memory_space<semaphore_mem>>)
      %dma_wait3A_85 = arith.constant 0 : i32
      %dma_wait3A_86 = tpu.memref_slice %arg4[%add3A_74, %dma_wait3A_85] : memref<163840x64xf32, #tpu.memory_space<hbm>> -> memref<512x64xf32, #tpu.memory_space<hbm>>
      %dma_wait3A_87 = arith.constant 0 : i32
      %dma_wait3A_88 = tpu.memref_slice %arg4[%add3A_74, %dma_wait3A_87] : memref<163840x64xf32, #tpu.memory_space<hbm>> -> memref<512x64xf32, #tpu.memory_space<hbm>>
      tpu.wait_dma2 semaphore(%run_scoped3A : memref<!tpu.dma_semaphore, #tpu.memory_space<semaphore_mem>>) src(%arg6 : memref<512x64xf32, #tpu.memory_space<vmem>>) dst(%dma_wait3A_88 : memref<512x64xf32, #tpu.memory_space<hbm>>)
      tpu.yield
    }) : () -> ()
    return
  }
}

module attributes {stable_mosaic.version = 14 : i64} {
  func.func @_knn_body(%arg0: i32, %arg1: memref<2x64xi32, #tpu.memory_space<smem>>, %arg2: memref<128x16xf32, #tpu.memory_space<vmem>>, %arg3: memref<16x8192xf32, #tpu.memory_space<vmem>>, %arg4: memref<128x1xi32, #tpu.memory_space<vmem>>, %arg5: memref<1x8192xi32, #tpu.memory_space<vmem>>, %arg6: memref<128x20xi32, #tpu.memory_space<vmem>>) attributes {dimension_semantics = [#tpu.dimension_semantics<arbitrary>], iteration_bounds = array<i64: 64>, scalar_prefetch = 1 : i64, scratch_operands = 0 : i64, tpu.core_type = #tpu.core_type<tc>, window_params = [{transform_indices = @transform_0, window_bounds = array<i64: 128, 16>}, {pipeline_mode = #tpu.pipeline_mode<synchronous>, transform_indices = @transform_1, window_bounds = array<i64: 16, 8192>}, {transform_indices = @transform_2, window_bounds = array<i64: 128, 1>}, {pipeline_mode = #tpu.pipeline_mode<synchronous>, transform_indices = @transform_3, window_bounds = array<i64: 1, 8192>}, {transform_indices = @transform_4, window_bounds = array<i64: 128, 20>}]} {
    %get3A = arith.constant 0 : index
    %get3A_0 = arith.index_cast %arg0 : i32 to index
    %get3A_1 = memref.load %arg1[%get3A, %get3A_0] : memref<2x64xi32, #tpu.memory_space<smem>>
    %multiple_of3A = tpu.assume_multiple %get3A_1, 256 : i32
    %get3A_2 = arith.constant 1 : index
    %get3A_3 = arith.index_cast %arg0 : i32 to index
    %get3A_4 = memref.load %arg1[%get3A_2, %get3A_3] : memref<2x64xi32, #tpu.memory_space<smem>>
    %get3A_5 = arith.constant 0 : index
    %get3A_6 = arith.constant 0 : index
    %get3A_7 = vector.load %arg2[%get3A_5, %get3A_6] : memref<128x16xf32, #tpu.memory_space<vmem>>, vector<128x16xf32>
    %mul3A = arith.mulf %get3A_7, %get3A_7 : vector<128x16xf32>
    %reduce_sum3A = arith.constant dense<0.000000e+00> : vector<128xf32>
    %reduce_sum3A_8 = vector.multi_reduction <add>, %mul3A, %reduce_sum3A [1] : vector<128x16xf32> to vector<128xf32>
    %broadcast_in_dim3A = vector.shape_cast %reduce_sum3A_8 : vector<128xf32> to vector<128x1xf32>
    %get3A_9 = arith.constant 0 : index
    %get3A_10 = arith.constant 0 : index
    %get3A_11 = vector.load %arg4[%get3A_9, %get3A_10] : memref<128x1xi32, #tpu.memory_space<vmem>>, vector<128x1xi32>
    %eq3A = arith.constant 0 : i32
    %eq3A_12 = arith.cmpi eq, %get3A_4, %eq3A : i32
    %convert_element_type3A = arith.extui %eq3A_12 : i1 to i32
    %cond3A = arith.constant 0 : i32
    %cond3A_13 = arith.cmpi ne, %convert_element_type3A, %cond3A : i32
    scf.if %cond3A_13 {
      %get3A_24 = arith.constant 0 : index
      %get3A_25 = arith.index_cast %multiple_of3A : i32 to index
      %get3A_26 = vector.load %arg3[%get3A_24, %get3A_25] : memref<16x8192xf32, #tpu.memory_space<vmem>>, vector<16x1536xf32>
      %get3A_27 = arith.constant 0 : index
      %get3A_28 = arith.index_cast %multiple_of3A : i32 to index
      %get3A_29 = vector.load %arg5[%get3A_27, %get3A_28] : memref<1x8192xi32, #tpu.memory_space<vmem>>, vector<1x1536xi32>
      %mul3A_30 = arith.mulf %get3A_26, %get3A_26 : vector<16x1536xf32>
      %reduce_sum3A_31 = arith.constant dense<0.000000e+00> : vector<1536xf32>
      %reduce_sum3A_32 = vector.multi_reduction <add>, %mul3A_30, %reduce_sum3A_31 [0] : vector<16x1536xf32> to vector<1536xf32>
      %broadcast_in_dim3A_33 = vector.shape_cast %reduce_sum3A_32 : vector<1536xf32> to vector<1x1536xf32>
      %add3A = vector.broadcast %broadcast_in_dim3A : vector<128x1xf32> to vector<128x1536xf32>
      %add3A_34 = vector.broadcast %broadcast_in_dim3A_33 : vector<1x1536xf32> to vector<128x1536xf32>
      %add3A_35 = arith.addf %add3A, %add3A_34 : vector<128x1536xf32>
      %dot_general3A = arith.constant dense<0.000000e+00> : vector<128x1536xf32>
      %dot_general3A_36 = tpu.matmul %get3A_7, %get3A_26, %dot_general3A {dimension_numbers = #tpu.dot_dimension_numbers<[1], [0], [0], [1], [0, 0, 1, 1], [], []>, transpose_lhs_hint = false} : vector<128x16xf32>, vector<16x1536xf32>, vector<128x1536xf32> -> vector<128x1536xf32>
      %mul3A_37 = arith.constant 2.000000e+00 : f32
      %mul3A_38 = vector.broadcast %mul3A_37 : f32 to vector<128x1536xf32>
      %mul3A_39 = arith.mulf %mul3A_38, %dot_general3A_36 : vector<128x1536xf32>
      %sub3A = arith.subf %add3A_35, %mul3A_39 : vector<128x1536xf32>
      %ne3A = vector.broadcast %get3A_11 : vector<128x1xi32> to vector<128x1536xi32>
      %ne3A_40 = vector.broadcast %get3A_29 : vector<1x1536xi32> to vector<128x1536xi32>
      %ne3A_41 = arith.cmpi ne, %ne3A, %ne3A_40 : vector<128x1536xi32>
      %jit3A = arith.constant 1.000000e+30 : f32
      %broadcast_in_dim3A_42 = vector.broadcast %jit3A : f32 to vector<128x1536xf32>
      %select_n3A = arith.select %ne3A_41, %broadcast_in_dim3A_42, %sub3A : vector<128x1536xi1>, vector<128x1536xf32>
      %iota3A = tpu.iota {dimensions = array<i32: 1>} : vector<128x1536xi32>
      %add3A_43 = vector.broadcast %multiple_of3A : i32 to vector<128x1536xi32>
      %add3A_44 = arith.addi %iota3A, %add3A_43 : vector<128x1536xi32>
      %reduce_min3A = arith.constant dense<0x7F800000> : vector<128xf32>
      %reduce_min3A_45 = vector.multi_reduction <minimumf>, %select_n3A, %reduce_min3A [1] : vector<128x1536xf32> to vector<128xf32>
      %broadcast_in_dim3A_46 = vector.shape_cast %reduce_min3A_45 : vector<128xf32> to vector<128x1xf32>
      %le3A = vector.broadcast %broadcast_in_dim3A_46 : vector<128x1xf32> to vector<128x1536xf32>
      %le3A_47 = arith.cmpf ole, %select_n3A, %le3A : vector<128x1536xf32>
      %jit3A_48 = arith.constant 8192 : i32
      %broadcast_in_dim3A_49 = vector.broadcast %jit3A_48 : i32 to vector<128x1536xi32>
      %select_n3A_50 = arith.select %le3A_47, %add3A_44, %broadcast_in_dim3A_49 : vector<128x1536xi1>, vector<128x1536xi32>
      %reduce_min3A_51 = arith.constant dense<2147483647> : vector<128xi32>
      %reduce_min3A_52 = vector.multi_reduction <minsi>, %select_n3A_50, %reduce_min3A_51 [1] : vector<128x1536xi32> to vector<128xi32>
      %broadcast_in_dim3A_53 = vector.shape_cast %reduce_min3A_52 : vector<128xi32> to vector<128x1xi32>
      %eq3A_54 = vector.broadcast %broadcast_in_dim3A_53 : vector<128x1xi32> to vector<128x1536xi32>
      %eq3A_55 = arith.cmpi eq, %add3A_44, %eq3A_54 : vector<128x1536xi32>
      %jit3A_56 = arith.constant 2.000000e+30 : f32
      %broadcast_in_dim3A_57 = vector.broadcast %jit3A_56 : f32 to vector<128x1536xf32>
      %select_n3A_58 = arith.select %eq3A_55, %broadcast_in_dim3A_57, %select_n3A : vector<128x1536xi1>, vector<128x1536xf32>
      %reduce_min3A_59 = arith.constant dense<0x7F800000> : vector<128xf32>
      %reduce_min3A_60 = vector.multi_reduction <minimumf>, %select_n3A_58, %reduce_min3A_59 [1] : vector<128x1536xf32> to vector<128xf32>
      %broadcast_in_dim3A_61 = vector.shape_cast %reduce_min3A_60 : vector<128xf32> to vector<128x1xf32>
      %le3A_62 = vector.broadcast %broadcast_in_dim3A_61 : vector<128x1xf32> to vector<128x1536xf32>
      %le3A_63 = arith.cmpf ole, %select_n3A_58, %le3A_62 : vector<128x1536xf32>
      %jit3A_64 = arith.constant 8192 : i32
      %broadcast_in_dim3A_65 = vector.broadcast %jit3A_64 : i32 to vector<128x1536xi32>
      %select_n3A_66 = arith.select %le3A_63, %add3A_44, %broadcast_in_dim3A_65 : vector<128x1536xi1>, vector<128x1536xi32>
      %reduce_min3A_67 = arith.constant dense<2147483647> : vector<128xi32>
      %reduce_min3A_68 = vector.multi_reduction <minsi>, %select_n3A_66, %reduce_min3A_67 [1] : vector<128x1536xi32> to vector<128xi32>
      %broadcast_in_dim3A_69 = vector.shape_cast %reduce_min3A_68 : vector<128xi32> to vector<128x1xi32>
      %eq3A_70 = vector.broadcast %broadcast_in_dim3A_69 : vector<128x1xi32> to vector<128x1536xi32>
      %eq3A_71 = arith.cmpi eq, %add3A_44, %eq3A_70 : vector<128x1536xi32>
      %jit3A_72 = arith.constant 2.000000e+30 : f32
      %broadcast_in_dim3A_73 = vector.broadcast %jit3A_72 : f32 to vector<128x1536xf32>
      %select_n3A_74 = arith.select %eq3A_71, %broadcast_in_dim3A_73, %select_n3A_58 : vector<128x1536xi1>, vector<128x1536xf32>
      %reduce_min3A_75 = arith.constant dense<0x7F800000> : vector<128xf32>
      %reduce_min3A_76 = vector.multi_reduction <minimumf>, %select_n3A_74, %reduce_min3A_75 [1] : vector<128x1536xf32> to vector<128xf32>
      %broadcast_in_dim3A_77 = vector.shape_cast %reduce_min3A_76 : vector<128xf32> to vector<128x1xf32>
      %le3A_78 = vector.broadcast %broadcast_in_dim3A_77 : vector<128x1xf32> to vector<128x1536xf32>
      %le3A_79 = arith.cmpf ole, %select_n3A_74, %le3A_78 : vector<128x1536xf32>
      %jit3A_80 = arith.constant 8192 : i32
      %broadcast_in_dim3A_81 = vector.broadcast %jit3A_80 : i32 to vector<128x1536xi32>
      %select_n3A_82 = arith.select %le3A_79, %add3A_44, %broadcast_in_dim3A_81 : vector<128x1536xi1>, vector<128x1536xi32>
      %reduce_min3A_83 = arith.constant dense<2147483647> : vector<128xi32>
      %reduce_min3A_84 = vector.multi_reduction <minsi>, %select_n3A_82, %reduce_min3A_83 [1] : vector<128x1536xi32> to vector<128xi32>
      %broadcast_in_dim3A_85 = vector.shape_cast %reduce_min3A_84 : vector<128xi32> to vector<128x1xi32>
      %eq3A_86 = vector.broadcast %broadcast_in_dim3A_85 : vector<128x1xi32> to vector<128x1536xi32>
      %eq3A_87 = arith.cmpi eq, %add3A_44, %eq3A_86 : vector<128x1536xi32>
      %jit3A_88 = arith.constant 2.000000e+30 : f32
      %broadcast_in_dim3A_89 = vector.broadcast %jit3A_88 : f32 to vector<128x1536xf32>
      %select_n3A_90 = arith.select %eq3A_87, %broadcast_in_dim3A_89, %select_n3A_74 : vector<128x1536xi1>, vector<128x1536xf32>
      %reduce_min3A_91 = arith.constant dense<0x7F800000> : vector<128xf32>
      %reduce_min3A_92 = vector.multi_reduction <minimumf>, %select_n3A_90, %reduce_min3A_91 [1] : vector<128x1536xf32> to vector<128xf32>
      %broadcast_in_dim3A_93 = vector.shape_cast %reduce_min3A_92 : vector<128xf32> to vector<128x1xf32>
      %le3A_94 = vector.broadcast %broadcast_in_dim3A_93 : vector<128x1xf32> to vector<128x1536xf32>
      %le3A_95 = arith.cmpf ole, %select_n3A_90, %le3A_94 : vector<128x1536xf32>
      %jit3A_96 = arith.constant 8192 : i32
      %broadcast_in_dim3A_97 = vector.broadcast %jit3A_96 : i32 to vector<128x1536xi32>
      %select_n3A_98 = arith.select %le3A_95, %add3A_44, %broadcast_in_dim3A_97 : vector<128x1536xi1>, vector<128x1536xi32>
      %reduce_min3A_99 = arith.constant dense<2147483647> : vector<128xi32>
      %reduce_min3A_100 = vector.multi_reduction <minsi>, %select_n3A_98, %reduce_min3A_99 [1] : vector<128x1536xi32> to vector<128xi32>
      %broadcast_in_dim3A_101 = vector.shape_cast %reduce_min3A_100 : vector<128xi32> to vector<128x1xi32>
      %eq3A_102 = vector.broadcast %broadcast_in_dim3A_101 : vector<128x1xi32> to vector<128x1536xi32>
      %eq3A_103 = arith.cmpi eq, %add3A_44, %eq3A_102 : vector<128x1536xi32>
      %jit3A_104 = arith.constant 2.000000e+30 : f32
      %broadcast_in_dim3A_105 = vector.broadcast %jit3A_104 : f32 to vector<128x1536xf32>
      %select_n3A_106 = arith.select %eq3A_103, %broadcast_in_dim3A_105, %select_n3A_90 : vector<128x1536xi1>, vector<128x1536xf32>
      %reduce_min3A_107 = arith.constant dense<0x7F800000> : vector<128xf32>
      %reduce_min3A_108 = vector.multi_reduction <minimumf>, %select_n3A_106, %reduce_min3A_107 [1] : vector<128x1536xf32> to vector<128xf32>
      %broadcast_in_dim3A_109 = vector.shape_cast %reduce_min3A_108 : vector<128xf32> to vector<128x1xf32>
      %le3A_110 = vector.broadcast %broadcast_in_dim3A_109 : vector<128x1xf32> to vector<128x1536xf32>
      %le3A_111 = arith.cmpf ole, %select_n3A_106, %le3A_110 : vector<128x1536xf32>
      %jit3A_112 = arith.constant 8192 : i32
      %broadcast_in_dim3A_113 = vector.broadcast %jit3A_112 : i32 to vector<128x1536xi32>
      %select_n3A_114 = arith.select %le3A_111, %add3A_44, %broadcast_in_dim3A_113 : vector<128x1536xi1>, vector<128x1536xi32>
      %reduce_min3A_115 = arith.constant dense<2147483647> : vector<128xi32>
      %reduce_min3A_116 = vector.multi_reduction <minsi>, %select_n3A_114, %reduce_min3A_115 [1] : vector<128x1536xi32> to vector<128xi32>
      %broadcast_in_dim3A_117 = vector.shape_cast %reduce_min3A_116 : vector<128xi32> to vector<128x1xi32>
      %eq3A_118 = vector.broadcast %broadcast_in_dim3A_117 : vector<128x1xi32> to vector<128x1536xi32>
      %eq3A_119 = arith.cmpi eq, %add3A_44, %eq3A_118 : vector<128x1536xi32>
      %jit3A_120 = arith.constant 2.000000e+30 : f32
      %broadcast_in_dim3A_121 = vector.broadcast %jit3A_120 : f32 to vector<128x1536xf32>
      %select_n3A_122 = arith.select %eq3A_119, %broadcast_in_dim3A_121, %select_n3A_106 : vector<128x1536xi1>, vector<128x1536xf32>
      %reduce_min3A_123 = arith.constant dense<0x7F800000> : vector<128xf32>
      %reduce_min3A_124 = vector.multi_reduction <minimumf>, %select_n3A_122, %reduce_min3A_123 [1] : vector<128x1536xf32> to vector<128xf32>
      %broadcast_in_dim3A_125 = vector.shape_cast %reduce_min3A_124 : vector<128xf32> to vector<128x1xf32>
      %le3A_126 = vector.broadcast %broadcast_in_dim3A_125 : vector<128x1xf32> to vector<128x1536xf32>
      %le3A_127 = arith.cmpf ole, %select_n3A_122, %le3A_126 : vector<128x1536xf32>
      %jit3A_128 = arith.constant 8192 : i32
      %broadcast_in_dim3A_129 = vector.broadcast %jit3A_128 : i32 to vector<128x1536xi32>
      %select_n3A_130 = arith.select %le3A_127, %add3A_44, %broadcast_in_dim3A_129 : vector<128x1536xi1>, vector<128x1536xi32>
      %reduce_min3A_131 = arith.constant dense<2147483647> : vector<128xi32>
      %reduce_min3A_132 = vector.multi_reduction <minsi>, %select_n3A_130, %reduce_min3A_131 [1] : vector<128x1536xi32> to vector<128xi32>
      %broadcast_in_dim3A_133 = vector.shape_cast %reduce_min3A_132 : vector<128xi32> to vector<128x1xi32>
      %eq3A_134 = vector.broadcast %broadcast_in_dim3A_133 : vector<128x1xi32> to vector<128x1536xi32>
      %eq3A_135 = arith.cmpi eq, %add3A_44, %eq3A_134 : vector<128x1536xi32>
      %jit3A_136 = arith.constant 2.000000e+30 : f32
      %broadcast_in_dim3A_137 = vector.broadcast %jit3A_136 : f32 to vector<128x1536xf32>
      %select_n3A_138 = arith.select %eq3A_135, %broadcast_in_dim3A_137, %select_n3A_122 : vector<128x1536xi1>, vector<128x1536xf32>
      %reduce_min3A_139 = arith.constant dense<0x7F800000> : vector<128xf32>
      %reduce_min3A_140 = vector.multi_reduction <minimumf>, %select_n3A_138, %reduce_min3A_139 [1] : vector<128x1536xf32> to vector<128xf32>
      %broadcast_in_dim3A_141 = vector.shape_cast %reduce_min3A_140 : vector<128xf32> to vector<128x1xf32>
      %le3A_142 = vector.broadcast %broadcast_in_dim3A_141 : vector<128x1xf32> to vector<128x1536xf32>
      %le3A_143 = arith.cmpf ole, %select_n3A_138, %le3A_142 : vector<128x1536xf32>
      %jit3A_144 = arith.constant 8192 : i32
      %broadcast_in_dim3A_145 = vector.broadcast %jit3A_144 : i32 to vector<128x1536xi32>
      %select_n3A_146 = arith.select %le3A_143, %add3A_44, %broadcast_in_dim3A_145 : vector<128x1536xi1>, vector<128x1536xi32>
      %reduce_min3A_147 = arith.constant dense<2147483647> : vector<128xi32>
      %reduce_min3A_148 = vector.multi_reduction <minsi>, %select_n3A_146, %reduce_min3A_147 [1] : vector<128x1536xi32> to vector<128xi32>
      %broadcast_in_dim3A_149 = vector.shape_cast %reduce_min3A_148 : vector<128xi32> to vector<128x1xi32>
      %eq3A_150 = vector.broadcast %broadcast_in_dim3A_149 : vector<128x1xi32> to vector<128x1536xi32>
      %eq3A_151 = arith.cmpi eq, %add3A_44, %eq3A_150 : vector<128x1536xi32>
      %jit3A_152 = arith.constant 2.000000e+30 : f32
      %broadcast_in_dim3A_153 = vector.broadcast %jit3A_152 : f32 to vector<128x1536xf32>
      %select_n3A_154 = arith.select %eq3A_151, %broadcast_in_dim3A_153, %select_n3A_138 : vector<128x1536xi1>, vector<128x1536xf32>
      %reduce_min3A_155 = arith.constant dense<0x7F800000> : vector<128xf32>
      %reduce_min3A_156 = vector.multi_reduction <minimumf>, %select_n3A_154, %reduce_min3A_155 [1] : vector<128x1536xf32> to vector<128xf32>
      %broadcast_in_dim3A_157 = vector.shape_cast %reduce_min3A_156 : vector<128xf32> to vector<128x1xf32>
      %le3A_158 = vector.broadcast %broadcast_in_dim3A_157 : vector<128x1xf32> to vector<128x1536xf32>
      %le3A_159 = arith.cmpf ole, %select_n3A_154, %le3A_158 : vector<128x1536xf32>
      %jit3A_160 = arith.constant 8192 : i32
      %broadcast_in_dim3A_161 = vector.broadcast %jit3A_160 : i32 to vector<128x1536xi32>
      %select_n3A_162 = arith.select %le3A_159, %add3A_44, %broadcast_in_dim3A_161 : vector<128x1536xi1>, vector<128x1536xi32>
      %reduce_min3A_163 = arith.constant dense<2147483647> : vector<128xi32>
      %reduce_min3A_164 = vector.multi_reduction <minsi>, %select_n3A_162, %reduce_min3A_163 [1] : vector<128x1536xi32> to vector<128xi32>
      %broadcast_in_dim3A_165 = vector.shape_cast %reduce_min3A_164 : vector<128xi32> to vector<128x1xi32>
      %eq3A_166 = vector.broadcast %broadcast_in_dim3A_165 : vector<128x1xi32> to vector<128x1536xi32>
      %eq3A_167 = arith.cmpi eq, %add3A_44, %eq3A_166 : vector<128x1536xi32>
      %jit3A_168 = arith.constant 2.000000e+30 : f32
      %broadcast_in_dim3A_169 = vector.broadcast %jit3A_168 : f32 to vector<128x1536xf32>
      %select_n3A_170 = arith.select %eq3A_167, %broadcast_in_dim3A_169, %select_n3A_154 : vector<128x1536xi1>, vector<128x1536xf32>
      %reduce_min3A_171 = arith.constant dense<0x7F800000> : vector<128xf32>
      %reduce_min3A_172 = vector.multi_reduction <minimumf>, %select_n3A_170, %reduce_min3A_171 [1] : vector<128x1536xf32> to vector<128xf32>
      %broadcast_in_dim3A_173 = vector.shape_cast %reduce_min3A_172 : vector<128xf32> to vector<128x1xf32>
      %le3A_174 = vector.broadcast %broadcast_in_dim3A_173 : vector<128x1xf32> to vector<128x1536xf32>
      %le3A_175 = arith.cmpf ole, %select_n3A_170, %le3A_174 : vector<128x1536xf32>
      %jit3A_176 = arith.constant 8192 : i32
      %broadcast_in_dim3A_177 = vector.broadcast %jit3A_176 : i32 to vector<128x1536xi32>
      %select_n3A_178 = arith.select %le3A_175, %add3A_44, %broadcast_in_dim3A_177 : vector<128x1536xi1>, vector<128x1536xi32>
      %reduce_min3A_179 = arith.constant dense<2147483647> : vector<128xi32>
      %reduce_min3A_180 = vector.multi_reduction <minsi>, %select_n3A_178, %reduce_min3A_179 [1] : vector<128x1536xi32> to vector<128xi32>
      %broadcast_in_dim3A_181 = vector.shape_cast %reduce_min3A_180 : vector<128xi32> to vector<128x1xi32>
      %eq3A_182 = vector.broadcast %broadcast_in_dim3A_181 : vector<128x1xi32> to vector<128x1536xi32>
      %eq3A_183 = arith.cmpi eq, %add3A_44, %eq3A_182 : vector<128x1536xi32>
      %jit3A_184 = arith.constant 2.000000e+30 : f32
      %broadcast_in_dim3A_185 = vector.broadcast %jit3A_184 : f32 to vector<128x1536xf32>
      %select_n3A_186 = arith.select %eq3A_183, %broadcast_in_dim3A_185, %select_n3A_170 : vector<128x1536xi1>, vector<128x1536xf32>
      %reduce_min3A_187 = arith.constant dense<0x7F800000> : vector<128xf32>
      %reduce_min3A_188 = vector.multi_reduction <minimumf>, %select_n3A_186, %reduce_min3A_187 [1] : vector<128x1536xf32> to vector<128xf32>
      %broadcast_in_dim3A_189 = vector.shape_cast %reduce_min3A_188 : vector<128xf32> to vector<128x1xf32>
      %le3A_190 = vector.broadcast %broadcast_in_dim3A_189 : vector<128x1xf32> to vector<128x1536xf32>
      %le3A_191 = arith.cmpf ole, %select_n3A_186, %le3A_190 : vector<128x1536xf32>
      %jit3A_192 = arith.constant 8192 : i32
      %broadcast_in_dim3A_193 = vector.broadcast %jit3A_192 : i32 to vector<128x1536xi32>
      %select_n3A_194 = arith.select %le3A_191, %add3A_44, %broadcast_in_dim3A_193 : vector<128x1536xi1>, vector<128x1536xi32>
      %reduce_min3A_195 = arith.constant dense<2147483647> : vector<128xi32>
      %reduce_min3A_196 = vector.multi_reduction <minsi>, %select_n3A_194, %reduce_min3A_195 [1] : vector<128x1536xi32> to vector<128xi32>
      %broadcast_in_dim3A_197 = vector.shape_cast %reduce_min3A_196 : vector<128xi32> to vector<128x1xi32>
      %eq3A_198 = vector.broadcast %broadcast_in_dim3A_197 : vector<128x1xi32> to vector<128x1536xi32>
      %eq3A_199 = arith.cmpi eq, %add3A_44, %eq3A_198 : vector<128x1536xi32>
      %jit3A_200 = arith.constant 2.000000e+30 : f32
      %broadcast_in_dim3A_201 = vector.broadcast %jit3A_200 : f32 to vector<128x1536xf32>
      %select_n3A_202 = arith.select %eq3A_199, %broadcast_in_dim3A_201, %select_n3A_186 : vector<128x1536xi1>, vector<128x1536xf32>
      %reduce_min3A_203 = arith.constant dense<0x7F800000> : vector<128xf32>
      %reduce_min3A_204 = vector.multi_reduction <minimumf>, %select_n3A_202, %reduce_min3A_203 [1] : vector<128x1536xf32> to vector<128xf32>
      %broadcast_in_dim3A_205 = vector.shape_cast %reduce_min3A_204 : vector<128xf32> to vector<128x1xf32>
      %le3A_206 = vector.broadcast %broadcast_in_dim3A_205 : vector<128x1xf32> to vector<128x1536xf32>
      %le3A_207 = arith.cmpf ole, %select_n3A_202, %le3A_206 : vector<128x1536xf32>
      %jit3A_208 = arith.constant 8192 : i32
      %broadcast_in_dim3A_209 = vector.broadcast %jit3A_208 : i32 to vector<128x1536xi32>
      %select_n3A_210 = arith.select %le3A_207, %add3A_44, %broadcast_in_dim3A_209 : vector<128x1536xi1>, vector<128x1536xi32>
      %reduce_min3A_211 = arith.constant dense<2147483647> : vector<128xi32>
      %reduce_min3A_212 = vector.multi_reduction <minsi>, %select_n3A_210, %reduce_min3A_211 [1] : vector<128x1536xi32> to vector<128xi32>
      %broadcast_in_dim3A_213 = vector.shape_cast %reduce_min3A_212 : vector<128xi32> to vector<128x1xi32>
      %eq3A_214 = vector.broadcast %broadcast_in_dim3A_213 : vector<128x1xi32> to vector<128x1536xi32>
      %eq3A_215 = arith.cmpi eq, %add3A_44, %eq3A_214 : vector<128x1536xi32>
      %jit3A_216 = arith.constant 2.000000e+30 : f32
      %broadcast_in_dim3A_217 = vector.broadcast %jit3A_216 : f32 to vector<128x1536xf32>
      %select_n3A_218 = arith.select %eq3A_215, %broadcast_in_dim3A_217, %select_n3A_202 : vector<128x1536xi1>, vector<128x1536xf32>
      %reduce_min3A_219 = arith.constant dense<0x7F800000> : vector<128xf32>
      %reduce_min3A_220 = vector.multi_reduction <minimumf>, %select_n3A_218, %reduce_min3A_219 [1] : vector<128x1536xf32> to vector<128xf32>
      %broadcast_in_dim3A_221 = vector.shape_cast %reduce_min3A_220 : vector<128xf32> to vector<128x1xf32>
      %le3A_222 = vector.broadcast %broadcast_in_dim3A_221 : vector<128x1xf32> to vector<128x1536xf32>
      %le3A_223 = arith.cmpf ole, %select_n3A_218, %le3A_222 : vector<128x1536xf32>
      %jit3A_224 = arith.constant 8192 : i32
      %broadcast_in_dim3A_225 = vector.broadcast %jit3A_224 : i32 to vector<128x1536xi32>
      %select_n3A_226 = arith.select %le3A_223, %add3A_44, %broadcast_in_dim3A_225 : vector<128x1536xi1>, vector<128x1536xi32>
      %reduce_min3A_227 = arith.constant dense<2147483647> : vector<128xi32>
      %reduce_min3A_228 = vector.multi_reduction <minsi>, %select_n3A_226, %reduce_min3A_227 [1] : vector<128x1536xi32> to vector<128xi32>
      %broadcast_in_dim3A_229 = vector.shape_cast %reduce_min3A_228 : vector<128xi32> to vector<128x1xi32>
      %eq3A_230 = vector.broadcast %broadcast_in_dim3A_229 : vector<128x1xi32> to vector<128x1536xi32>
      %eq3A_231 = arith.cmpi eq, %add3A_44, %eq3A_230 : vector<128x1536xi32>
      %jit3A_232 = arith.constant 2.000000e+30 : f32
      %broadcast_in_dim3A_233 = vector.broadcast %jit3A_232 : f32 to vector<128x1536xf32>
      %select_n3A_234 = arith.select %eq3A_231, %broadcast_in_dim3A_233, %select_n3A_218 : vector<128x1536xi1>, vector<128x1536xf32>
      %reduce_min3A_235 = arith.constant dense<0x7F800000> : vector<128xf32>
      %reduce_min3A_236 = vector.multi_reduction <minimumf>, %select_n3A_234, %reduce_min3A_235 [1] : vector<128x1536xf32> to vector<128xf32>
      %broadcast_in_dim3A_237 = vector.shape_cast %reduce_min3A_236 : vector<128xf32> to vector<128x1xf32>
      %le3A_238 = vector.broadcast %broadcast_in_dim3A_237 : vector<128x1xf32> to vector<128x1536xf32>
      %le3A_239 = arith.cmpf ole, %select_n3A_234, %le3A_238 : vector<128x1536xf32>
      %jit3A_240 = arith.constant 8192 : i32
      %broadcast_in_dim3A_241 = vector.broadcast %jit3A_240 : i32 to vector<128x1536xi32>
      %select_n3A_242 = arith.select %le3A_239, %add3A_44, %broadcast_in_dim3A_241 : vector<128x1536xi1>, vector<128x1536xi32>
      %reduce_min3A_243 = arith.constant dense<2147483647> : vector<128xi32>
      %reduce_min3A_244 = vector.multi_reduction <minsi>, %select_n3A_242, %reduce_min3A_243 [1] : vector<128x1536xi32> to vector<128xi32>
      %broadcast_in_dim3A_245 = vector.shape_cast %reduce_min3A_244 : vector<128xi32> to vector<128x1xi32>
      %eq3A_246 = vector.broadcast %broadcast_in_dim3A_245 : vector<128x1xi32> to vector<128x1536xi32>
      %eq3A_247 = arith.cmpi eq, %add3A_44, %eq3A_246 : vector<128x1536xi32>
      %jit3A_248 = arith.constant 2.000000e+30 : f32
      %broadcast_in_dim3A_249 = vector.broadcast %jit3A_248 : f32 to vector<128x1536xf32>
      %select_n3A_250 = arith.select %eq3A_247, %broadcast_in_dim3A_249, %select_n3A_234 : vector<128x1536xi1>, vector<128x1536xf32>
      %reduce_min3A_251 = arith.constant dense<0x7F800000> : vector<128xf32>
      %reduce_min3A_252 = vector.multi_reduction <minimumf>, %select_n3A_250, %reduce_min3A_251 [1] : vector<128x1536xf32> to vector<128xf32>
      %broadcast_in_dim3A_253 = vector.shape_cast %reduce_min3A_252 : vector<128xf32> to vector<128x1xf32>
      %le3A_254 = vector.broadcast %broadcast_in_dim3A_253 : vector<128x1xf32> to vector<128x1536xf32>
      %le3A_255 = arith.cmpf ole, %select_n3A_250, %le3A_254 : vector<128x1536xf32>
      %jit3A_256 = arith.constant 8192 : i32
      %broadcast_in_dim3A_257 = vector.broadcast %jit3A_256 : i32 to vector<128x1536xi32>
      %select_n3A_258 = arith.select %le3A_255, %add3A_44, %broadcast_in_dim3A_257 : vector<128x1536xi1>, vector<128x1536xi32>
      %reduce_min3A_259 = arith.constant dense<2147483647> : vector<128xi32>
      %reduce_min3A_260 = vector.multi_reduction <minsi>, %select_n3A_258, %reduce_min3A_259 [1] : vector<128x1536xi32> to vector<128xi32>
      %broadcast_in_dim3A_261 = vector.shape_cast %reduce_min3A_260 : vector<128xi32> to vector<128x1xi32>
      %eq3A_262 = vector.broadcast %broadcast_in_dim3A_261 : vector<128x1xi32> to vector<128x1536xi32>
      %eq3A_263 = arith.cmpi eq, %add3A_44, %eq3A_262 : vector<128x1536xi32>
      %jit3A_264 = arith.constant 2.000000e+30 : f32
      %broadcast_in_dim3A_265 = vector.broadcast %jit3A_264 : f32 to vector<128x1536xf32>
      %select_n3A_266 = arith.select %eq3A_263, %broadcast_in_dim3A_265, %select_n3A_250 : vector<128x1536xi1>, vector<128x1536xf32>
      %reduce_min3A_267 = arith.constant dense<0x7F800000> : vector<128xf32>
      %reduce_min3A_268 = vector.multi_reduction <minimumf>, %select_n3A_266, %reduce_min3A_267 [1] : vector<128x1536xf32> to vector<128xf32>
      %broadcast_in_dim3A_269 = vector.shape_cast %reduce_min3A_268 : vector<128xf32> to vector<128x1xf32>
      %le3A_270 = vector.broadcast %broadcast_in_dim3A_269 : vector<128x1xf32> to vector<128x1536xf32>
      %le3A_271 = arith.cmpf ole, %select_n3A_266, %le3A_270 : vector<128x1536xf32>
      %jit3A_272 = arith.constant 8192 : i32
      %broadcast_in_dim3A_273 = vector.broadcast %jit3A_272 : i32 to vector<128x1536xi32>
      %select_n3A_274 = arith.select %le3A_271, %add3A_44, %broadcast_in_dim3A_273 : vector<128x1536xi1>, vector<128x1536xi32>
      %reduce_min3A_275 = arith.constant dense<2147483647> : vector<128xi32>
      %reduce_min3A_276 = vector.multi_reduction <minsi>, %select_n3A_274, %reduce_min3A_275 [1] : vector<128x1536xi32> to vector<128xi32>
      %broadcast_in_dim3A_277 = vector.shape_cast %reduce_min3A_276 : vector<128xi32> to vector<128x1xi32>
      %eq3A_278 = vector.broadcast %broadcast_in_dim3A_277 : vector<128x1xi32> to vector<128x1536xi32>
      %eq3A_279 = arith.cmpi eq, %add3A_44, %eq3A_278 : vector<128x1536xi32>
      %jit3A_280 = arith.constant 2.000000e+30 : f32
      %broadcast_in_dim3A_281 = vector.broadcast %jit3A_280 : f32 to vector<128x1536xf32>
      %select_n3A_282 = arith.select %eq3A_279, %broadcast_in_dim3A_281, %select_n3A_266 : vector<128x1536xi1>, vector<128x1536xf32>
      %reduce_min3A_283 = arith.constant dense<0x7F800000> : vector<128xf32>
      %reduce_min3A_284 = vector.multi_reduction <minimumf>, %select_n3A_282, %reduce_min3A_283 [1] : vector<128x1536xf32> to vector<128xf32>
      %broadcast_in_dim3A_285 = vector.shape_cast %reduce_min3A_284 : vector<128xf32> to vector<128x1xf32>
      %le3A_286 = vector.broadcast %broadcast_in_dim3A_285 : vector<128x1xf32> to vector<128x1536xf32>
      %le3A_287 = arith.cmpf ole, %select_n3A_282, %le3A_286 : vector<128x1536xf32>
      %jit3A_288 = arith.constant 8192 : i32
      %broadcast_in_dim3A_289 = vector.broadcast %jit3A_288 : i32 to vector<128x1536xi32>
      %select_n3A_290 = arith.select %le3A_287, %add3A_44, %broadcast_in_dim3A_289 : vector<128x1536xi1>, vector<128x1536xi32>
      %reduce_min3A_291 = arith.constant dense<2147483647> : vector<128xi32>
      %reduce_min3A_292 = vector.multi_reduction <minsi>, %select_n3A_290, %reduce_min3A_291 [1] : vector<128x1536xi32> to vector<128xi32>
      %broadcast_in_dim3A_293 = vector.shape_cast %reduce_min3A_292 : vector<128xi32> to vector<128x1xi32>
      %eq3A_294 = vector.broadcast %broadcast_in_dim3A_293 : vector<128x1xi32> to vector<128x1536xi32>
      %eq3A_295 = arith.cmpi eq, %add3A_44, %eq3A_294 : vector<128x1536xi32>
      %jit3A_296 = arith.constant 2.000000e+30 : f32
      %broadcast_in_dim3A_297 = vector.broadcast %jit3A_296 : f32 to vector<128x1536xf32>
      %select_n3A_298 = arith.select %eq3A_295, %broadcast_in_dim3A_297, %select_n3A_282 : vector<128x1536xi1>, vector<128x1536xf32>
      %reduce_min3A_299 = arith.constant dense<0x7F800000> : vector<128xf32>
      %reduce_min3A_300 = vector.multi_reduction <minimumf>, %select_n3A_298, %reduce_min3A_299 [1] : vector<128x1536xf32> to vector<128xf32>
      %broadcast_in_dim3A_301 = vector.shape_cast %reduce_min3A_300 : vector<128xf32> to vector<128x1xf32>
      %le3A_302 = vector.broadcast %broadcast_in_dim3A_301 : vector<128x1xf32> to vector<128x1536xf32>
      %le3A_303 = arith.cmpf ole, %select_n3A_298, %le3A_302 : vector<128x1536xf32>
      %jit3A_304 = arith.constant 8192 : i32
      %broadcast_in_dim3A_305 = vector.broadcast %jit3A_304 : i32 to vector<128x1536xi32>
      %select_n3A_306 = arith.select %le3A_303, %add3A_44, %broadcast_in_dim3A_305 : vector<128x1536xi1>, vector<128x1536xi32>
      %reduce_min3A_307 = arith.constant dense<2147483647> : vector<128xi32>
      %reduce_min3A_308 = vector.multi_reduction <minsi>, %select_n3A_306, %reduce_min3A_307 [1] : vector<128x1536xi32> to vector<128xi32>
      %broadcast_in_dim3A_309 = vector.shape_cast %reduce_min3A_308 : vector<128xi32> to vector<128x1xi32>
      %eq3A_310 = vector.broadcast %broadcast_in_dim3A_309 : vector<128x1xi32> to vector<128x1536xi32>
      %eq3A_311 = arith.cmpi eq, %add3A_44, %eq3A_310 : vector<128x1536xi32>
      %jit3A_312 = arith.constant 2.000000e+30 : f32
      %broadcast_in_dim3A_313 = vector.broadcast %jit3A_312 : f32 to vector<128x1536xf32>
      %select_n3A_314 = arith.select %eq3A_311, %broadcast_in_dim3A_313, %select_n3A_298 : vector<128x1536xi1>, vector<128x1536xf32>
      %reduce_min3A_315 = arith.constant dense<0x7F800000> : vector<128xf32>
      %reduce_min3A_316 = vector.multi_reduction <minimumf>, %select_n3A_314, %reduce_min3A_315 [1] : vector<128x1536xf32> to vector<128xf32>
      %broadcast_in_dim3A_317 = vector.shape_cast %reduce_min3A_316 : vector<128xf32> to vector<128x1xf32>
      %le3A_318 = vector.broadcast %broadcast_in_dim3A_317 : vector<128x1xf32> to vector<128x1536xf32>
      %le3A_319 = arith.cmpf ole, %select_n3A_314, %le3A_318 : vector<128x1536xf32>
      %jit3A_320 = arith.constant 8192 : i32
      %broadcast_in_dim3A_321 = vector.broadcast %jit3A_320 : i32 to vector<128x1536xi32>
      %select_n3A_322 = arith.select %le3A_319, %add3A_44, %broadcast_in_dim3A_321 : vector<128x1536xi1>, vector<128x1536xi32>
      %reduce_min3A_323 = arith.constant dense<2147483647> : vector<128xi32>
      %reduce_min3A_324 = vector.multi_reduction <minsi>, %select_n3A_322, %reduce_min3A_323 [1] : vector<128x1536xi32> to vector<128xi32>
      %broadcast_in_dim3A_325 = vector.shape_cast %reduce_min3A_324 : vector<128xi32> to vector<128x1xi32>
      %eq3A_326 = vector.broadcast %broadcast_in_dim3A_325 : vector<128x1xi32> to vector<128x1536xi32>
      %eq3A_327 = arith.cmpi eq, %add3A_44, %eq3A_326 : vector<128x1536xi32>
      %jit3A_328 = arith.constant 2.000000e+30 : f32
      %broadcast_in_dim3A_329 = vector.broadcast %jit3A_328 : f32 to vector<128x1536xf32>
      %select_n3A_330 = arith.select %eq3A_327, %broadcast_in_dim3A_329, %select_n3A_314 : vector<128x1536xi1>, vector<128x1536xf32>
      %reduce_min3A_331 = arith.constant dense<0x7F800000> : vector<128xf32>
      %reduce_min3A_332 = vector.multi_reduction <minimumf>, %select_n3A_330, %reduce_min3A_331 [1] : vector<128x1536xf32> to vector<128xf32>
      %broadcast_in_dim3A_333 = vector.shape_cast %reduce_min3A_332 : vector<128xf32> to vector<128x1xf32>
      %le3A_334 = vector.broadcast %broadcast_in_dim3A_333 : vector<128x1xf32> to vector<128x1536xf32>
      %le3A_335 = arith.cmpf ole, %select_n3A_330, %le3A_334 : vector<128x1536xf32>
      %jit3A_336 = arith.constant 8192 : i32
      %broadcast_in_dim3A_337 = vector.broadcast %jit3A_336 : i32 to vector<128x1536xi32>
      %select_n3A_338 = arith.select %le3A_335, %add3A_44, %broadcast_in_dim3A_337 : vector<128x1536xi1>, vector<128x1536xi32>
      %reduce_min3A_339 = arith.constant dense<2147483647> : vector<128xi32>
      %reduce_min3A_340 = vector.multi_reduction <minsi>, %select_n3A_338, %reduce_min3A_339 [1] : vector<128x1536xi32> to vector<128xi32>
      %broadcast_in_dim3A_341 = vector.shape_cast %reduce_min3A_340 : vector<128xi32> to vector<128x1xi32>
      %eq3A_342 = vector.broadcast %broadcast_in_dim3A_341 : vector<128x1xi32> to vector<128x1536xi32>
      %eq3A_343 = arith.cmpi eq, %add3A_44, %eq3A_342 : vector<128x1536xi32>
      %jit3A_344 = arith.constant 2.000000e+30 : f32
      %broadcast_in_dim3A_345 = vector.broadcast %jit3A_344 : f32 to vector<128x1536xf32>
      %select_n3A_346 = arith.select %eq3A_343, %broadcast_in_dim3A_345, %select_n3A_330 : vector<128x1536xi1>, vector<128x1536xf32>
      %reduce_min3A_347 = arith.constant dense<0x7F800000> : vector<128xf32>
      %reduce_min3A_348 = vector.multi_reduction <minimumf>, %select_n3A_346, %reduce_min3A_347 [1] : vector<128x1536xf32> to vector<128xf32>
      %broadcast_in_dim3A_349 = vector.shape_cast %reduce_min3A_348 : vector<128xf32> to vector<128x1xf32>
      %le3A_350 = vector.broadcast %broadcast_in_dim3A_349 : vector<128x1xf32> to vector<128x1536xf32>
      %le3A_351 = arith.cmpf ole, %select_n3A_346, %le3A_350 : vector<128x1536xf32>
      %jit3A_352 = arith.constant 8192 : i32
      %broadcast_in_dim3A_353 = vector.broadcast %jit3A_352 : i32 to vector<128x1536xi32>
      %select_n3A_354 = arith.select %le3A_351, %add3A_44, %broadcast_in_dim3A_353 : vector<128x1536xi1>, vector<128x1536xi32>
      %reduce_min3A_355 = arith.constant dense<2147483647> : vector<128xi32>
      %reduce_min3A_356 = vector.multi_reduction <minsi>, %select_n3A_354, %reduce_min3A_355 [1] : vector<128x1536xi32> to vector<128xi32>
      %broadcast_in_dim3A_357 = vector.shape_cast %reduce_min3A_356 : vector<128xi32> to vector<128x1xi32>
      %concatenate3A = tpu.concatenate %broadcast_in_dim3A_53, %broadcast_in_dim3A_69, %broadcast_in_dim3A_85, %broadcast_in_dim3A_101, %broadcast_in_dim3A_117, %broadcast_in_dim3A_133, %broadcast_in_dim3A_149, %broadcast_in_dim3A_165, %broadcast_in_dim3A_181, %broadcast_in_dim3A_197, %broadcast_in_dim3A_213, %broadcast_in_dim3A_229, %broadcast_in_dim3A_245, %broadcast_in_dim3A_261, %broadcast_in_dim3A_277, %broadcast_in_dim3A_293, %broadcast_in_dim3A_309, %broadcast_in_dim3A_325, %broadcast_in_dim3A_341, %broadcast_in_dim3A_357 in 1 : vector<128x1xi32>, vector<128x1xi32>, vector<128x1xi32>, vector<128x1xi32>, vector<128x1xi32>, vector<128x1xi32>, vector<128x1xi32>, vector<128x1xi32>, vector<128x1xi32>, vector<128x1xi32>, vector<128x1xi32>, vector<128x1xi32>, vector<128x1xi32>, vector<128x1xi32>, vector<128x1xi32>, vector<128x1xi32>, vector<128x1xi32>, vector<128x1xi32>, vector<128x1xi32>, vector<128x1xi32> -> vector<128x20xi32>
      %swap3A = arith.constant 0 : index
      %swap3A_358 = arith.constant 0 : index
      %swap3A_359 = vector.load %arg6[%swap3A, %swap3A_358] : memref<128x20xi32, #tpu.memory_space<vmem>>, vector<128x20xi32>
      tpu.vector_store %arg6[%swap3A, %swap3A_358], %concatenate3A {strides = array<i32>} : memref<128x20xi32, #tpu.memory_space<vmem>>, vector<128x20xi32>,
    } else {
    }
    %eq3A_14 = arith.constant 1 : i32
    %eq3A_15 = arith.cmpi eq, %get3A_4, %eq3A_14 : i32
    %convert_element_type3A_16 = arith.extui %eq3A_15 : i1 to i32
    %cond3A_17 = arith.constant 0 : i32
    %cond3A_18 = arith.cmpi ne, %convert_element_type3A_16, %cond3A_17 : i32
    scf.if %cond3A_18 {
      %get3A_24 = arith.constant 0 : index
      %get3A_25 = arith.index_cast %multiple_of3A : i32 to index
      %get3A_26 = vector.load %arg3[%get3A_24, %get3A_25] : memref<16x8192xf32, #tpu.memory_space<vmem>>, vector<16x2560xf32>
      %get3A_27 = arith.constant 0 : index
      %get3A_28 = arith.index_cast %multiple_of3A : i32 to index
      %get3A_29 = vector.load %arg5[%get3A_27, %get3A_28] : memref<1x8192xi32, #tpu.memory_space<vmem>>, vector<1x2560xi32>
      %mul3A_30 = arith.mulf %get3A_26, %get3A_26 : vector<16x2560xf32>
      %reduce_sum3A_31 = arith.constant dense<0.000000e+00> : vector<2560xf32>
      %reduce_sum3A_32 = vector.multi_reduction <add>, %mul3A_30, %reduce_sum3A_31 [0] : vector<16x2560xf32> to vector<2560xf32>
      %broadcast_in_dim3A_33 = vector.shape_cast %reduce_sum3A_32 : vector<2560xf32> to vector<1x2560xf32>
      %add3A = vector.broadcast %broadcast_in_dim3A : vector<128x1xf32> to vector<128x2560xf32>
      %add3A_34 = vector.broadcast %broadcast_in_dim3A_33 : vector<1x2560xf32> to vector<128x2560xf32>
      %add3A_35 = arith.addf %add3A, %add3A_34 : vector<128x2560xf32>
      %dot_general3A = arith.constant dense<0.000000e+00> : vector<128x2560xf32>
      %dot_general3A_36 = tpu.matmul %get3A_7, %get3A_26, %dot_general3A {dimension_numbers = #tpu.dot_dimension_numbers<[1], [0], [0], [1], [0, 0, 1, 1], [], []>, transpose_lhs_hint = false} : vector<128x16xf32>, vector<16x2560xf32>, vector<128x2560xf32> -> vector<128x2560xf32>
      %mul3A_37 = arith.constant 2.000000e+00 : f32
      %mul3A_38 = vector.broadcast %mul3A_37 : f32 to vector<128x2560xf32>
      %mul3A_39 = arith.mulf %mul3A_38, %dot_general3A_36 : vector<128x2560xf32>
      %sub3A = arith.subf %add3A_35, %mul3A_39 : vector<128x2560xf32>
      %ne3A = vector.broadcast %get3A_11 : vector<128x1xi32> to vector<128x2560xi32>
      %ne3A_40 = vector.broadcast %get3A_29 : vector<1x2560xi32> to vector<128x2560xi32>
      %ne3A_41 = arith.cmpi ne, %ne3A, %ne3A_40 : vector<128x2560xi32>
      %jit3A = arith.constant 1.000000e+30 : f32
      %broadcast_in_dim3A_42 = vector.broadcast %jit3A : f32 to vector<128x2560xf32>
      %select_n3A = arith.select %ne3A_41, %broadcast_in_dim3A_42, %sub3A : vector<128x2560xi1>, vector<128x2560xf32>
      %iota3A = tpu.iota {dimensions = array<i32: 1>} : vector<128x2560xi32>
      %add3A_43 = vector.broadcast %multiple_of3A : i32 to vector<128x2560xi32>
      %add3A_44 = arith.addi %iota3A, %add3A_43 : vector<128x2560xi32>
      %reduce_min3A = arith.constant dense<0x7F800000> : vector<128xf32>
      %reduce_min3A_45 = vector.multi_reduction <minimumf>, %select_n3A, %reduce_min3A [1] : vector<128x2560xf32> to vector<128xf32>
      %broadcast_in_dim3A_46 = vector.shape_cast %reduce_min3A_45 : vector<128xf32> to vector<128x1xf32>
      %le3A = vector.broadcast %broadcast_in_dim3A_46 : vector<128x1xf32> to vector<128x2560xf32>
      %le3A_47 = arith.cmpf ole, %select_n3A, %le3A : vector<128x2560xf32>
      %jit3A_48 = arith.constant 8192 : i32
      %broadcast_in_dim3A_49 = vector.broadcast %jit3A_48 : i32 to vector<128x2560xi32>
      %select_n3A_50 = arith.select %le3A_47, %add3A_44, %broadcast_in_dim3A_49 : vector<128x2560xi1>, vector<128x2560xi32>
      %reduce_min3A_51 = arith.constant dense<2147483647> : vector<128xi32>
      %reduce_min3A_52 = vector.multi_reduction <minsi>, %select_n3A_50, %reduce_min3A_51 [1] : vector<128x2560xi32> to vector<128xi32>
      %broadcast_in_dim3A_53 = vector.shape_cast %reduce_min3A_52 : vector<128xi32> to vector<128x1xi32>
      %eq3A_54 = vector.broadcast %broadcast_in_dim3A_53 : vector<128x1xi32> to vector<128x2560xi32>
      %eq3A_55 = arith.cmpi eq, %add3A_44, %eq3A_54 : vector<128x2560xi32>
      %jit3A_56 = arith.constant 2.000000e+30 : f32
      %broadcast_in_dim3A_57 = vector.broadcast %jit3A_56 : f32 to vector<128x2560xf32>
      %select_n3A_58 = arith.select %eq3A_55, %broadcast_in_dim3A_57, %select_n3A : vector<128x2560xi1>, vector<128x2560xf32>
      %reduce_min3A_59 = arith.constant dense<0x7F800000> : vector<128xf32>
      %reduce_min3A_60 = vector.multi_reduction <minimumf>, %select_n3A_58, %reduce_min3A_59 [1] : vector<128x2560xf32> to vector<128xf32>
      %broadcast_in_dim3A_61 = vector.shape_cast %reduce_min3A_60 : vector<128xf32> to vector<128x1xf32>
      %le3A_62 = vector.broadcast %broadcast_in_dim3A_61 : vector<128x1xf32> to vector<128x2560xf32>
      %le3A_63 = arith.cmpf ole, %select_n3A_58, %le3A_62 : vector<128x2560xf32>
      %jit3A_64 = arith.constant 8192 : i32
      %broadcast_in_dim3A_65 = vector.broadcast %jit3A_64 : i32 to vector<128x2560xi32>
      %select_n3A_66 = arith.select %le3A_63, %add3A_44, %broadcast_in_dim3A_65 : vector<128x2560xi1>, vector<128x2560xi32>
      %reduce_min3A_67 = arith.constant dense<2147483647> : vector<128xi32>
      %reduce_min3A_68 = vector.multi_reduction <minsi>, %select_n3A_66, %reduce_min3A_67 [1] : vector<128x2560xi32> to vector<128xi32>
      %broadcast_in_dim3A_69 = vector.shape_cast %reduce_min3A_68 : vector<128xi32> to vector<128x1xi32>
      %eq3A_70 = vector.broadcast %broadcast_in_dim3A_69 : vector<128x1xi32> to vector<128x2560xi32>
      %eq3A_71 = arith.cmpi eq, %add3A_44, %eq3A_70 : vector<128x2560xi32>
      %jit3A_72 = arith.constant 2.000000e+30 : f32
      %broadcast_in_dim3A_73 = vector.broadcast %jit3A_72 : f32 to vector<128x2560xf32>
      %select_n3A_74 = arith.select %eq3A_71, %broadcast_in_dim3A_73, %select_n3A_58 : vector<128x2560xi1>, vector<128x2560xf32>
      %reduce_min3A_75 = arith.constant dense<0x7F800000> : vector<128xf32>
      %reduce_min3A_76 = vector.multi_reduction <minimumf>, %select_n3A_74, %reduce_min3A_75 [1] : vector<128x2560xf32> to vector<128xf32>
      %broadcast_in_dim3A_77 = vector.shape_cast %reduce_min3A_76 : vector<128xf32> to vector<128x1xf32>
      %le3A_78 = vector.broadcast %broadcast_in_dim3A_77 : vector<128x1xf32> to vector<128x2560xf32>
      %le3A_79 = arith.cmpf ole, %select_n3A_74, %le3A_78 : vector<128x2560xf32>
      %jit3A_80 = arith.constant 8192 : i32
      %broadcast_in_dim3A_81 = vector.broadcast %jit3A_80 : i32 to vector<128x2560xi32>
      %select_n3A_82 = arith.select %le3A_79, %add3A_44, %broadcast_in_dim3A_81 : vector<128x2560xi1>, vector<128x2560xi32>
      %reduce_min3A_83 = arith.constant dense<2147483647> : vector<128xi32>
      %reduce_min3A_84 = vector.multi_reduction <minsi>, %select_n3A_82, %reduce_min3A_83 [1] : vector<128x2560xi32> to vector<128xi32>
      %broadcast_in_dim3A_85 = vector.shape_cast %reduce_min3A_84 : vector<128xi32> to vector<128x1xi32>
      %eq3A_86 = vector.broadcast %broadcast_in_dim3A_85 : vector<128x1xi32> to vector<128x2560xi32>
      %eq3A_87 = arith.cmpi eq, %add3A_44, %eq3A_86 : vector<128x2560xi32>
      %jit3A_88 = arith.constant 2.000000e+30 : f32
      %broadcast_in_dim3A_89 = vector.broadcast %jit3A_88 : f32 to vector<128x2560xf32>
      %select_n3A_90 = arith.select %eq3A_87, %broadcast_in_dim3A_89, %select_n3A_74 : vector<128x2560xi1>, vector<128x2560xf32>
      %reduce_min3A_91 = arith.constant dense<0x7F800000> : vector<128xf32>
      %reduce_min3A_92 = vector.multi_reduction <minimumf>, %select_n3A_90, %reduce_min3A_91 [1] : vector<128x2560xf32> to vector<128xf32>
      %broadcast_in_dim3A_93 = vector.shape_cast %reduce_min3A_92 : vector<128xf32> to vector<128x1xf32>
      %le3A_94 = vector.broadcast %broadcast_in_dim3A_93 : vector<128x1xf32> to vector<128x2560xf32>
      %le3A_95 = arith.cmpf ole, %select_n3A_90, %le3A_94 : vector<128x2560xf32>
      %jit3A_96 = arith.constant 8192 : i32
      %broadcast_in_dim3A_97 = vector.broadcast %jit3A_96 : i32 to vector<128x2560xi32>
      %select_n3A_98 = arith.select %le3A_95, %add3A_44, %broadcast_in_dim3A_97 : vector<128x2560xi1>, vector<128x2560xi32>
      %reduce_min3A_99 = arith.constant dense<2147483647> : vector<128xi32>
      %reduce_min3A_100 = vector.multi_reduction <minsi>, %select_n3A_98, %reduce_min3A_99 [1] : vector<128x2560xi32> to vector<128xi32>
      %broadcast_in_dim3A_101 = vector.shape_cast %reduce_min3A_100 : vector<128xi32> to vector<128x1xi32>
      %eq3A_102 = vector.broadcast %broadcast_in_dim3A_101 : vector<128x1xi32> to vector<128x2560xi32>
      %eq3A_103 = arith.cmpi eq, %add3A_44, %eq3A_102 : vector<128x2560xi32>
      %jit3A_104 = arith.constant 2.000000e+30 : f32
      %broadcast_in_dim3A_105 = vector.broadcast %jit3A_104 : f32 to vector<128x2560xf32>
      %select_n3A_106 = arith.select %eq3A_103, %broadcast_in_dim3A_105, %select_n3A_90 : vector<128x2560xi1>, vector<128x2560xf32>
      %reduce_min3A_107 = arith.constant dense<0x7F800000> : vector<128xf32>
      %reduce_min3A_108 = vector.multi_reduction <minimumf>, %select_n3A_106, %reduce_min3A_107 [1] : vector<128x2560xf32> to vector<128xf32>
      %broadcast_in_dim3A_109 = vector.shape_cast %reduce_min3A_108 : vector<128xf32> to vector<128x1xf32>
      %le3A_110 = vector.broadcast %broadcast_in_dim3A_109 : vector<128x1xf32> to vector<128x2560xf32>
      %le3A_111 = arith.cmpf ole, %select_n3A_106, %le3A_110 : vector<128x2560xf32>
      %jit3A_112 = arith.constant 8192 : i32
      %broadcast_in_dim3A_113 = vector.broadcast %jit3A_112 : i32 to vector<128x2560xi32>
      %select_n3A_114 = arith.select %le3A_111, %add3A_44, %broadcast_in_dim3A_113 : vector<128x2560xi1>, vector<128x2560xi32>
      %reduce_min3A_115 = arith.constant dense<2147483647> : vector<128xi32>
      %reduce_min3A_116 = vector.multi_reduction <minsi>, %select_n3A_114, %reduce_min3A_115 [1] : vector<128x2560xi32> to vector<128xi32>
      %broadcast_in_dim3A_117 = vector.shape_cast %reduce_min3A_116 : vector<128xi32> to vector<128x1xi32>
      %eq3A_118 = vector.broadcast %broadcast_in_dim3A_117 : vector<128x1xi32> to vector<128x2560xi32>
      %eq3A_119 = arith.cmpi eq, %add3A_44, %eq3A_118 : vector<128x2560xi32>
      %jit3A_120 = arith.constant 2.000000e+30 : f32
      %broadcast_in_dim3A_121 = vector.broadcast %jit3A_120 : f32 to vector<128x2560xf32>
      %select_n3A_122 = arith.select %eq3A_119, %broadcast_in_dim3A_121, %select_n3A_106 : vector<128x2560xi1>, vector<128x2560xf32>
      %reduce_min3A_123 = arith.constant dense<0x7F800000> : vector<128xf32>
      %reduce_min3A_124 = vector.multi_reduction <minimumf>, %select_n3A_122, %reduce_min3A_123 [1] : vector<128x2560xf32> to vector<128xf32>
      %broadcast_in_dim3A_125 = vector.shape_cast %reduce_min3A_124 : vector<128xf32> to vector<128x1xf32>
      %le3A_126 = vector.broadcast %broadcast_in_dim3A_125 : vector<128x1xf32> to vector<128x2560xf32>
      %le3A_127 = arith.cmpf ole, %select_n3A_122, %le3A_126 : vector<128x2560xf32>
      %jit3A_128 = arith.constant 8192 : i32
      %broadcast_in_dim3A_129 = vector.broadcast %jit3A_128 : i32 to vector<128x2560xi32>
      %select_n3A_130 = arith.select %le3A_127, %add3A_44, %broadcast_in_dim3A_129 : vector<128x2560xi1>, vector<128x2560xi32>
      %reduce_min3A_131 = arith.constant dense<2147483647> : vector<128xi32>
      %reduce_min3A_132 = vector.multi_reduction <minsi>, %select_n3A_130, %reduce_min3A_131 [1] : vector<128x2560xi32> to vector<128xi32>
      %broadcast_in_dim3A_133 = vector.shape_cast %reduce_min3A_132 : vector<128xi32> to vector<128x1xi32>
      %eq3A_134 = vector.broadcast %broadcast_in_dim3A_133 : vector<128x1xi32> to vector<128x2560xi32>
      %eq3A_135 = arith.cmpi eq, %add3A_44, %eq3A_134 : vector<128x2560xi32>
      %jit3A_136 = arith.constant 2.000000e+30 : f32
      %broadcast_in_dim3A_137 = vector.broadcast %jit3A_136 : f32 to vector<128x2560xf32>
      %select_n3A_138 = arith.select %eq3A_135, %broadcast_in_dim3A_137, %select_n3A_122 : vector<128x2560xi1>, vector<128x2560xf32>
      %reduce_min3A_139 = arith.constant dense<0x7F800000> : vector<128xf32>
      %reduce_min3A_140 = vector.multi_reduction <minimumf>, %select_n3A_138, %reduce_min3A_139 [1] : vector<128x2560xf32> to vector<128xf32>
      %broadcast_in_dim3A_141 = vector.shape_cast %reduce_min3A_140 : vector<128xf32> to vector<128x1xf32>
      %le3A_142 = vector.broadcast %broadcast_in_dim3A_141 : vector<128x1xf32> to vector<128x2560xf32>
      %le3A_143 = arith.cmpf ole, %select_n3A_138, %le3A_142 : vector<128x2560xf32>
      %jit3A_144 = arith.constant 8192 : i32
      %broadcast_in_dim3A_145 = vector.broadcast %jit3A_144 : i32 to vector<128x2560xi32>
      %select_n3A_146 = arith.select %le3A_143, %add3A_44, %broadcast_in_dim3A_145 : vector<128x2560xi1>, vector<128x2560xi32>
      %reduce_min3A_147 = arith.constant dense<2147483647> : vector<128xi32>
      %reduce_min3A_148 = vector.multi_reduction <minsi>, %select_n3A_146, %reduce_min3A_147 [1] : vector<128x2560xi32> to vector<128xi32>
      %broadcast_in_dim3A_149 = vector.shape_cast %reduce_min3A_148 : vector<128xi32> to vector<128x1xi32>
      %eq3A_150 = vector.broadcast %broadcast_in_dim3A_149 : vector<128x1xi32> to vector<128x2560xi32>
      %eq3A_151 = arith.cmpi eq, %add3A_44, %eq3A_150 : vector<128x2560xi32>
      %jit3A_152 = arith.constant 2.000000e+30 : f32
      %broadcast_in_dim3A_153 = vector.broadcast %jit3A_152 : f32 to vector<128x2560xf32>
      %select_n3A_154 = arith.select %eq3A_151, %broadcast_in_dim3A_153, %select_n3A_138 : vector<128x2560xi1>, vector<128x2560xf32>
      %reduce_min3A_155 = arith.constant dense<0x7F800000> : vector<128xf32>
      %reduce_min3A_156 = vector.multi_reduction <minimumf>, %select_n3A_154, %reduce_min3A_155 [1] : vector<128x2560xf32> to vector<128xf32>
      %broadcast_in_dim3A_157 = vector.shape_cast %reduce_min3A_156 : vector<128xf32> to vector<128x1xf32>
      %le3A_158 = vector.broadcast %broadcast_in_dim3A_157 : vector<128x1xf32> to vector<128x2560xf32>
      %le3A_159 = arith.cmpf ole, %select_n3A_154, %le3A_158 : vector<128x2560xf32>
      %jit3A_160 = arith.constant 8192 : i32
      %broadcast_in_dim3A_161 = vector.broadcast %jit3A_160 : i32 to vector<128x2560xi32>
      %select_n3A_162 = arith.select %le3A_159, %add3A_44, %broadcast_in_dim3A_161 : vector<128x2560xi1>, vector<128x2560xi32>
      %reduce_min3A_163 = arith.constant dense<2147483647> : vector<128xi32>
      %reduce_min3A_164 = vector.multi_reduction <minsi>, %select_n3A_162, %reduce_min3A_163 [1] : vector<128x2560xi32> to vector<128xi32>
      %broadcast_in_dim3A_165 = vector.shape_cast %reduce_min3A_164 : vector<128xi32> to vector<128x1xi32>
      %eq3A_166 = vector.broadcast %broadcast_in_dim3A_165 : vector<128x1xi32> to vector<128x2560xi32>
      %eq3A_167 = arith.cmpi eq, %add3A_44, %eq3A_166 : vector<128x2560xi32>
      %jit3A_168 = arith.constant 2.000000e+30 : f32
      %broadcast_in_dim3A_169 = vector.broadcast %jit3A_168 : f32 to vector<128x2560xf32>
      %select_n3A_170 = arith.select %eq3A_167, %broadcast_in_dim3A_169, %select_n3A_154 : vector<128x2560xi1>, vector<128x2560xf32>
      %reduce_min3A_171 = arith.constant dense<0x7F800000> : vector<128xf32>
      %reduce_min3A_172 = vector.multi_reduction <minimumf>, %select_n3A_170, %reduce_min3A_171 [1] : vector<128x2560xf32> to vector<128xf32>
      %broadcast_in_dim3A_173 = vector.shape_cast %reduce_min3A_172 : vector<128xf32> to vector<128x1xf32>
      %le3A_174 = vector.broadcast %broadcast_in_dim3A_173 : vector<128x1xf32> to vector<128x2560xf32>
      %le3A_175 = arith.cmpf ole, %select_n3A_170, %le3A_174 : vector<128x2560xf32>
      %jit3A_176 = arith.constant 8192 : i32
      %broadcast_in_dim3A_177 = vector.broadcast %jit3A_176 : i32 to vector<128x2560xi32>
      %select_n3A_178 = arith.select %le3A_175, %add3A_44, %broadcast_in_dim3A_177 : vector<128x2560xi1>, vector<128x2560xi32>
      %reduce_min3A_179 = arith.constant dense<2147483647> : vector<128xi32>
      %reduce_min3A_180 = vector.multi_reduction <minsi>, %select_n3A_178, %reduce_min3A_179 [1] : vector<128x2560xi32> to vector<128xi32>
      %broadcast_in_dim3A_181 = vector.shape_cast %reduce_min3A_180 : vector<128xi32> to vector<128x1xi32>
      %eq3A_182 = vector.broadcast %broadcast_in_dim3A_181 : vector<128x1xi32> to vector<128x2560xi32>
      %eq3A_183 = arith.cmpi eq, %add3A_44, %eq3A_182 : vector<128x2560xi32>
      %jit3A_184 = arith.constant 2.000000e+30 : f32
      %broadcast_in_dim3A_185 = vector.broadcast %jit3A_184 : f32 to vector<128x2560xf32>
      %select_n3A_186 = arith.select %eq3A_183, %broadcast_in_dim3A_185, %select_n3A_170 : vector<128x2560xi1>, vector<128x2560xf32>
      %reduce_min3A_187 = arith.constant dense<0x7F800000> : vector<128xf32>
      %reduce_min3A_188 = vector.multi_reduction <minimumf>, %select_n3A_186, %reduce_min3A_187 [1] : vector<128x2560xf32> to vector<128xf32>
      %broadcast_in_dim3A_189 = vector.shape_cast %reduce_min3A_188 : vector<128xf32> to vector<128x1xf32>
      %le3A_190 = vector.broadcast %broadcast_in_dim3A_189 : vector<128x1xf32> to vector<128x2560xf32>
      %le3A_191 = arith.cmpf ole, %select_n3A_186, %le3A_190 : vector<128x2560xf32>
      %jit3A_192 = arith.constant 8192 : i32
      %broadcast_in_dim3A_193 = vector.broadcast %jit3A_192 : i32 to vector<128x2560xi32>
      %select_n3A_194 = arith.select %le3A_191, %add3A_44, %broadcast_in_dim3A_193 : vector<128x2560xi1>, vector<128x2560xi32>
      %reduce_min3A_195 = arith.constant dense<2147483647> : vector<128xi32>
      %reduce_min3A_196 = vector.multi_reduction <minsi>, %select_n3A_194, %reduce_min3A_195 [1] : vector<128x2560xi32> to vector<128xi32>
      %broadcast_in_dim3A_197 = vector.shape_cast %reduce_min3A_196 : vector<128xi32> to vector<128x1xi32>
      %eq3A_198 = vector.broadcast %broadcast_in_dim3A_197 : vector<128x1xi32> to vector<128x2560xi32>
      %eq3A_199 = arith.cmpi eq, %add3A_44, %eq3A_198 : vector<128x2560xi32>
      %jit3A_200 = arith.constant 2.000000e+30 : f32
      %broadcast_in_dim3A_201 = vector.broadcast %jit3A_200 : f32 to vector<128x2560xf32>
      %select_n3A_202 = arith.select %eq3A_199, %broadcast_in_dim3A_201, %select_n3A_186 : vector<128x2560xi1>, vector<128x2560xf32>
      %reduce_min3A_203 = arith.constant dense<0x7F800000> : vector<128xf32>
      %reduce_min3A_204 = vector.multi_reduction <minimumf>, %select_n3A_202, %reduce_min3A_203 [1] : vector<128x2560xf32> to vector<128xf32>
      %broadcast_in_dim3A_205 = vector.shape_cast %reduce_min3A_204 : vector<128xf32> to vector<128x1xf32>
      %le3A_206 = vector.broadcast %broadcast_in_dim3A_205 : vector<128x1xf32> to vector<128x2560xf32>
      %le3A_207 = arith.cmpf ole, %select_n3A_202, %le3A_206 : vector<128x2560xf32>
      %jit3A_208 = arith.constant 8192 : i32
      %broadcast_in_dim3A_209 = vector.broadcast %jit3A_208 : i32 to vector<128x2560xi32>
      %select_n3A_210 = arith.select %le3A_207, %add3A_44, %broadcast_in_dim3A_209 : vector<128x2560xi1>, vector<128x2560xi32>
      %reduce_min3A_211 = arith.constant dense<2147483647> : vector<128xi32>
      %reduce_min3A_212 = vector.multi_reduction <minsi>, %select_n3A_210, %reduce_min3A_211 [1] : vector<128x2560xi32> to vector<128xi32>
      %broadcast_in_dim3A_213 = vector.shape_cast %reduce_min3A_212 : vector<128xi32> to vector<128x1xi32>
      %eq3A_214 = vector.broadcast %broadcast_in_dim3A_213 : vector<128x1xi32> to vector<128x2560xi32>
      %eq3A_215 = arith.cmpi eq, %add3A_44, %eq3A_214 : vector<128x2560xi32>
      %jit3A_216 = arith.constant 2.000000e+30 : f32
      %broadcast_in_dim3A_217 = vector.broadcast %jit3A_216 : f32 to vector<128x2560xf32>
      %select_n3A_218 = arith.select %eq3A_215, %broadcast_in_dim3A_217, %select_n3A_202 : vector<128x2560xi1>, vector<128x2560xf32>
      %reduce_min3A_219 = arith.constant dense<0x7F800000> : vector<128xf32>
      %reduce_min3A_220 = vector.multi_reduction <minimumf>, %select_n3A_218, %reduce_min3A_219 [1] : vector<128x2560xf32> to vector<128xf32>
      %broadcast_in_dim3A_221 = vector.shape_cast %reduce_min3A_220 : vector<128xf32> to vector<128x1xf32>
      %le3A_222 = vector.broadcast %broadcast_in_dim3A_221 : vector<128x1xf32> to vector<128x2560xf32>
      %le3A_223 = arith.cmpf ole, %select_n3A_218, %le3A_222 : vector<128x2560xf32>
      %jit3A_224 = arith.constant 8192 : i32
      %broadcast_in_dim3A_225 = vector.broadcast %jit3A_224 : i32 to vector<128x2560xi32>
      %select_n3A_226 = arith.select %le3A_223, %add3A_44, %broadcast_in_dim3A_225 : vector<128x2560xi1>, vector<128x2560xi32>
      %reduce_min3A_227 = arith.constant dense<2147483647> : vector<128xi32>
      %reduce_min3A_228 = vector.multi_reduction <minsi>, %select_n3A_226, %reduce_min3A_227 [1] : vector<128x2560xi32> to vector<128xi32>
      %broadcast_in_dim3A_229 = vector.shape_cast %reduce_min3A_228 : vector<128xi32> to vector<128x1xi32>
      %eq3A_230 = vector.broadcast %broadcast_in_dim3A_229 : vector<128x1xi32> to vector<128x2560xi32>
      %eq3A_231 = arith.cmpi eq, %add3A_44, %eq3A_230 : vector<128x2560xi32>
      %jit3A_232 = arith.constant 2.000000e+30 : f32
      %broadcast_in_dim3A_233 = vector.broadcast %jit3A_232 : f32 to vector<128x2560xf32>
      %select_n3A_234 = arith.select %eq3A_231, %broadcast_in_dim3A_233, %select_n3A_218 : vector<128x2560xi1>, vector<128x2560xf32>
      %reduce_min3A_235 = arith.constant dense<0x7F800000> : vector<128xf32>
      %reduce_min3A_236 = vector.multi_reduction <minimumf>, %select_n3A_234, %reduce_min3A_235 [1] : vector<128x2560xf32> to vector<128xf32>
      %broadcast_in_dim3A_237 = vector.shape_cast %reduce_min3A_236 : vector<128xf32> to vector<128x1xf32>
      %le3A_238 = vector.broadcast %broadcast_in_dim3A_237 : vector<128x1xf32> to vector<128x2560xf32>
      %le3A_239 = arith.cmpf ole, %select_n3A_234, %le3A_238 : vector<128x2560xf32>
      %jit3A_240 = arith.constant 8192 : i32
      %broadcast_in_dim3A_241 = vector.broadcast %jit3A_240 : i32 to vector<128x2560xi32>
      %select_n3A_242 = arith.select %le3A_239, %add3A_44, %broadcast_in_dim3A_241 : vector<128x2560xi1>, vector<128x2560xi32>
      %reduce_min3A_243 = arith.constant dense<2147483647> : vector<128xi32>
      %reduce_min3A_244 = vector.multi_reduction <minsi>, %select_n3A_242, %reduce_min3A_243 [1] : vector<128x2560xi32> to vector<128xi32>
      %broadcast_in_dim3A_245 = vector.shape_cast %reduce_min3A_244 : vector<128xi32> to vector<128x1xi32>
      %eq3A_246 = vector.broadcast %broadcast_in_dim3A_245 : vector<128x1xi32> to vector<128x2560xi32>
      %eq3A_247 = arith.cmpi eq, %add3A_44, %eq3A_246 : vector<128x2560xi32>
      %jit3A_248 = arith.constant 2.000000e+30 : f32
      %broadcast_in_dim3A_249 = vector.broadcast %jit3A_248 : f32 to vector<128x2560xf32>
      %select_n3A_250 = arith.select %eq3A_247, %broadcast_in_dim3A_249, %select_n3A_234 : vector<128x2560xi1>, vector<128x2560xf32>
      %reduce_min3A_251 = arith.constant dense<0x7F800000> : vector<128xf32>
      %reduce_min3A_252 = vector.multi_reduction <minimumf>, %select_n3A_250, %reduce_min3A_251 [1] : vector<128x2560xf32> to vector<128xf32>
      %broadcast_in_dim3A_253 = vector.shape_cast %reduce_min3A_252 : vector<128xf32> to vector<128x1xf32>
      %le3A_254 = vector.broadcast %broadcast_in_dim3A_253 : vector<128x1xf32> to vector<128x2560xf32>
      %le3A_255 = arith.cmpf ole, %select_n3A_250, %le3A_254 : vector<128x2560xf32>
      %jit3A_256 = arith.constant 8192 : i32
      %broadcast_in_dim3A_257 = vector.broadcast %jit3A_256 : i32 to vector<128x2560xi32>
      %select_n3A_258 = arith.select %le3A_255, %add3A_44, %broadcast_in_dim3A_257 : vector<128x2560xi1>, vector<128x2560xi32>
      %reduce_min3A_259 = arith.constant dense<2147483647> : vector<128xi32>
      %reduce_min3A_260 = vector.multi_reduction <minsi>, %select_n3A_258, %reduce_min3A_259 [1] : vector<128x2560xi32> to vector<128xi32>
      %broadcast_in_dim3A_261 = vector.shape_cast %reduce_min3A_260 : vector<128xi32> to vector<128x1xi32>
      %eq3A_262 = vector.broadcast %broadcast_in_dim3A_261 : vector<128x1xi32> to vector<128x2560xi32>
      %eq3A_263 = arith.cmpi eq, %add3A_44, %eq3A_262 : vector<128x2560xi32>
      %jit3A_264 = arith.constant 2.000000e+30 : f32
      %broadcast_in_dim3A_265 = vector.broadcast %jit3A_264 : f32 to vector<128x2560xf32>
      %select_n3A_266 = arith.select %eq3A_263, %broadcast_in_dim3A_265, %select_n3A_250 : vector<128x2560xi1>, vector<128x2560xf32>
      %reduce_min3A_267 = arith.constant dense<0x7F800000> : vector<128xf32>
      %reduce_min3A_268 = vector.multi_reduction <minimumf>, %select_n3A_266, %reduce_min3A_267 [1] : vector<128x2560xf32> to vector<128xf32>
      %broadcast_in_dim3A_269 = vector.shape_cast %reduce_min3A_268 : vector<128xf32> to vector<128x1xf32>
      %le3A_270 = vector.broadcast %broadcast_in_dim3A_269 : vector<128x1xf32> to vector<128x2560xf32>
      %le3A_271 = arith.cmpf ole, %select_n3A_266, %le3A_270 : vector<128x2560xf32>
      %jit3A_272 = arith.constant 8192 : i32
      %broadcast_in_dim3A_273 = vector.broadcast %jit3A_272 : i32 to vector<128x2560xi32>
      %select_n3A_274 = arith.select %le3A_271, %add3A_44, %broadcast_in_dim3A_273 : vector<128x2560xi1>, vector<128x2560xi32>
      %reduce_min3A_275 = arith.constant dense<2147483647> : vector<128xi32>
      %reduce_min3A_276 = vector.multi_reduction <minsi>, %select_n3A_274, %reduce_min3A_275 [1] : vector<128x2560xi32> to vector<128xi32>
      %broadcast_in_dim3A_277 = vector.shape_cast %reduce_min3A_276 : vector<128xi32> to vector<128x1xi32>
      %eq3A_278 = vector.broadcast %broadcast_in_dim3A_277 : vector<128x1xi32> to vector<128x2560xi32>
      %eq3A_279 = arith.cmpi eq, %add3A_44, %eq3A_278 : vector<128x2560xi32>
      %jit3A_280 = arith.constant 2.000000e+30 : f32
      %broadcast_in_dim3A_281 = vector.broadcast %jit3A_280 : f32 to vector<128x2560xf32>
      %select_n3A_282 = arith.select %eq3A_279, %broadcast_in_dim3A_281, %select_n3A_266 : vector<128x2560xi1>, vector<128x2560xf32>
      %reduce_min3A_283 = arith.constant dense<0x7F800000> : vector<128xf32>
      %reduce_min3A_284 = vector.multi_reduction <minimumf>, %select_n3A_282, %reduce_min3A_283 [1] : vector<128x2560xf32> to vector<128xf32>
      %broadcast_in_dim3A_285 = vector.shape_cast %reduce_min3A_284 : vector<128xf32> to vector<128x1xf32>
      %le3A_286 = vector.broadcast %broadcast_in_dim3A_285 : vector<128x1xf32> to vector<128x2560xf32>
      %le3A_287 = arith.cmpf ole, %select_n3A_282, %le3A_286 : vector<128x2560xf32>
      %jit3A_288 = arith.constant 8192 : i32
      %broadcast_in_dim3A_289 = vector.broadcast %jit3A_288 : i32 to vector<128x2560xi32>
      %select_n3A_290 = arith.select %le3A_287, %add3A_44, %broadcast_in_dim3A_289 : vector<128x2560xi1>, vector<128x2560xi32>
      %reduce_min3A_291 = arith.constant dense<2147483647> : vector<128xi32>
      %reduce_min3A_292 = vector.multi_reduction <minsi>, %select_n3A_290, %reduce_min3A_291 [1] : vector<128x2560xi32> to vector<128xi32>
      %broadcast_in_dim3A_293 = vector.shape_cast %reduce_min3A_292 : vector<128xi32> to vector<128x1xi32>
      %eq3A_294 = vector.broadcast %broadcast_in_dim3A_293 : vector<128x1xi32> to vector<128x2560xi32>
      %eq3A_295 = arith.cmpi eq, %add3A_44, %eq3A_294 : vector<128x2560xi32>
      %jit3A_296 = arith.constant 2.000000e+30 : f32
      %broadcast_in_dim3A_297 = vector.broadcast %jit3A_296 : f32 to vector<128x2560xf32>
      %select_n3A_298 = arith.select %eq3A_295, %broadcast_in_dim3A_297, %select_n3A_282 : vector<128x2560xi1>, vector<128x2560xf32>
      %reduce_min3A_299 = arith.constant dense<0x7F800000> : vector<128xf32>
      %reduce_min3A_300 = vector.multi_reduction <minimumf>, %select_n3A_298, %reduce_min3A_299 [1] : vector<128x2560xf32> to vector<128xf32>
      %broadcast_in_dim3A_301 = vector.shape_cast %reduce_min3A_300 : vector<128xf32> to vector<128x1xf32>
      %le3A_302 = vector.broadcast %broadcast_in_dim3A_301 : vector<128x1xf32> to vector<128x2560xf32>
      %le3A_303 = arith.cmpf ole, %select_n3A_298, %le3A_302 : vector<128x2560xf32>
      %jit3A_304 = arith.constant 8192 : i32
      %broadcast_in_dim3A_305 = vector.broadcast %jit3A_304 : i32 to vector<128x2560xi32>
      %select_n3A_306 = arith.select %le3A_303, %add3A_44, %broadcast_in_dim3A_305 : vector<128x2560xi1>, vector<128x2560xi32>
      %reduce_min3A_307 = arith.constant dense<2147483647> : vector<128xi32>
      %reduce_min3A_308 = vector.multi_reduction <minsi>, %select_n3A_306, %reduce_min3A_307 [1] : vector<128x2560xi32> to vector<128xi32>
      %broadcast_in_dim3A_309 = vector.shape_cast %reduce_min3A_308 : vector<128xi32> to vector<128x1xi32>
      %eq3A_310 = vector.broadcast %broadcast_in_dim3A_309 : vector<128x1xi32> to vector<128x2560xi32>
      %eq3A_311 = arith.cmpi eq, %add3A_44, %eq3A_310 : vector<128x2560xi32>
      %jit3A_312 = arith.constant 2.000000e+30 : f32
      %broadcast_in_dim3A_313 = vector.broadcast %jit3A_312 : f32 to vector<128x2560xf32>
      %select_n3A_314 = arith.select %eq3A_311, %broadcast_in_dim3A_313, %select_n3A_298 : vector<128x2560xi1>, vector<128x2560xf32>
      %reduce_min3A_315 = arith.constant dense<0x7F800000> : vector<128xf32>
      %reduce_min3A_316 = vector.multi_reduction <minimumf>, %select_n3A_314, %reduce_min3A_315 [1] : vector<128x2560xf32> to vector<128xf32>
      %broadcast_in_dim3A_317 = vector.shape_cast %reduce_min3A_316 : vector<128xf32> to vector<128x1xf32>
      %le3A_318 = vector.broadcast %broadcast_in_dim3A_317 : vector<128x1xf32> to vector<128x2560xf32>
      %le3A_319 = arith.cmpf ole, %select_n3A_314, %le3A_318 : vector<128x2560xf32>
      %jit3A_320 = arith.constant 8192 : i32
      %broadcast_in_dim3A_321 = vector.broadcast %jit3A_320 : i32 to vector<128x2560xi32>
      %select_n3A_322 = arith.select %le3A_319, %add3A_44, %broadcast_in_dim3A_321 : vector<128x2560xi1>, vector<128x2560xi32>
      %reduce_min3A_323 = arith.constant dense<2147483647> : vector<128xi32>
      %reduce_min3A_324 = vector.multi_reduction <minsi>, %select_n3A_322, %reduce_min3A_323 [1] : vector<128x2560xi32> to vector<128xi32>
      %broadcast_in_dim3A_325 = vector.shape_cast %reduce_min3A_324 : vector<128xi32> to vector<128x1xi32>
      %eq3A_326 = vector.broadcast %broadcast_in_dim3A_325 : vector<128x1xi32> to vector<128x2560xi32>
      %eq3A_327 = arith.cmpi eq, %add3A_44, %eq3A_326 : vector<128x2560xi32>
      %jit3A_328 = arith.constant 2.000000e+30 : f32
      %broadcast_in_dim3A_329 = vector.broadcast %jit3A_328 : f32 to vector<128x2560xf32>
      %select_n3A_330 = arith.select %eq3A_327, %broadcast_in_dim3A_329, %select_n3A_314 : vector<128x2560xi1>, vector<128x2560xf32>
      %reduce_min3A_331 = arith.constant dense<0x7F800000> : vector<128xf32>
      %reduce_min3A_332 = vector.multi_reduction <minimumf>, %select_n3A_330, %reduce_min3A_331 [1] : vector<128x2560xf32> to vector<128xf32>
      %broadcast_in_dim3A_333 = vector.shape_cast %reduce_min3A_332 : vector<128xf32> to vector<128x1xf32>
      %le3A_334 = vector.broadcast %broadcast_in_dim3A_333 : vector<128x1xf32> to vector<128x2560xf32>
      %le3A_335 = arith.cmpf ole, %select_n3A_330, %le3A_334 : vector<128x2560xf32>
      %jit3A_336 = arith.constant 8192 : i32
      %broadcast_in_dim3A_337 = vector.broadcast %jit3A_336 : i32 to vector<128x2560xi32>
      %select_n3A_338 = arith.select %le3A_335, %add3A_44, %broadcast_in_dim3A_337 : vector<128x2560xi1>, vector<128x2560xi32>
      %reduce_min3A_339 = arith.constant dense<2147483647> : vector<128xi32>
      %reduce_min3A_340 = vector.multi_reduction <minsi>, %select_n3A_338, %reduce_min3A_339 [1] : vector<128x2560xi32> to vector<128xi32>
      %broadcast_in_dim3A_341 = vector.shape_cast %reduce_min3A_340 : vector<128xi32> to vector<128x1xi32>
      %eq3A_342 = vector.broadcast %broadcast_in_dim3A_341 : vector<128x1xi32> to vector<128x2560xi32>
      %eq3A_343 = arith.cmpi eq, %add3A_44, %eq3A_342 : vector<128x2560xi32>
      %jit3A_344 = arith.constant 2.000000e+30 : f32
      %broadcast_in_dim3A_345 = vector.broadcast %jit3A_344 : f32 to vector<128x2560xf32>
      %select_n3A_346 = arith.select %eq3A_343, %broadcast_in_dim3A_345, %select_n3A_330 : vector<128x2560xi1>, vector<128x2560xf32>
      %reduce_min3A_347 = arith.constant dense<0x7F800000> : vector<128xf32>
      %reduce_min3A_348 = vector.multi_reduction <minimumf>, %select_n3A_346, %reduce_min3A_347 [1] : vector<128x2560xf32> to vector<128xf32>
      %broadcast_in_dim3A_349 = vector.shape_cast %reduce_min3A_348 : vector<128xf32> to vector<128x1xf32>
      %le3A_350 = vector.broadcast %broadcast_in_dim3A_349 : vector<128x1xf32> to vector<128x2560xf32>
      %le3A_351 = arith.cmpf ole, %select_n3A_346, %le3A_350 : vector<128x2560xf32>
      %jit3A_352 = arith.constant 8192 : i32
      %broadcast_in_dim3A_353 = vector.broadcast %jit3A_352 : i32 to vector<128x2560xi32>
      %select_n3A_354 = arith.select %le3A_351, %add3A_44, %broadcast_in_dim3A_353 : vector<128x2560xi1>, vector<128x2560xi32>
      %reduce_min3A_355 = arith.constant dense<2147483647> : vector<128xi32>
      %reduce_min3A_356 = vector.multi_reduction <minsi>, %select_n3A_354, %reduce_min3A_355 [1] : vector<128x2560xi32> to vector<128xi32>
      %broadcast_in_dim3A_357 = vector.shape_cast %reduce_min3A_356 : vector<128xi32> to vector<128x1xi32>
      %concatenate3A = tpu.concatenate %broadcast_in_dim3A_53, %broadcast_in_dim3A_69, %broadcast_in_dim3A_85, %broadcast_in_dim3A_101, %broadcast_in_dim3A_117, %broadcast_in_dim3A_133, %broadcast_in_dim3A_149, %broadcast_in_dim3A_165, %broadcast_in_dim3A_181, %broadcast_in_dim3A_197, %broadcast_in_dim3A_213, %broadcast_in_dim3A_229, %broadcast_in_dim3A_245, %broadcast_in_dim3A_261, %broadcast_in_dim3A_277, %broadcast_in_dim3A_293, %broadcast_in_dim3A_309, %broadcast_in_dim3A_325, %broadcast_in_dim3A_341, %broadcast_in_dim3A_357 in 1 : vector<128x1xi32>, vector<128x1xi32>, vector<128x1xi32>, vector<128x1xi32>, vector<128x1xi32>, vector<128x1xi32>, vector<128x1xi32>, vector<128x1xi32>, vector<128x1xi32>, vector<128x1xi32>, vector<128x1xi32>, vector<128x1xi32>, vector<128x1xi32>, vector<128x1xi32>, vector<128x1xi32>, vector<128x1xi32>, vector<128x1xi32>, vector<128x1xi32>, vector<128x1xi32>, vector<128x1xi32> -> vector<128x20xi32>
      %swap3A = arith.constant 0 : index
      %swap3A_358 = arith.constant 0 : index
      %swap3A_359 = vector.load %arg6[%swap3A, %swap3A_358] : memref<128x20xi32, #tpu.memory_space<vmem>>, vector<128x20xi32>
      tpu.vector_store %arg6[%swap3A, %swap3A_358], %concatenate3A {strides = array<i32>} : memref<128x20xi32, #tpu.memory_space<vmem>>, vector<128x20xi32>,
    } else {
    }
    %eq3A_19 = arith.constant 2 : i32
    %eq3A_20 = arith.cmpi eq, %get3A_4, %eq3A_19 : i32
    %convert_element_type3A_21 = arith.extui %eq3A_20 : i1 to i32
    %cond3A_22 = arith.constant 0 : i32
    %cond3A_23 = arith.cmpi ne, %convert_element_type3A_21, %cond3A_22 : i32
    scf.if %cond3A_23 {
      %get3A_24 = arith.constant 0 : index
      %get3A_25 = arith.constant 0 : index
      %get3A_26 = vector.load %arg3[%get3A_24, %get3A_25] : memref<16x8192xf32, #tpu.memory_space<vmem>>, vector<16x8192xf32>
      %get3A_27 = arith.constant 0 : index
      %get3A_28 = arith.constant 0 : index
      %get3A_29 = vector.load %arg5[%get3A_27, %get3A_28] : memref<1x8192xi32, #tpu.memory_space<vmem>>, vector<1x8192xi32>
      %mul3A_30 = arith.mulf %get3A_26, %get3A_26 : vector<16x8192xf32>
      %reduce_sum3A_31 = arith.constant dense<0.000000e+00> : vector<8192xf32>
      %reduce_sum3A_32 = vector.multi_reduction <add>, %mul3A_30, %reduce_sum3A_31 [0] : vector<16x8192xf32> to vector<8192xf32>
      %broadcast_in_dim3A_33 = vector.shape_cast %reduce_sum3A_32 : vector<8192xf32> to vector<1x8192xf32>
      %add3A = vector.broadcast %broadcast_in_dim3A : vector<128x1xf32> to vector<128x8192xf32>
      %add3A_34 = vector.broadcast %broadcast_in_dim3A_33 : vector<1x8192xf32> to vector<128x8192xf32>
      %add3A_35 = arith.addf %add3A, %add3A_34 : vector<128x8192xf32>
      %dot_general3A = arith.constant dense<0.000000e+00> : vector<128x8192xf32>
      %dot_general3A_36 = tpu.matmul %get3A_7, %get3A_26, %dot_general3A {dimension_numbers = #tpu.dot_dimension_numbers<[1], [0], [0], [1], [0, 0, 1, 1], [], []>, transpose_lhs_hint = false} : vector<128x16xf32>, vector<16x8192xf32>, vector<128x8192xf32> -> vector<128x8192xf32>
      %mul3A_37 = arith.constant 2.000000e+00 : f32
      %mul3A_38 = vector.broadcast %mul3A_37 : f32 to vector<128x8192xf32>
      %mul3A_39 = arith.mulf %mul3A_38, %dot_general3A_36 : vector<128x8192xf32>
      %sub3A = arith.subf %add3A_35, %mul3A_39 : vector<128x8192xf32>
      %ne3A = vector.broadcast %get3A_11 : vector<128x1xi32> to vector<128x8192xi32>
      %ne3A_40 = vector.broadcast %get3A_29 : vector<1x8192xi32> to vector<128x8192xi32>
      %ne3A_41 = arith.cmpi ne, %ne3A, %ne3A_40 : vector<128x8192xi32>
      %jit3A = arith.constant 1.000000e+30 : f32
      %broadcast_in_dim3A_42 = vector.broadcast %jit3A : f32 to vector<128x8192xf32>
      %select_n3A = arith.select %ne3A_41, %broadcast_in_dim3A_42, %sub3A : vector<128x8192xi1>, vector<128x8192xf32>
      %iota3A = tpu.iota {dimensions = array<i32: 1>} : vector<128x8192xi32>
      %add3A_43 = arith.constant 0 : i32
      %add3A_44 = vector.broadcast %add3A_43 : i32 to vector<128x8192xi32>
      %add3A_45 = arith.addi %iota3A, %add3A_44 : vector<128x8192xi32>
      %reduce_min3A = arith.constant dense<0x7F800000> : vector<128xf32>
      %reduce_min3A_46 = vector.multi_reduction <minimumf>, %select_n3A, %reduce_min3A [1] : vector<128x8192xf32> to vector<128xf32>
      %broadcast_in_dim3A_47 = vector.shape_cast %reduce_min3A_46 : vector<128xf32> to vector<128x1xf32>
      %le3A = vector.broadcast %broadcast_in_dim3A_47 : vector<128x1xf32> to vector<128x8192xf32>
      %le3A_48 = arith.cmpf ole, %select_n3A, %le3A : vector<128x8192xf32>
      %jit3A_49 = arith.constant 8192 : i32
      %broadcast_in_dim3A_50 = vector.broadcast %jit3A_49 : i32 to vector<128x8192xi32>
      %select_n3A_51 = arith.select %le3A_48, %add3A_45, %broadcast_in_dim3A_50 : vector<128x8192xi1>, vector<128x8192xi32>
      %reduce_min3A_52 = arith.constant dense<2147483647> : vector<128xi32>
      %reduce_min3A_53 = vector.multi_reduction <minsi>, %select_n3A_51, %reduce_min3A_52 [1] : vector<128x8192xi32> to vector<128xi32>
      %broadcast_in_dim3A_54 = vector.shape_cast %reduce_min3A_53 : vector<128xi32> to vector<128x1xi32>
      %eq3A_55 = vector.broadcast %broadcast_in_dim3A_54 : vector<128x1xi32> to vector<128x8192xi32>
      %eq3A_56 = arith.cmpi eq, %add3A_45, %eq3A_55 : vector<128x8192xi32>
      %jit3A_57 = arith.constant 2.000000e+30 : f32
      %broadcast_in_dim3A_58 = vector.broadcast %jit3A_57 : f32 to vector<128x8192xf32>
      %select_n3A_59 = arith.select %eq3A_56, %broadcast_in_dim3A_58, %select_n3A : vector<128x8192xi1>, vector<128x8192xf32>
      %reduce_min3A_60 = arith.constant dense<0x7F800000> : vector<128xf32>
      %reduce_min3A_61 = vector.multi_reduction <minimumf>, %select_n3A_59, %reduce_min3A_60 [1] : vector<128x8192xf32> to vector<128xf32>
      %broadcast_in_dim3A_62 = vector.shape_cast %reduce_min3A_61 : vector<128xf32> to vector<128x1xf32>
      %le3A_63 = vector.broadcast %broadcast_in_dim3A_62 : vector<128x1xf32> to vector<128x8192xf32>
      %le3A_64 = arith.cmpf ole, %select_n3A_59, %le3A_63 : vector<128x8192xf32>
      %jit3A_65 = arith.constant 8192 : i32
      %broadcast_in_dim3A_66 = vector.broadcast %jit3A_65 : i32 to vector<128x8192xi32>
      %select_n3A_67 = arith.select %le3A_64, %add3A_45, %broadcast_in_dim3A_66 : vector<128x8192xi1>, vector<128x8192xi32>
      %reduce_min3A_68 = arith.constant dense<2147483647> : vector<128xi32>
      %reduce_min3A_69 = vector.multi_reduction <minsi>, %select_n3A_67, %reduce_min3A_68 [1] : vector<128x8192xi32> to vector<128xi32>
      %broadcast_in_dim3A_70 = vector.shape_cast %reduce_min3A_69 : vector<128xi32> to vector<128x1xi32>
      %eq3A_71 = vector.broadcast %broadcast_in_dim3A_70 : vector<128x1xi32> to vector<128x8192xi32>
      %eq3A_72 = arith.cmpi eq, %add3A_45, %eq3A_71 : vector<128x8192xi32>
      %jit3A_73 = arith.constant 2.000000e+30 : f32
      %broadcast_in_dim3A_74 = vector.broadcast %jit3A_73 : f32 to vector<128x8192xf32>
      %select_n3A_75 = arith.select %eq3A_72, %broadcast_in_dim3A_74, %select_n3A_59 : vector<128x8192xi1>, vector<128x8192xf32>
      %reduce_min3A_76 = arith.constant dense<0x7F800000> : vector<128xf32>
      %reduce_min3A_77 = vector.multi_reduction <minimumf>, %select_n3A_75, %reduce_min3A_76 [1] : vector<128x8192xf32> to vector<128xf32>
      %broadcast_in_dim3A_78 = vector.shape_cast %reduce_min3A_77 : vector<128xf32> to vector<128x1xf32>
      %le3A_79 = vector.broadcast %broadcast_in_dim3A_78 : vector<128x1xf32> to vector<128x8192xf32>
      %le3A_80 = arith.cmpf ole, %select_n3A_75, %le3A_79 : vector<128x8192xf32>
      %jit3A_81 = arith.constant 8192 : i32
      %broadcast_in_dim3A_82 = vector.broadcast %jit3A_81 : i32 to vector<128x8192xi32>
      %select_n3A_83 = arith.select %le3A_80, %add3A_45, %broadcast_in_dim3A_82 : vector<128x8192xi1>, vector<128x8192xi32>
      %reduce_min3A_84 = arith.constant dense<2147483647> : vector<128xi32>
      %reduce_min3A_85 = vector.multi_reduction <minsi>, %select_n3A_83, %reduce_min3A_84 [1] : vector<128x8192xi32> to vector<128xi32>
      %broadcast_in_dim3A_86 = vector.shape_cast %reduce_min3A_85 : vector<128xi32> to vector<128x1xi32>
      %eq3A_87 = vector.broadcast %broadcast_in_dim3A_86 : vector<128x1xi32> to vector<128x8192xi32>
      %eq3A_88 = arith.cmpi eq, %add3A_45, %eq3A_87 : vector<128x8192xi32>
      %jit3A_89 = arith.constant 2.000000e+30 : f32
      %broadcast_in_dim3A_90 = vector.broadcast %jit3A_89 : f32 to vector<128x8192xf32>
      %select_n3A_91 = arith.select %eq3A_88, %broadcast_in_dim3A_90, %select_n3A_75 : vector<128x8192xi1>, vector<128x8192xf32>
      %reduce_min3A_92 = arith.constant dense<0x7F800000> : vector<128xf32>
      %reduce_min3A_93 = vector.multi_reduction <minimumf>, %select_n3A_91, %reduce_min3A_92 [1] : vector<128x8192xf32> to vector<128xf32>
      %broadcast_in_dim3A_94 = vector.shape_cast %reduce_min3A_93 : vector<128xf32> to vector<128x1xf32>
      %le3A_95 = vector.broadcast %broadcast_in_dim3A_94 : vector<128x1xf32> to vector<128x8192xf32>
      %le3A_96 = arith.cmpf ole, %select_n3A_91, %le3A_95 : vector<128x8192xf32>
      %jit3A_97 = arith.constant 8192 : i32
      %broadcast_in_dim3A_98 = vector.broadcast %jit3A_97 : i32 to vector<128x8192xi32>
      %select_n3A_99 = arith.select %le3A_96, %add3A_45, %broadcast_in_dim3A_98 : vector<128x8192xi1>, vector<128x8192xi32>
      %reduce_min3A_100 = arith.constant dense<2147483647> : vector<128xi32>
      %reduce_min3A_101 = vector.multi_reduction <minsi>, %select_n3A_99, %reduce_min3A_100 [1] : vector<128x8192xi32> to vector<128xi32>
      %broadcast_in_dim3A_102 = vector.shape_cast %reduce_min3A_101 : vector<128xi32> to vector<128x1xi32>
      %eq3A_103 = vector.broadcast %broadcast_in_dim3A_102 : vector<128x1xi32> to vector<128x8192xi32>
      %eq3A_104 = arith.cmpi eq, %add3A_45, %eq3A_103 : vector<128x8192xi32>
      %jit3A_105 = arith.constant 2.000000e+30 : f32
      %broadcast_in_dim3A_106 = vector.broadcast %jit3A_105 : f32 to vector<128x8192xf32>
      %select_n3A_107 = arith.select %eq3A_104, %broadcast_in_dim3A_106, %select_n3A_91 : vector<128x8192xi1>, vector<128x8192xf32>
      %reduce_min3A_108 = arith.constant dense<0x7F800000> : vector<128xf32>
      %reduce_min3A_109 = vector.multi_reduction <minimumf>, %select_n3A_107, %reduce_min3A_108 [1] : vector<128x8192xf32> to vector<128xf32>
      %broadcast_in_dim3A_110 = vector.shape_cast %reduce_min3A_109 : vector<128xf32> to vector<128x1xf32>
      %le3A_111 = vector.broadcast %broadcast_in_dim3A_110 : vector<128x1xf32> to vector<128x8192xf32>
      %le3A_112 = arith.cmpf ole, %select_n3A_107, %le3A_111 : vector<128x8192xf32>
      %jit3A_113 = arith.constant 8192 : i32
      %broadcast_in_dim3A_114 = vector.broadcast %jit3A_113 : i32 to vector<128x8192xi32>
      %select_n3A_115 = arith.select %le3A_112, %add3A_45, %broadcast_in_dim3A_114 : vector<128x8192xi1>, vector<128x8192xi32>
      %reduce_min3A_116 = arith.constant dense<2147483647> : vector<128xi32>
      %reduce_min3A_117 = vector.multi_reduction <minsi>, %select_n3A_115, %reduce_min3A_116 [1] : vector<128x8192xi32> to vector<128xi32>
      %broadcast_in_dim3A_118 = vector.shape_cast %reduce_min3A_117 : vector<128xi32> to vector<128x1xi32>
      %eq3A_119 = vector.broadcast %broadcast_in_dim3A_118 : vector<128x1xi32> to vector<128x8192xi32>
      %eq3A_120 = arith.cmpi eq, %add3A_45, %eq3A_119 : vector<128x8192xi32>
      %jit3A_121 = arith.constant 2.000000e+30 : f32
      %broadcast_in_dim3A_122 = vector.broadcast %jit3A_121 : f32 to vector<128x8192xf32>
      %select_n3A_123 = arith.select %eq3A_120, %broadcast_in_dim3A_122, %select_n3A_107 : vector<128x8192xi1>, vector<128x8192xf32>
      %reduce_min3A_124 = arith.constant dense<0x7F800000> : vector<128xf32>
      %reduce_min3A_125 = vector.multi_reduction <minimumf>, %select_n3A_123, %reduce_min3A_124 [1] : vector<128x8192xf32> to vector<128xf32>
      %broadcast_in_dim3A_126 = vector.shape_cast %reduce_min3A_125 : vector<128xf32> to vector<128x1xf32>
      %le3A_127 = vector.broadcast %broadcast_in_dim3A_126 : vector<128x1xf32> to vector<128x8192xf32>
      %le3A_128 = arith.cmpf ole, %select_n3A_123, %le3A_127 : vector<128x8192xf32>
      %jit3A_129 = arith.constant 8192 : i32
      %broadcast_in_dim3A_130 = vector.broadcast %jit3A_129 : i32 to vector<128x8192xi32>
      %select_n3A_131 = arith.select %le3A_128, %add3A_45, %broadcast_in_dim3A_130 : vector<128x8192xi1>, vector<128x8192xi32>
      %reduce_min3A_132 = arith.constant dense<2147483647> : vector<128xi32>
      %reduce_min3A_133 = vector.multi_reduction <minsi>, %select_n3A_131, %reduce_min3A_132 [1] : vector<128x8192xi32> to vector<128xi32>
      %broadcast_in_dim3A_134 = vector.shape_cast %reduce_min3A_133 : vector<128xi32> to vector<128x1xi32>
      %eq3A_135 = vector.broadcast %broadcast_in_dim3A_134 : vector<128x1xi32> to vector<128x8192xi32>
      %eq3A_136 = arith.cmpi eq, %add3A_45, %eq3A_135 : vector<128x8192xi32>
      %jit3A_137 = arith.constant 2.000000e+30 : f32
      %broadcast_in_dim3A_138 = vector.broadcast %jit3A_137 : f32 to vector<128x8192xf32>
      %select_n3A_139 = arith.select %eq3A_136, %broadcast_in_dim3A_138, %select_n3A_123 : vector<128x8192xi1>, vector<128x8192xf32>
      %reduce_min3A_140 = arith.constant dense<0x7F800000> : vector<128xf32>
      %reduce_min3A_141 = vector.multi_reduction <minimumf>, %select_n3A_139, %reduce_min3A_140 [1] : vector<128x8192xf32> to vector<128xf32>
      %broadcast_in_dim3A_142 = vector.shape_cast %reduce_min3A_141 : vector<128xf32> to vector<128x1xf32>
      %le3A_143 = vector.broadcast %broadcast_in_dim3A_142 : vector<128x1xf32> to vector<128x8192xf32>
      %le3A_144 = arith.cmpf ole, %select_n3A_139, %le3A_143 : vector<128x8192xf32>
      %jit3A_145 = arith.constant 8192 : i32
      %broadcast_in_dim3A_146 = vector.broadcast %jit3A_145 : i32 to vector<128x8192xi32>
      %select_n3A_147 = arith.select %le3A_144, %add3A_45, %broadcast_in_dim3A_146 : vector<128x8192xi1>, vector<128x8192xi32>
      %reduce_min3A_148 = arith.constant dense<2147483647> : vector<128xi32>
      %reduce_min3A_149 = vector.multi_reduction <minsi>, %select_n3A_147, %reduce_min3A_148 [1] : vector<128x8192xi32> to vector<128xi32>
      %broadcast_in_dim3A_150 = vector.shape_cast %reduce_min3A_149 : vector<128xi32> to vector<128x1xi32>
      %eq3A_151 = vector.broadcast %broadcast_in_dim3A_150 : vector<128x1xi32> to vector<128x8192xi32>
      %eq3A_152 = arith.cmpi eq, %add3A_45, %eq3A_151 : vector<128x8192xi32>
      %jit3A_153 = arith.constant 2.000000e+30 : f32
      %broadcast_in_dim3A_154 = vector.broadcast %jit3A_153 : f32 to vector<128x8192xf32>
      %select_n3A_155 = arith.select %eq3A_152, %broadcast_in_dim3A_154, %select_n3A_139 : vector<128x8192xi1>, vector<128x8192xf32>
      %reduce_min3A_156 = arith.constant dense<0x7F800000> : vector<128xf32>
      %reduce_min3A_157 = vector.multi_reduction <minimumf>, %select_n3A_155, %reduce_min3A_156 [1] : vector<128x8192xf32> to vector<128xf32>
      %broadcast_in_dim3A_158 = vector.shape_cast %reduce_min3A_157 : vector<128xf32> to vector<128x1xf32>
      %le3A_159 = vector.broadcast %broadcast_in_dim3A_158 : vector<128x1xf32> to vector<128x8192xf32>
      %le3A_160 = arith.cmpf ole, %select_n3A_155, %le3A_159 : vector<128x8192xf32>
      %jit3A_161 = arith.constant 8192 : i32
      %broadcast_in_dim3A_162 = vector.broadcast %jit3A_161 : i32 to vector<128x8192xi32>
      %select_n3A_163 = arith.select %le3A_160, %add3A_45, %broadcast_in_dim3A_162 : vector<128x8192xi1>, vector<128x8192xi32>
      %reduce_min3A_164 = arith.constant dense<2147483647> : vector<128xi32>
      %reduce_min3A_165 = vector.multi_reduction <minsi>, %select_n3A_163, %reduce_min3A_164 [1] : vector<128x8192xi32> to vector<128xi32>
      %broadcast_in_dim3A_166 = vector.shape_cast %reduce_min3A_165 : vector<128xi32> to vector<128x1xi32>
      %eq3A_167 = vector.broadcast %broadcast_in_dim3A_166 : vector<128x1xi32> to vector<128x8192xi32>
      %eq3A_168 = arith.cmpi eq, %add3A_45, %eq3A_167 : vector<128x8192xi32>
      %jit3A_169 = arith.constant 2.000000e+30 : f32
      %broadcast_in_dim3A_170 = vector.broadcast %jit3A_169 : f32 to vector<128x8192xf32>
      %select_n3A_171 = arith.select %eq3A_168, %broadcast_in_dim3A_170, %select_n3A_155 : vector<128x8192xi1>, vector<128x8192xf32>
      %reduce_min3A_172 = arith.constant dense<0x7F800000> : vector<128xf32>
      %reduce_min3A_173 = vector.multi_reduction <minimumf>, %select_n3A_171, %reduce_min3A_172 [1] : vector<128x8192xf32> to vector<128xf32>
      %broadcast_in_dim3A_174 = vector.shape_cast %reduce_min3A_173 : vector<128xf32> to vector<128x1xf32>
      %le3A_175 = vector.broadcast %broadcast_in_dim3A_174 : vector<128x1xf32> to vector<128x8192xf32>
      %le3A_176 = arith.cmpf ole, %select_n3A_171, %le3A_175 : vector<128x8192xf32>
      %jit3A_177 = arith.constant 8192 : i32
      %broadcast_in_dim3A_178 = vector.broadcast %jit3A_177 : i32 to vector<128x8192xi32>
      %select_n3A_179 = arith.select %le3A_176, %add3A_45, %broadcast_in_dim3A_178 : vector<128x8192xi1>, vector<128x8192xi32>
      %reduce_min3A_180 = arith.constant dense<2147483647> : vector<128xi32>
      %reduce_min3A_181 = vector.multi_reduction <minsi>, %select_n3A_179, %reduce_min3A_180 [1] : vector<128x8192xi32> to vector<128xi32>
      %broadcast_in_dim3A_182 = vector.shape_cast %reduce_min3A_181 : vector<128xi32> to vector<128x1xi32>
      %eq3A_183 = vector.broadcast %broadcast_in_dim3A_182 : vector<128x1xi32> to vector<128x8192xi32>
      %eq3A_184 = arith.cmpi eq, %add3A_45, %eq3A_183 : vector<128x8192xi32>
      %jit3A_185 = arith.constant 2.000000e+30 : f32
      %broadcast_in_dim3A_186 = vector.broadcast %jit3A_185 : f32 to vector<128x8192xf32>
      %select_n3A_187 = arith.select %eq3A_184, %broadcast_in_dim3A_186, %select_n3A_171 : vector<128x8192xi1>, vector<128x8192xf32>
      %reduce_min3A_188 = arith.constant dense<0x7F800000> : vector<128xf32>
      %reduce_min3A_189 = vector.multi_reduction <minimumf>, %select_n3A_187, %reduce_min3A_188 [1] : vector<128x8192xf32> to vector<128xf32>
      %broadcast_in_dim3A_190 = vector.shape_cast %reduce_min3A_189 : vector<128xf32> to vector<128x1xf32>
      %le3A_191 = vector.broadcast %broadcast_in_dim3A_190 : vector<128x1xf32> to vector<128x8192xf32>
      %le3A_192 = arith.cmpf ole, %select_n3A_187, %le3A_191 : vector<128x8192xf32>
      %jit3A_193 = arith.constant 8192 : i32
      %broadcast_in_dim3A_194 = vector.broadcast %jit3A_193 : i32 to vector<128x8192xi32>
      %select_n3A_195 = arith.select %le3A_192, %add3A_45, %broadcast_in_dim3A_194 : vector<128x8192xi1>, vector<128x8192xi32>
      %reduce_min3A_196 = arith.constant dense<2147483647> : vector<128xi32>
      %reduce_min3A_197 = vector.multi_reduction <minsi>, %select_n3A_195, %reduce_min3A_196 [1] : vector<128x8192xi32> to vector<128xi32>
      %broadcast_in_dim3A_198 = vector.shape_cast %reduce_min3A_197 : vector<128xi32> to vector<128x1xi32>
      %eq3A_199 = vector.broadcast %broadcast_in_dim3A_198 : vector<128x1xi32> to vector<128x8192xi32>
      %eq3A_200 = arith.cmpi eq, %add3A_45, %eq3A_199 : vector<128x8192xi32>
      %jit3A_201 = arith.constant 2.000000e+30 : f32
      %broadcast_in_dim3A_202 = vector.broadcast %jit3A_201 : f32 to vector<128x8192xf32>
      %select_n3A_203 = arith.select %eq3A_200, %broadcast_in_dim3A_202, %select_n3A_187 : vector<128x8192xi1>, vector<128x8192xf32>
      %reduce_min3A_204 = arith.constant dense<0x7F800000> : vector<128xf32>
      %reduce_min3A_205 = vector.multi_reduction <minimumf>, %select_n3A_203, %reduce_min3A_204 [1] : vector<128x8192xf32> to vector<128xf32>
      %broadcast_in_dim3A_206 = vector.shape_cast %reduce_min3A_205 : vector<128xf32> to vector<128x1xf32>
      %le3A_207 = vector.broadcast %broadcast_in_dim3A_206 : vector<128x1xf32> to vector<128x8192xf32>
      %le3A_208 = arith.cmpf ole, %select_n3A_203, %le3A_207 : vector<128x8192xf32>
      %jit3A_209 = arith.constant 8192 : i32
      %broadcast_in_dim3A_210 = vector.broadcast %jit3A_209 : i32 to vector<128x8192xi32>
      %select_n3A_211 = arith.select %le3A_208, %add3A_45, %broadcast_in_dim3A_210 : vector<128x8192xi1>, vector<128x8192xi32>
      %reduce_min3A_212 = arith.constant dense<2147483647> : vector<128xi32>
      %reduce_min3A_213 = vector.multi_reduction <minsi>, %select_n3A_211, %reduce_min3A_212 [1] : vector<128x8192xi32> to vector<128xi32>
      %broadcast_in_dim3A_214 = vector.shape_cast %reduce_min3A_213 : vector<128xi32> to vector<128x1xi32>
      %eq3A_215 = vector.broadcast %broadcast_in_dim3A_214 : vector<128x1xi32> to vector<128x8192xi32>
      %eq3A_216 = arith.cmpi eq, %add3A_45, %eq3A_215 : vector<128x8192xi32>
      %jit3A_217 = arith.constant 2.000000e+30 : f32
      %broadcast_in_dim3A_218 = vector.broadcast %jit3A_217 : f32 to vector<128x8192xf32>
      %select_n3A_219 = arith.select %eq3A_216, %broadcast_in_dim3A_218, %select_n3A_203 : vector<128x8192xi1>, vector<128x8192xf32>
      %reduce_min3A_220 = arith.constant dense<0x7F800000> : vector<128xf32>
      %reduce_min3A_221 = vector.multi_reduction <minimumf>, %select_n3A_219, %reduce_min3A_220 [1] : vector<128x8192xf32> to vector<128xf32>
      %broadcast_in_dim3A_222 = vector.shape_cast %reduce_min3A_221 : vector<128xf32> to vector<128x1xf32>
      %le3A_223 = vector.broadcast %broadcast_in_dim3A_222 : vector<128x1xf32> to vector<128x8192xf32>
      %le3A_224 = arith.cmpf ole, %select_n3A_219, %le3A_223 : vector<128x8192xf32>
      %jit3A_225 = arith.constant 8192 : i32
      %broadcast_in_dim3A_226 = vector.broadcast %jit3A_225 : i32 to vector<128x8192xi32>
      %select_n3A_227 = arith.select %le3A_224, %add3A_45, %broadcast_in_dim3A_226 : vector<128x8192xi1>, vector<128x8192xi32>
      %reduce_min3A_228 = arith.constant dense<2147483647> : vector<128xi32>
      %reduce_min3A_229 = vector.multi_reduction <minsi>, %select_n3A_227, %reduce_min3A_228 [1] : vector<128x8192xi32> to vector<128xi32>
      %broadcast_in_dim3A_230 = vector.shape_cast %reduce_min3A_229 : vector<128xi32> to vector<128x1xi32>
      %eq3A_231 = vector.broadcast %broadcast_in_dim3A_230 : vector<128x1xi32> to vector<128x8192xi32>
      %eq3A_232 = arith.cmpi eq, %add3A_45, %eq3A_231 : vector<128x8192xi32>
      %jit3A_233 = arith.constant 2.000000e+30 : f32
      %broadcast_in_dim3A_234 = vector.broadcast %jit3A_233 : f32 to vector<128x8192xf32>
      %select_n3A_235 = arith.select %eq3A_232, %broadcast_in_dim3A_234, %select_n3A_219 : vector<128x8192xi1>, vector<128x8192xf32>
      %reduce_min3A_236 = arith.constant dense<0x7F800000> : vector<128xf32>
      %reduce_min3A_237 = vector.multi_reduction <minimumf>, %select_n3A_235, %reduce_min3A_236 [1] : vector<128x8192xf32> to vector<128xf32>
      %broadcast_in_dim3A_238 = vector.shape_cast %reduce_min3A_237 : vector<128xf32> to vector<128x1xf32>
      %le3A_239 = vector.broadcast %broadcast_in_dim3A_238 : vector<128x1xf32> to vector<128x8192xf32>
      %le3A_240 = arith.cmpf ole, %select_n3A_235, %le3A_239 : vector<128x8192xf32>
      %jit3A_241 = arith.constant 8192 : i32
      %broadcast_in_dim3A_242 = vector.broadcast %jit3A_241 : i32 to vector<128x8192xi32>
      %select_n3A_243 = arith.select %le3A_240, %add3A_45, %broadcast_in_dim3A_242 : vector<128x8192xi1>, vector<128x8192xi32>
      %reduce_min3A_244 = arith.constant dense<2147483647> : vector<128xi32>
      %reduce_min3A_245 = vector.multi_reduction <minsi>, %select_n3A_243, %reduce_min3A_244 [1] : vector<128x8192xi32> to vector<128xi32>
      %broadcast_in_dim3A_246 = vector.shape_cast %reduce_min3A_245 : vector<128xi32> to vector<128x1xi32>
      %eq3A_247 = vector.broadcast %broadcast_in_dim3A_246 : vector<128x1xi32> to vector<128x8192xi32>
      %eq3A_248 = arith.cmpi eq, %add3A_45, %eq3A_247 : vector<128x8192xi32>
      %jit3A_249 = arith.constant 2.000000e+30 : f32
      %broadcast_in_dim3A_250 = vector.broadcast %jit3A_249 : f32 to vector<128x8192xf32>
      %select_n3A_251 = arith.select %eq3A_248, %broadcast_in_dim3A_250, %select_n3A_235 : vector<128x8192xi1>, vector<128x8192xf32>
      %reduce_min3A_252 = arith.constant dense<0x7F800000> : vector<128xf32>
      %reduce_min3A_253 = vector.multi_reduction <minimumf>, %select_n3A_251, %reduce_min3A_252 [1] : vector<128x8192xf32> to vector<128xf32>
      %broadcast_in_dim3A_254 = vector.shape_cast %reduce_min3A_253 : vector<128xf32> to vector<128x1xf32>
      %le3A_255 = vector.broadcast %broadcast_in_dim3A_254 : vector<128x1xf32> to vector<128x8192xf32>
      %le3A_256 = arith.cmpf ole, %select_n3A_251, %le3A_255 : vector<128x8192xf32>
      %jit3A_257 = arith.constant 8192 : i32
      %broadcast_in_dim3A_258 = vector.broadcast %jit3A_257 : i32 to vector<128x8192xi32>
      %select_n3A_259 = arith.select %le3A_256, %add3A_45, %broadcast_in_dim3A_258 : vector<128x8192xi1>, vector<128x8192xi32>
      %reduce_min3A_260 = arith.constant dense<2147483647> : vector<128xi32>
      %reduce_min3A_261 = vector.multi_reduction <minsi>, %select_n3A_259, %reduce_min3A_260 [1] : vector<128x8192xi32> to vector<128xi32>
      %broadcast_in_dim3A_262 = vector.shape_cast %reduce_min3A_261 : vector<128xi32> to vector<128x1xi32>
      %eq3A_263 = vector.broadcast %broadcast_in_dim3A_262 : vector<128x1xi32> to vector<128x8192xi32>
      %eq3A_264 = arith.cmpi eq, %add3A_45, %eq3A_263 : vector<128x8192xi32>
      %jit3A_265 = arith.constant 2.000000e+30 : f32
      %broadcast_in_dim3A_266 = vector.broadcast %jit3A_265 : f32 to vector<128x8192xf32>
      %select_n3A_267 = arith.select %eq3A_264, %broadcast_in_dim3A_266, %select_n3A_251 : vector<128x8192xi1>, vector<128x8192xf32>
      %reduce_min3A_268 = arith.constant dense<0x7F800000> : vector<128xf32>
      %reduce_min3A_269 = vector.multi_reduction <minimumf>, %select_n3A_267, %reduce_min3A_268 [1] : vector<128x8192xf32> to vector<128xf32>
      %broadcast_in_dim3A_270 = vector.shape_cast %reduce_min3A_269 : vector<128xf32> to vector<128x1xf32>
      %le3A_271 = vector.broadcast %broadcast_in_dim3A_270 : vector<128x1xf32> to vector<128x8192xf32>
      %le3A_272 = arith.cmpf ole, %select_n3A_267, %le3A_271 : vector<128x8192xf32>
      %jit3A_273 = arith.constant 8192 : i32
      %broadcast_in_dim3A_274 = vector.broadcast %jit3A_273 : i32 to vector<128x8192xi32>
      %select_n3A_275 = arith.select %le3A_272, %add3A_45, %broadcast_in_dim3A_274 : vector<128x8192xi1>, vector<128x8192xi32>
      %reduce_min3A_276 = arith.constant dense<2147483647> : vector<128xi32>
      %reduce_min3A_277 = vector.multi_reduction <minsi>, %select_n3A_275, %reduce_min3A_276 [1] : vector<128x8192xi32> to vector<128xi32>
      %broadcast_in_dim3A_278 = vector.shape_cast %reduce_min3A_277 : vector<128xi32> to vector<128x1xi32>
      %eq3A_279 = vector.broadcast %broadcast_in_dim3A_278 : vector<128x1xi32> to vector<128x8192xi32>
      %eq3A_280 = arith.cmpi eq, %add3A_45, %eq3A_279 : vector<128x8192xi32>
      %jit3A_281 = arith.constant 2.000000e+30 : f32
      %broadcast_in_dim3A_282 = vector.broadcast %jit3A_281 : f32 to vector<128x8192xf32>
      %select_n3A_283 = arith.select %eq3A_280, %broadcast_in_dim3A_282, %select_n3A_267 : vector<128x8192xi1>, vector<128x8192xf32>
      %reduce_min3A_284 = arith.constant dense<0x7F800000> : vector<128xf32>
      %reduce_min3A_285 = vector.multi_reduction <minimumf>, %select_n3A_283, %reduce_min3A_284 [1] : vector<128x8192xf32> to vector<128xf32>
      %broadcast_in_dim3A_286 = vector.shape_cast %reduce_min3A_285 : vector<128xf32> to vector<128x1xf32>
      %le3A_287 = vector.broadcast %broadcast_in_dim3A_286 : vector<128x1xf32> to vector<128x8192xf32>
      %le3A_288 = arith.cmpf ole, %select_n3A_283, %le3A_287 : vector<128x8192xf32>
      %jit3A_289 = arith.constant 8192 : i32
      %broadcast_in_dim3A_290 = vector.broadcast %jit3A_289 : i32 to vector<128x8192xi32>
      %select_n3A_291 = arith.select %le3A_288, %add3A_45, %broadcast_in_dim3A_290 : vector<128x8192xi1>, vector<128x8192xi32>
      %reduce_min3A_292 = arith.constant dense<2147483647> : vector<128xi32>
      %reduce_min3A_293 = vector.multi_reduction <minsi>, %select_n3A_291, %reduce_min3A_292 [1] : vector<128x8192xi32> to vector<128xi32>
      %broadcast_in_dim3A_294 = vector.shape_cast %reduce_min3A_293 : vector<128xi32> to vector<128x1xi32>
      %eq3A_295 = vector.broadcast %broadcast_in_dim3A_294 : vector<128x1xi32> to vector<128x8192xi32>
      %eq3A_296 = arith.cmpi eq, %add3A_45, %eq3A_295 : vector<128x8192xi32>
      %jit3A_297 = arith.constant 2.000000e+30 : f32
      %broadcast_in_dim3A_298 = vector.broadcast %jit3A_297 : f32 to vector<128x8192xf32>
      %select_n3A_299 = arith.select %eq3A_296, %broadcast_in_dim3A_298, %select_n3A_283 : vector<128x8192xi1>, vector<128x8192xf32>
      %reduce_min3A_300 = arith.constant dense<0x7F800000> : vector<128xf32>
      %reduce_min3A_301 = vector.multi_reduction <minimumf>, %select_n3A_299, %reduce_min3A_300 [1] : vector<128x8192xf32> to vector<128xf32>
      %broadcast_in_dim3A_302 = vector.shape_cast %reduce_min3A_301 : vector<128xf32> to vector<128x1xf32>
      %le3A_303 = vector.broadcast %broadcast_in_dim3A_302 : vector<128x1xf32> to vector<128x8192xf32>
      %le3A_304 = arith.cmpf ole, %select_n3A_299, %le3A_303 : vector<128x8192xf32>
      %jit3A_305 = arith.constant 8192 : i32
      %broadcast_in_dim3A_306 = vector.broadcast %jit3A_305 : i32 to vector<128x8192xi32>
      %select_n3A_307 = arith.select %le3A_304, %add3A_45, %broadcast_in_dim3A_306 : vector<128x8192xi1>, vector<128x8192xi32>
      %reduce_min3A_308 = arith.constant dense<2147483647> : vector<128xi32>
      %reduce_min3A_309 = vector.multi_reduction <minsi>, %select_n3A_307, %reduce_min3A_308 [1] : vector<128x8192xi32> to vector<128xi32>
      %broadcast_in_dim3A_310 = vector.shape_cast %reduce_min3A_309 : vector<128xi32> to vector<128x1xi32>
      %eq3A_311 = vector.broadcast %broadcast_in_dim3A_310 : vector<128x1xi32> to vector<128x8192xi32>
      %eq3A_312 = arith.cmpi eq, %add3A_45, %eq3A_311 : vector<128x8192xi32>
      %jit3A_313 = arith.constant 2.000000e+30 : f32
      %broadcast_in_dim3A_314 = vector.broadcast %jit3A_313 : f32 to vector<128x8192xf32>
      %select_n3A_315 = arith.select %eq3A_312, %broadcast_in_dim3A_314, %select_n3A_299 : vector<128x8192xi1>, vector<128x8192xf32>
      %reduce_min3A_316 = arith.constant dense<0x7F800000> : vector<128xf32>
      %reduce_min3A_317 = vector.multi_reduction <minimumf>, %select_n3A_315, %reduce_min3A_316 [1] : vector<128x8192xf32> to vector<128xf32>
      %broadcast_in_dim3A_318 = vector.shape_cast %reduce_min3A_317 : vector<128xf32> to vector<128x1xf32>
      %le3A_319 = vector.broadcast %broadcast_in_dim3A_318 : vector<128x1xf32> to vector<128x8192xf32>
      %le3A_320 = arith.cmpf ole, %select_n3A_315, %le3A_319 : vector<128x8192xf32>
      %jit3A_321 = arith.constant 8192 : i32
      %broadcast_in_dim3A_322 = vector.broadcast %jit3A_321 : i32 to vector<128x8192xi32>
      %select_n3A_323 = arith.select %le3A_320, %add3A_45, %broadcast_in_dim3A_322 : vector<128x8192xi1>, vector<128x8192xi32>
      %reduce_min3A_324 = arith.constant dense<2147483647> : vector<128xi32>
      %reduce_min3A_325 = vector.multi_reduction <minsi>, %select_n3A_323, %reduce_min3A_324 [1] : vector<128x8192xi32> to vector<128xi32>
      %broadcast_in_dim3A_326 = vector.shape_cast %reduce_min3A_325 : vector<128xi32> to vector<128x1xi32>
      %eq3A_327 = vector.broadcast %broadcast_in_dim3A_326 : vector<128x1xi32> to vector<128x8192xi32>
      %eq3A_328 = arith.cmpi eq, %add3A_45, %eq3A_327 : vector<128x8192xi32>
      %jit3A_329 = arith.constant 2.000000e+30 : f32
      %broadcast_in_dim3A_330 = vector.broadcast %jit3A_329 : f32 to vector<128x8192xf32>
      %select_n3A_331 = arith.select %eq3A_328, %broadcast_in_dim3A_330, %select_n3A_315 : vector<128x8192xi1>, vector<128x8192xf32>
      %reduce_min3A_332 = arith.constant dense<0x7F800000> : vector<128xf32>
      %reduce_min3A_333 = vector.multi_reduction <minimumf>, %select_n3A_331, %reduce_min3A_332 [1] : vector<128x8192xf32> to vector<128xf32>
      %broadcast_in_dim3A_334 = vector.shape_cast %reduce_min3A_333 : vector<128xf32> to vector<128x1xf32>
      %le3A_335 = vector.broadcast %broadcast_in_dim3A_334 : vector<128x1xf32> to vector<128x8192xf32>
      %le3A_336 = arith.cmpf ole, %select_n3A_331, %le3A_335 : vector<128x8192xf32>
      %jit3A_337 = arith.constant 8192 : i32
      %broadcast_in_dim3A_338 = vector.broadcast %jit3A_337 : i32 to vector<128x8192xi32>
      %select_n3A_339 = arith.select %le3A_336, %add3A_45, %broadcast_in_dim3A_338 : vector<128x8192xi1>, vector<128x8192xi32>
      %reduce_min3A_340 = arith.constant dense<2147483647> : vector<128xi32>
      %reduce_min3A_341 = vector.multi_reduction <minsi>, %select_n3A_339, %reduce_min3A_340 [1] : vector<128x8192xi32> to vector<128xi32>
      %broadcast_in_dim3A_342 = vector.shape_cast %reduce_min3A_341 : vector<128xi32> to vector<128x1xi32>
      %eq3A_343 = vector.broadcast %broadcast_in_dim3A_342 : vector<128x1xi32> to vector<128x8192xi32>
      %eq3A_344 = arith.cmpi eq, %add3A_45, %eq3A_343 : vector<128x8192xi32>
      %jit3A_345 = arith.constant 2.000000e+30 : f32
      %broadcast_in_dim3A_346 = vector.broadcast %jit3A_345 : f32 to vector<128x8192xf32>
      %select_n3A_347 = arith.select %eq3A_344, %broadcast_in_dim3A_346, %select_n3A_331 : vector<128x8192xi1>, vector<128x8192xf32>
      %reduce_min3A_348 = arith.constant dense<0x7F800000> : vector<128xf32>
      %reduce_min3A_349 = vector.multi_reduction <minimumf>, %select_n3A_347, %reduce_min3A_348 [1] : vector<128x8192xf32> to vector<128xf32>
      %broadcast_in_dim3A_350 = vector.shape_cast %reduce_min3A_349 : vector<128xf32> to vector<128x1xf32>
      %le3A_351 = vector.broadcast %broadcast_in_dim3A_350 : vector<128x1xf32> to vector<128x8192xf32>
      %le3A_352 = arith.cmpf ole, %select_n3A_347, %le3A_351 : vector<128x8192xf32>
      %jit3A_353 = arith.constant 8192 : i32
      %broadcast_in_dim3A_354 = vector.broadcast %jit3A_353 : i32 to vector<128x8192xi32>
      %select_n3A_355 = arith.select %le3A_352, %add3A_45, %broadcast_in_dim3A_354 : vector<128x8192xi1>, vector<128x8192xi32>
      %reduce_min3A_356 = arith.constant dense<2147483647> : vector<128xi32>
      %reduce_min3A_357 = vector.multi_reduction <minsi>, %select_n3A_355, %reduce_min3A_356 [1] : vector<128x8192xi32> to vector<128xi32>
      %broadcast_in_dim3A_358 = vector.shape_cast %reduce_min3A_357 : vector<128xi32> to vector<128x1xi32>
      %concatenate3A = tpu.concatenate %broadcast_in_dim3A_54, %broadcast_in_dim3A_70, %broadcast_in_dim3A_86, %broadcast_in_dim3A_102, %broadcast_in_dim3A_118, %broadcast_in_dim3A_134, %broadcast_in_dim3A_150, %broadcast_in_dim3A_166, %broadcast_in_dim3A_182, %broadcast_in_dim3A_198, %broadcast_in_dim3A_214, %broadcast_in_dim3A_230, %broadcast_in_dim3A_246, %broadcast_in_dim3A_262, %broadcast_in_dim3A_278, %broadcast_in_dim3A_294, %broadcast_in_dim3A_310, %broadcast_in_dim3A_326, %broadcast_in_dim3A_342, %broadcast_in_dim3A_358 in 1 : vector<128x1xi32>, vector<128x1xi32>, vector<128x1xi32>, vector<128x1xi32>, vector<128x1xi32>, vector<128x1xi32>, vector<128x1xi32>, vector<128x1xi32>, vector<128x1xi32>, vector<128x1xi32>, vector<128x1xi32>, vector<128x1xi32>, vector<128x1xi32>, vector<128x1xi32>, vector<128x1xi32>, vector<128x1xi32>, vector<128x1xi32>, vector<128x1xi32>, vector<128x1xi32>, vector<128x1xi32> -> vector<128x20xi32>
      %swap3A = arith.constant 0 : index
      %swap3A_359 = arith.constant 0 : index
      %swap3A_360 = vector.load %arg6[%swap3A, %swap3A_359] : memref<128x20xi32, #tpu.memory_space<vmem>>, vector<128x20xi32>
      tpu.vector_store %arg6[%swap3A, %swap3A_359], %concatenate3A {strides = array<i32>} : memref<128x20xi32, #tpu.memory_space<vmem>>, vector<128x20xi32>,
    } else {
    }
    return
  }
  func.func @transform_0(%arg0: i32, %arg1: memref<2x64xi32, #tpu.memory_space<smem>>) -> (i32, i32) {
    %c0_i32 = arith.constant 0 : i32
    %c0_i32_0 = arith.constant 0 : i32
    return %arg0, %c0_i32 : i32, i32
  }
  func.func @transform_1(%arg0: i32, %arg1: memref<2x64xi32, #tpu.memory_space<smem>>) -> (i32, i32) {
    %c0_i32 = arith.constant 0 : i32
    %c0_i32_0 = arith.constant 0 : i32
    %c0_i32_1 = arith.constant 0 : i32
    return %c0_i32, %c0_i32_0 : i32, i32
  }
  func.func @transform_2(%arg0: i32, %arg1: memref<2x64xi32, #tpu.memory_space<smem>>) -> (i32, i32) {
    %c0_i32 = arith.constant 0 : i32
    %c0_i32_0 = arith.constant 0 : i32
    return %arg0, %c0_i32 : i32, i32
  }
  func.func @transform_3(%arg0: i32, %arg1: memref<2x64xi32, #tpu.memory_space<smem>>) -> (i32, i32) {
    %c0_i32 = arith.constant 0 : i32
    %c0_i32_0 = arith.constant 0 : i32
    %c0_i32_1 = arith.constant 0 : i32
    return %c0_i32, %c0_i32_0 : i32, i32
  }
  func.func @transform_4(%arg0: i32, %arg1: memref<2x64xi32, #tpu.memory_space<smem>>) -> (i32, i32) {
    %c0_i32 = arith.constant 0 : i32
    %c0_i32_0 = arith.constant 0 : i32
    return %arg0, %c0_i32 : i32, i32
  }
}

module attributes {stable_mosaic.version = 14 : i64} {
  func.func @_stats1_body(%arg0: i32, %arg1: i32, %arg2: memref<1x1024x16xf32, #tpu.memory_space<vmem>>, %arg3: memref<1024x16xf32, #tpu.memory_space<vmem>>, %arg4: memref<16x64xf32, #tpu.memory_space<vmem>>, %arg5: memref<16x64xf32, #tpu.memory_space<vmem>>, %arg6: memref<1x64xf32, #tpu.memory_space<vmem>>, %arg7: memref<1x64xf32, #tpu.memory_space<vmem>>, %arg8: memref<1x64xf32, #tpu.memory_space<vmem>>) attributes {dimension_semantics = [#tpu.dimension_semantics<arbitrary>, #tpu.dimension_semantics<arbitrary>], iteration_bounds = array<i64: 20, 8>, scalar_prefetch = 0 : i64, scratch_operands = 0 : i64, tpu.core_type = #tpu.core_type<tc>, window_params = [{transform_indices = @transform_0, window_bounds = array<i64: 1, 1024, 16>}, {transform_indices = @transform_1, window_bounds = array<i64: 1024, 16>}, {pipeline_mode = #tpu.pipeline_mode<synchronous>, transform_indices = @transform_2, window_bounds = array<i64: 16, 64>}, {pipeline_mode = #tpu.pipeline_mode<synchronous>, transform_indices = @transform_3, window_bounds = array<i64: 16, 64>}, {pipeline_mode = #tpu.pipeline_mode<synchronous>, transform_indices = @transform_4, window_bounds = array<i64: 1, 64>}, {pipeline_mode = #tpu.pipeline_mode<synchronous>, transform_indices = @transform_5, window_bounds = array<i64: 1, 64>}, {pipeline_mode = #tpu.pipeline_mode<synchronous>, transform_indices = @transform_6, window_bounds = array<i64: 1, 64>}]} {
    %eq3A = arith.constant 0 : i32
    %eq3A_0 = arith.cmpi eq, %arg0, %eq3A : i32
    %eq3A_1 = arith.constant 0 : i32
    %eq3A_2 = arith.cmpi eq, %arg1, %eq3A_1 : i32
    %and3A = arith.andi %eq3A_0, %eq3A_2 : i1
    %convert_element_type3A = arith.extui %and3A : i1 to i32
    %cond3A = arith.constant 0 : i32
    %cond3A_3 = arith.cmpi ne, %convert_element_type3A, %cond3A : i32
    scf.if %cond3A_3 {
      %broadcast_in_dim3A_42 = arith.constant 0.000000e+00 : f32
      %broadcast_in_dim3A_43 = vector.broadcast %broadcast_in_dim3A_42 : f32 to vector<1x64xf32>
      %swap3A_44 = arith.constant 0 : index
      %swap3A_45 = arith.constant 0 : index
      %swap3A_46 = vector.load %arg7[%swap3A_44, %swap3A_45] : memref<1x64xf32, #tpu.memory_space<vmem>>, vector<1x64xf32>
      tpu.vector_store %arg7[%swap3A_44, %swap3A_45], %broadcast_in_dim3A_43 {strides = array<i32>} : memref<1x64xf32, #tpu.memory_space<vmem>>, vector<1x64xf32>,
      %broadcast_in_dim3A_47 = arith.constant 0.000000e+00 : f32
      %broadcast_in_dim3A_48 = vector.broadcast %broadcast_in_dim3A_47 : f32 to vector<1x64xf32>
      %swap3A_49 = arith.constant 0 : index
      %swap3A_50 = arith.constant 0 : index
      %swap3A_51 = vector.load %arg8[%swap3A_49, %swap3A_50] : memref<1x64xf32, #tpu.memory_space<vmem>>, vector<1x64xf32>
      tpu.vector_store %arg8[%swap3A_49, %swap3A_50], %broadcast_in_dim3A_48 {strides = array<i32>} : memref<1x64xf32, #tpu.memory_space<vmem>>, vector<1x64xf32>,
    } else {
    }
    %get3A = arith.constant 0 : index
    %get3A_4 = arith.constant 0 : index
    %get3A_5 = vector.load %arg3[%get3A, %get3A_4] : memref<1024x16xf32, #tpu.memory_space<vmem>>, vector<1024x16xf32>
    %get3A_6 = arith.constant 0 : index
    %get3A_7 = arith.constant 0 : index
    %get3A_8 = arith.constant 0 : index
    %get3A_9 = vector.load %arg2[%get3A_6, %get3A_7, %get3A_8] : memref<1x1024x16xf32, #tpu.memory_space<vmem>>, vector<1x1024x16xf32>
    %get3A_10 = vector.shape_cast %get3A_9 : vector<1x1024x16xf32> to vector<1024x16xf32>
    %get3A_11 = arith.constant 0 : index
    %get3A_12 = arith.constant 0 : index
    %get3A_13 = vector.load %arg4[%get3A_11, %get3A_12] : memref<16x64xf32, #tpu.memory_space<vmem>>, vector<16x64xf32>
    %dot_general3A = arith.constant dense<0.000000e+00> : vector<1024x64xf32>
    %dot_general3A_14 = tpu.matmul %get3A_5, %get3A_13, %dot_general3A {dimension_numbers = #tpu.dot_dimension_numbers<[1], [0], [0], [1], [0, 0, 1, 1], [], []>, transpose_lhs_hint = false} : vector<1024x16xf32>, vector<16x64xf32>, vector<1024x64xf32> -> vector<1024x64xf32>
    %sub3A = arith.subf %get3A_10, %get3A_5 : vector<1024x16xf32>
    %get3A_15 = arith.constant 0 : index
    %get3A_16 = arith.constant 0 : index
    %get3A_17 = vector.load %arg5[%get3A_15, %get3A_16] : memref<16x64xf32, #tpu.memory_space<vmem>>, vector<16x64xf32>
    %dot_general3A_18 = arith.constant dense<0.000000e+00> : vector<1024x64xf32>
    %dot_general3A_19 = tpu.matmul %sub3A, %get3A_17, %dot_general3A_18 {dimension_numbers = #tpu.dot_dimension_numbers<[1], [0], [0], [1], [0, 0, 1, 1], [], []>, transpose_lhs_hint = false} : vector<1024x16xf32>, vector<16x64xf32>, vector<1024x64xf32> -> vector<1024x64xf32>
    %add3A = arith.addf %dot_general3A_14, %dot_general3A_19 : vector<1024x64xf32>
    %get3A_20 = arith.constant 0 : index
    %get3A_21 = arith.constant 0 : index
    %get3A_22 = vector.load %arg6[%get3A_20, %get3A_21] : memref<1x64xf32, #tpu.memory_space<vmem>>, vector<1x64xf32>
    %add3A_23 = vector.broadcast %get3A_22 : vector<1x64xf32> to vector<1024x64xf32>
    %add3A_24 = arith.addf %add3A, %add3A_23 : vector<1024x64xf32>
    %get3A_25 = arith.constant 0 : index
    %get3A_26 = arith.constant 0 : index
    %get3A_27 = vector.load %arg7[%get3A_25, %get3A_26] : memref<1x64xf32, #tpu.memory_space<vmem>>, vector<1x64xf32>
    %reduce_sum3A = arith.constant dense<0.000000e+00> : vector<64xf32>
    %reduce_sum3A_28 = vector.multi_reduction <add>, %add3A_24, %reduce_sum3A [0] : vector<1024x64xf32> to vector<64xf32>
    %broadcast_in_dim3A = vector.shape_cast %reduce_sum3A_28 : vector<64xf32> to vector<1x64xf32>
    %add3A_29 = arith.addf %get3A_27, %broadcast_in_dim3A : vector<1x64xf32>
    %swap3A = arith.constant 0 : index
    %swap3A_30 = arith.constant 0 : index
    %swap3A_31 = vector.load %arg7[%swap3A, %swap3A_30] : memref<1x64xf32, #tpu.memory_space<vmem>>, vector<1x64xf32>
    tpu.vector_store %arg7[%swap3A, %swap3A_30], %add3A_29 {strides = array<i32>} : memref<1x64xf32, #tpu.memory_space<vmem>>, vector<1x64xf32>,
    %get3A_32 = arith.constant 0 : index
    %get3A_33 = arith.constant 0 : index
    %get3A_34 = vector.load %arg8[%get3A_32, %get3A_33] : memref<1x64xf32, #tpu.memory_space<vmem>>, vector<1x64xf32>
    %mul3A = arith.mulf %add3A_24, %add3A_24 : vector<1024x64xf32>
    %reduce_sum3A_35 = arith.constant dense<0.000000e+00> : vector<64xf32>
    %reduce_sum3A_36 = vector.multi_reduction <add>, %mul3A, %reduce_sum3A_35 [0] : vector<1024x64xf32> to vector<64xf32>
    %broadcast_in_dim3A_37 = vector.shape_cast %reduce_sum3A_36 : vector<64xf32> to vector<1x64xf32>
    %add3A_38 = arith.addf %get3A_34, %broadcast_in_dim3A_37 : vector<1x64xf32>
    %swap3A_39 = arith.constant 0 : index
    %swap3A_40 = arith.constant 0 : index
    %swap3A_41 = vector.load %arg8[%swap3A_39, %swap3A_40] : memref<1x64xf32, #tpu.memory_space<vmem>>, vector<1x64xf32>
    tpu.vector_store %arg8[%swap3A_39, %swap3A_40], %add3A_38 {strides = array<i32>} : memref<1x64xf32, #tpu.memory_space<vmem>>, vector<1x64xf32>,
    return
  }
  func.func @transform_0(%arg0: i32, %arg1: i32) -> (i32, i32, i32) {
    %c0_i32 = arith.constant 0 : i32
    %c0_i32_0 = arith.constant 0 : i32
    return %arg0, %arg1, %c0_i32 : i32, i32, i32
  }
  func.func @transform_1(%arg0: i32, %arg1: i32) -> (i32, i32) {
    %c0_i32 = arith.constant 0 : i32
    %c0_i32_0 = arith.constant 0 : i32
    return %arg1, %c0_i32 : i32, i32
  }
  func.func @transform_2(%arg0: i32, %arg1: i32) -> (i32, i32) {
    %c0_i32 = arith.constant 0 : i32
    %c0_i32_0 = arith.constant 0 : i32
    %c0_i32_1 = arith.constant 0 : i32
    return %c0_i32, %c0_i32_0 : i32, i32
  }
  func.func @transform_3(%arg0: i32, %arg1: i32) -> (i32, i32) {
    %c0_i32 = arith.constant 0 : i32
    %c0_i32_0 = arith.constant 0 : i32
    %c0_i32_1 = arith.constant 0 : i32
    return %c0_i32, %c0_i32_0 : i32, i32
  }
  func.func @transform_4(%arg0: i32, %arg1: i32) -> (i32, i32) {
    %c0_i32 = arith.constant 0 : i32
    %c0_i32_0 = arith.constant 0 : i32
    %c0_i32_1 = arith.constant 0 : i32
    return %c0_i32, %c0_i32_0 : i32, i32
  }
  func.func @transform_5(%arg0: i32, %arg1: i32) -> (i32, i32) {
    %c0_i32 = arith.constant 0 : i32
    %c0_i32_0 = arith.constant 0 : i32
    %c0_i32_1 = arith.constant 0 : i32
    return %c0_i32, %c0_i32_0 : i32, i32
  }
  func.func @transform_6(%arg0: i32, %arg1: i32) -> (i32, i32) {
    %c0_i32 = arith.constant 0 : i32
    %c0_i32_0 = arith.constant 0 : i32
    %c0_i32_1 = arith.constant 0 : i32
    return %c0_i32, %c0_i32_0 : i32, i32
  }
}

module attributes {stable_mosaic.version = 14 : i64} {
  func.func @_l2_body(%arg0: i32, %arg1: i32, %arg2: memref<1x1024x16xf32, #tpu.memory_space<vmem>>, %arg3: memref<1024x16xf32, #tpu.memory_space<vmem>>, %arg4: memref<16x64xf32, #tpu.memory_space<vmem>>, %arg5: memref<16x64xf32, #tpu.memory_space<vmem>>, %arg6: memref<1x64xf32, #tpu.memory_space<vmem>>, %arg7: memref<1x64xf32, #tpu.memory_space<vmem>>, %arg8: memref<1x64xf32, #tpu.memory_space<vmem>>, %arg9: memref<1x64xf32, #tpu.memory_space<vmem>>, %arg10: memref<1x64xf32, #tpu.memory_space<vmem>>, %arg11: memref<64x64xf32, #tpu.memory_space<vmem>>, %arg12: memref<1x64xf32, #tpu.memory_space<vmem>>, %arg13: memref<1x1024x64xf32, #tpu.memory_space<vmem>>, %arg14: memref<1x64xf32, #tpu.memory_space<vmem>>, %arg15: memref<1x64xf32, #tpu.memory_space<vmem>>) attributes {dimension_semantics = [#tpu.dimension_semantics<arbitrary>, #tpu.dimension_semantics<arbitrary>], iteration_bounds = array<i64: 20, 8>, scalar_prefetch = 0 : i64, scratch_operands = 0 : i64, tpu.core_type = #tpu.core_type<tc>, window_params = [{transform_indices = @transform_0, window_bounds = array<i64: 1, 1024, 16>}, {transform_indices = @transform_1, window_bounds = array<i64: 1024, 16>}, {pipeline_mode = #tpu.pipeline_mode<synchronous>, transform_indices = @transform_2, window_bounds = array<i64: 16, 64>}, {pipeline_mode = #tpu.pipeline_mode<synchronous>, transform_indices = @transform_3, window_bounds = array<i64: 16, 64>}, {pipeline_mode = #tpu.pipeline_mode<synchronous>, transform_indices = @transform_4, window_bounds = array<i64: 1, 64>}, {pipeline_mode = #tpu.pipeline_mode<synchronous>, transform_indices = @transform_5, window_bounds = array<i64: 1, 64>}, {pipeline_mode = #tpu.pipeline_mode<synchronous>, transform_indices = @transform_6, window_bounds = array<i64: 1, 64>}, {pipeline_mode = #tpu.pipeline_mode<synchronous>, transform_indices = @transform_7, window_bounds = array<i64: 1, 64>}, {pipeline_mode = #tpu.pipeline_mode<synchronous>, transform_indices = @transform_8, window_bounds = array<i64: 1, 64>}, {pipeline_mode = #tpu.pipeline_mode<synchronous>, transform_indices = @transform_9, window_bounds = array<i64: 64, 64>}, {pipeline_mode = #tpu.pipeline_mode<synchronous>, transform_indices = @transform_10, window_bounds = array<i64: 1, 64>}, {transform_indices = @transform_11, window_bounds = array<i64: 1, 1024, 64>}, {pipeline_mode = #tpu.pipeline_mode<synchronous>, transform_indices = @transform_12, window_bounds = array<i64: 1, 64>}, {pipeline_mode = #tpu.pipeline_mode<synchronous>, transform_indices = @transform_13, window_bounds = array<i64: 1, 64>}]} {
    %eq3A = arith.constant 0 : i32
    %eq3A_0 = arith.cmpi eq, %arg0, %eq3A : i32
    %eq3A_1 = arith.constant 0 : i32
    %eq3A_2 = arith.cmpi eq, %arg1, %eq3A_1 : i32
    %and3A = arith.andi %eq3A_0, %eq3A_2 : i1
    %convert_element_type3A = arith.extui %and3A : i1 to i32
    %cond3A = arith.constant 0 : i32
    %cond3A_3 = arith.cmpi ne, %convert_element_type3A, %cond3A : i32
    scf.if %cond3A_3 {
      %broadcast_in_dim3A_91 = arith.constant 0.000000e+00 : f32
      %broadcast_in_dim3A_92 = vector.broadcast %broadcast_in_dim3A_91 : f32 to vector<1x64xf32>
      %swap3A_93 = arith.constant 0 : index
      %swap3A_94 = arith.constant 0 : index
      %swap3A_95 = vector.load %arg14[%swap3A_93, %swap3A_94] : memref<1x64xf32, #tpu.memory_space<vmem>>, vector<1x64xf32>
      tpu.vector_store %arg14[%swap3A_93, %swap3A_94], %broadcast_in_dim3A_92 {strides = array<i32>} : memref<1x64xf32, #tpu.memory_space<vmem>>, vector<1x64xf32>,
      %broadcast_in_dim3A_96 = arith.constant 0.000000e+00 : f32
      %broadcast_in_dim3A_97 = vector.broadcast %broadcast_in_dim3A_96 : f32 to vector<1x64xf32>
      %swap3A_98 = arith.constant 0 : index
      %swap3A_99 = arith.constant 0 : index
      %swap3A_100 = vector.load %arg15[%swap3A_98, %swap3A_99] : memref<1x64xf32, #tpu.memory_space<vmem>>, vector<1x64xf32>
      tpu.vector_store %arg15[%swap3A_98, %swap3A_99], %broadcast_in_dim3A_97 {strides = array<i32>} : memref<1x64xf32, #tpu.memory_space<vmem>>, vector<1x64xf32>,
    } else {
    }
    %get3A = arith.constant 0 : index
    %get3A_4 = arith.constant 0 : index
    %get3A_5 = vector.load %arg7[%get3A, %get3A_4] : memref<1x64xf32, #tpu.memory_space<vmem>>, vector<1x64xf32>
    %get3A_6 = arith.constant 0 : index
    %get3A_7 = arith.constant 0 : index
    %get3A_8 = vector.load %arg8[%get3A_6, %get3A_7] : memref<1x64xf32, #tpu.memory_space<vmem>>, vector<1x64xf32>
    %get3A_9 = arith.constant 0 : index
    %get3A_10 = arith.constant 0 : index
    %get3A_11 = vector.load %arg9[%get3A_9, %get3A_10] : memref<1x64xf32, #tpu.memory_space<vmem>>, vector<1x64xf32>
    %get3A_12 = arith.constant 0 : index
    %get3A_13 = arith.constant 0 : index
    %get3A_14 = vector.load %arg10[%get3A_12, %get3A_13] : memref<1x64xf32, #tpu.memory_space<vmem>>, vector<1x64xf32>
    %div3A = arith.constant 1.638400e+05 : f32
    %div3A_15 = vector.broadcast %div3A : f32 to vector<1x64xf32>
    %div3A_16 = arith.divf %get3A_5, %div3A_15 : vector<1x64xf32>
    %div3A_17 = arith.constant 1.638400e+05 : f32
    %div3A_18 = vector.broadcast %div3A_17 : f32 to vector<1x64xf32>
    %div3A_19 = arith.divf %get3A_8, %div3A_18 : vector<1x64xf32>
    %mul3A = arith.mulf %div3A_16, %div3A_16 : vector<1x64xf32>
    %sub3A = arith.subf %div3A_19, %mul3A : vector<1x64xf32>
    %max3A = arith.constant 0.000000e+00 : f32
    %max3A_20 = vector.broadcast %max3A : f32 to vector<1x64xf32>
    %max3A_21 = arith.maximumf %sub3A, %max3A_20 : vector<1x64xf32>
    %add3A = arith.constant 9.99999974E-6 : f32
    %add3A_22 = vector.broadcast %add3A : f32 to vector<1x64xf32>
    %add3A_23 = arith.addf %max3A_21, %add3A_22 : vector<1x64xf32>
    %sqrt3A = math.sqrt %add3A_23 : vector<1x64xf32>
    %div3A_24 = arith.divf %get3A_11, %sqrt3A : vector<1x64xf32>
    %mul3A_25 = arith.mulf %div3A_16, %div3A_24 : vector<1x64xf32>
    %sub3A_26 = arith.subf %get3A_14, %mul3A_25 : vector<1x64xf32>
    %get3A_27 = arith.constant 0 : index
    %get3A_28 = arith.constant 0 : index
    %get3A_29 = vector.load %arg3[%get3A_27, %get3A_28] : memref<1024x16xf32, #tpu.memory_space<vmem>>, vector<1024x16xf32>
    %get3A_30 = arith.constant 0 : index
    %get3A_31 = arith.constant 0 : index
    %get3A_32 = arith.constant 0 : index
    %get3A_33 = vector.load %arg2[%get3A_30, %get3A_31, %get3A_32] : memref<1x1024x16xf32, #tpu.memory_space<vmem>>, vector<1x1024x16xf32>
    %get3A_34 = vector.shape_cast %get3A_33 : vector<1x1024x16xf32> to vector<1024x16xf32>
    %get3A_35 = arith.constant 0 : index
    %get3A_36 = arith.constant 0 : index
    %get3A_37 = vector.load %arg4[%get3A_35, %get3A_36] : memref<16x64xf32, #tpu.memory_space<vmem>>, vector<16x64xf32>
    %dot_general3A = arith.constant dense<0.000000e+00> : vector<1024x64xf32>
    %dot_general3A_38 = tpu.matmul %get3A_29, %get3A_37, %dot_general3A {dimension_numbers = #tpu.dot_dimension_numbers<[1], [0], [0], [1], [0, 0, 1, 1], [], []>, transpose_lhs_hint = false} : vector<1024x16xf32>, vector<16x64xf32>, vector<1024x64xf32> -> vector<1024x64xf32>
    %sub3A_39 = arith.subf %get3A_34, %get3A_29 : vector<1024x16xf32>
    %get3A_40 = arith.constant 0 : index
    %get3A_41 = arith.constant 0 : index
    %get3A_42 = vector.load %arg5[%get3A_40, %get3A_41] : memref<16x64xf32, #tpu.memory_space<vmem>>, vector<16x64xf32>
    %dot_general3A_43 = arith.constant dense<0.000000e+00> : vector<1024x64xf32>
    %dot_general3A_44 = tpu.matmul %sub3A_39, %get3A_42, %dot_general3A_43 {dimension_numbers = #tpu.dot_dimension_numbers<[1], [0], [0], [1], [0, 0, 1, 1], [], []>, transpose_lhs_hint = false} : vector<1024x16xf32>, vector<16x64xf32>, vector<1024x64xf32> -> vector<1024x64xf32>
    %add3A_45 = arith.addf %dot_general3A_38, %dot_general3A_44 : vector<1024x64xf32>
    %get3A_46 = arith.constant 0 : index
    %get3A_47 = arith.constant 0 : index
    %get3A_48 = vector.load %arg6[%get3A_46, %get3A_47] : memref<1x64xf32, #tpu.memory_space<vmem>>, vector<1x64xf32>
    %add3A_49 = vector.broadcast %get3A_48 : vector<1x64xf32> to vector<1024x64xf32>
    %add3A_50 = arith.addf %add3A_45, %add3A_49 : vector<1024x64xf32>
    %mul3A_51 = vector.broadcast %div3A_24 : vector<1x64xf32> to vector<1024x64xf32>
    %mul3A_52 = arith.mulf %add3A_50, %mul3A_51 : vector<1024x64xf32>
    %add3A_53 = vector.broadcast %sub3A_26 : vector<1x64xf32> to vector<1024x64xf32>
    %add3A_54 = arith.addf %mul3A_52, %add3A_53 : vector<1024x64xf32>
    %max3A_55 = arith.constant 0.000000e+00 : f32
    %max3A_56 = vector.broadcast %max3A_55 : f32 to vector<1024x64xf32>
    %max3A_57 = arith.maximumf %add3A_54, %max3A_56 : vector<1024x64xf32>
    %get3A_58 = arith.constant 0 : index
    %get3A_59 = arith.constant 0 : index
    %get3A_60 = vector.load %arg11[%get3A_58, %get3A_59] : memref<64x64xf32, #tpu.memory_space<vmem>>, vector<64x64xf32>
    %dot_general3A_61 = arith.constant dense<0.000000e+00> : vector<1024x64xf32>
    %dot_general3A_62 = tpu.matmul %max3A_57, %get3A_60, %dot_general3A_61 {dimension_numbers = #tpu.dot_dimension_numbers<[1], [0], [0], [1], [0, 0, 1, 1], [], []>, transpose_lhs_hint = false} : vector<1024x64xf32>, vector<64x64xf32>, vector<1024x64xf32> -> vector<1024x64xf32>
    %get3A_63 = arith.constant 0 : index
    %get3A_64 = arith.constant 0 : index
    %get3A_65 = vector.load %arg12[%get3A_63, %get3A_64] : memref<1x64xf32, #tpu.memory_space<vmem>>, vector<1x64xf32>
    %add3A_66 = vector.broadcast %get3A_65 : vector<1x64xf32> to vector<1024x64xf32>
    %add3A_67 = arith.addf %dot_general3A_62, %add3A_66 : vector<1024x64xf32>
    %broadcast_in_dim3A = vector.shape_cast %add3A_67 : vector<1024x64xf32> to vector<1x1024x64xf32>
    %swap3A = arith.constant 0 : index
    %swap3A_68 = arith.constant 0 : index
    %swap3A_69 = arith.constant 0 : index
    %swap3A_70 = vector.load %arg13[%swap3A, %swap3A_68, %swap3A_69] : memref<1x1024x64xf32, #tpu.memory_space<vmem>>, vector<1x1024x64xf32>
    tpu.vector_store %arg13[%swap3A, %swap3A_68, %swap3A_69], %broadcast_in_dim3A {strides = array<i32>} : memref<1x1024x64xf32, #tpu.memory_space<vmem>>, vector<1x1024x64xf32>,
    %get3A_71 = arith.constant 0 : index
    %get3A_72 = arith.constant 0 : index
    %get3A_73 = vector.load %arg14[%get3A_71, %get3A_72] : memref<1x64xf32, #tpu.memory_space<vmem>>, vector<1x64xf32>
    %reduce_sum3A = arith.constant dense<0.000000e+00> : vector<64xf32>
    %reduce_sum3A_74 = vector.multi_reduction <add>, %add3A_67, %reduce_sum3A [0] : vector<1024x64xf32> to vector<64xf32>
    %broadcast_in_dim3A_75 = vector.shape_cast %reduce_sum3A_74 : vector<64xf32> to vector<1x64xf32>
    %add3A_76 = arith.addf %get3A_73, %broadcast_in_dim3A_75 : vector<1x64xf32>
    %swap3A_77 = arith.constant 0 : index
    %swap3A_78 = arith.constant 0 : index
    %swap3A_79 = vector.load %arg14[%swap3A_77, %swap3A_78] : memref<1x64xf32, #tpu.memory_space<vmem>>, vector<1x64xf32>
    tpu.vector_store %arg14[%swap3A_77, %swap3A_78], %add3A_76 {strides = array<i32>} : memref<1x64xf32, #tpu.memory_space<vmem>>, vector<1x64xf32>,
    %get3A_80 = arith.constant 0 : index
    %get3A_81 = arith.constant 0 : index
    %get3A_82 = vector.load %arg15[%get3A_80, %get3A_81] : memref<1x64xf32, #tpu.memory_space<vmem>>, vector<1x64xf32>
    %mul3A_83 = arith.mulf %add3A_67, %add3A_67 : vector<1024x64xf32>
    %reduce_sum3A_84 = arith.constant dense<0.000000e+00> : vector<64xf32>
    %reduce_sum3A_85 = vector.multi_reduction <add>, %mul3A_83, %reduce_sum3A_84 [0] : vector<1024x64xf32> to vector<64xf32>
    %broadcast_in_dim3A_86 = vector.shape_cast %reduce_sum3A_85 : vector<64xf32> to vector<1x64xf32>
    %add3A_87 = arith.addf %get3A_82, %broadcast_in_dim3A_86 : vector<1x64xf32>
    %swap3A_88 = arith.constant 0 : index
    %swap3A_89 = arith.constant 0 : index
    %swap3A_90 = vector.load %arg15[%swap3A_88, %swap3A_89] : memref<1x64xf32, #tpu.memory_space<vmem>>, vector<1x64xf32>
    tpu.vector_store %arg15[%swap3A_88, %swap3A_89], %add3A_87 {strides = array<i32>} : memref<1x64xf32, #tpu.memory_space<vmem>>, vector<1x64xf32>,
    return
  }
  func.func @transform_0(%arg0: i32, %arg1: i32) -> (i32, i32, i32) {
    %c0_i32 = arith.constant 0 : i32
    %c0_i32_0 = arith.constant 0 : i32
    return %arg0, %arg1, %c0_i32 : i32, i32, i32
  }
  func.func @transform_1(%arg0: i32, %arg1: i32) -> (i32, i32) {
    %c0_i32 = arith.constant 0 : i32
    %c0_i32_0 = arith.constant 0 : i32
    return %arg1, %c0_i32 : i32, i32
  }
  func.func @transform_2(%arg0: i32, %arg1: i32) -> (i32, i32) {
    %c0_i32 = arith.constant 0 : i32
    %c0_i32_0 = arith.constant 0 : i32
    %c0_i32_1 = arith.constant 0 : i32
    return %c0_i32, %c0_i32_0 : i32, i32
  }
  func.func @transform_3(%arg0: i32, %arg1: i32) -> (i32, i32) {
    %c0_i32 = arith.constant 0 : i32
    %c0_i32_0 = arith.constant 0 : i32
    %c0_i32_1 = arith.constant 0 : i32
    return %c0_i32, %c0_i32_0 : i32, i32
  }
  func.func @transform_4(%arg0: i32, %arg1: i32) -> (i32, i32) {
    %c0_i32 = arith.constant 0 : i32
    %c0_i32_0 = arith.constant 0 : i32
    %c0_i32_1 = arith.constant 0 : i32
    return %c0_i32, %c0_i32_0 : i32, i32
  }
  func.func @transform_5(%arg0: i32, %arg1: i32) -> (i32, i32) {
    %c0_i32 = arith.constant 0 : i32
    %c0_i32_0 = arith.constant 0 : i32
    %c0_i32_1 = arith.constant 0 : i32
    return %c0_i32, %c0_i32_0 : i32, i32
  }
  func.func @transform_6(%arg0: i32, %arg1: i32) -> (i32, i32) {
    %c0_i32 = arith.constant 0 : i32
    %c0_i32_0 = arith.constant 0 : i32
    %c0_i32_1 = arith.constant 0 : i32
    return %c0_i32, %c0_i32_0 : i32, i32
  }
  func.func @transform_7(%arg0: i32, %arg1: i32) -> (i32, i32) {
    %c0_i32 = arith.constant 0 : i32
    %c0_i32_0 = arith.constant 0 : i32
    %c0_i32_1 = arith.constant 0 : i32
    return %c0_i32, %c0_i32_0 : i32, i32
  }
  func.func @transform_8(%arg0: i32, %arg1: i32) -> (i32, i32) {
    %c0_i32 = arith.constant 0 : i32
    %c0_i32_0 = arith.constant 0 : i32
    %c0_i32_1 = arith.constant 0 : i32
    return %c0_i32, %c0_i32_0 : i32, i32
  }
  func.func @transform_9(%arg0: i32, %arg1: i32) -> (i32, i32) {
    %c0_i32 = arith.constant 0 : i32
    %c0_i32_0 = arith.constant 0 : i32
    %c0_i32_1 = arith.constant 0 : i32
    return %c0_i32, %c0_i32_0 : i32, i32
  }
  func.func @transform_10(%arg0: i32, %arg1: i32) -> (i32, i32) {
    %c0_i32 = arith.constant 0 : i32
    %c0_i32_0 = arith.constant 0 : i32
    %c0_i32_1 = arith.constant 0 : i32
    return %c0_i32, %c0_i32_0 : i32, i32
  }
  func.func @transform_11(%arg0: i32, %arg1: i32) -> (i32, i32, i32) {
    %c0_i32 = arith.constant 0 : i32
    %c0_i32_0 = arith.constant 0 : i32
    return %arg0, %arg1, %c0_i32 : i32, i32, i32
  }
  func.func @transform_12(%arg0: i32, %arg1: i32) -> (i32, i32) {
    %c0_i32 = arith.constant 0 : i32
    %c0_i32_0 = arith.constant 0 : i32
    %c0_i32_1 = arith.constant 0 : i32
    return %c0_i32, %c0_i32_0 : i32, i32
  }
  func.func @transform_13(%arg0: i32, %arg1: i32) -> (i32, i32) {
    %c0_i32 = arith.constant 0 : i32
    %c0_i32_0 = arith.constant 0 : i32
    %c0_i32_1 = arith.constant 0 : i32
    return %c0_i32, %c0_i32_0 : i32, i32
  }
}

module attributes {stable_mosaic.version = 14 : i64} {
  func.func @_l3_body(%arg0: i32, %arg1: memref<20x256x64xf32, #tpu.memory_space<vmem>>, %arg2: memref<1x64xf32, #tpu.memory_space<vmem>>, %arg3: memref<1x64xf32, #tpu.memory_space<vmem>>, %arg4: memref<1x64xf32, #tpu.memory_space<vmem>>, %arg5: memref<1x64xf32, #tpu.memory_space<vmem>>, %arg6: memref<64x64xf32, #tpu.memory_space<vmem>>, %arg7: memref<1x64xf32, #tpu.memory_space<vmem>>, %arg8: memref<256x64xf32, #tpu.memory_space<vmem>>, %arg9: memref<64x256xf32, #tpu.memory_space<vmem>>) attributes {dimension_semantics = [#tpu.dimension_semantics<arbitrary>], iteration_bounds = array<i64: 32>, scalar_prefetch = 0 : i64, scratch_operands = 0 : i64, tpu.core_type = #tpu.core_type<tc>, window_params = [{transform_indices = @transform_0, window_bounds = array<i64: 20, 256, 64>}, {pipeline_mode = #tpu.pipeline_mode<synchronous>, transform_indices = @transform_1, window_bounds = array<i64: 1, 64>}, {pipeline_mode = #tpu.pipeline_mode<synchronous>, transform_indices = @transform_2, window_bounds = array<i64: 1, 64>}, {pipeline_mode = #tpu.pipeline_mode<synchronous>, transform_indices = @transform_3, window_bounds = array<i64: 1, 64>}, {pipeline_mode = #tpu.pipeline_mode<synchronous>, transform_indices = @transform_4, window_bounds = array<i64: 1, 64>}, {pipeline_mode = #tpu.pipeline_mode<synchronous>, transform_indices = @transform_5, window_bounds = array<i64: 64, 64>}, {pipeline_mode = #tpu.pipeline_mode<synchronous>, transform_indices = @transform_6, window_bounds = array<i64: 1, 64>}, {transform_indices = @transform_7, window_bounds = array<i64: 256, 64>}, {transform_indices = @transform_8, window_bounds = array<i64: 64, 256>}]} {
    %get3A = arith.constant 0 : index
    %get3A_0 = arith.constant 0 : index
    %get3A_1 = vector.load %arg2[%get3A, %get3A_0] : memref<1x64xf32, #tpu.memory_space<vmem>>, vector<1x64xf32>
    %get3A_2 = arith.constant 0 : index
    %get3A_3 = arith.constant 0 : index
    %get3A_4 = vector.load %arg3[%get3A_2, %get3A_3] : memref<1x64xf32, #tpu.memory_space<vmem>>, vector<1x64xf32>
    %get3A_5 = arith.constant 0 : index
    %get3A_6 = arith.constant 0 : index
    %get3A_7 = vector.load %arg4[%get3A_5, %get3A_6] : memref<1x64xf32, #tpu.memory_space<vmem>>, vector<1x64xf32>
    %get3A_8 = arith.constant 0 : index
    %get3A_9 = arith.constant 0 : index
    %get3A_10 = vector.load %arg5[%get3A_8, %get3A_9] : memref<1x64xf32, #tpu.memory_space<vmem>>, vector<1x64xf32>
    %div3A = arith.constant 1.638400e+05 : f32
    %div3A_11 = vector.broadcast %div3A : f32 to vector<1x64xf32>
    %div3A_12 = arith.divf %get3A_1, %div3A_11 : vector<1x64xf32>
    %div3A_13 = arith.constant 1.638400e+05 : f32
    %div3A_14 = vector.broadcast %div3A_13 : f32 to vector<1x64xf32>
    %div3A_15 = arith.divf %get3A_4, %div3A_14 : vector<1x64xf32>
    %mul3A = arith.mulf %div3A_12, %div3A_12 : vector<1x64xf32>
    %sub3A = arith.subf %div3A_15, %mul3A : vector<1x64xf32>
    %max3A = arith.constant 0.000000e+00 : f32
    %max3A_16 = vector.broadcast %max3A : f32 to vector<1x64xf32>
    %max3A_17 = arith.maximumf %sub3A, %max3A_16 : vector<1x64xf32>
    %add3A = arith.constant 9.99999974E-6 : f32
    %add3A_18 = vector.broadcast %add3A : f32 to vector<1x64xf32>
    %add3A_19 = arith.addf %max3A_17, %add3A_18 : vector<1x64xf32>
    %sqrt3A = math.sqrt %add3A_19 : vector<1x64xf32>
    %div3A_20 = arith.divf %get3A_7, %sqrt3A : vector<1x64xf32>
    %mul3A_21 = arith.mulf %div3A_12, %div3A_20 : vector<1x64xf32>
    %sub3A_22 = arith.subf %get3A_10, %mul3A_21 : vector<1x64xf32>
    %get3A_23 = arith.constant 0 : index
    %get3A_24 = arith.constant 0 : index
    %get3A_25 = arith.constant 0 : index
    %get3A_26 = vector.load %arg1[%get3A_23, %get3A_24, %get3A_25] : memref<20x256x64xf32, #tpu.memory_space<vmem>>, vector<1x256x64xf32>
    %get3A_27 = vector.shape_cast %get3A_26 : vector<1x256x64xf32> to vector<256x64xf32>
    %mul3A_28 = vector.broadcast %div3A_20 : vector<1x64xf32> to vector<256x64xf32>
    %mul3A_29 = arith.mulf %get3A_27, %mul3A_28 : vector<256x64xf32>
    %add3A_30 = vector.broadcast %sub3A_22 : vector<1x64xf32> to vector<256x64xf32>
    %add3A_31 = arith.addf %mul3A_29, %add3A_30 : vector<256x64xf32>
    %max3A_32 = arith.constant 0.000000e+00 : f32
    %max3A_33 = vector.broadcast %max3A_32 : f32 to vector<256x64xf32>
    %max3A_34 = arith.maximumf %add3A_31, %max3A_33 : vector<256x64xf32>
    %get3A_35 = arith.constant 0 : index
    %get3A_36 = arith.constant 0 : index
    %get3A_37 = vector.load %arg6[%get3A_35, %get3A_36] : memref<64x64xf32, #tpu.memory_space<vmem>>, vector<64x64xf32>
    %dot_general3A = arith.constant dense<0.000000e+00> : vector<256x64xf32>
    %dot_general3A_38 = tpu.matmul %max3A_34, %get3A_37, %dot_general3A {dimension_numbers = #tpu.dot_dimension_numbers<[1], [0], [0], [1], [0, 0, 1, 1], [], []>, transpose_lhs_hint = false} : vector<256x64xf32>, vector<64x64xf32>, vector<256x64xf32> -> vector<256x64xf32>
    %get3A_39 = arith.constant 1 : index
    %get3A_40 = arith.constant 0 : index
    %get3A_41 = arith.constant 0 : index
    %get3A_42 = vector.load %arg1[%get3A_39, %get3A_40, %get3A_41] : memref<20x256x64xf32, #tpu.memory_space<vmem>>, vector<1x256x64xf32>
    %get3A_43 = vector.shape_cast %get3A_42 : vector<1x256x64xf32> to vector<256x64xf32>
    %mul3A_44 = vector.broadcast %div3A_20 : vector<1x64xf32> to vector<256x64xf32>
    %mul3A_45 = arith.mulf %get3A_43, %mul3A_44 : vector<256x64xf32>
    %add3A_46 = vector.broadcast %sub3A_22 : vector<1x64xf32> to vector<256x64xf32>
    %add3A_47 = arith.addf %mul3A_45, %add3A_46 : vector<256x64xf32>
    %max3A_48 = arith.constant 0.000000e+00 : f32
    %max3A_49 = vector.broadcast %max3A_48 : f32 to vector<256x64xf32>
    %max3A_50 = arith.maximumf %add3A_47, %max3A_49 : vector<256x64xf32>
    %get3A_51 = arith.constant 0 : index
    %get3A_52 = arith.constant 0 : index
    %get3A_53 = vector.load %arg6[%get3A_51, %get3A_52] : memref<64x64xf32, #tpu.memory_space<vmem>>, vector<64x64xf32>
    %dot_general3A_54 = arith.constant dense<0.000000e+00> : vector<256x64xf32>
    %dot_general3A_55 = tpu.matmul %max3A_50, %get3A_53, %dot_general3A_54 {dimension_numbers = #tpu.dot_dimension_numbers<[1], [0], [0], [1], [0, 0, 1, 1], [], []>, transpose_lhs_hint = false} : vector<256x64xf32>, vector<64x64xf32>, vector<256x64xf32> -> vector<256x64xf32>
    %max3A_56 = arith.maximumf %dot_general3A_38, %dot_general3A_55 : vector<256x64xf32>
    %get3A_57 = arith.constant 2 : index
    %get3A_58 = arith.constant 0 : index
    %get3A_59 = arith.constant 0 : index
    %get3A_60 = vector.load %arg1[%get3A_57, %get3A_58, %get3A_59] : memref<20x256x64xf32, #tpu.memory_space<vmem>>, vector<1x256x64xf32>
    %get3A_61 = vector.shape_cast %get3A_60 : vector<1x256x64xf32> to vector<256x64xf32>
    %mul3A_62 = vector.broadcast %div3A_20 : vector<1x64xf32> to vector<256x64xf32>
    %mul3A_63 = arith.mulf %get3A_61, %mul3A_62 : vector<256x64xf32>
    %add3A_64 = vector.broadcast %sub3A_22 : vector<1x64xf32> to vector<256x64xf32>
    %add3A_65 = arith.addf %mul3A_63, %add3A_64 : vector<256x64xf32>
    %max3A_66 = arith.constant 0.000000e+00 : f32
    %max3A_67 = vector.broadcast %max3A_66 : f32 to vector<256x64xf32>
    %max3A_68 = arith.maximumf %add3A_65, %max3A_67 : vector<256x64xf32>
    %get3A_69 = arith.constant 0 : index
    %get3A_70 = arith.constant 0 : index
    %get3A_71 = vector.load %arg6[%get3A_69, %get3A_70] : memref<64x64xf32, #tpu.memory_space<vmem>>, vector<64x64xf32>
    %dot_general3A_72 = arith.constant dense<0.000000e+00> : vector<256x64xf32>
    %dot_general3A_73 = tpu.matmul %max3A_68, %get3A_71, %dot_general3A_72 {dimension_numbers = #tpu.dot_dimension_numbers<[1], [0], [0], [1], [0, 0, 1, 1], [], []>, transpose_lhs_hint = false} : vector<256x64xf32>, vector<64x64xf32>, vector<256x64xf32> -> vector<256x64xf32>
    %max3A_74 = arith.maximumf %max3A_56, %dot_general3A_73 : vector<256x64xf32>
    %get3A_75 = arith.constant 3 : index
    %get3A_76 = arith.constant 0 : index
    %get3A_77 = arith.constant 0 : index
    %get3A_78 = vector.load %arg1[%get3A_75, %get3A_76, %get3A_77] : memref<20x256x64xf32, #tpu.memory_space<vmem>>, vector<1x256x64xf32>
    %get3A_79 = vector.shape_cast %get3A_78 : vector<1x256x64xf32> to vector<256x64xf32>
    %mul3A_80 = vector.broadcast %div3A_20 : vector<1x64xf32> to vector<256x64xf32>
    %mul3A_81 = arith.mulf %get3A_79, %mul3A_80 : vector<256x64xf32>
    %add3A_82 = vector.broadcast %sub3A_22 : vector<1x64xf32> to vector<256x64xf32>
    %add3A_83 = arith.addf %mul3A_81, %add3A_82 : vector<256x64xf32>
    %max3A_84 = arith.constant 0.000000e+00 : f32
    %max3A_85 = vector.broadcast %max3A_84 : f32 to vector<256x64xf32>
    %max3A_86 = arith.maximumf %add3A_83, %max3A_85 : vector<256x64xf32>
    %get3A_87 = arith.constant 0 : index
    %get3A_88 = arith.constant 0 : index
    %get3A_89 = vector.load %arg6[%get3A_87, %get3A_88] : memref<64x64xf32, #tpu.memory_space<vmem>>, vector<64x64xf32>
    %dot_general3A_90 = arith.constant dense<0.000000e+00> : vector<256x64xf32>
    %dot_general3A_91 = tpu.matmul %max3A_86, %get3A_89, %dot_general3A_90 {dimension_numbers = #tpu.dot_dimension_numbers<[1], [0], [0], [1], [0, 0, 1, 1], [], []>, transpose_lhs_hint = false} : vector<256x64xf32>, vector<64x64xf32>, vector<256x64xf32> -> vector<256x64xf32>
    %max3A_92 = arith.maximumf %max3A_74, %dot_general3A_91 : vector<256x64xf32>
    %get3A_93 = arith.constant 4 : index
    %get3A_94 = arith.constant 0 : index
    %get3A_95 = arith.constant 0 : index
    %get3A_96 = vector.load %arg1[%get3A_93, %get3A_94, %get3A_95] : memref<20x256x64xf32, #tpu.memory_space<vmem>>, vector<1x256x64xf32>
    %get3A_97 = vector.shape_cast %get3A_96 : vector<1x256x64xf32> to vector<256x64xf32>
    %mul3A_98 = vector.broadcast %div3A_20 : vector<1x64xf32> to vector<256x64xf32>
    %mul3A_99 = arith.mulf %get3A_97, %mul3A_98 : vector<256x64xf32>
    %add3A_100 = vector.broadcast %sub3A_22 : vector<1x64xf32> to vector<256x64xf32>
    %add3A_101 = arith.addf %mul3A_99, %add3A_100 : vector<256x64xf32>
    %max3A_102 = arith.constant 0.000000e+00 : f32
    %max3A_103 = vector.broadcast %max3A_102 : f32 to vector<256x64xf32>
    %max3A_104 = arith.maximumf %add3A_101, %max3A_103 : vector<256x64xf32>
    %get3A_105 = arith.constant 0 : index
    %get3A_106 = arith.constant 0 : index
    %get3A_107 = vector.load %arg6[%get3A_105, %get3A_106] : memref<64x64xf32, #tpu.memory_space<vmem>>, vector<64x64xf32>
    %dot_general3A_108 = arith.constant dense<0.000000e+00> : vector<256x64xf32>
    %dot_general3A_109 = tpu.matmul %max3A_104, %get3A_107, %dot_general3A_108 {dimension_numbers = #tpu.dot_dimension_numbers<[1], [0], [0], [1], [0, 0, 1, 1], [], []>, transpose_lhs_hint = false} : vector<256x64xf32>, vector<64x64xf32>, vector<256x64xf32> -> vector<256x64xf32>
    %max3A_110 = arith.maximumf %max3A_92, %dot_general3A_109 : vector<256x64xf32>
    %get3A_111 = arith.constant 5 : index
    %get3A_112 = arith.constant 0 : index
    %get3A_113 = arith.constant 0 : index
    %get3A_114 = vector.load %arg1[%get3A_111, %get3A_112, %get3A_113] : memref<20x256x64xf32, #tpu.memory_space<vmem>>, vector<1x256x64xf32>
    %get3A_115 = vector.shape_cast %get3A_114 : vector<1x256x64xf32> to vector<256x64xf32>
    %mul3A_116 = vector.broadcast %div3A_20 : vector<1x64xf32> to vector<256x64xf32>
    %mul3A_117 = arith.mulf %get3A_115, %mul3A_116 : vector<256x64xf32>
    %add3A_118 = vector.broadcast %sub3A_22 : vector<1x64xf32> to vector<256x64xf32>
    %add3A_119 = arith.addf %mul3A_117, %add3A_118 : vector<256x64xf32>
    %max3A_120 = arith.constant 0.000000e+00 : f32
    %max3A_121 = vector.broadcast %max3A_120 : f32 to vector<256x64xf32>
    %max3A_122 = arith.maximumf %add3A_119, %max3A_121 : vector<256x64xf32>
    %get3A_123 = arith.constant 0 : index
    %get3A_124 = arith.constant 0 : index
    %get3A_125 = vector.load %arg6[%get3A_123, %get3A_124] : memref<64x64xf32, #tpu.memory_space<vmem>>, vector<64x64xf32>
    %dot_general3A_126 = arith.constant dense<0.000000e+00> : vector<256x64xf32>
    %dot_general3A_127 = tpu.matmul %max3A_122, %get3A_125, %dot_general3A_126 {dimension_numbers = #tpu.dot_dimension_numbers<[1], [0], [0], [1], [0, 0, 1, 1], [], []>, transpose_lhs_hint = false} : vector<256x64xf32>, vector<64x64xf32>, vector<256x64xf32> -> vector<256x64xf32>
    %max3A_128 = arith.maximumf %max3A_110, %dot_general3A_127 : vector<256x64xf32>
    %get3A_129 = arith.constant 6 : index
    %get3A_130 = arith.constant 0 : index
    %get3A_131 = arith.constant 0 : index
    %get3A_132 = vector.load %arg1[%get3A_129, %get3A_130, %get3A_131] : memref<20x256x64xf32, #tpu.memory_space<vmem>>, vector<1x256x64xf32>
    %get3A_133 = vector.shape_cast %get3A_132 : vector<1x256x64xf32> to vector<256x64xf32>
    %mul3A_134 = vector.broadcast %div3A_20 : vector<1x64xf32> to vector<256x64xf32>
    %mul3A_135 = arith.mulf %get3A_133, %mul3A_134 : vector<256x64xf32>
    %add3A_136 = vector.broadcast %sub3A_22 : vector<1x64xf32> to vector<256x64xf32>
    %add3A_137 = arith.addf %mul3A_135, %add3A_136 : vector<256x64xf32>
    %max3A_138 = arith.constant 0.000000e+00 : f32
    %max3A_139 = vector.broadcast %max3A_138 : f32 to vector<256x64xf32>
    %max3A_140 = arith.maximumf %add3A_137, %max3A_139 : vector<256x64xf32>
    %get3A_141 = arith.constant 0 : index
    %get3A_142 = arith.constant 0 : index
    %get3A_143 = vector.load %arg6[%get3A_141, %get3A_142] : memref<64x64xf32, #tpu.memory_space<vmem>>, vector<64x64xf32>
    %dot_general3A_144 = arith.constant dense<0.000000e+00> : vector<256x64xf32>
    %dot_general3A_145 = tpu.matmul %max3A_140, %get3A_143, %dot_general3A_144 {dimension_numbers = #tpu.dot_dimension_numbers<[1], [0], [0], [1], [0, 0, 1, 1], [], []>, transpose_lhs_hint = false} : vector<256x64xf32>, vector<64x64xf32>, vector<256x64xf32> -> vector<256x64xf32>
    %max3A_146 = arith.maximumf %max3A_128, %dot_general3A_145 : vector<256x64xf32>
    %get3A_147 = arith.constant 7 : index
    %get3A_148 = arith.constant 0 : index
    %get3A_149 = arith.constant 0 : index
    %get3A_150 = vector.load %arg1[%get3A_147, %get3A_148, %get3A_149] : memref<20x256x64xf32, #tpu.memory_space<vmem>>, vector<1x256x64xf32>
    %get3A_151 = vector.shape_cast %get3A_150 : vector<1x256x64xf32> to vector<256x64xf32>
    %mul3A_152 = vector.broadcast %div3A_20 : vector<1x64xf32> to vector<256x64xf32>
    %mul3A_153 = arith.mulf %get3A_151, %mul3A_152 : vector<256x64xf32>
    %add3A_154 = vector.broadcast %sub3A_22 : vector<1x64xf32> to vector<256x64xf32>
    %add3A_155 = arith.addf %mul3A_153, %add3A_154 : vector<256x64xf32>
    %max3A_156 = arith.constant 0.000000e+00 : f32
    %max3A_157 = vector.broadcast %max3A_156 : f32 to vector<256x64xf32>
    %max3A_158 = arith.maximumf %add3A_155, %max3A_157 : vector<256x64xf32>
    %get3A_159 = arith.constant 0 : index
    %get3A_160 = arith.constant 0 : index
    %get3A_161 = vector.load %arg6[%get3A_159, %get3A_160] : memref<64x64xf32, #tpu.memory_space<vmem>>, vector<64x64xf32>
    %dot_general3A_162 = arith.constant dense<0.000000e+00> : vector<256x64xf32>
    %dot_general3A_163 = tpu.matmul %max3A_158, %get3A_161, %dot_general3A_162 {dimension_numbers = #tpu.dot_dimension_numbers<[1], [0], [0], [1], [0, 0, 1, 1], [], []>, transpose_lhs_hint = false} : vector<256x64xf32>, vector<64x64xf32>, vector<256x64xf32> -> vector<256x64xf32>
    %max3A_164 = arith.maximumf %max3A_146, %dot_general3A_163 : vector<256x64xf32>
    %get3A_165 = arith.constant 8 : index
    %get3A_166 = arith.constant 0 : index
    %get3A_167 = arith.constant 0 : index
    %get3A_168 = vector.load %arg1[%get3A_165, %get3A_166, %get3A_167] : memref<20x256x64xf32, #tpu.memory_space<vmem>>, vector<1x256x64xf32>
    %get3A_169 = vector.shape_cast %get3A_168 : vector<1x256x64xf32> to vector<256x64xf32>
    %mul3A_170 = vector.broadcast %div3A_20 : vector<1x64xf32> to vector<256x64xf32>
    %mul3A_171 = arith.mulf %get3A_169, %mul3A_170 : vector<256x64xf32>
    %add3A_172 = vector.broadcast %sub3A_22 : vector<1x64xf32> to vector<256x64xf32>
    %add3A_173 = arith.addf %mul3A_171, %add3A_172 : vector<256x64xf32>
    %max3A_174 = arith.constant 0.000000e+00 : f32
    %max3A_175 = vector.broadcast %max3A_174 : f32 to vector<256x64xf32>
    %max3A_176 = arith.maximumf %add3A_173, %max3A_175 : vector<256x64xf32>
    %get3A_177 = arith.constant 0 : index
    %get3A_178 = arith.constant 0 : index
    %get3A_179 = vector.load %arg6[%get3A_177, %get3A_178] : memref<64x64xf32, #tpu.memory_space<vmem>>, vector<64x64xf32>
    %dot_general3A_180 = arith.constant dense<0.000000e+00> : vector<256x64xf32>
    %dot_general3A_181 = tpu.matmul %max3A_176, %get3A_179, %dot_general3A_180 {dimension_numbers = #tpu.dot_dimension_numbers<[1], [0], [0], [1], [0, 0, 1, 1], [], []>, transpose_lhs_hint = false} : vector<256x64xf32>, vector<64x64xf32>, vector<256x64xf32> -> vector<256x64xf32>
    %max3A_182 = arith.maximumf %max3A_164, %dot_general3A_181 : vector<256x64xf32>
    %get3A_183 = arith.constant 9 : index
    %get3A_184 = arith.constant 0 : index
    %get3A_185 = arith.constant 0 : index
    %get3A_186 = vector.load %arg1[%get3A_183, %get3A_184, %get3A_185] : memref<20x256x64xf32, #tpu.memory_space<vmem>>, vector<1x256x64xf32>
    %get3A_187 = vector.shape_cast %get3A_186 : vector<1x256x64xf32> to vector<256x64xf32>
    %mul3A_188 = vector.broadcast %div3A_20 : vector<1x64xf32> to vector<256x64xf32>
    %mul3A_189 = arith.mulf %get3A_187, %mul3A_188 : vector<256x64xf32>
    %add3A_190 = vector.broadcast %sub3A_22 : vector<1x64xf32> to vector<256x64xf32>
    %add3A_191 = arith.addf %mul3A_189, %add3A_190 : vector<256x64xf32>
    %max3A_192 = arith.constant 0.000000e+00 : f32
    %max3A_193 = vector.broadcast %max3A_192 : f32 to vector<256x64xf32>
    %max3A_194 = arith.maximumf %add3A_191, %max3A_193 : vector<256x64xf32>
    %get3A_195 = arith.constant 0 : index
    %get3A_196 = arith.constant 0 : index
    %get3A_197 = vector.load %arg6[%get3A_195, %get3A_196] : memref<64x64xf32, #tpu.memory_space<vmem>>, vector<64x64xf32>
    %dot_general3A_198 = arith.constant dense<0.000000e+00> : vector<256x64xf32>
    %dot_general3A_199 = tpu.matmul %max3A_194, %get3A_197, %dot_general3A_198 {dimension_numbers = #tpu.dot_dimension_numbers<[1], [0], [0], [1], [0, 0, 1, 1], [], []>, transpose_lhs_hint = false} : vector<256x64xf32>, vector<64x64xf32>, vector<256x64xf32> -> vector<256x64xf32>
    %max3A_200 = arith.maximumf %max3A_182, %dot_general3A_199 : vector<256x64xf32>
    %get3A_201 = arith.constant 10 : index
    %get3A_202 = arith.constant 0 : index
    %get3A_203 = arith.constant 0 : index
    %get3A_204 = vector.load %arg1[%get3A_201, %get3A_202, %get3A_203] : memref<20x256x64xf32, #tpu.memory_space<vmem>>, vector<1x256x64xf32>
    %get3A_205 = vector.shape_cast %get3A_204 : vector<1x256x64xf32> to vector<256x64xf32>
    %mul3A_206 = vector.broadcast %div3A_20 : vector<1x64xf32> to vector<256x64xf32>
    %mul3A_207 = arith.mulf %get3A_205, %mul3A_206 : vector<256x64xf32>
    %add3A_208 = vector.broadcast %sub3A_22 : vector<1x64xf32> to vector<256x64xf32>
    %add3A_209 = arith.addf %mul3A_207, %add3A_208 : vector<256x64xf32>
    %max3A_210 = arith.constant 0.000000e+00 : f32
    %max3A_211 = vector.broadcast %max3A_210 : f32 to vector<256x64xf32>
    %max3A_212 = arith.maximumf %add3A_209, %max3A_211 : vector<256x64xf32>
    %get3A_213 = arith.constant 0 : index
    %get3A_214 = arith.constant 0 : index
    %get3A_215 = vector.load %arg6[%get3A_213, %get3A_214] : memref<64x64xf32, #tpu.memory_space<vmem>>, vector<64x64xf32>
    %dot_general3A_216 = arith.constant dense<0.000000e+00> : vector<256x64xf32>
    %dot_general3A_217 = tpu.matmul %max3A_212, %get3A_215, %dot_general3A_216 {dimension_numbers = #tpu.dot_dimension_numbers<[1], [0], [0], [1], [0, 0, 1, 1], [], []>, transpose_lhs_hint = false} : vector<256x64xf32>, vector<64x64xf32>, vector<256x64xf32> -> vector<256x64xf32>
    %max3A_218 = arith.maximumf %max3A_200, %dot_general3A_217 : vector<256x64xf32>
    %get3A_219 = arith.constant 11 : index
    %get3A_220 = arith.constant 0 : index
    %get3A_221 = arith.constant 0 : index
    %get3A_222 = vector.load %arg1[%get3A_219, %get3A_220, %get3A_221] : memref<20x256x64xf32, #tpu.memory_space<vmem>>, vector<1x256x64xf32>
    %get3A_223 = vector.shape_cast %get3A_222 : vector<1x256x64xf32> to vector<256x64xf32>
    %mul3A_224 = vector.broadcast %div3A_20 : vector<1x64xf32> to vector<256x64xf32>
    %mul3A_225 = arith.mulf %get3A_223, %mul3A_224 : vector<256x64xf32>
    %add3A_226 = vector.broadcast %sub3A_22 : vector<1x64xf32> to vector<256x64xf32>
    %add3A_227 = arith.addf %mul3A_225, %add3A_226 : vector<256x64xf32>
    %max3A_228 = arith.constant 0.000000e+00 : f32
    %max3A_229 = vector.broadcast %max3A_228 : f32 to vector<256x64xf32>
    %max3A_230 = arith.maximumf %add3A_227, %max3A_229 : vector<256x64xf32>
    %get3A_231 = arith.constant 0 : index
    %get3A_232 = arith.constant 0 : index
    %get3A_233 = vector.load %arg6[%get3A_231, %get3A_232] : memref<64x64xf32, #tpu.memory_space<vmem>>, vector<64x64xf32>
    %dot_general3A_234 = arith.constant dense<0.000000e+00> : vector<256x64xf32>
    %dot_general3A_235 = tpu.matmul %max3A_230, %get3A_233, %dot_general3A_234 {dimension_numbers = #tpu.dot_dimension_numbers<[1], [0], [0], [1], [0, 0, 1, 1], [], []>, transpose_lhs_hint = false} : vector<256x64xf32>, vector<64x64xf32>, vector<256x64xf32> -> vector<256x64xf32>
    %max3A_236 = arith.maximumf %max3A_218, %dot_general3A_235 : vector<256x64xf32>
    %get3A_237 = arith.constant 12 : index
    %get3A_238 = arith.constant 0 : index
    %get3A_239 = arith.constant 0 : index
    %get3A_240 = vector.load %arg1[%get3A_237, %get3A_238, %get3A_239] : memref<20x256x64xf32, #tpu.memory_space<vmem>>, vector<1x256x64xf32>
    %get3A_241 = vector.shape_cast %get3A_240 : vector<1x256x64xf32> to vector<256x64xf32>
    %mul3A_242 = vector.broadcast %div3A_20 : vector<1x64xf32> to vector<256x64xf32>
    %mul3A_243 = arith.mulf %get3A_241, %mul3A_242 : vector<256x64xf32>
    %add3A_244 = vector.broadcast %sub3A_22 : vector<1x64xf32> to vector<256x64xf32>
    %add3A_245 = arith.addf %mul3A_243, %add3A_244 : vector<256x64xf32>
    %max3A_246 = arith.constant 0.000000e+00 : f32
    %max3A_247 = vector.broadcast %max3A_246 : f32 to vector<256x64xf32>
    %max3A_248 = arith.maximumf %add3A_245, %max3A_247 : vector<256x64xf32>
    %get3A_249 = arith.constant 0 : index
    %get3A_250 = arith.constant 0 : index
    %get3A_251 = vector.load %arg6[%get3A_249, %get3A_250] : memref<64x64xf32, #tpu.memory_space<vmem>>, vector<64x64xf32>
    %dot_general3A_252 = arith.constant dense<0.000000e+00> : vector<256x64xf32>
    %dot_general3A_253 = tpu.matmul %max3A_248, %get3A_251, %dot_general3A_252 {dimension_numbers = #tpu.dot_dimension_numbers<[1], [0], [0], [1], [0, 0, 1, 1], [], []>, transpose_lhs_hint = false} : vector<256x64xf32>, vector<64x64xf32>, vector<256x64xf32> -> vector<256x64xf32>
    %max3A_254 = arith.maximumf %max3A_236, %dot_general3A_253 : vector<256x64xf32>
    %get3A_255 = arith.constant 13 : index
    %get3A_256 = arith.constant 0 : index
    %get3A_257 = arith.constant 0 : index
    %get3A_258 = vector.load %arg1[%get3A_255, %get3A_256, %get3A_257] : memref<20x256x64xf32, #tpu.memory_space<vmem>>, vector<1x256x64xf32>
    %get3A_259 = vector.shape_cast %get3A_258 : vector<1x256x64xf32> to vector<256x64xf32>
    %mul3A_260 = vector.broadcast %div3A_20 : vector<1x64xf32> to vector<256x64xf32>
    %mul3A_261 = arith.mulf %get3A_259, %mul3A_260 : vector<256x64xf32>
    %add3A_262 = vector.broadcast %sub3A_22 : vector<1x64xf32> to vector<256x64xf32>
    %add3A_263 = arith.addf %mul3A_261, %add3A_262 : vector<256x64xf32>
    %max3A_264 = arith.constant 0.000000e+00 : f32
    %max3A_265 = vector.broadcast %max3A_264 : f32 to vector<256x64xf32>
    %max3A_266 = arith.maximumf %add3A_263, %max3A_265 : vector<256x64xf32>
    %get3A_267 = arith.constant 0 : index
    %get3A_268 = arith.constant 0 : index
    %get3A_269 = vector.load %arg6[%get3A_267, %get3A_268] : memref<64x64xf32, #tpu.memory_space<vmem>>, vector<64x64xf32>
    %dot_general3A_270 = arith.constant dense<0.000000e+00> : vector<256x64xf32>
    %dot_general3A_271 = tpu.matmul %max3A_266, %get3A_269, %dot_general3A_270 {dimension_numbers = #tpu.dot_dimension_numbers<[1], [0], [0], [1], [0, 0, 1, 1], [], []>, transpose_lhs_hint = false} : vector<256x64xf32>, vector<64x64xf32>, vector<256x64xf32> -> vector<256x64xf32>
    %max3A_272 = arith.maximumf %max3A_254, %dot_general3A_271 : vector<256x64xf32>
    %get3A_273 = arith.constant 14 : index
    %get3A_274 = arith.constant 0 : index
    %get3A_275 = arith.constant 0 : index
    %get3A_276 = vector.load %arg1[%get3A_273, %get3A_274, %get3A_275] : memref<20x256x64xf32, #tpu.memory_space<vmem>>, vector<1x256x64xf32>
    %get3A_277 = vector.shape_cast %get3A_276 : vector<1x256x64xf32> to vector<256x64xf32>
    %mul3A_278 = vector.broadcast %div3A_20 : vector<1x64xf32> to vector<256x64xf32>
    %mul3A_279 = arith.mulf %get3A_277, %mul3A_278 : vector<256x64xf32>
    %add3A_280 = vector.broadcast %sub3A_22 : vector<1x64xf32> to vector<256x64xf32>
    %add3A_281 = arith.addf %mul3A_279, %add3A_280 : vector<256x64xf32>
    %max3A_282 = arith.constant 0.000000e+00 : f32
    %max3A_283 = vector.broadcast %max3A_282 : f32 to vector<256x64xf32>
    %max3A_284 = arith.maximumf %add3A_281, %max3A_283 : vector<256x64xf32>
    %get3A_285 = arith.constant 0 : index
    %get3A_286 = arith.constant 0 : index
    %get3A_287 = vector.load %arg6[%get3A_285, %get3A_286] : memref<64x64xf32, #tpu.memory_space<vmem>>, vector<64x64xf32>
    %dot_general3A_288 = arith.constant dense<0.000000e+00> : vector<256x64xf32>
    %dot_general3A_289 = tpu.matmul %max3A_284, %get3A_287, %dot_general3A_288 {dimension_numbers = #tpu.dot_dimension_numbers<[1], [0], [0], [1], [0, 0, 1, 1], [], []>, transpose_lhs_hint = false} : vector<256x64xf32>, vector<64x64xf32>, vector<256x64xf32> -> vector<256x64xf32>
    %max3A_290 = arith.maximumf %max3A_272, %dot_general3A_289 : vector<256x64xf32>
    %get3A_291 = arith.constant 15 : index
    %get3A_292 = arith.constant 0 : index
    %get3A_293 = arith.constant 0 : index
    %get3A_294 = vector.load %arg1[%get3A_291, %get3A_292, %get3A_293] : memref<20x256x64xf32, #tpu.memory_space<vmem>>, vector<1x256x64xf32>
    %get3A_295 = vector.shape_cast %get3A_294 : vector<1x256x64xf32> to vector<256x64xf32>
    %mul3A_296 = vector.broadcast %div3A_20 : vector<1x64xf32> to vector<256x64xf32>
    %mul3A_297 = arith.mulf %get3A_295, %mul3A_296 : vector<256x64xf32>
    %add3A_298 = vector.broadcast %sub3A_22 : vector<1x64xf32> to vector<256x64xf32>
    %add3A_299 = arith.addf %mul3A_297, %add3A_298 : vector<256x64xf32>
    %max3A_300 = arith.constant 0.000000e+00 : f32
    %max3A_301 = vector.broadcast %max3A_300 : f32 to vector<256x64xf32>
    %max3A_302 = arith.maximumf %add3A_299, %max3A_301 : vector<256x64xf32>
    %get3A_303 = arith.constant 0 : index
    %get3A_304 = arith.constant 0 : index
    %get3A_305 = vector.load %arg6[%get3A_303, %get3A_304] : memref<64x64xf32, #tpu.memory_space<vmem>>, vector<64x64xf32>
    %dot_general3A_306 = arith.constant dense<0.000000e+00> : vector<256x64xf32>
    %dot_general3A_307 = tpu.matmul %max3A_302, %get3A_305, %dot_general3A_306 {dimension_numbers = #tpu.dot_dimension_numbers<[1], [0], [0], [1], [0, 0, 1, 1], [], []>, transpose_lhs_hint = false} : vector<256x64xf32>, vector<64x64xf32>, vector<256x64xf32> -> vector<256x64xf32>
    %max3A_308 = arith.maximumf %max3A_290, %dot_general3A_307 : vector<256x64xf32>
    %get3A_309 = arith.constant 16 : index
    %get3A_310 = arith.constant 0 : index
    %get3A_311 = arith.constant 0 : index
    %get3A_312 = vector.load %arg1[%get3A_309, %get3A_310, %get3A_311] : memref<20x256x64xf32, #tpu.memory_space<vmem>>, vector<1x256x64xf32>
    %get3A_313 = vector.shape_cast %get3A_312 : vector<1x256x64xf32> to vector<256x64xf32>
    %mul3A_314 = vector.broadcast %div3A_20 : vector<1x64xf32> to vector<256x64xf32>
    %mul3A_315 = arith.mulf %get3A_313, %mul3A_314 : vector<256x64xf32>
    %add3A_316 = vector.broadcast %sub3A_22 : vector<1x64xf32> to vector<256x64xf32>
    %add3A_317 = arith.addf %mul3A_315, %add3A_316 : vector<256x64xf32>
    %max3A_318 = arith.constant 0.000000e+00 : f32
    %max3A_319 = vector.broadcast %max3A_318 : f32 to vector<256x64xf32>
    %max3A_320 = arith.maximumf %add3A_317, %max3A_319 : vector<256x64xf32>
    %get3A_321 = arith.constant 0 : index
    %get3A_322 = arith.constant 0 : index
    %get3A_323 = vector.load %arg6[%get3A_321, %get3A_322] : memref<64x64xf32, #tpu.memory_space<vmem>>, vector<64x64xf32>
    %dot_general3A_324 = arith.constant dense<0.000000e+00> : vector<256x64xf32>
    %dot_general3A_325 = tpu.matmul %max3A_320, %get3A_323, %dot_general3A_324 {dimension_numbers = #tpu.dot_dimension_numbers<[1], [0], [0], [1], [0, 0, 1, 1], [], []>, transpose_lhs_hint = false} : vector<256x64xf32>, vector<64x64xf32>, vector<256x64xf32> -> vector<256x64xf32>
    %max3A_326 = arith.maximumf %max3A_308, %dot_general3A_325 : vector<256x64xf32>
    %get3A_327 = arith.constant 17 : index
    %get3A_328 = arith.constant 0 : index
    %get3A_329 = arith.constant 0 : index
    %get3A_330 = vector.load %arg1[%get3A_327, %get3A_328, %get3A_329] : memref<20x256x64xf32, #tpu.memory_space<vmem>>, vector<1x256x64xf32>
    %get3A_331 = vector.shape_cast %get3A_330 : vector<1x256x64xf32> to vector<256x64xf32>
    %mul3A_332 = vector.broadcast %div3A_20 : vector<1x64xf32> to vector<256x64xf32>
    %mul3A_333 = arith.mulf %get3A_331, %mul3A_332 : vector<256x64xf32>
    %add3A_334 = vector.broadcast %sub3A_22 : vector<1x64xf32> to vector<256x64xf32>
    %add3A_335 = arith.addf %mul3A_333, %add3A_334 : vector<256x64xf32>
    %max3A_336 = arith.constant 0.000000e+00 : f32
    %max3A_337 = vector.broadcast %max3A_336 : f32 to vector<256x64xf32>
    %max3A_338 = arith.maximumf %add3A_335, %max3A_337 : vector<256x64xf32>
    %get3A_339 = arith.constant 0 : index
    %get3A_340 = arith.constant 0 : index
    %get3A_341 = vector.load %arg6[%get3A_339, %get3A_340] : memref<64x64xf32, #tpu.memory_space<vmem>>, vector<64x64xf32>
    %dot_general3A_342 = arith.constant dense<0.000000e+00> : vector<256x64xf32>
    %dot_general3A_343 = tpu.matmul %max3A_338, %get3A_341, %dot_general3A_342 {dimension_numbers = #tpu.dot_dimension_numbers<[1], [0], [0], [1], [0, 0, 1, 1], [], []>, transpose_lhs_hint = false} : vector<256x64xf32>, vector<64x64xf32>, vector<256x64xf32> -> vector<256x64xf32>
    %max3A_344 = arith.maximumf %max3A_326, %dot_general3A_343 : vector<256x64xf32>
    %get3A_345 = arith.constant 18 : index
    %get3A_346 = arith.constant 0 : index
    %get3A_347 = arith.constant 0 : index
    %get3A_348 = vector.load %arg1[%get3A_345, %get3A_346, %get3A_347] : memref<20x256x64xf32, #tpu.memory_space<vmem>>, vector<1x256x64xf32>
    %get3A_349 = vector.shape_cast %get3A_348 : vector<1x256x64xf32> to vector<256x64xf32>
    %mul3A_350 = vector.broadcast %div3A_20 : vector<1x64xf32> to vector<256x64xf32>
    %mul3A_351 = arith.mulf %get3A_349, %mul3A_350 : vector<256x64xf32>
    %add3A_352 = vector.broadcast %sub3A_22 : vector<1x64xf32> to vector<256x64xf32>
    %add3A_353 = arith.addf %mul3A_351, %add3A_352 : vector<256x64xf32>
    %max3A_354 = arith.constant 0.000000e+00 : f32
    %max3A_355 = vector.broadcast %max3A_354 : f32 to vector<256x64xf32>
    %max3A_356 = arith.maximumf %add3A_353, %max3A_355 : vector<256x64xf32>
    %get3A_357 = arith.constant 0 : index
    %get3A_358 = arith.constant 0 : index
    %get3A_359 = vector.load %arg6[%get3A_357, %get3A_358] : memref<64x64xf32, #tpu.memory_space<vmem>>, vector<64x64xf32>
    %dot_general3A_360 = arith.constant dense<0.000000e+00> : vector<256x64xf32>
    %dot_general3A_361 = tpu.matmul %max3A_356, %get3A_359, %dot_general3A_360 {dimension_numbers = #tpu.dot_dimension_numbers<[1], [0], [0], [1], [0, 0, 1, 1], [], []>, transpose_lhs_hint = false} : vector<256x64xf32>, vector<64x64xf32>, vector<256x64xf32> -> vector<256x64xf32>
    %max3A_362 = arith.maximumf %max3A_344, %dot_general3A_361 : vector<256x64xf32>
    %get3A_363 = arith.constant 19 : index
    %get3A_364 = arith.constant 0 : index
    %get3A_365 = arith.constant 0 : index
    %get3A_366 = vector.load %arg1[%get3A_363, %get3A_364, %get3A_365] : memref<20x256x64xf32, #tpu.memory_space<vmem>>, vector<1x256x64xf32>
    %get3A_367 = vector.shape_cast %get3A_366 : vector<1x256x64xf32> to vector<256x64xf32>
    %mul3A_368 = vector.broadcast %div3A_20 : vector<1x64xf32> to vector<256x64xf32>
    %mul3A_369 = arith.mulf %get3A_367, %mul3A_368 : vector<256x64xf32>
    %add3A_370 = vector.broadcast %sub3A_22 : vector<1x64xf32> to vector<256x64xf32>
    %add3A_371 = arith.addf %mul3A_369, %add3A_370 : vector<256x64xf32>
    %max3A_372 = arith.constant 0.000000e+00 : f32
    %max3A_373 = vector.broadcast %max3A_372 : f32 to vector<256x64xf32>
    %max3A_374 = arith.maximumf %add3A_371, %max3A_373 : vector<256x64xf32>
    %get3A_375 = arith.constant 0 : index
    %get3A_376 = arith.constant 0 : index
    %get3A_377 = vector.load %arg6[%get3A_375, %get3A_376] : memref<64x64xf32, #tpu.memory_space<vmem>>, vector<64x64xf32>
    %dot_general3A_378 = arith.constant dense<0.000000e+00> : vector<256x64xf32>
    %dot_general3A_379 = tpu.matmul %max3A_374, %get3A_377, %dot_general3A_378 {dimension_numbers = #tpu.dot_dimension_numbers<[1], [0], [0], [1], [0, 0, 1, 1], [], []>, transpose_lhs_hint = false} : vector<256x64xf32>, vector<64x64xf32>, vector<256x64xf32> -> vector<256x64xf32>
    %max3A_380 = arith.maximumf %max3A_362, %dot_general3A_379 : vector<256x64xf32>
    %get3A_381 = arith.constant 0 : index
    %get3A_382 = arith.constant 0 : index
    %get3A_383 = vector.load %arg7[%get3A_381, %get3A_382] : memref<1x64xf32, #tpu.memory_space<vmem>>, vector<1x64xf32>
    %add3A_384 = vector.broadcast %get3A_383 : vector<1x64xf32> to vector<256x64xf32>
    %add3A_385 = arith.addf %max3A_380, %add3A_384 : vector<256x64xf32>
    %swap3A = arith.constant 0 : index
    %swap3A_386 = arith.constant 0 : index
    %swap3A_387 = vector.load %arg8[%swap3A, %swap3A_386] : memref<256x64xf32, #tpu.memory_space<vmem>>, vector<256x64xf32>
    tpu.vector_store %arg8[%swap3A, %swap3A_386], %add3A_385 {strides = array<i32>} : memref<256x64xf32, #tpu.memory_space<vmem>>, vector<256x64xf32>,
    %transpose3A = tpu.transpose %add3A_385, [1, 0] : vector<256x64xf32> -> vector<64x256xf32>
    %swap3A_388 = arith.constant 0 : index
    %swap3A_389 = arith.constant 0 : index
    %swap3A_390 = vector.load %arg9[%swap3A_388, %swap3A_389] : memref<64x256xf32, #tpu.memory_space<vmem>>, vector<64x256xf32>
    tpu.vector_store %arg9[%swap3A_388, %swap3A_389], %transpose3A {strides = array<i32>} : memref<64x256xf32, #tpu.memory_space<vmem>>, vector<64x256xf32>,
    return
  }
  func.func @transform_0(%arg0: i32) -> (i32, i32, i32) {
    %c0_i32 = arith.constant 0 : i32
    %c0_i32_0 = arith.constant 0 : i32
    %c0_i32_1 = arith.constant 0 : i32
    return %c0_i32, %arg0, %c0_i32_0 : i32, i32, i32
  }
  func.func @transform_1(%arg0: i32) -> (i32, i32) {
    %c0_i32 = arith.constant 0 : i32
    %c0_i32_0 = arith.constant 0 : i32
    %c0_i32_1 = arith.constant 0 : i32
    return %c0_i32, %c0_i32_0 : i32, i32
  }
  func.func @transform_2(%arg0: i32) -> (i32, i32) {
    %c0_i32 = arith.constant 0 : i32
    %c0_i32_0 = arith.constant 0 : i32
    %c0_i32_1 = arith.constant 0 : i32
    return %c0_i32, %c0_i32_0 : i32, i32
  }
  func.func @transform_3(%arg0: i32) -> (i32, i32) {
    %c0_i32 = arith.constant 0 : i32
    %c0_i32_0 = arith.constant 0 : i32
    %c0_i32_1 = arith.constant 0 : i32
    return %c0_i32, %c0_i32_0 : i32, i32
  }
  func.func @transform_4(%arg0: i32) -> (i32, i32) {
    %c0_i32 = arith.constant 0 : i32
    %c0_i32_0 = arith.constant 0 : i32
    %c0_i32_1 = arith.constant 0 : i32
    return %c0_i32, %c0_i32_0 : i32, i32
  }
  func.func @transform_5(%arg0: i32) -> (i32, i32) {
    %c0_i32 = arith.constant 0 : i32
    %c0_i32_0 = arith.constant 0 : i32
    %c0_i32_1 = arith.constant 0 : i32
    return %c0_i32, %c0_i32_0 : i32, i32
  }
  func.func @transform_6(%arg0: i32) -> (i32, i32) {
    %c0_i32 = arith.constant 0 : i32
    %c0_i32_0 = arith.constant 0 : i32
    %c0_i32_1 = arith.constant 0 : i32
    return %c0_i32, %c0_i32_0 : i32, i32
  }
  func.func @transform_7(%arg0: i32) -> (i32, i32) {
    %c0_i32 = arith.constant 0 : i32
    %c0_i32_0 = arith.constant 0 : i32
    return %arg0, %c0_i32 : i32, i32
  }
  func.func @transform_8(%arg0: i32) -> (i32, i32) {
    %c0_i32 = arith.constant 0 : i32
    %c0_i32_0 = arith.constant 0 : i32
    return %c0_i32, %arg0 : i32, i32
  }
}

module attributes {stable_mosaic.version = 14 : i64} {
  func.func @_knn_body(%arg0: i32, %arg1: memref<2x64xi32, #tpu.memory_space<smem>>, %arg2: memref<128x64xf32, #tpu.memory_space<vmem>>, %arg3: memref<64x8192xf32, #tpu.memory_space<vmem>>, %arg4: memref<128x1xi32, #tpu.memory_space<vmem>>, %arg5: memref<1x8192xi32, #tpu.memory_space<vmem>>, %arg6: memref<128x20xi32, #tpu.memory_space<vmem>>) attributes {dimension_semantics = [#tpu.dimension_semantics<arbitrary>], iteration_bounds = array<i64: 64>, scalar_prefetch = 1 : i64, scratch_operands = 0 : i64, tpu.core_type = #tpu.core_type<tc>, window_params = [{transform_indices = @transform_0, window_bounds = array<i64: 128, 64>}, {pipeline_mode = #tpu.pipeline_mode<synchronous>, transform_indices = @transform_1, window_bounds = array<i64: 64, 8192>}, {transform_indices = @transform_2, window_bounds = array<i64: 128, 1>}, {pipeline_mode = #tpu.pipeline_mode<synchronous>, transform_indices = @transform_3, window_bounds = array<i64: 1, 8192>}, {transform_indices = @transform_4, window_bounds = array<i64: 128, 20>}]} {
    %get3A = arith.constant 0 : index
    %get3A_0 = arith.index_cast %arg0 : i32 to index
    %get3A_1 = memref.load %arg1[%get3A, %get3A_0] : memref<2x64xi32, #tpu.memory_space<smem>>
    %multiple_of3A = tpu.assume_multiple %get3A_1, 256 : i32
    %get3A_2 = arith.constant 1 : index
    %get3A_3 = arith.index_cast %arg0 : i32 to index
    %get3A_4 = memref.load %arg1[%get3A_2, %get3A_3] : memref<2x64xi32, #tpu.memory_space<smem>>
    %get3A_5 = arith.constant 0 : index
    %get3A_6 = arith.constant 0 : index
    %get3A_7 = vector.load %arg2[%get3A_5, %get3A_6] : memref<128x64xf32, #tpu.memory_space<vmem>>, vector<128x64xf32>
    %mul3A = arith.mulf %get3A_7, %get3A_7 : vector<128x64xf32>
    %reduce_sum3A = arith.constant dense<0.000000e+00> : vector<128xf32>
    %reduce_sum3A_8 = vector.multi_reduction <add>, %mul3A, %reduce_sum3A [1] : vector<128x64xf32> to vector<128xf32>
    %broadcast_in_dim3A = vector.shape_cast %reduce_sum3A_8 : vector<128xf32> to vector<128x1xf32>
    %get3A_9 = arith.constant 0 : index
    %get3A_10 = arith.constant 0 : index
    %get3A_11 = vector.load %arg4[%get3A_9, %get3A_10] : memref<128x1xi32, #tpu.memory_space<vmem>>, vector<128x1xi32>
    %eq3A = arith.constant 0 : i32
    %eq3A_12 = arith.cmpi eq, %get3A_4, %eq3A : i32
    %convert_element_type3A = arith.extui %eq3A_12 : i1 to i32
    %cond3A = arith.constant 0 : i32
    %cond3A_13 = arith.cmpi ne, %convert_element_type3A, %cond3A : i32
    scf.if %cond3A_13 {
      %get3A_24 = arith.constant 0 : index
      %get3A_25 = arith.index_cast %multiple_of3A : i32 to index
      %get3A_26 = vector.load %arg3[%get3A_24, %get3A_25] : memref<64x8192xf32, #tpu.memory_space<vmem>>, vector<64x1536xf32>
      %get3A_27 = arith.constant 0 : index
      %get3A_28 = arith.index_cast %multiple_of3A : i32 to index
      %get3A_29 = vector.load %arg5[%get3A_27, %get3A_28] : memref<1x8192xi32, #tpu.memory_space<vmem>>, vector<1x1536xi32>
      %mul3A_30 = arith.mulf %get3A_26, %get3A_26 : vector<64x1536xf32>
      %reduce_sum3A_31 = arith.constant dense<0.000000e+00> : vector<1536xf32>
      %reduce_sum3A_32 = vector.multi_reduction <add>, %mul3A_30, %reduce_sum3A_31 [0] : vector<64x1536xf32> to vector<1536xf32>
      %broadcast_in_dim3A_33 = vector.shape_cast %reduce_sum3A_32 : vector<1536xf32> to vector<1x1536xf32>
      %add3A = vector.broadcast %broadcast_in_dim3A : vector<128x1xf32> to vector<128x1536xf32>
      %add3A_34 = vector.broadcast %broadcast_in_dim3A_33 : vector<1x1536xf32> to vector<128x1536xf32>
      %add3A_35 = arith.addf %add3A, %add3A_34 : vector<128x1536xf32>
      %dot_general3A = arith.constant dense<0.000000e+00> : vector<128x1536xf32>
      %dot_general3A_36 = tpu.matmul %get3A_7, %get3A_26, %dot_general3A {dimension_numbers = #tpu.dot_dimension_numbers<[1], [0], [0], [1], [0, 0, 1, 1], [], []>, transpose_lhs_hint = false} : vector<128x64xf32>, vector<64x1536xf32>, vector<128x1536xf32> -> vector<128x1536xf32>
      %mul3A_37 = arith.constant 2.000000e+00 : f32
      %mul3A_38 = vector.broadcast %mul3A_37 : f32 to vector<128x1536xf32>
      %mul3A_39 = arith.mulf %mul3A_38, %dot_general3A_36 : vector<128x1536xf32>
      %sub3A = arith.subf %add3A_35, %mul3A_39 : vector<128x1536xf32>
      %ne3A = vector.broadcast %get3A_11 : vector<128x1xi32> to vector<128x1536xi32>
      %ne3A_40 = vector.broadcast %get3A_29 : vector<1x1536xi32> to vector<128x1536xi32>
      %ne3A_41 = arith.cmpi ne, %ne3A, %ne3A_40 : vector<128x1536xi32>
      %jit3A = arith.constant 1.000000e+30 : f32
      %broadcast_in_dim3A_42 = vector.broadcast %jit3A : f32 to vector<128x1536xf32>
      %select_n3A = arith.select %ne3A_41, %broadcast_in_dim3A_42, %sub3A : vector<128x1536xi1>, vector<128x1536xf32>
      %iota3A = tpu.iota {dimensions = array<i32: 1>} : vector<128x1536xi32>
      %add3A_43 = vector.broadcast %multiple_of3A : i32 to vector<128x1536xi32>
      %add3A_44 = arith.addi %iota3A, %add3A_43 : vector<128x1536xi32>
      %reduce_min3A = arith.constant dense<0x7F800000> : vector<128xf32>
      %reduce_min3A_45 = vector.multi_reduction <minimumf>, %select_n3A, %reduce_min3A [1] : vector<128x1536xf32> to vector<128xf32>
      %broadcast_in_dim3A_46 = vector.shape_cast %reduce_min3A_45 : vector<128xf32> to vector<128x1xf32>
      %le3A = vector.broadcast %broadcast_in_dim3A_46 : vector<128x1xf32> to vector<128x1536xf32>
      %le3A_47 = arith.cmpf ole, %select_n3A, %le3A : vector<128x1536xf32>
      %jit3A_48 = arith.constant 8192 : i32
      %broadcast_in_dim3A_49 = vector.broadcast %jit3A_48 : i32 to vector<128x1536xi32>
      %select_n3A_50 = arith.select %le3A_47, %add3A_44, %broadcast_in_dim3A_49 : vector<128x1536xi1>, vector<128x1536xi32>
      %reduce_min3A_51 = arith.constant dense<2147483647> : vector<128xi32>
      %reduce_min3A_52 = vector.multi_reduction <minsi>, %select_n3A_50, %reduce_min3A_51 [1] : vector<128x1536xi32> to vector<128xi32>
      %broadcast_in_dim3A_53 = vector.shape_cast %reduce_min3A_52 : vector<128xi32> to vector<128x1xi32>
      %eq3A_54 = vector.broadcast %broadcast_in_dim3A_53 : vector<128x1xi32> to vector<128x1536xi32>
      %eq3A_55 = arith.cmpi eq, %add3A_44, %eq3A_54 : vector<128x1536xi32>
      %jit3A_56 = arith.constant 2.000000e+30 : f32
      %broadcast_in_dim3A_57 = vector.broadcast %jit3A_56 : f32 to vector<128x1536xf32>
      %select_n3A_58 = arith.select %eq3A_55, %broadcast_in_dim3A_57, %select_n3A : vector<128x1536xi1>, vector<128x1536xf32>
      %reduce_min3A_59 = arith.constant dense<0x7F800000> : vector<128xf32>
      %reduce_min3A_60 = vector.multi_reduction <minimumf>, %select_n3A_58, %reduce_min3A_59 [1] : vector<128x1536xf32> to vector<128xf32>
      %broadcast_in_dim3A_61 = vector.shape_cast %reduce_min3A_60 : vector<128xf32> to vector<128x1xf32>
      %le3A_62 = vector.broadcast %broadcast_in_dim3A_61 : vector<128x1xf32> to vector<128x1536xf32>
      %le3A_63 = arith.cmpf ole, %select_n3A_58, %le3A_62 : vector<128x1536xf32>
      %jit3A_64 = arith.constant 8192 : i32
      %broadcast_in_dim3A_65 = vector.broadcast %jit3A_64 : i32 to vector<128x1536xi32>
      %select_n3A_66 = arith.select %le3A_63, %add3A_44, %broadcast_in_dim3A_65 : vector<128x1536xi1>, vector<128x1536xi32>
      %reduce_min3A_67 = arith.constant dense<2147483647> : vector<128xi32>
      %reduce_min3A_68 = vector.multi_reduction <minsi>, %select_n3A_66, %reduce_min3A_67 [1] : vector<128x1536xi32> to vector<128xi32>
      %broadcast_in_dim3A_69 = vector.shape_cast %reduce_min3A_68 : vector<128xi32> to vector<128x1xi32>
      %eq3A_70 = vector.broadcast %broadcast_in_dim3A_69 : vector<128x1xi32> to vector<128x1536xi32>
      %eq3A_71 = arith.cmpi eq, %add3A_44, %eq3A_70 : vector<128x1536xi32>
      %jit3A_72 = arith.constant 2.000000e+30 : f32
      %broadcast_in_dim3A_73 = vector.broadcast %jit3A_72 : f32 to vector<128x1536xf32>
      %select_n3A_74 = arith.select %eq3A_71, %broadcast_in_dim3A_73, %select_n3A_58 : vector<128x1536xi1>, vector<128x1536xf32>
      %reduce_min3A_75 = arith.constant dense<0x7F800000> : vector<128xf32>
      %reduce_min3A_76 = vector.multi_reduction <minimumf>, %select_n3A_74, %reduce_min3A_75 [1] : vector<128x1536xf32> to vector<128xf32>
      %broadcast_in_dim3A_77 = vector.shape_cast %reduce_min3A_76 : vector<128xf32> to vector<128x1xf32>
      %le3A_78 = vector.broadcast %broadcast_in_dim3A_77 : vector<128x1xf32> to vector<128x1536xf32>
      %le3A_79 = arith.cmpf ole, %select_n3A_74, %le3A_78 : vector<128x1536xf32>
      %jit3A_80 = arith.constant 8192 : i32
      %broadcast_in_dim3A_81 = vector.broadcast %jit3A_80 : i32 to vector<128x1536xi32>
      %select_n3A_82 = arith.select %le3A_79, %add3A_44, %broadcast_in_dim3A_81 : vector<128x1536xi1>, vector<128x1536xi32>
      %reduce_min3A_83 = arith.constant dense<2147483647> : vector<128xi32>
      %reduce_min3A_84 = vector.multi_reduction <minsi>, %select_n3A_82, %reduce_min3A_83 [1] : vector<128x1536xi32> to vector<128xi32>
      %broadcast_in_dim3A_85 = vector.shape_cast %reduce_min3A_84 : vector<128xi32> to vector<128x1xi32>
      %eq3A_86 = vector.broadcast %broadcast_in_dim3A_85 : vector<128x1xi32> to vector<128x1536xi32>
      %eq3A_87 = arith.cmpi eq, %add3A_44, %eq3A_86 : vector<128x1536xi32>
      %jit3A_88 = arith.constant 2.000000e+30 : f32
      %broadcast_in_dim3A_89 = vector.broadcast %jit3A_88 : f32 to vector<128x1536xf32>
      %select_n3A_90 = arith.select %eq3A_87, %broadcast_in_dim3A_89, %select_n3A_74 : vector<128x1536xi1>, vector<128x1536xf32>
      %reduce_min3A_91 = arith.constant dense<0x7F800000> : vector<128xf32>
      %reduce_min3A_92 = vector.multi_reduction <minimumf>, %select_n3A_90, %reduce_min3A_91 [1] : vector<128x1536xf32> to vector<128xf32>
      %broadcast_in_dim3A_93 = vector.shape_cast %reduce_min3A_92 : vector<128xf32> to vector<128x1xf32>
      %le3A_94 = vector.broadcast %broadcast_in_dim3A_93 : vector<128x1xf32> to vector<128x1536xf32>
      %le3A_95 = arith.cmpf ole, %select_n3A_90, %le3A_94 : vector<128x1536xf32>
      %jit3A_96 = arith.constant 8192 : i32
      %broadcast_in_dim3A_97 = vector.broadcast %jit3A_96 : i32 to vector<128x1536xi32>
      %select_n3A_98 = arith.select %le3A_95, %add3A_44, %broadcast_in_dim3A_97 : vector<128x1536xi1>, vector<128x1536xi32>
      %reduce_min3A_99 = arith.constant dense<2147483647> : vector<128xi32>
      %reduce_min3A_100 = vector.multi_reduction <minsi>, %select_n3A_98, %reduce_min3A_99 [1] : vector<128x1536xi32> to vector<128xi32>
      %broadcast_in_dim3A_101 = vector.shape_cast %reduce_min3A_100 : vector<128xi32> to vector<128x1xi32>
      %eq3A_102 = vector.broadcast %broadcast_in_dim3A_101 : vector<128x1xi32> to vector<128x1536xi32>
      %eq3A_103 = arith.cmpi eq, %add3A_44, %eq3A_102 : vector<128x1536xi32>
      %jit3A_104 = arith.constant 2.000000e+30 : f32
      %broadcast_in_dim3A_105 = vector.broadcast %jit3A_104 : f32 to vector<128x1536xf32>
      %select_n3A_106 = arith.select %eq3A_103, %broadcast_in_dim3A_105, %select_n3A_90 : vector<128x1536xi1>, vector<128x1536xf32>
      %reduce_min3A_107 = arith.constant dense<0x7F800000> : vector<128xf32>
      %reduce_min3A_108 = vector.multi_reduction <minimumf>, %select_n3A_106, %reduce_min3A_107 [1] : vector<128x1536xf32> to vector<128xf32>
      %broadcast_in_dim3A_109 = vector.shape_cast %reduce_min3A_108 : vector<128xf32> to vector<128x1xf32>
      %le3A_110 = vector.broadcast %broadcast_in_dim3A_109 : vector<128x1xf32> to vector<128x1536xf32>
      %le3A_111 = arith.cmpf ole, %select_n3A_106, %le3A_110 : vector<128x1536xf32>
      %jit3A_112 = arith.constant 8192 : i32
      %broadcast_in_dim3A_113 = vector.broadcast %jit3A_112 : i32 to vector<128x1536xi32>
      %select_n3A_114 = arith.select %le3A_111, %add3A_44, %broadcast_in_dim3A_113 : vector<128x1536xi1>, vector<128x1536xi32>
      %reduce_min3A_115 = arith.constant dense<2147483647> : vector<128xi32>
      %reduce_min3A_116 = vector.multi_reduction <minsi>, %select_n3A_114, %reduce_min3A_115 [1] : vector<128x1536xi32> to vector<128xi32>
      %broadcast_in_dim3A_117 = vector.shape_cast %reduce_min3A_116 : vector<128xi32> to vector<128x1xi32>
      %eq3A_118 = vector.broadcast %broadcast_in_dim3A_117 : vector<128x1xi32> to vector<128x1536xi32>
      %eq3A_119 = arith.cmpi eq, %add3A_44, %eq3A_118 : vector<128x1536xi32>
      %jit3A_120 = arith.constant 2.000000e+30 : f32
      %broadcast_in_dim3A_121 = vector.broadcast %jit3A_120 : f32 to vector<128x1536xf32>
      %select_n3A_122 = arith.select %eq3A_119, %broadcast_in_dim3A_121, %select_n3A_106 : vector<128x1536xi1>, vector<128x1536xf32>
      %reduce_min3A_123 = arith.constant dense<0x7F800000> : vector<128xf32>
      %reduce_min3A_124 = vector.multi_reduction <minimumf>, %select_n3A_122, %reduce_min3A_123 [1] : vector<128x1536xf32> to vector<128xf32>
      %broadcast_in_dim3A_125 = vector.shape_cast %reduce_min3A_124 : vector<128xf32> to vector<128x1xf32>
      %le3A_126 = vector.broadcast %broadcast_in_dim3A_125 : vector<128x1xf32> to vector<128x1536xf32>
      %le3A_127 = arith.cmpf ole, %select_n3A_122, %le3A_126 : vector<128x1536xf32>
      %jit3A_128 = arith.constant 8192 : i32
      %broadcast_in_dim3A_129 = vector.broadcast %jit3A_128 : i32 to vector<128x1536xi32>
      %select_n3A_130 = arith.select %le3A_127, %add3A_44, %broadcast_in_dim3A_129 : vector<128x1536xi1>, vector<128x1536xi32>
      %reduce_min3A_131 = arith.constant dense<2147483647> : vector<128xi32>
      %reduce_min3A_132 = vector.multi_reduction <minsi>, %select_n3A_130, %reduce_min3A_131 [1] : vector<128x1536xi32> to vector<128xi32>
      %broadcast_in_dim3A_133 = vector.shape_cast %reduce_min3A_132 : vector<128xi32> to vector<128x1xi32>
      %eq3A_134 = vector.broadcast %broadcast_in_dim3A_133 : vector<128x1xi32> to vector<128x1536xi32>
      %eq3A_135 = arith.cmpi eq, %add3A_44, %eq3A_134 : vector<128x1536xi32>
      %jit3A_136 = arith.constant 2.000000e+30 : f32
      %broadcast_in_dim3A_137 = vector.broadcast %jit3A_136 : f32 to vector<128x1536xf32>
      %select_n3A_138 = arith.select %eq3A_135, %broadcast_in_dim3A_137, %select_n3A_122 : vector<128x1536xi1>, vector<128x1536xf32>
      %reduce_min3A_139 = arith.constant dense<0x7F800000> : vector<128xf32>
      %reduce_min3A_140 = vector.multi_reduction <minimumf>, %select_n3A_138, %reduce_min3A_139 [1] : vector<128x1536xf32> to vector<128xf32>
      %broadcast_in_dim3A_141 = vector.shape_cast %reduce_min3A_140 : vector<128xf32> to vector<128x1xf32>
      %le3A_142 = vector.broadcast %broadcast_in_dim3A_141 : vector<128x1xf32> to vector<128x1536xf32>
      %le3A_143 = arith.cmpf ole, %select_n3A_138, %le3A_142 : vector<128x1536xf32>
      %jit3A_144 = arith.constant 8192 : i32
      %broadcast_in_dim3A_145 = vector.broadcast %jit3A_144 : i32 to vector<128x1536xi32>
      %select_n3A_146 = arith.select %le3A_143, %add3A_44, %broadcast_in_dim3A_145 : vector<128x1536xi1>, vector<128x1536xi32>
      %reduce_min3A_147 = arith.constant dense<2147483647> : vector<128xi32>
      %reduce_min3A_148 = vector.multi_reduction <minsi>, %select_n3A_146, %reduce_min3A_147 [1] : vector<128x1536xi32> to vector<128xi32>
      %broadcast_in_dim3A_149 = vector.shape_cast %reduce_min3A_148 : vector<128xi32> to vector<128x1xi32>
      %eq3A_150 = vector.broadcast %broadcast_in_dim3A_149 : vector<128x1xi32> to vector<128x1536xi32>
      %eq3A_151 = arith.cmpi eq, %add3A_44, %eq3A_150 : vector<128x1536xi32>
      %jit3A_152 = arith.constant 2.000000e+30 : f32
      %broadcast_in_dim3A_153 = vector.broadcast %jit3A_152 : f32 to vector<128x1536xf32>
      %select_n3A_154 = arith.select %eq3A_151, %broadcast_in_dim3A_153, %select_n3A_138 : vector<128x1536xi1>, vector<128x1536xf32>
      %reduce_min3A_155 = arith.constant dense<0x7F800000> : vector<128xf32>
      %reduce_min3A_156 = vector.multi_reduction <minimumf>, %select_n3A_154, %reduce_min3A_155 [1] : vector<128x1536xf32> to vector<128xf32>
      %broadcast_in_dim3A_157 = vector.shape_cast %reduce_min3A_156 : vector<128xf32> to vector<128x1xf32>
      %le3A_158 = vector.broadcast %broadcast_in_dim3A_157 : vector<128x1xf32> to vector<128x1536xf32>
      %le3A_159 = arith.cmpf ole, %select_n3A_154, %le3A_158 : vector<128x1536xf32>
      %jit3A_160 = arith.constant 8192 : i32
      %broadcast_in_dim3A_161 = vector.broadcast %jit3A_160 : i32 to vector<128x1536xi32>
      %select_n3A_162 = arith.select %le3A_159, %add3A_44, %broadcast_in_dim3A_161 : vector<128x1536xi1>, vector<128x1536xi32>
      %reduce_min3A_163 = arith.constant dense<2147483647> : vector<128xi32>
      %reduce_min3A_164 = vector.multi_reduction <minsi>, %select_n3A_162, %reduce_min3A_163 [1] : vector<128x1536xi32> to vector<128xi32>
      %broadcast_in_dim3A_165 = vector.shape_cast %reduce_min3A_164 : vector<128xi32> to vector<128x1xi32>
      %eq3A_166 = vector.broadcast %broadcast_in_dim3A_165 : vector<128x1xi32> to vector<128x1536xi32>
      %eq3A_167 = arith.cmpi eq, %add3A_44, %eq3A_166 : vector<128x1536xi32>
      %jit3A_168 = arith.constant 2.000000e+30 : f32
      %broadcast_in_dim3A_169 = vector.broadcast %jit3A_168 : f32 to vector<128x1536xf32>
      %select_n3A_170 = arith.select %eq3A_167, %broadcast_in_dim3A_169, %select_n3A_154 : vector<128x1536xi1>, vector<128x1536xf32>
      %reduce_min3A_171 = arith.constant dense<0x7F800000> : vector<128xf32>
      %reduce_min3A_172 = vector.multi_reduction <minimumf>, %select_n3A_170, %reduce_min3A_171 [1] : vector<128x1536xf32> to vector<128xf32>
      %broadcast_in_dim3A_173 = vector.shape_cast %reduce_min3A_172 : vector<128xf32> to vector<128x1xf32>
      %le3A_174 = vector.broadcast %broadcast_in_dim3A_173 : vector<128x1xf32> to vector<128x1536xf32>
      %le3A_175 = arith.cmpf ole, %select_n3A_170, %le3A_174 : vector<128x1536xf32>
      %jit3A_176 = arith.constant 8192 : i32
      %broadcast_in_dim3A_177 = vector.broadcast %jit3A_176 : i32 to vector<128x1536xi32>
      %select_n3A_178 = arith.select %le3A_175, %add3A_44, %broadcast_in_dim3A_177 : vector<128x1536xi1>, vector<128x1536xi32>
      %reduce_min3A_179 = arith.constant dense<2147483647> : vector<128xi32>
      %reduce_min3A_180 = vector.multi_reduction <minsi>, %select_n3A_178, %reduce_min3A_179 [1] : vector<128x1536xi32> to vector<128xi32>
      %broadcast_in_dim3A_181 = vector.shape_cast %reduce_min3A_180 : vector<128xi32> to vector<128x1xi32>
      %eq3A_182 = vector.broadcast %broadcast_in_dim3A_181 : vector<128x1xi32> to vector<128x1536xi32>
      %eq3A_183 = arith.cmpi eq, %add3A_44, %eq3A_182 : vector<128x1536xi32>
      %jit3A_184 = arith.constant 2.000000e+30 : f32
      %broadcast_in_dim3A_185 = vector.broadcast %jit3A_184 : f32 to vector<128x1536xf32>
      %select_n3A_186 = arith.select %eq3A_183, %broadcast_in_dim3A_185, %select_n3A_170 : vector<128x1536xi1>, vector<128x1536xf32>
      %reduce_min3A_187 = arith.constant dense<0x7F800000> : vector<128xf32>
      %reduce_min3A_188 = vector.multi_reduction <minimumf>, %select_n3A_186, %reduce_min3A_187 [1] : vector<128x1536xf32> to vector<128xf32>
      %broadcast_in_dim3A_189 = vector.shape_cast %reduce_min3A_188 : vector<128xf32> to vector<128x1xf32>
      %le3A_190 = vector.broadcast %broadcast_in_dim3A_189 : vector<128x1xf32> to vector<128x1536xf32>
      %le3A_191 = arith.cmpf ole, %select_n3A_186, %le3A_190 : vector<128x1536xf32>
      %jit3A_192 = arith.constant 8192 : i32
      %broadcast_in_dim3A_193 = vector.broadcast %jit3A_192 : i32 to vector<128x1536xi32>
      %select_n3A_194 = arith.select %le3A_191, %add3A_44, %broadcast_in_dim3A_193 : vector<128x1536xi1>, vector<128x1536xi32>
      %reduce_min3A_195 = arith.constant dense<2147483647> : vector<128xi32>
      %reduce_min3A_196 = vector.multi_reduction <minsi>, %select_n3A_194, %reduce_min3A_195 [1] : vector<128x1536xi32> to vector<128xi32>
      %broadcast_in_dim3A_197 = vector.shape_cast %reduce_min3A_196 : vector<128xi32> to vector<128x1xi32>
      %eq3A_198 = vector.broadcast %broadcast_in_dim3A_197 : vector<128x1xi32> to vector<128x1536xi32>
      %eq3A_199 = arith.cmpi eq, %add3A_44, %eq3A_198 : vector<128x1536xi32>
      %jit3A_200 = arith.constant 2.000000e+30 : f32
      %broadcast_in_dim3A_201 = vector.broadcast %jit3A_200 : f32 to vector<128x1536xf32>
      %select_n3A_202 = arith.select %eq3A_199, %broadcast_in_dim3A_201, %select_n3A_186 : vector<128x1536xi1>, vector<128x1536xf32>
      %reduce_min3A_203 = arith.constant dense<0x7F800000> : vector<128xf32>
      %reduce_min3A_204 = vector.multi_reduction <minimumf>, %select_n3A_202, %reduce_min3A_203 [1] : vector<128x1536xf32> to vector<128xf32>
      %broadcast_in_dim3A_205 = vector.shape_cast %reduce_min3A_204 : vector<128xf32> to vector<128x1xf32>
      %le3A_206 = vector.broadcast %broadcast_in_dim3A_205 : vector<128x1xf32> to vector<128x1536xf32>
      %le3A_207 = arith.cmpf ole, %select_n3A_202, %le3A_206 : vector<128x1536xf32>
      %jit3A_208 = arith.constant 8192 : i32
      %broadcast_in_dim3A_209 = vector.broadcast %jit3A_208 : i32 to vector<128x1536xi32>
      %select_n3A_210 = arith.select %le3A_207, %add3A_44, %broadcast_in_dim3A_209 : vector<128x1536xi1>, vector<128x1536xi32>
      %reduce_min3A_211 = arith.constant dense<2147483647> : vector<128xi32>
      %reduce_min3A_212 = vector.multi_reduction <minsi>, %select_n3A_210, %reduce_min3A_211 [1] : vector<128x1536xi32> to vector<128xi32>
      %broadcast_in_dim3A_213 = vector.shape_cast %reduce_min3A_212 : vector<128xi32> to vector<128x1xi32>
      %eq3A_214 = vector.broadcast %broadcast_in_dim3A_213 : vector<128x1xi32> to vector<128x1536xi32>
      %eq3A_215 = arith.cmpi eq, %add3A_44, %eq3A_214 : vector<128x1536xi32>
      %jit3A_216 = arith.constant 2.000000e+30 : f32
      %broadcast_in_dim3A_217 = vector.broadcast %jit3A_216 : f32 to vector<128x1536xf32>
      %select_n3A_218 = arith.select %eq3A_215, %broadcast_in_dim3A_217, %select_n3A_202 : vector<128x1536xi1>, vector<128x1536xf32>
      %reduce_min3A_219 = arith.constant dense<0x7F800000> : vector<128xf32>
      %reduce_min3A_220 = vector.multi_reduction <minimumf>, %select_n3A_218, %reduce_min3A_219 [1] : vector<128x1536xf32> to vector<128xf32>
      %broadcast_in_dim3A_221 = vector.shape_cast %reduce_min3A_220 : vector<128xf32> to vector<128x1xf32>
      %le3A_222 = vector.broadcast %broadcast_in_dim3A_221 : vector<128x1xf32> to vector<128x1536xf32>
      %le3A_223 = arith.cmpf ole, %select_n3A_218, %le3A_222 : vector<128x1536xf32>
      %jit3A_224 = arith.constant 8192 : i32
      %broadcast_in_dim3A_225 = vector.broadcast %jit3A_224 : i32 to vector<128x1536xi32>
      %select_n3A_226 = arith.select %le3A_223, %add3A_44, %broadcast_in_dim3A_225 : vector<128x1536xi1>, vector<128x1536xi32>
      %reduce_min3A_227 = arith.constant dense<2147483647> : vector<128xi32>
      %reduce_min3A_228 = vector.multi_reduction <minsi>, %select_n3A_226, %reduce_min3A_227 [1] : vector<128x1536xi32> to vector<128xi32>
      %broadcast_in_dim3A_229 = vector.shape_cast %reduce_min3A_228 : vector<128xi32> to vector<128x1xi32>
      %eq3A_230 = vector.broadcast %broadcast_in_dim3A_229 : vector<128x1xi32> to vector<128x1536xi32>
      %eq3A_231 = arith.cmpi eq, %add3A_44, %eq3A_230 : vector<128x1536xi32>
      %jit3A_232 = arith.constant 2.000000e+30 : f32
      %broadcast_in_dim3A_233 = vector.broadcast %jit3A_232 : f32 to vector<128x1536xf32>
      %select_n3A_234 = arith.select %eq3A_231, %broadcast_in_dim3A_233, %select_n3A_218 : vector<128x1536xi1>, vector<128x1536xf32>
      %reduce_min3A_235 = arith.constant dense<0x7F800000> : vector<128xf32>
      %reduce_min3A_236 = vector.multi_reduction <minimumf>, %select_n3A_234, %reduce_min3A_235 [1] : vector<128x1536xf32> to vector<128xf32>
      %broadcast_in_dim3A_237 = vector.shape_cast %reduce_min3A_236 : vector<128xf32> to vector<128x1xf32>
      %le3A_238 = vector.broadcast %broadcast_in_dim3A_237 : vector<128x1xf32> to vector<128x1536xf32>
      %le3A_239 = arith.cmpf ole, %select_n3A_234, %le3A_238 : vector<128x1536xf32>
      %jit3A_240 = arith.constant 8192 : i32
      %broadcast_in_dim3A_241 = vector.broadcast %jit3A_240 : i32 to vector<128x1536xi32>
      %select_n3A_242 = arith.select %le3A_239, %add3A_44, %broadcast_in_dim3A_241 : vector<128x1536xi1>, vector<128x1536xi32>
      %reduce_min3A_243 = arith.constant dense<2147483647> : vector<128xi32>
      %reduce_min3A_244 = vector.multi_reduction <minsi>, %select_n3A_242, %reduce_min3A_243 [1] : vector<128x1536xi32> to vector<128xi32>
      %broadcast_in_dim3A_245 = vector.shape_cast %reduce_min3A_244 : vector<128xi32> to vector<128x1xi32>
      %eq3A_246 = vector.broadcast %broadcast_in_dim3A_245 : vector<128x1xi32> to vector<128x1536xi32>
      %eq3A_247 = arith.cmpi eq, %add3A_44, %eq3A_246 : vector<128x1536xi32>
      %jit3A_248 = arith.constant 2.000000e+30 : f32
      %broadcast_in_dim3A_249 = vector.broadcast %jit3A_248 : f32 to vector<128x1536xf32>
      %select_n3A_250 = arith.select %eq3A_247, %broadcast_in_dim3A_249, %select_n3A_234 : vector<128x1536xi1>, vector<128x1536xf32>
      %reduce_min3A_251 = arith.constant dense<0x7F800000> : vector<128xf32>
      %reduce_min3A_252 = vector.multi_reduction <minimumf>, %select_n3A_250, %reduce_min3A_251 [1] : vector<128x1536xf32> to vector<128xf32>
      %broadcast_in_dim3A_253 = vector.shape_cast %reduce_min3A_252 : vector<128xf32> to vector<128x1xf32>
      %le3A_254 = vector.broadcast %broadcast_in_dim3A_253 : vector<128x1xf32> to vector<128x1536xf32>
      %le3A_255 = arith.cmpf ole, %select_n3A_250, %le3A_254 : vector<128x1536xf32>
      %jit3A_256 = arith.constant 8192 : i32
      %broadcast_in_dim3A_257 = vector.broadcast %jit3A_256 : i32 to vector<128x1536xi32>
      %select_n3A_258 = arith.select %le3A_255, %add3A_44, %broadcast_in_dim3A_257 : vector<128x1536xi1>, vector<128x1536xi32>
      %reduce_min3A_259 = arith.constant dense<2147483647> : vector<128xi32>
      %reduce_min3A_260 = vector.multi_reduction <minsi>, %select_n3A_258, %reduce_min3A_259 [1] : vector<128x1536xi32> to vector<128xi32>
      %broadcast_in_dim3A_261 = vector.shape_cast %reduce_min3A_260 : vector<128xi32> to vector<128x1xi32>
      %eq3A_262 = vector.broadcast %broadcast_in_dim3A_261 : vector<128x1xi32> to vector<128x1536xi32>
      %eq3A_263 = arith.cmpi eq, %add3A_44, %eq3A_262 : vector<128x1536xi32>
      %jit3A_264 = arith.constant 2.000000e+30 : f32
      %broadcast_in_dim3A_265 = vector.broadcast %jit3A_264 : f32 to vector<128x1536xf32>
      %select_n3A_266 = arith.select %eq3A_263, %broadcast_in_dim3A_265, %select_n3A_250 : vector<128x1536xi1>, vector<128x1536xf32>
      %reduce_min3A_267 = arith.constant dense<0x7F800000> : vector<128xf32>
      %reduce_min3A_268 = vector.multi_reduction <minimumf>, %select_n3A_266, %reduce_min3A_267 [1] : vector<128x1536xf32> to vector<128xf32>
      %broadcast_in_dim3A_269 = vector.shape_cast %reduce_min3A_268 : vector<128xf32> to vector<128x1xf32>
      %le3A_270 = vector.broadcast %broadcast_in_dim3A_269 : vector<128x1xf32> to vector<128x1536xf32>
      %le3A_271 = arith.cmpf ole, %select_n3A_266, %le3A_270 : vector<128x1536xf32>
      %jit3A_272 = arith.constant 8192 : i32
      %broadcast_in_dim3A_273 = vector.broadcast %jit3A_272 : i32 to vector<128x1536xi32>
      %select_n3A_274 = arith.select %le3A_271, %add3A_44, %broadcast_in_dim3A_273 : vector<128x1536xi1>, vector<128x1536xi32>
      %reduce_min3A_275 = arith.constant dense<2147483647> : vector<128xi32>
      %reduce_min3A_276 = vector.multi_reduction <minsi>, %select_n3A_274, %reduce_min3A_275 [1] : vector<128x1536xi32> to vector<128xi32>
      %broadcast_in_dim3A_277 = vector.shape_cast %reduce_min3A_276 : vector<128xi32> to vector<128x1xi32>
      %eq3A_278 = vector.broadcast %broadcast_in_dim3A_277 : vector<128x1xi32> to vector<128x1536xi32>
      %eq3A_279 = arith.cmpi eq, %add3A_44, %eq3A_278 : vector<128x1536xi32>
      %jit3A_280 = arith.constant 2.000000e+30 : f32
      %broadcast_in_dim3A_281 = vector.broadcast %jit3A_280 : f32 to vector<128x1536xf32>
      %select_n3A_282 = arith.select %eq3A_279, %broadcast_in_dim3A_281, %select_n3A_266 : vector<128x1536xi1>, vector<128x1536xf32>
      %reduce_min3A_283 = arith.constant dense<0x7F800000> : vector<128xf32>
      %reduce_min3A_284 = vector.multi_reduction <minimumf>, %select_n3A_282, %reduce_min3A_283 [1] : vector<128x1536xf32> to vector<128xf32>
      %broadcast_in_dim3A_285 = vector.shape_cast %reduce_min3A_284 : vector<128xf32> to vector<128x1xf32>
      %le3A_286 = vector.broadcast %broadcast_in_dim3A_285 : vector<128x1xf32> to vector<128x1536xf32>
      %le3A_287 = arith.cmpf ole, %select_n3A_282, %le3A_286 : vector<128x1536xf32>
      %jit3A_288 = arith.constant 8192 : i32
      %broadcast_in_dim3A_289 = vector.broadcast %jit3A_288 : i32 to vector<128x1536xi32>
      %select_n3A_290 = arith.select %le3A_287, %add3A_44, %broadcast_in_dim3A_289 : vector<128x1536xi1>, vector<128x1536xi32>
      %reduce_min3A_291 = arith.constant dense<2147483647> : vector<128xi32>
      %reduce_min3A_292 = vector.multi_reduction <minsi>, %select_n3A_290, %reduce_min3A_291 [1] : vector<128x1536xi32> to vector<128xi32>
      %broadcast_in_dim3A_293 = vector.shape_cast %reduce_min3A_292 : vector<128xi32> to vector<128x1xi32>
      %eq3A_294 = vector.broadcast %broadcast_in_dim3A_293 : vector<128x1xi32> to vector<128x1536xi32>
      %eq3A_295 = arith.cmpi eq, %add3A_44, %eq3A_294 : vector<128x1536xi32>
      %jit3A_296 = arith.constant 2.000000e+30 : f32
      %broadcast_in_dim3A_297 = vector.broadcast %jit3A_296 : f32 to vector<128x1536xf32>
      %select_n3A_298 = arith.select %eq3A_295, %broadcast_in_dim3A_297, %select_n3A_282 : vector<128x1536xi1>, vector<128x1536xf32>
      %reduce_min3A_299 = arith.constant dense<0x7F800000> : vector<128xf32>
      %reduce_min3A_300 = vector.multi_reduction <minimumf>, %select_n3A_298, %reduce_min3A_299 [1] : vector<128x1536xf32> to vector<128xf32>
      %broadcast_in_dim3A_301 = vector.shape_cast %reduce_min3A_300 : vector<128xf32> to vector<128x1xf32>
      %le3A_302 = vector.broadcast %broadcast_in_dim3A_301 : vector<128x1xf32> to vector<128x1536xf32>
      %le3A_303 = arith.cmpf ole, %select_n3A_298, %le3A_302 : vector<128x1536xf32>
      %jit3A_304 = arith.constant 8192 : i32
      %broadcast_in_dim3A_305 = vector.broadcast %jit3A_304 : i32 to vector<128x1536xi32>
      %select_n3A_306 = arith.select %le3A_303, %add3A_44, %broadcast_in_dim3A_305 : vector<128x1536xi1>, vector<128x1536xi32>
      %reduce_min3A_307 = arith.constant dense<2147483647> : vector<128xi32>
      %reduce_min3A_308 = vector.multi_reduction <minsi>, %select_n3A_306, %reduce_min3A_307 [1] : vector<128x1536xi32> to vector<128xi32>
      %broadcast_in_dim3A_309 = vector.shape_cast %reduce_min3A_308 : vector<128xi32> to vector<128x1xi32>
      %eq3A_310 = vector.broadcast %broadcast_in_dim3A_309 : vector<128x1xi32> to vector<128x1536xi32>
      %eq3A_311 = arith.cmpi eq, %add3A_44, %eq3A_310 : vector<128x1536xi32>
      %jit3A_312 = arith.constant 2.000000e+30 : f32
      %broadcast_in_dim3A_313 = vector.broadcast %jit3A_312 : f32 to vector<128x1536xf32>
      %select_n3A_314 = arith.select %eq3A_311, %broadcast_in_dim3A_313, %select_n3A_298 : vector<128x1536xi1>, vector<128x1536xf32>
      %reduce_min3A_315 = arith.constant dense<0x7F800000> : vector<128xf32>
      %reduce_min3A_316 = vector.multi_reduction <minimumf>, %select_n3A_314, %reduce_min3A_315 [1] : vector<128x1536xf32> to vector<128xf32>
      %broadcast_in_dim3A_317 = vector.shape_cast %reduce_min3A_316 : vector<128xf32> to vector<128x1xf32>
      %le3A_318 = vector.broadcast %broadcast_in_dim3A_317 : vector<128x1xf32> to vector<128x1536xf32>
      %le3A_319 = arith.cmpf ole, %select_n3A_314, %le3A_318 : vector<128x1536xf32>
      %jit3A_320 = arith.constant 8192 : i32
      %broadcast_in_dim3A_321 = vector.broadcast %jit3A_320 : i32 to vector<128x1536xi32>
      %select_n3A_322 = arith.select %le3A_319, %add3A_44, %broadcast_in_dim3A_321 : vector<128x1536xi1>, vector<128x1536xi32>
      %reduce_min3A_323 = arith.constant dense<2147483647> : vector<128xi32>
      %reduce_min3A_324 = vector.multi_reduction <minsi>, %select_n3A_322, %reduce_min3A_323 [1] : vector<128x1536xi32> to vector<128xi32>
      %broadcast_in_dim3A_325 = vector.shape_cast %reduce_min3A_324 : vector<128xi32> to vector<128x1xi32>
      %eq3A_326 = vector.broadcast %broadcast_in_dim3A_325 : vector<128x1xi32> to vector<128x1536xi32>
      %eq3A_327 = arith.cmpi eq, %add3A_44, %eq3A_326 : vector<128x1536xi32>
      %jit3A_328 = arith.constant 2.000000e+30 : f32
      %broadcast_in_dim3A_329 = vector.broadcast %jit3A_328 : f32 to vector<128x1536xf32>
      %select_n3A_330 = arith.select %eq3A_327, %broadcast_in_dim3A_329, %select_n3A_314 : vector<128x1536xi1>, vector<128x1536xf32>
      %reduce_min3A_331 = arith.constant dense<0x7F800000> : vector<128xf32>
      %reduce_min3A_332 = vector.multi_reduction <minimumf>, %select_n3A_330, %reduce_min3A_331 [1] : vector<128x1536xf32> to vector<128xf32>
      %broadcast_in_dim3A_333 = vector.shape_cast %reduce_min3A_332 : vector<128xf32> to vector<128x1xf32>
      %le3A_334 = vector.broadcast %broadcast_in_dim3A_333 : vector<128x1xf32> to vector<128x1536xf32>
      %le3A_335 = arith.cmpf ole, %select_n3A_330, %le3A_334 : vector<128x1536xf32>
      %jit3A_336 = arith.constant 8192 : i32
      %broadcast_in_dim3A_337 = vector.broadcast %jit3A_336 : i32 to vector<128x1536xi32>
      %select_n3A_338 = arith.select %le3A_335, %add3A_44, %broadcast_in_dim3A_337 : vector<128x1536xi1>, vector<128x1536xi32>
      %reduce_min3A_339 = arith.constant dense<2147483647> : vector<128xi32>
      %reduce_min3A_340 = vector.multi_reduction <minsi>, %select_n3A_338, %reduce_min3A_339 [1] : vector<128x1536xi32> to vector<128xi32>
      %broadcast_in_dim3A_341 = vector.shape_cast %reduce_min3A_340 : vector<128xi32> to vector<128x1xi32>
      %eq3A_342 = vector.broadcast %broadcast_in_dim3A_341 : vector<128x1xi32> to vector<128x1536xi32>
      %eq3A_343 = arith.cmpi eq, %add3A_44, %eq3A_342 : vector<128x1536xi32>
      %jit3A_344 = arith.constant 2.000000e+30 : f32
      %broadcast_in_dim3A_345 = vector.broadcast %jit3A_344 : f32 to vector<128x1536xf32>
      %select_n3A_346 = arith.select %eq3A_343, %broadcast_in_dim3A_345, %select_n3A_330 : vector<128x1536xi1>, vector<128x1536xf32>
      %reduce_min3A_347 = arith.constant dense<0x7F800000> : vector<128xf32>
      %reduce_min3A_348 = vector.multi_reduction <minimumf>, %select_n3A_346, %reduce_min3A_347 [1] : vector<128x1536xf32> to vector<128xf32>
      %broadcast_in_dim3A_349 = vector.shape_cast %reduce_min3A_348 : vector<128xf32> to vector<128x1xf32>
      %le3A_350 = vector.broadcast %broadcast_in_dim3A_349 : vector<128x1xf32> to vector<128x1536xf32>
      %le3A_351 = arith.cmpf ole, %select_n3A_346, %le3A_350 : vector<128x1536xf32>
      %jit3A_352 = arith.constant 8192 : i32
      %broadcast_in_dim3A_353 = vector.broadcast %jit3A_352 : i32 to vector<128x1536xi32>
      %select_n3A_354 = arith.select %le3A_351, %add3A_44, %broadcast_in_dim3A_353 : vector<128x1536xi1>, vector<128x1536xi32>
      %reduce_min3A_355 = arith.constant dense<2147483647> : vector<128xi32>
      %reduce_min3A_356 = vector.multi_reduction <minsi>, %select_n3A_354, %reduce_min3A_355 [1] : vector<128x1536xi32> to vector<128xi32>
      %broadcast_in_dim3A_357 = vector.shape_cast %reduce_min3A_356 : vector<128xi32> to vector<128x1xi32>
      %concatenate3A = tpu.concatenate %broadcast_in_dim3A_53, %broadcast_in_dim3A_69, %broadcast_in_dim3A_85, %broadcast_in_dim3A_101, %broadcast_in_dim3A_117, %broadcast_in_dim3A_133, %broadcast_in_dim3A_149, %broadcast_in_dim3A_165, %broadcast_in_dim3A_181, %broadcast_in_dim3A_197, %broadcast_in_dim3A_213, %broadcast_in_dim3A_229, %broadcast_in_dim3A_245, %broadcast_in_dim3A_261, %broadcast_in_dim3A_277, %broadcast_in_dim3A_293, %broadcast_in_dim3A_309, %broadcast_in_dim3A_325, %broadcast_in_dim3A_341, %broadcast_in_dim3A_357 in 1 : vector<128x1xi32>, vector<128x1xi32>, vector<128x1xi32>, vector<128x1xi32>, vector<128x1xi32>, vector<128x1xi32>, vector<128x1xi32>, vector<128x1xi32>, vector<128x1xi32>, vector<128x1xi32>, vector<128x1xi32>, vector<128x1xi32>, vector<128x1xi32>, vector<128x1xi32>, vector<128x1xi32>, vector<128x1xi32>, vector<128x1xi32>, vector<128x1xi32>, vector<128x1xi32>, vector<128x1xi32> -> vector<128x20xi32>
      %swap3A = arith.constant 0 : index
      %swap3A_358 = arith.constant 0 : index
      %swap3A_359 = vector.load %arg6[%swap3A, %swap3A_358] : memref<128x20xi32, #tpu.memory_space<vmem>>, vector<128x20xi32>
      tpu.vector_store %arg6[%swap3A, %swap3A_358], %concatenate3A {strides = array<i32>} : memref<128x20xi32, #tpu.memory_space<vmem>>, vector<128x20xi32>,
    } else {
    }
    %eq3A_14 = arith.constant 1 : i32
    %eq3A_15 = arith.cmpi eq, %get3A_4, %eq3A_14 : i32
    %convert_element_type3A_16 = arith.extui %eq3A_15 : i1 to i32
    %cond3A_17 = arith.constant 0 : i32
    %cond3A_18 = arith.cmpi ne, %convert_element_type3A_16, %cond3A_17 : i32
    scf.if %cond3A_18 {
      %get3A_24 = arith.constant 0 : index
      %get3A_25 = arith.index_cast %multiple_of3A : i32 to index
      %get3A_26 = vector.load %arg3[%get3A_24, %get3A_25] : memref<64x8192xf32, #tpu.memory_space<vmem>>, vector<64x2560xf32>
      %get3A_27 = arith.constant 0 : index
      %get3A_28 = arith.index_cast %multiple_of3A : i32 to index
      %get3A_29 = vector.load %arg5[%get3A_27, %get3A_28] : memref<1x8192xi32, #tpu.memory_space<vmem>>, vector<1x2560xi32>
      %mul3A_30 = arith.mulf %get3A_26, %get3A_26 : vector<64x2560xf32>
      %reduce_sum3A_31 = arith.constant dense<0.000000e+00> : vector<2560xf32>
      %reduce_sum3A_32 = vector.multi_reduction <add>, %mul3A_30, %reduce_sum3A_31 [0] : vector<64x2560xf32> to vector<2560xf32>
      %broadcast_in_dim3A_33 = vector.shape_cast %reduce_sum3A_32 : vector<2560xf32> to vector<1x2560xf32>
      %add3A = vector.broadcast %broadcast_in_dim3A : vector<128x1xf32> to vector<128x2560xf32>
      %add3A_34 = vector.broadcast %broadcast_in_dim3A_33 : vector<1x2560xf32> to vector<128x2560xf32>
      %add3A_35 = arith.addf %add3A, %add3A_34 : vector<128x2560xf32>
      %dot_general3A = arith.constant dense<0.000000e+00> : vector<128x2560xf32>
      %dot_general3A_36 = tpu.matmul %get3A_7, %get3A_26, %dot_general3A {dimension_numbers = #tpu.dot_dimension_numbers<[1], [0], [0], [1], [0, 0, 1, 1], [], []>, transpose_lhs_hint = false} : vector<128x64xf32>, vector<64x2560xf32>, vector<128x2560xf32> -> vector<128x2560xf32>
      %mul3A_37 = arith.constant 2.000000e+00 : f32
      %mul3A_38 = vector.broadcast %mul3A_37 : f32 to vector<128x2560xf32>
      %mul3A_39 = arith.mulf %mul3A_38, %dot_general3A_36 : vector<128x2560xf32>
      %sub3A = arith.subf %add3A_35, %mul3A_39 : vector<128x2560xf32>
      %ne3A = vector.broadcast %get3A_11 : vector<128x1xi32> to vector<128x2560xi32>
      %ne3A_40 = vector.broadcast %get3A_29 : vector<1x2560xi32> to vector<128x2560xi32>
      %ne3A_41 = arith.cmpi ne, %ne3A, %ne3A_40 : vector<128x2560xi32>
      %jit3A = arith.constant 1.000000e+30 : f32
      %broadcast_in_dim3A_42 = vector.broadcast %jit3A : f32 to vector<128x2560xf32>
      %select_n3A = arith.select %ne3A_41, %broadcast_in_dim3A_42, %sub3A : vector<128x2560xi1>, vector<128x2560xf32>
      %iota3A = tpu.iota {dimensions = array<i32: 1>} : vector<128x2560xi32>
      %add3A_43 = vector.broadcast %multiple_of3A : i32 to vector<128x2560xi32>
      %add3A_44 = arith.addi %iota3A, %add3A_43 : vector<128x2560xi32>
      %reduce_min3A = arith.constant dense<0x7F800000> : vector<128xf32>
      %reduce_min3A_45 = vector.multi_reduction <minimumf>, %select_n3A, %reduce_min3A [1] : vector<128x2560xf32> to vector<128xf32>
      %broadcast_in_dim3A_46 = vector.shape_cast %reduce_min3A_45 : vector<128xf32> to vector<128x1xf32>
      %le3A = vector.broadcast %broadcast_in_dim3A_46 : vector<128x1xf32> to vector<128x2560xf32>
      %le3A_47 = arith.cmpf ole, %select_n3A, %le3A : vector<128x2560xf32>
      %jit3A_48 = arith.constant 8192 : i32
      %broadcast_in_dim3A_49 = vector.broadcast %jit3A_48 : i32 to vector<128x2560xi32>
      %select_n3A_50 = arith.select %le3A_47, %add3A_44, %broadcast_in_dim3A_49 : vector<128x2560xi1>, vector<128x2560xi32>
      %reduce_min3A_51 = arith.constant dense<2147483647> : vector<128xi32>
      %reduce_min3A_52 = vector.multi_reduction <minsi>, %select_n3A_50, %reduce_min3A_51 [1] : vector<128x2560xi32> to vector<128xi32>
      %broadcast_in_dim3A_53 = vector.shape_cast %reduce_min3A_52 : vector<128xi32> to vector<128x1xi32>
      %eq3A_54 = vector.broadcast %broadcast_in_dim3A_53 : vector<128x1xi32> to vector<128x2560xi32>
      %eq3A_55 = arith.cmpi eq, %add3A_44, %eq3A_54 : vector<128x2560xi32>
      %jit3A_56 = arith.constant 2.000000e+30 : f32
      %broadcast_in_dim3A_57 = vector.broadcast %jit3A_56 : f32 to vector<128x2560xf32>
      %select_n3A_58 = arith.select %eq3A_55, %broadcast_in_dim3A_57, %select_n3A : vector<128x2560xi1>, vector<128x2560xf32>
      %reduce_min3A_59 = arith.constant dense<0x7F800000> : vector<128xf32>
      %reduce_min3A_60 = vector.multi_reduction <minimumf>, %select_n3A_58, %reduce_min3A_59 [1] : vector<128x2560xf32> to vector<128xf32>
      %broadcast_in_dim3A_61 = vector.shape_cast %reduce_min3A_60 : vector<128xf32> to vector<128x1xf32>
      %le3A_62 = vector.broadcast %broadcast_in_dim3A_61 : vector<128x1xf32> to vector<128x2560xf32>
      %le3A_63 = arith.cmpf ole, %select_n3A_58, %le3A_62 : vector<128x2560xf32>
      %jit3A_64 = arith.constant 8192 : i32
      %broadcast_in_dim3A_65 = vector.broadcast %jit3A_64 : i32 to vector<128x2560xi32>
      %select_n3A_66 = arith.select %le3A_63, %add3A_44, %broadcast_in_dim3A_65 : vector<128x2560xi1>, vector<128x2560xi32>
      %reduce_min3A_67 = arith.constant dense<2147483647> : vector<128xi32>
      %reduce_min3A_68 = vector.multi_reduction <minsi>, %select_n3A_66, %reduce_min3A_67 [1] : vector<128x2560xi32> to vector<128xi32>
      %broadcast_in_dim3A_69 = vector.shape_cast %reduce_min3A_68 : vector<128xi32> to vector<128x1xi32>
      %eq3A_70 = vector.broadcast %broadcast_in_dim3A_69 : vector<128x1xi32> to vector<128x2560xi32>
      %eq3A_71 = arith.cmpi eq, %add3A_44, %eq3A_70 : vector<128x2560xi32>
      %jit3A_72 = arith.constant 2.000000e+30 : f32
      %broadcast_in_dim3A_73 = vector.broadcast %jit3A_72 : f32 to vector<128x2560xf32>
      %select_n3A_74 = arith.select %eq3A_71, %broadcast_in_dim3A_73, %select_n3A_58 : vector<128x2560xi1>, vector<128x2560xf32>
      %reduce_min3A_75 = arith.constant dense<0x7F800000> : vector<128xf32>
      %reduce_min3A_76 = vector.multi_reduction <minimumf>, %select_n3A_74, %reduce_min3A_75 [1] : vector<128x2560xf32> to vector<128xf32>
      %broadcast_in_dim3A_77 = vector.shape_cast %reduce_min3A_76 : vector<128xf32> to vector<128x1xf32>
      %le3A_78 = vector.broadcast %broadcast_in_dim3A_77 : vector<128x1xf32> to vector<128x2560xf32>
      %le3A_79 = arith.cmpf ole, %select_n3A_74, %le3A_78 : vector<128x2560xf32>
      %jit3A_80 = arith.constant 8192 : i32
      %broadcast_in_dim3A_81 = vector.broadcast %jit3A_80 : i32 to vector<128x2560xi32>
      %select_n3A_82 = arith.select %le3A_79, %add3A_44, %broadcast_in_dim3A_81 : vector<128x2560xi1>, vector<128x2560xi32>
      %reduce_min3A_83 = arith.constant dense<2147483647> : vector<128xi32>
      %reduce_min3A_84 = vector.multi_reduction <minsi>, %select_n3A_82, %reduce_min3A_83 [1] : vector<128x2560xi32> to vector<128xi32>
      %broadcast_in_dim3A_85 = vector.shape_cast %reduce_min3A_84 : vector<128xi32> to vector<128x1xi32>
      %eq3A_86 = vector.broadcast %broadcast_in_dim3A_85 : vector<128x1xi32> to vector<128x2560xi32>
      %eq3A_87 = arith.cmpi eq, %add3A_44, %eq3A_86 : vector<128x2560xi32>
      %jit3A_88 = arith.constant 2.000000e+30 : f32
      %broadcast_in_dim3A_89 = vector.broadcast %jit3A_88 : f32 to vector<128x2560xf32>
      %select_n3A_90 = arith.select %eq3A_87, %broadcast_in_dim3A_89, %select_n3A_74 : vector<128x2560xi1>, vector<128x2560xf32>
      %reduce_min3A_91 = arith.constant dense<0x7F800000> : vector<128xf32>
      %reduce_min3A_92 = vector.multi_reduction <minimumf>, %select_n3A_90, %reduce_min3A_91 [1] : vector<128x2560xf32> to vector<128xf32>
      %broadcast_in_dim3A_93 = vector.shape_cast %reduce_min3A_92 : vector<128xf32> to vector<128x1xf32>
      %le3A_94 = vector.broadcast %broadcast_in_dim3A_93 : vector<128x1xf32> to vector<128x2560xf32>
      %le3A_95 = arith.cmpf ole, %select_n3A_90, %le3A_94 : vector<128x2560xf32>
      %jit3A_96 = arith.constant 8192 : i32
      %broadcast_in_dim3A_97 = vector.broadcast %jit3A_96 : i32 to vector<128x2560xi32>
      %select_n3A_98 = arith.select %le3A_95, %add3A_44, %broadcast_in_dim3A_97 : vector<128x2560xi1>, vector<128x2560xi32>
      %reduce_min3A_99 = arith.constant dense<2147483647> : vector<128xi32>
      %reduce_min3A_100 = vector.multi_reduction <minsi>, %select_n3A_98, %reduce_min3A_99 [1] : vector<128x2560xi32> to vector<128xi32>
      %broadcast_in_dim3A_101 = vector.shape_cast %reduce_min3A_100 : vector<128xi32> to vector<128x1xi32>
      %eq3A_102 = vector.broadcast %broadcast_in_dim3A_101 : vector<128x1xi32> to vector<128x2560xi32>
      %eq3A_103 = arith.cmpi eq, %add3A_44, %eq3A_102 : vector<128x2560xi32>
      %jit3A_104 = arith.constant 2.000000e+30 : f32
      %broadcast_in_dim3A_105 = vector.broadcast %jit3A_104 : f32 to vector<128x2560xf32>
      %select_n3A_106 = arith.select %eq3A_103, %broadcast_in_dim3A_105, %select_n3A_90 : vector<128x2560xi1>, vector<128x2560xf32>
      %reduce_min3A_107 = arith.constant dense<0x7F800000> : vector<128xf32>
      %reduce_min3A_108 = vector.multi_reduction <minimumf>, %select_n3A_106, %reduce_min3A_107 [1] : vector<128x2560xf32> to vector<128xf32>
      %broadcast_in_dim3A_109 = vector.shape_cast %reduce_min3A_108 : vector<128xf32> to vector<128x1xf32>
      %le3A_110 = vector.broadcast %broadcast_in_dim3A_109 : vector<128x1xf32> to vector<128x2560xf32>
      %le3A_111 = arith.cmpf ole, %select_n3A_106, %le3A_110 : vector<128x2560xf32>
      %jit3A_112 = arith.constant 8192 : i32
      %broadcast_in_dim3A_113 = vector.broadcast %jit3A_112 : i32 to vector<128x2560xi32>
      %select_n3A_114 = arith.select %le3A_111, %add3A_44, %broadcast_in_dim3A_113 : vector<128x2560xi1>, vector<128x2560xi32>
      %reduce_min3A_115 = arith.constant dense<2147483647> : vector<128xi32>
      %reduce_min3A_116 = vector.multi_reduction <minsi>, %select_n3A_114, %reduce_min3A_115 [1] : vector<128x2560xi32> to vector<128xi32>
      %broadcast_in_dim3A_117 = vector.shape_cast %reduce_min3A_116 : vector<128xi32> to vector<128x1xi32>
      %eq3A_118 = vector.broadcast %broadcast_in_dim3A_117 : vector<128x1xi32> to vector<128x2560xi32>
      %eq3A_119 = arith.cmpi eq, %add3A_44, %eq3A_118 : vector<128x2560xi32>
      %jit3A_120 = arith.constant 2.000000e+30 : f32
      %broadcast_in_dim3A_121 = vector.broadcast %jit3A_120 : f32 to vector<128x2560xf32>
      %select_n3A_122 = arith.select %eq3A_119, %broadcast_in_dim3A_121, %select_n3A_106 : vector<128x2560xi1>, vector<128x2560xf32>
      %reduce_min3A_123 = arith.constant dense<0x7F800000> : vector<128xf32>
      %reduce_min3A_124 = vector.multi_reduction <minimumf>, %select_n3A_122, %reduce_min3A_123 [1] : vector<128x2560xf32> to vector<128xf32>
      %broadcast_in_dim3A_125 = vector.shape_cast %reduce_min3A_124 : vector<128xf32> to vector<128x1xf32>
      %le3A_126 = vector.broadcast %broadcast_in_dim3A_125 : vector<128x1xf32> to vector<128x2560xf32>
      %le3A_127 = arith.cmpf ole, %select_n3A_122, %le3A_126 : vector<128x2560xf32>
      %jit3A_128 = arith.constant 8192 : i32
      %broadcast_in_dim3A_129 = vector.broadcast %jit3A_128 : i32 to vector<128x2560xi32>
      %select_n3A_130 = arith.select %le3A_127, %add3A_44, %broadcast_in_dim3A_129 : vector<128x2560xi1>, vector<128x2560xi32>
      %reduce_min3A_131 = arith.constant dense<2147483647> : vector<128xi32>
      %reduce_min3A_132 = vector.multi_reduction <minsi>, %select_n3A_130, %reduce_min3A_131 [1] : vector<128x2560xi32> to vector<128xi32>
      %broadcast_in_dim3A_133 = vector.shape_cast %reduce_min3A_132 : vector<128xi32> to vector<128x1xi32>
      %eq3A_134 = vector.broadcast %broadcast_in_dim3A_133 : vector<128x1xi32> to vector<128x2560xi32>
      %eq3A_135 = arith.cmpi eq, %add3A_44, %eq3A_134 : vector<128x2560xi32>
      %jit3A_136 = arith.constant 2.000000e+30 : f32
      %broadcast_in_dim3A_137 = vector.broadcast %jit3A_136 : f32 to vector<128x2560xf32>
      %select_n3A_138 = arith.select %eq3A_135, %broadcast_in_dim3A_137, %select_n3A_122 : vector<128x2560xi1>, vector<128x2560xf32>
      %reduce_min3A_139 = arith.constant dense<0x7F800000> : vector<128xf32>
      %reduce_min3A_140 = vector.multi_reduction <minimumf>, %select_n3A_138, %reduce_min3A_139 [1] : vector<128x2560xf32> to vector<128xf32>
      %broadcast_in_dim3A_141 = vector.shape_cast %reduce_min3A_140 : vector<128xf32> to vector<128x1xf32>
      %le3A_142 = vector.broadcast %broadcast_in_dim3A_141 : vector<128x1xf32> to vector<128x2560xf32>
      %le3A_143 = arith.cmpf ole, %select_n3A_138, %le3A_142 : vector<128x2560xf32>
      %jit3A_144 = arith.constant 8192 : i32
      %broadcast_in_dim3A_145 = vector.broadcast %jit3A_144 : i32 to vector<128x2560xi32>
      %select_n3A_146 = arith.select %le3A_143, %add3A_44, %broadcast_in_dim3A_145 : vector<128x2560xi1>, vector<128x2560xi32>
      %reduce_min3A_147 = arith.constant dense<2147483647> : vector<128xi32>
      %reduce_min3A_148 = vector.multi_reduction <minsi>, %select_n3A_146, %reduce_min3A_147 [1] : vector<128x2560xi32> to vector<128xi32>
      %broadcast_in_dim3A_149 = vector.shape_cast %reduce_min3A_148 : vector<128xi32> to vector<128x1xi32>
      %eq3A_150 = vector.broadcast %broadcast_in_dim3A_149 : vector<128x1xi32> to vector<128x2560xi32>
      %eq3A_151 = arith.cmpi eq, %add3A_44, %eq3A_150 : vector<128x2560xi32>
      %jit3A_152 = arith.constant 2.000000e+30 : f32
      %broadcast_in_dim3A_153 = vector.broadcast %jit3A_152 : f32 to vector<128x2560xf32>
      %select_n3A_154 = arith.select %eq3A_151, %broadcast_in_dim3A_153, %select_n3A_138 : vector<128x2560xi1>, vector<128x2560xf32>
      %reduce_min3A_155 = arith.constant dense<0x7F800000> : vector<128xf32>
      %reduce_min3A_156 = vector.multi_reduction <minimumf>, %select_n3A_154, %reduce_min3A_155 [1] : vector<128x2560xf32> to vector<128xf32>
      %broadcast_in_dim3A_157 = vector.shape_cast %reduce_min3A_156 : vector<128xf32> to vector<128x1xf32>
      %le3A_158 = vector.broadcast %broadcast_in_dim3A_157 : vector<128x1xf32> to vector<128x2560xf32>
      %le3A_159 = arith.cmpf ole, %select_n3A_154, %le3A_158 : vector<128x2560xf32>
      %jit3A_160 = arith.constant 8192 : i32
      %broadcast_in_dim3A_161 = vector.broadcast %jit3A_160 : i32 to vector<128x2560xi32>
      %select_n3A_162 = arith.select %le3A_159, %add3A_44, %broadcast_in_dim3A_161 : vector<128x2560xi1>, vector<128x2560xi32>
      %reduce_min3A_163 = arith.constant dense<2147483647> : vector<128xi32>
      %reduce_min3A_164 = vector.multi_reduction <minsi>, %select_n3A_162, %reduce_min3A_163 [1] : vector<128x2560xi32> to vector<128xi32>
      %broadcast_in_dim3A_165 = vector.shape_cast %reduce_min3A_164 : vector<128xi32> to vector<128x1xi32>
      %eq3A_166 = vector.broadcast %broadcast_in_dim3A_165 : vector<128x1xi32> to vector<128x2560xi32>
      %eq3A_167 = arith.cmpi eq, %add3A_44, %eq3A_166 : vector<128x2560xi32>
      %jit3A_168 = arith.constant 2.000000e+30 : f32
      %broadcast_in_dim3A_169 = vector.broadcast %jit3A_168 : f32 to vector<128x2560xf32>
      %select_n3A_170 = arith.select %eq3A_167, %broadcast_in_dim3A_169, %select_n3A_154 : vector<128x2560xi1>, vector<128x2560xf32>
      %reduce_min3A_171 = arith.constant dense<0x7F800000> : vector<128xf32>
      %reduce_min3A_172 = vector.multi_reduction <minimumf>, %select_n3A_170, %reduce_min3A_171 [1] : vector<128x2560xf32> to vector<128xf32>
      %broadcast_in_dim3A_173 = vector.shape_cast %reduce_min3A_172 : vector<128xf32> to vector<128x1xf32>
      %le3A_174 = vector.broadcast %broadcast_in_dim3A_173 : vector<128x1xf32> to vector<128x2560xf32>
      %le3A_175 = arith.cmpf ole, %select_n3A_170, %le3A_174 : vector<128x2560xf32>
      %jit3A_176 = arith.constant 8192 : i32
      %broadcast_in_dim3A_177 = vector.broadcast %jit3A_176 : i32 to vector<128x2560xi32>
      %select_n3A_178 = arith.select %le3A_175, %add3A_44, %broadcast_in_dim3A_177 : vector<128x2560xi1>, vector<128x2560xi32>
      %reduce_min3A_179 = arith.constant dense<2147483647> : vector<128xi32>
      %reduce_min3A_180 = vector.multi_reduction <minsi>, %select_n3A_178, %reduce_min3A_179 [1] : vector<128x2560xi32> to vector<128xi32>
      %broadcast_in_dim3A_181 = vector.shape_cast %reduce_min3A_180 : vector<128xi32> to vector<128x1xi32>
      %eq3A_182 = vector.broadcast %broadcast_in_dim3A_181 : vector<128x1xi32> to vector<128x2560xi32>
      %eq3A_183 = arith.cmpi eq, %add3A_44, %eq3A_182 : vector<128x2560xi32>
      %jit3A_184 = arith.constant 2.000000e+30 : f32
      %broadcast_in_dim3A_185 = vector.broadcast %jit3A_184 : f32 to vector<128x2560xf32>
      %select_n3A_186 = arith.select %eq3A_183, %broadcast_in_dim3A_185, %select_n3A_170 : vector<128x2560xi1>, vector<128x2560xf32>
      %reduce_min3A_187 = arith.constant dense<0x7F800000> : vector<128xf32>
      %reduce_min3A_188 = vector.multi_reduction <minimumf>, %select_n3A_186, %reduce_min3A_187 [1] : vector<128x2560xf32> to vector<128xf32>
      %broadcast_in_dim3A_189 = vector.shape_cast %reduce_min3A_188 : vector<128xf32> to vector<128x1xf32>
      %le3A_190 = vector.broadcast %broadcast_in_dim3A_189 : vector<128x1xf32> to vector<128x2560xf32>
      %le3A_191 = arith.cmpf ole, %select_n3A_186, %le3A_190 : vector<128x2560xf32>
      %jit3A_192 = arith.constant 8192 : i32
      %broadcast_in_dim3A_193 = vector.broadcast %jit3A_192 : i32 to vector<128x2560xi32>
      %select_n3A_194 = arith.select %le3A_191, %add3A_44, %broadcast_in_dim3A_193 : vector<128x2560xi1>, vector<128x2560xi32>
      %reduce_min3A_195 = arith.constant dense<2147483647> : vector<128xi32>
      %reduce_min3A_196 = vector.multi_reduction <minsi>, %select_n3A_194, %reduce_min3A_195 [1] : vector<128x2560xi32> to vector<128xi32>
      %broadcast_in_dim3A_197 = vector.shape_cast %reduce_min3A_196 : vector<128xi32> to vector<128x1xi32>
      %eq3A_198 = vector.broadcast %broadcast_in_dim3A_197 : vector<128x1xi32> to vector<128x2560xi32>
      %eq3A_199 = arith.cmpi eq, %add3A_44, %eq3A_198 : vector<128x2560xi32>
      %jit3A_200 = arith.constant 2.000000e+30 : f32
      %broadcast_in_dim3A_201 = vector.broadcast %jit3A_200 : f32 to vector<128x2560xf32>
      %select_n3A_202 = arith.select %eq3A_199, %broadcast_in_dim3A_201, %select_n3A_186 : vector<128x2560xi1>, vector<128x2560xf32>
      %reduce_min3A_203 = arith.constant dense<0x7F800000> : vector<128xf32>
      %reduce_min3A_204 = vector.multi_reduction <minimumf>, %select_n3A_202, %reduce_min3A_203 [1] : vector<128x2560xf32> to vector<128xf32>
      %broadcast_in_dim3A_205 = vector.shape_cast %reduce_min3A_204 : vector<128xf32> to vector<128x1xf32>
      %le3A_206 = vector.broadcast %broadcast_in_dim3A_205 : vector<128x1xf32> to vector<128x2560xf32>
      %le3A_207 = arith.cmpf ole, %select_n3A_202, %le3A_206 : vector<128x2560xf32>
      %jit3A_208 = arith.constant 8192 : i32
      %broadcast_in_dim3A_209 = vector.broadcast %jit3A_208 : i32 to vector<128x2560xi32>
      %select_n3A_210 = arith.select %le3A_207, %add3A_44, %broadcast_in_dim3A_209 : vector<128x2560xi1>, vector<128x2560xi32>
      %reduce_min3A_211 = arith.constant dense<2147483647> : vector<128xi32>
      %reduce_min3A_212 = vector.multi_reduction <minsi>, %select_n3A_210, %reduce_min3A_211 [1] : vector<128x2560xi32> to vector<128xi32>
      %broadcast_in_dim3A_213 = vector.shape_cast %reduce_min3A_212 : vector<128xi32> to vector<128x1xi32>
      %eq3A_214 = vector.broadcast %broadcast_in_dim3A_213 : vector<128x1xi32> to vector<128x2560xi32>
      %eq3A_215 = arith.cmpi eq, %add3A_44, %eq3A_214 : vector<128x2560xi32>
      %jit3A_216 = arith.constant 2.000000e+30 : f32
      %broadcast_in_dim3A_217 = vector.broadcast %jit3A_216 : f32 to vector<128x2560xf32>
      %select_n3A_218 = arith.select %eq3A_215, %broadcast_in_dim3A_217, %select_n3A_202 : vector<128x2560xi1>, vector<128x2560xf32>
      %reduce_min3A_219 = arith.constant dense<0x7F800000> : vector<128xf32>
      %reduce_min3A_220 = vector.multi_reduction <minimumf>, %select_n3A_218, %reduce_min3A_219 [1] : vector<128x2560xf32> to vector<128xf32>
      %broadcast_in_dim3A_221 = vector.shape_cast %reduce_min3A_220 : vector<128xf32> to vector<128x1xf32>
      %le3A_222 = vector.broadcast %broadcast_in_dim3A_221 : vector<128x1xf32> to vector<128x2560xf32>
      %le3A_223 = arith.cmpf ole, %select_n3A_218, %le3A_222 : vector<128x2560xf32>
      %jit3A_224 = arith.constant 8192 : i32
      %broadcast_in_dim3A_225 = vector.broadcast %jit3A_224 : i32 to vector<128x2560xi32>
      %select_n3A_226 = arith.select %le3A_223, %add3A_44, %broadcast_in_dim3A_225 : vector<128x2560xi1>, vector<128x2560xi32>
      %reduce_min3A_227 = arith.constant dense<2147483647> : vector<128xi32>
      %reduce_min3A_228 = vector.multi_reduction <minsi>, %select_n3A_226, %reduce_min3A_227 [1] : vector<128x2560xi32> to vector<128xi32>
      %broadcast_in_dim3A_229 = vector.shape_cast %reduce_min3A_228 : vector<128xi32> to vector<128x1xi32>
      %eq3A_230 = vector.broadcast %broadcast_in_dim3A_229 : vector<128x1xi32> to vector<128x2560xi32>
      %eq3A_231 = arith.cmpi eq, %add3A_44, %eq3A_230 : vector<128x2560xi32>
      %jit3A_232 = arith.constant 2.000000e+30 : f32
      %broadcast_in_dim3A_233 = vector.broadcast %jit3A_232 : f32 to vector<128x2560xf32>
      %select_n3A_234 = arith.select %eq3A_231, %broadcast_in_dim3A_233, %select_n3A_218 : vector<128x2560xi1>, vector<128x2560xf32>
      %reduce_min3A_235 = arith.constant dense<0x7F800000> : vector<128xf32>
      %reduce_min3A_236 = vector.multi_reduction <minimumf>, %select_n3A_234, %reduce_min3A_235 [1] : vector<128x2560xf32> to vector<128xf32>
      %broadcast_in_dim3A_237 = vector.shape_cast %reduce_min3A_236 : vector<128xf32> to vector<128x1xf32>
      %le3A_238 = vector.broadcast %broadcast_in_dim3A_237 : vector<128x1xf32> to vector<128x2560xf32>
      %le3A_239 = arith.cmpf ole, %select_n3A_234, %le3A_238 : vector<128x2560xf32>
      %jit3A_240 = arith.constant 8192 : i32
      %broadcast_in_dim3A_241 = vector.broadcast %jit3A_240 : i32 to vector<128x2560xi32>
      %select_n3A_242 = arith.select %le3A_239, %add3A_44, %broadcast_in_dim3A_241 : vector<128x2560xi1>, vector<128x2560xi32>
      %reduce_min3A_243 = arith.constant dense<2147483647> : vector<128xi32>
      %reduce_min3A_244 = vector.multi_reduction <minsi>, %select_n3A_242, %reduce_min3A_243 [1] : vector<128x2560xi32> to vector<128xi32>
      %broadcast_in_dim3A_245 = vector.shape_cast %reduce_min3A_244 : vector<128xi32> to vector<128x1xi32>
      %eq3A_246 = vector.broadcast %broadcast_in_dim3A_245 : vector<128x1xi32> to vector<128x2560xi32>
      %eq3A_247 = arith.cmpi eq, %add3A_44, %eq3A_246 : vector<128x2560xi32>
      %jit3A_248 = arith.constant 2.000000e+30 : f32
      %broadcast_in_dim3A_249 = vector.broadcast %jit3A_248 : f32 to vector<128x2560xf32>
      %select_n3A_250 = arith.select %eq3A_247, %broadcast_in_dim3A_249, %select_n3A_234 : vector<128x2560xi1>, vector<128x2560xf32>
      %reduce_min3A_251 = arith.constant dense<0x7F800000> : vector<128xf32>
      %reduce_min3A_252 = vector.multi_reduction <minimumf>, %select_n3A_250, %reduce_min3A_251 [1] : vector<128x2560xf32> to vector<128xf32>
      %broadcast_in_dim3A_253 = vector.shape_cast %reduce_min3A_252 : vector<128xf32> to vector<128x1xf32>
      %le3A_254 = vector.broadcast %broadcast_in_dim3A_253 : vector<128x1xf32> to vector<128x2560xf32>
      %le3A_255 = arith.cmpf ole, %select_n3A_250, %le3A_254 : vector<128x2560xf32>
      %jit3A_256 = arith.constant 8192 : i32
      %broadcast_in_dim3A_257 = vector.broadcast %jit3A_256 : i32 to vector<128x2560xi32>
      %select_n3A_258 = arith.select %le3A_255, %add3A_44, %broadcast_in_dim3A_257 : vector<128x2560xi1>, vector<128x2560xi32>
      %reduce_min3A_259 = arith.constant dense<2147483647> : vector<128xi32>
      %reduce_min3A_260 = vector.multi_reduction <minsi>, %select_n3A_258, %reduce_min3A_259 [1] : vector<128x2560xi32> to vector<128xi32>
      %broadcast_in_dim3A_261 = vector.shape_cast %reduce_min3A_260 : vector<128xi32> to vector<128x1xi32>
      %eq3A_262 = vector.broadcast %broadcast_in_dim3A_261 : vector<128x1xi32> to vector<128x2560xi32>
      %eq3A_263 = arith.cmpi eq, %add3A_44, %eq3A_262 : vector<128x2560xi32>
      %jit3A_264 = arith.constant 2.000000e+30 : f32
      %broadcast_in_dim3A_265 = vector.broadcast %jit3A_264 : f32 to vector<128x2560xf32>
      %select_n3A_266 = arith.select %eq3A_263, %broadcast_in_dim3A_265, %select_n3A_250 : vector<128x2560xi1>, vector<128x2560xf32>
      %reduce_min3A_267 = arith.constant dense<0x7F800000> : vector<128xf32>
      %reduce_min3A_268 = vector.multi_reduction <minimumf>, %select_n3A_266, %reduce_min3A_267 [1] : vector<128x2560xf32> to vector<128xf32>
      %broadcast_in_dim3A_269 = vector.shape_cast %reduce_min3A_268 : vector<128xf32> to vector<128x1xf32>
      %le3A_270 = vector.broadcast %broadcast_in_dim3A_269 : vector<128x1xf32> to vector<128x2560xf32>
      %le3A_271 = arith.cmpf ole, %select_n3A_266, %le3A_270 : vector<128x2560xf32>
      %jit3A_272 = arith.constant 8192 : i32
      %broadcast_in_dim3A_273 = vector.broadcast %jit3A_272 : i32 to vector<128x2560xi32>
      %select_n3A_274 = arith.select %le3A_271, %add3A_44, %broadcast_in_dim3A_273 : vector<128x2560xi1>, vector<128x2560xi32>
      %reduce_min3A_275 = arith.constant dense<2147483647> : vector<128xi32>
      %reduce_min3A_276 = vector.multi_reduction <minsi>, %select_n3A_274, %reduce_min3A_275 [1] : vector<128x2560xi32> to vector<128xi32>
      %broadcast_in_dim3A_277 = vector.shape_cast %reduce_min3A_276 : vector<128xi32> to vector<128x1xi32>
      %eq3A_278 = vector.broadcast %broadcast_in_dim3A_277 : vector<128x1xi32> to vector<128x2560xi32>
      %eq3A_279 = arith.cmpi eq, %add3A_44, %eq3A_278 : vector<128x2560xi32>
      %jit3A_280 = arith.constant 2.000000e+30 : f32
      %broadcast_in_dim3A_281 = vector.broadcast %jit3A_280 : f32 to vector<128x2560xf32>
      %select_n3A_282 = arith.select %eq3A_279, %broadcast_in_dim3A_281, %select_n3A_266 : vector<128x2560xi1>, vector<128x2560xf32>
      %reduce_min3A_283 = arith.constant dense<0x7F800000> : vector<128xf32>
      %reduce_min3A_284 = vector.multi_reduction <minimumf>, %select_n3A_282, %reduce_min3A_283 [1] : vector<128x2560xf32> to vector<128xf32>
      %broadcast_in_dim3A_285 = vector.shape_cast %reduce_min3A_284 : vector<128xf32> to vector<128x1xf32>
      %le3A_286 = vector.broadcast %broadcast_in_dim3A_285 : vector<128x1xf32> to vector<128x2560xf32>
      %le3A_287 = arith.cmpf ole, %select_n3A_282, %le3A_286 : vector<128x2560xf32>
      %jit3A_288 = arith.constant 8192 : i32
      %broadcast_in_dim3A_289 = vector.broadcast %jit3A_288 : i32 to vector<128x2560xi32>
      %select_n3A_290 = arith.select %le3A_287, %add3A_44, %broadcast_in_dim3A_289 : vector<128x2560xi1>, vector<128x2560xi32>
      %reduce_min3A_291 = arith.constant dense<2147483647> : vector<128xi32>
      %reduce_min3A_292 = vector.multi_reduction <minsi>, %select_n3A_290, %reduce_min3A_291 [1] : vector<128x2560xi32> to vector<128xi32>
      %broadcast_in_dim3A_293 = vector.shape_cast %reduce_min3A_292 : vector<128xi32> to vector<128x1xi32>
      %eq3A_294 = vector.broadcast %broadcast_in_dim3A_293 : vector<128x1xi32> to vector<128x2560xi32>
      %eq3A_295 = arith.cmpi eq, %add3A_44, %eq3A_294 : vector<128x2560xi32>
      %jit3A_296 = arith.constant 2.000000e+30 : f32
      %broadcast_in_dim3A_297 = vector.broadcast %jit3A_296 : f32 to vector<128x2560xf32>
      %select_n3A_298 = arith.select %eq3A_295, %broadcast_in_dim3A_297, %select_n3A_282 : vector<128x2560xi1>, vector<128x2560xf32>
      %reduce_min3A_299 = arith.constant dense<0x7F800000> : vector<128xf32>
      %reduce_min3A_300 = vector.multi_reduction <minimumf>, %select_n3A_298, %reduce_min3A_299 [1] : vector<128x2560xf32> to vector<128xf32>
      %broadcast_in_dim3A_301 = vector.shape_cast %reduce_min3A_300 : vector<128xf32> to vector<128x1xf32>
      %le3A_302 = vector.broadcast %broadcast_in_dim3A_301 : vector<128x1xf32> to vector<128x2560xf32>
      %le3A_303 = arith.cmpf ole, %select_n3A_298, %le3A_302 : vector<128x2560xf32>
      %jit3A_304 = arith.constant 8192 : i32
      %broadcast_in_dim3A_305 = vector.broadcast %jit3A_304 : i32 to vector<128x2560xi32>
      %select_n3A_306 = arith.select %le3A_303, %add3A_44, %broadcast_in_dim3A_305 : vector<128x2560xi1>, vector<128x2560xi32>
      %reduce_min3A_307 = arith.constant dense<2147483647> : vector<128xi32>
      %reduce_min3A_308 = vector.multi_reduction <minsi>, %select_n3A_306, %reduce_min3A_307 [1] : vector<128x2560xi32> to vector<128xi32>
      %broadcast_in_dim3A_309 = vector.shape_cast %reduce_min3A_308 : vector<128xi32> to vector<128x1xi32>
      %eq3A_310 = vector.broadcast %broadcast_in_dim3A_309 : vector<128x1xi32> to vector<128x2560xi32>
      %eq3A_311 = arith.cmpi eq, %add3A_44, %eq3A_310 : vector<128x2560xi32>
      %jit3A_312 = arith.constant 2.000000e+30 : f32
      %broadcast_in_dim3A_313 = vector.broadcast %jit3A_312 : f32 to vector<128x2560xf32>
      %select_n3A_314 = arith.select %eq3A_311, %broadcast_in_dim3A_313, %select_n3A_298 : vector<128x2560xi1>, vector<128x2560xf32>
      %reduce_min3A_315 = arith.constant dense<0x7F800000> : vector<128xf32>
      %reduce_min3A_316 = vector.multi_reduction <minimumf>, %select_n3A_314, %reduce_min3A_315 [1] : vector<128x2560xf32> to vector<128xf32>
      %broadcast_in_dim3A_317 = vector.shape_cast %reduce_min3A_316 : vector<128xf32> to vector<128x1xf32>
      %le3A_318 = vector.broadcast %broadcast_in_dim3A_317 : vector<128x1xf32> to vector<128x2560xf32>
      %le3A_319 = arith.cmpf ole, %select_n3A_314, %le3A_318 : vector<128x2560xf32>
      %jit3A_320 = arith.constant 8192 : i32
      %broadcast_in_dim3A_321 = vector.broadcast %jit3A_320 : i32 to vector<128x2560xi32>
      %select_n3A_322 = arith.select %le3A_319, %add3A_44, %broadcast_in_dim3A_321 : vector<128x2560xi1>, vector<128x2560xi32>
      %reduce_min3A_323 = arith.constant dense<2147483647> : vector<128xi32>
      %reduce_min3A_324 = vector.multi_reduction <minsi>, %select_n3A_322, %reduce_min3A_323 [1] : vector<128x2560xi32> to vector<128xi32>
      %broadcast_in_dim3A_325 = vector.shape_cast %reduce_min3A_324 : vector<128xi32> to vector<128x1xi32>
      %eq3A_326 = vector.broadcast %broadcast_in_dim3A_325 : vector<128x1xi32> to vector<128x2560xi32>
      %eq3A_327 = arith.cmpi eq, %add3A_44, %eq3A_326 : vector<128x2560xi32>
      %jit3A_328 = arith.constant 2.000000e+30 : f32
      %broadcast_in_dim3A_329 = vector.broadcast %jit3A_328 : f32 to vector<128x2560xf32>
      %select_n3A_330 = arith.select %eq3A_327, %broadcast_in_dim3A_329, %select_n3A_314 : vector<128x2560xi1>, vector<128x2560xf32>
      %reduce_min3A_331 = arith.constant dense<0x7F800000> : vector<128xf32>
      %reduce_min3A_332 = vector.multi_reduction <minimumf>, %select_n3A_330, %reduce_min3A_331 [1] : vector<128x2560xf32> to vector<128xf32>
      %broadcast_in_dim3A_333 = vector.shape_cast %reduce_min3A_332 : vector<128xf32> to vector<128x1xf32>
      %le3A_334 = vector.broadcast %broadcast_in_dim3A_333 : vector<128x1xf32> to vector<128x2560xf32>
      %le3A_335 = arith.cmpf ole, %select_n3A_330, %le3A_334 : vector<128x2560xf32>
      %jit3A_336 = arith.constant 8192 : i32
      %broadcast_in_dim3A_337 = vector.broadcast %jit3A_336 : i32 to vector<128x2560xi32>
      %select_n3A_338 = arith.select %le3A_335, %add3A_44, %broadcast_in_dim3A_337 : vector<128x2560xi1>, vector<128x2560xi32>
      %reduce_min3A_339 = arith.constant dense<2147483647> : vector<128xi32>
      %reduce_min3A_340 = vector.multi_reduction <minsi>, %select_n3A_338, %reduce_min3A_339 [1] : vector<128x2560xi32> to vector<128xi32>
      %broadcast_in_dim3A_341 = vector.shape_cast %reduce_min3A_340 : vector<128xi32> to vector<128x1xi32>
      %eq3A_342 = vector.broadcast %broadcast_in_dim3A_341 : vector<128x1xi32> to vector<128x2560xi32>
      %eq3A_343 = arith.cmpi eq, %add3A_44, %eq3A_342 : vector<128x2560xi32>
      %jit3A_344 = arith.constant 2.000000e+30 : f32
      %broadcast_in_dim3A_345 = vector.broadcast %jit3A_344 : f32 to vector<128x2560xf32>
      %select_n3A_346 = arith.select %eq3A_343, %broadcast_in_dim3A_345, %select_n3A_330 : vector<128x2560xi1>, vector<128x2560xf32>
      %reduce_min3A_347 = arith.constant dense<0x7F800000> : vector<128xf32>
      %reduce_min3A_348 = vector.multi_reduction <minimumf>, %select_n3A_346, %reduce_min3A_347 [1] : vector<128x2560xf32> to vector<128xf32>
      %broadcast_in_dim3A_349 = vector.shape_cast %reduce_min3A_348 : vector<128xf32> to vector<128x1xf32>
      %le3A_350 = vector.broadcast %broadcast_in_dim3A_349 : vector<128x1xf32> to vector<128x2560xf32>
      %le3A_351 = arith.cmpf ole, %select_n3A_346, %le3A_350 : vector<128x2560xf32>
      %jit3A_352 = arith.constant 8192 : i32
      %broadcast_in_dim3A_353 = vector.broadcast %jit3A_352 : i32 to vector<128x2560xi32>
      %select_n3A_354 = arith.select %le3A_351, %add3A_44, %broadcast_in_dim3A_353 : vector<128x2560xi1>, vector<128x2560xi32>
      %reduce_min3A_355 = arith.constant dense<2147483647> : vector<128xi32>
      %reduce_min3A_356 = vector.multi_reduction <minsi>, %select_n3A_354, %reduce_min3A_355 [1] : vector<128x2560xi32> to vector<128xi32>
      %broadcast_in_dim3A_357 = vector.shape_cast %reduce_min3A_356 : vector<128xi32> to vector<128x1xi32>
      %concatenate3A = tpu.concatenate %broadcast_in_dim3A_53, %broadcast_in_dim3A_69, %broadcast_in_dim3A_85, %broadcast_in_dim3A_101, %broadcast_in_dim3A_117, %broadcast_in_dim3A_133, %broadcast_in_dim3A_149, %broadcast_in_dim3A_165, %broadcast_in_dim3A_181, %broadcast_in_dim3A_197, %broadcast_in_dim3A_213, %broadcast_in_dim3A_229, %broadcast_in_dim3A_245, %broadcast_in_dim3A_261, %broadcast_in_dim3A_277, %broadcast_in_dim3A_293, %broadcast_in_dim3A_309, %broadcast_in_dim3A_325, %broadcast_in_dim3A_341, %broadcast_in_dim3A_357 in 1 : vector<128x1xi32>, vector<128x1xi32>, vector<128x1xi32>, vector<128x1xi32>, vector<128x1xi32>, vector<128x1xi32>, vector<128x1xi32>, vector<128x1xi32>, vector<128x1xi32>, vector<128x1xi32>, vector<128x1xi32>, vector<128x1xi32>, vector<128x1xi32>, vector<128x1xi32>, vector<128x1xi32>, vector<128x1xi32>, vector<128x1xi32>, vector<128x1xi32>, vector<128x1xi32>, vector<128x1xi32> -> vector<128x20xi32>
      %swap3A = arith.constant 0 : index
      %swap3A_358 = arith.constant 0 : index
      %swap3A_359 = vector.load %arg6[%swap3A, %swap3A_358] : memref<128x20xi32, #tpu.memory_space<vmem>>, vector<128x20xi32>
      tpu.vector_store %arg6[%swap3A, %swap3A_358], %concatenate3A {strides = array<i32>} : memref<128x20xi32, #tpu.memory_space<vmem>>, vector<128x20xi32>,
    } else {
    }
    %eq3A_19 = arith.constant 2 : i32
    %eq3A_20 = arith.cmpi eq, %get3A_4, %eq3A_19 : i32
    %convert_element_type3A_21 = arith.extui %eq3A_20 : i1 to i32
    %cond3A_22 = arith.constant 0 : i32
    %cond3A_23 = arith.cmpi ne, %convert_element_type3A_21, %cond3A_22 : i32
    scf.if %cond3A_23 {
      %get3A_24 = arith.constant 0 : index
      %get3A_25 = arith.constant 0 : index
      %get3A_26 = vector.load %arg3[%get3A_24, %get3A_25] : memref<64x8192xf32, #tpu.memory_space<vmem>>, vector<64x8192xf32>
      %get3A_27 = arith.constant 0 : index
      %get3A_28 = arith.constant 0 : index
      %get3A_29 = vector.load %arg5[%get3A_27, %get3A_28] : memref<1x8192xi32, #tpu.memory_space<vmem>>, vector<1x8192xi32>
      %mul3A_30 = arith.mulf %get3A_26, %get3A_26 : vector<64x8192xf32>
      %reduce_sum3A_31 = arith.constant dense<0.000000e+00> : vector<8192xf32>
      %reduce_sum3A_32 = vector.multi_reduction <add>, %mul3A_30, %reduce_sum3A_31 [0] : vector<64x8192xf32> to vector<8192xf32>
      %broadcast_in_dim3A_33 = vector.shape_cast %reduce_sum3A_32 : vector<8192xf32> to vector<1x8192xf32>
      %add3A = vector.broadcast %broadcast_in_dim3A : vector<128x1xf32> to vector<128x8192xf32>
      %add3A_34 = vector.broadcast %broadcast_in_dim3A_33 : vector<1x8192xf32> to vector<128x8192xf32>
      %add3A_35 = arith.addf %add3A, %add3A_34 : vector<128x8192xf32>
      %dot_general3A = arith.constant dense<0.000000e+00> : vector<128x8192xf32>
      %dot_general3A_36 = tpu.matmul %get3A_7, %get3A_26, %dot_general3A {dimension_numbers = #tpu.dot_dimension_numbers<[1], [0], [0], [1], [0, 0, 1, 1], [], []>, transpose_lhs_hint = false} : vector<128x64xf32>, vector<64x8192xf32>, vector<128x8192xf32> -> vector<128x8192xf32>
      %mul3A_37 = arith.constant 2.000000e+00 : f32
      %mul3A_38 = vector.broadcast %mul3A_37 : f32 to vector<128x8192xf32>
      %mul3A_39 = arith.mulf %mul3A_38, %dot_general3A_36 : vector<128x8192xf32>
      %sub3A = arith.subf %add3A_35, %mul3A_39 : vector<128x8192xf32>
      %ne3A = vector.broadcast %get3A_11 : vector<128x1xi32> to vector<128x8192xi32>
      %ne3A_40 = vector.broadcast %get3A_29 : vector<1x8192xi32> to vector<128x8192xi32>
      %ne3A_41 = arith.cmpi ne, %ne3A, %ne3A_40 : vector<128x8192xi32>
      %jit3A = arith.constant 1.000000e+30 : f32
      %broadcast_in_dim3A_42 = vector.broadcast %jit3A : f32 to vector<128x8192xf32>
      %select_n3A = arith.select %ne3A_41, %broadcast_in_dim3A_42, %sub3A : vector<128x8192xi1>, vector<128x8192xf32>
      %iota3A = tpu.iota {dimensions = array<i32: 1>} : vector<128x8192xi32>
      %add3A_43 = arith.constant 0 : i32
      %add3A_44 = vector.broadcast %add3A_43 : i32 to vector<128x8192xi32>
      %add3A_45 = arith.addi %iota3A, %add3A_44 : vector<128x8192xi32>
      %reduce_min3A = arith.constant dense<0x7F800000> : vector<128xf32>
      %reduce_min3A_46 = vector.multi_reduction <minimumf>, %select_n3A, %reduce_min3A [1] : vector<128x8192xf32> to vector<128xf32>
      %broadcast_in_dim3A_47 = vector.shape_cast %reduce_min3A_46 : vector<128xf32> to vector<128x1xf32>
      %le3A = vector.broadcast %broadcast_in_dim3A_47 : vector<128x1xf32> to vector<128x8192xf32>
      %le3A_48 = arith.cmpf ole, %select_n3A, %le3A : vector<128x8192xf32>
      %jit3A_49 = arith.constant 8192 : i32
      %broadcast_in_dim3A_50 = vector.broadcast %jit3A_49 : i32 to vector<128x8192xi32>
      %select_n3A_51 = arith.select %le3A_48, %add3A_45, %broadcast_in_dim3A_50 : vector<128x8192xi1>, vector<128x8192xi32>
      %reduce_min3A_52 = arith.constant dense<2147483647> : vector<128xi32>
      %reduce_min3A_53 = vector.multi_reduction <minsi>, %select_n3A_51, %reduce_min3A_52 [1] : vector<128x8192xi32> to vector<128xi32>
      %broadcast_in_dim3A_54 = vector.shape_cast %reduce_min3A_53 : vector<128xi32> to vector<128x1xi32>
      %eq3A_55 = vector.broadcast %broadcast_in_dim3A_54 : vector<128x1xi32> to vector<128x8192xi32>
      %eq3A_56 = arith.cmpi eq, %add3A_45, %eq3A_55 : vector<128x8192xi32>
      %jit3A_57 = arith.constant 2.000000e+30 : f32
      %broadcast_in_dim3A_58 = vector.broadcast %jit3A_57 : f32 to vector<128x8192xf32>
      %select_n3A_59 = arith.select %eq3A_56, %broadcast_in_dim3A_58, %select_n3A : vector<128x8192xi1>, vector<128x8192xf32>
      %reduce_min3A_60 = arith.constant dense<0x7F800000> : vector<128xf32>
      %reduce_min3A_61 = vector.multi_reduction <minimumf>, %select_n3A_59, %reduce_min3A_60 [1] : vector<128x8192xf32> to vector<128xf32>
      %broadcast_in_dim3A_62 = vector.shape_cast %reduce_min3A_61 : vector<128xf32> to vector<128x1xf32>
      %le3A_63 = vector.broadcast %broadcast_in_dim3A_62 : vector<128x1xf32> to vector<128x8192xf32>
      %le3A_64 = arith.cmpf ole, %select_n3A_59, %le3A_63 : vector<128x8192xf32>
      %jit3A_65 = arith.constant 8192 : i32
      %broadcast_in_dim3A_66 = vector.broadcast %jit3A_65 : i32 to vector<128x8192xi32>
      %select_n3A_67 = arith.select %le3A_64, %add3A_45, %broadcast_in_dim3A_66 : vector<128x8192xi1>, vector<128x8192xi32>
      %reduce_min3A_68 = arith.constant dense<2147483647> : vector<128xi32>
      %reduce_min3A_69 = vector.multi_reduction <minsi>, %select_n3A_67, %reduce_min3A_68 [1] : vector<128x8192xi32> to vector<128xi32>
      %broadcast_in_dim3A_70 = vector.shape_cast %reduce_min3A_69 : vector<128xi32> to vector<128x1xi32>
      %eq3A_71 = vector.broadcast %broadcast_in_dim3A_70 : vector<128x1xi32> to vector<128x8192xi32>
      %eq3A_72 = arith.cmpi eq, %add3A_45, %eq3A_71 : vector<128x8192xi32>
      %jit3A_73 = arith.constant 2.000000e+30 : f32
      %broadcast_in_dim3A_74 = vector.broadcast %jit3A_73 : f32 to vector<128x8192xf32>
      %select_n3A_75 = arith.select %eq3A_72, %broadcast_in_dim3A_74, %select_n3A_59 : vector<128x8192xi1>, vector<128x8192xf32>
      %reduce_min3A_76 = arith.constant dense<0x7F800000> : vector<128xf32>
      %reduce_min3A_77 = vector.multi_reduction <minimumf>, %select_n3A_75, %reduce_min3A_76 [1] : vector<128x8192xf32> to vector<128xf32>
      %broadcast_in_dim3A_78 = vector.shape_cast %reduce_min3A_77 : vector<128xf32> to vector<128x1xf32>
      %le3A_79 = vector.broadcast %broadcast_in_dim3A_78 : vector<128x1xf32> to vector<128x8192xf32>
      %le3A_80 = arith.cmpf ole, %select_n3A_75, %le3A_79 : vector<128x8192xf32>
      %jit3A_81 = arith.constant 8192 : i32
      %broadcast_in_dim3A_82 = vector.broadcast %jit3A_81 : i32 to vector<128x8192xi32>
      %select_n3A_83 = arith.select %le3A_80, %add3A_45, %broadcast_in_dim3A_82 : vector<128x8192xi1>, vector<128x8192xi32>
      %reduce_min3A_84 = arith.constant dense<2147483647> : vector<128xi32>
      %reduce_min3A_85 = vector.multi_reduction <minsi>, %select_n3A_83, %reduce_min3A_84 [1] : vector<128x8192xi32> to vector<128xi32>
      %broadcast_in_dim3A_86 = vector.shape_cast %reduce_min3A_85 : vector<128xi32> to vector<128x1xi32>
      %eq3A_87 = vector.broadcast %broadcast_in_dim3A_86 : vector<128x1xi32> to vector<128x8192xi32>
      %eq3A_88 = arith.cmpi eq, %add3A_45, %eq3A_87 : vector<128x8192xi32>
      %jit3A_89 = arith.constant 2.000000e+30 : f32
      %broadcast_in_dim3A_90 = vector.broadcast %jit3A_89 : f32 to vector<128x8192xf32>
      %select_n3A_91 = arith.select %eq3A_88, %broadcast_in_dim3A_90, %select_n3A_75 : vector<128x8192xi1>, vector<128x8192xf32>
      %reduce_min3A_92 = arith.constant dense<0x7F800000> : vector<128xf32>
      %reduce_min3A_93 = vector.multi_reduction <minimumf>, %select_n3A_91, %reduce_min3A_92 [1] : vector<128x8192xf32> to vector<128xf32>
      %broadcast_in_dim3A_94 = vector.shape_cast %reduce_min3A_93 : vector<128xf32> to vector<128x1xf32>
      %le3A_95 = vector.broadcast %broadcast_in_dim3A_94 : vector<128x1xf32> to vector<128x8192xf32>
      %le3A_96 = arith.cmpf ole, %select_n3A_91, %le3A_95 : vector<128x8192xf32>
      %jit3A_97 = arith.constant 8192 : i32
      %broadcast_in_dim3A_98 = vector.broadcast %jit3A_97 : i32 to vector<128x8192xi32>
      %select_n3A_99 = arith.select %le3A_96, %add3A_45, %broadcast_in_dim3A_98 : vector<128x8192xi1>, vector<128x8192xi32>
      %reduce_min3A_100 = arith.constant dense<2147483647> : vector<128xi32>
      %reduce_min3A_101 = vector.multi_reduction <minsi>, %select_n3A_99, %reduce_min3A_100 [1] : vector<128x8192xi32> to vector<128xi32>
      %broadcast_in_dim3A_102 = vector.shape_cast %reduce_min3A_101 : vector<128xi32> to vector<128x1xi32>
      %eq3A_103 = vector.broadcast %broadcast_in_dim3A_102 : vector<128x1xi32> to vector<128x8192xi32>
      %eq3A_104 = arith.cmpi eq, %add3A_45, %eq3A_103 : vector<128x8192xi32>
      %jit3A_105 = arith.constant 2.000000e+30 : f32
      %broadcast_in_dim3A_106 = vector.broadcast %jit3A_105 : f32 to vector<128x8192xf32>
      %select_n3A_107 = arith.select %eq3A_104, %broadcast_in_dim3A_106, %select_n3A_91 : vector<128x8192xi1>, vector<128x8192xf32>
      %reduce_min3A_108 = arith.constant dense<0x7F800000> : vector<128xf32>
      %reduce_min3A_109 = vector.multi_reduction <minimumf>, %select_n3A_107, %reduce_min3A_108 [1] : vector<128x8192xf32> to vector<128xf32>
      %broadcast_in_dim3A_110 = vector.shape_cast %reduce_min3A_109 : vector<128xf32> to vector<128x1xf32>
      %le3A_111 = vector.broadcast %broadcast_in_dim3A_110 : vector<128x1xf32> to vector<128x8192xf32>
      %le3A_112 = arith.cmpf ole, %select_n3A_107, %le3A_111 : vector<128x8192xf32>
      %jit3A_113 = arith.constant 8192 : i32
      %broadcast_in_dim3A_114 = vector.broadcast %jit3A_113 : i32 to vector<128x8192xi32>
      %select_n3A_115 = arith.select %le3A_112, %add3A_45, %broadcast_in_dim3A_114 : vector<128x8192xi1>, vector<128x8192xi32>
      %reduce_min3A_116 = arith.constant dense<2147483647> : vector<128xi32>
      %reduce_min3A_117 = vector.multi_reduction <minsi>, %select_n3A_115, %reduce_min3A_116 [1] : vector<128x8192xi32> to vector<128xi32>
      %broadcast_in_dim3A_118 = vector.shape_cast %reduce_min3A_117 : vector<128xi32> to vector<128x1xi32>
      %eq3A_119 = vector.broadcast %broadcast_in_dim3A_118 : vector<128x1xi32> to vector<128x8192xi32>
      %eq3A_120 = arith.cmpi eq, %add3A_45, %eq3A_119 : vector<128x8192xi32>
      %jit3A_121 = arith.constant 2.000000e+30 : f32
      %broadcast_in_dim3A_122 = vector.broadcast %jit3A_121 : f32 to vector<128x8192xf32>
      %select_n3A_123 = arith.select %eq3A_120, %broadcast_in_dim3A_122, %select_n3A_107 : vector<128x8192xi1>, vector<128x8192xf32>
      %reduce_min3A_124 = arith.constant dense<0x7F800000> : vector<128xf32>
      %reduce_min3A_125 = vector.multi_reduction <minimumf>, %select_n3A_123, %reduce_min3A_124 [1] : vector<128x8192xf32> to vector<128xf32>
      %broadcast_in_dim3A_126 = vector.shape_cast %reduce_min3A_125 : vector<128xf32> to vector<128x1xf32>
      %le3A_127 = vector.broadcast %broadcast_in_dim3A_126 : vector<128x1xf32> to vector<128x8192xf32>
      %le3A_128 = arith.cmpf ole, %select_n3A_123, %le3A_127 : vector<128x8192xf32>
      %jit3A_129 = arith.constant 8192 : i32
      %broadcast_in_dim3A_130 = vector.broadcast %jit3A_129 : i32 to vector<128x8192xi32>
      %select_n3A_131 = arith.select %le3A_128, %add3A_45, %broadcast_in_dim3A_130 : vector<128x8192xi1>, vector<128x8192xi32>
      %reduce_min3A_132 = arith.constant dense<2147483647> : vector<128xi32>
      %reduce_min3A_133 = vector.multi_reduction <minsi>, %select_n3A_131, %reduce_min3A_132 [1] : vector<128x8192xi32> to vector<128xi32>
      %broadcast_in_dim3A_134 = vector.shape_cast %reduce_min3A_133 : vector<128xi32> to vector<128x1xi32>
      %eq3A_135 = vector.broadcast %broadcast_in_dim3A_134 : vector<128x1xi32> to vector<128x8192xi32>
      %eq3A_136 = arith.cmpi eq, %add3A_45, %eq3A_135 : vector<128x8192xi32>
      %jit3A_137 = arith.constant 2.000000e+30 : f32
      %broadcast_in_dim3A_138 = vector.broadcast %jit3A_137 : f32 to vector<128x8192xf32>
      %select_n3A_139 = arith.select %eq3A_136, %broadcast_in_dim3A_138, %select_n3A_123 : vector<128x8192xi1>, vector<128x8192xf32>
      %reduce_min3A_140 = arith.constant dense<0x7F800000> : vector<128xf32>
      %reduce_min3A_141 = vector.multi_reduction <minimumf>, %select_n3A_139, %reduce_min3A_140 [1] : vector<128x8192xf32> to vector<128xf32>
      %broadcast_in_dim3A_142 = vector.shape_cast %reduce_min3A_141 : vector<128xf32> to vector<128x1xf32>
      %le3A_143 = vector.broadcast %broadcast_in_dim3A_142 : vector<128x1xf32> to vector<128x8192xf32>
      %le3A_144 = arith.cmpf ole, %select_n3A_139, %le3A_143 : vector<128x8192xf32>
      %jit3A_145 = arith.constant 8192 : i32
      %broadcast_in_dim3A_146 = vector.broadcast %jit3A_145 : i32 to vector<128x8192xi32>
      %select_n3A_147 = arith.select %le3A_144, %add3A_45, %broadcast_in_dim3A_146 : vector<128x8192xi1>, vector<128x8192xi32>
      %reduce_min3A_148 = arith.constant dense<2147483647> : vector<128xi32>
      %reduce_min3A_149 = vector.multi_reduction <minsi>, %select_n3A_147, %reduce_min3A_148 [1] : vector<128x8192xi32> to vector<128xi32>
      %broadcast_in_dim3A_150 = vector.shape_cast %reduce_min3A_149 : vector<128xi32> to vector<128x1xi32>
      %eq3A_151 = vector.broadcast %broadcast_in_dim3A_150 : vector<128x1xi32> to vector<128x8192xi32>
      %eq3A_152 = arith.cmpi eq, %add3A_45, %eq3A_151 : vector<128x8192xi32>
      %jit3A_153 = arith.constant 2.000000e+30 : f32
      %broadcast_in_dim3A_154 = vector.broadcast %jit3A_153 : f32 to vector<128x8192xf32>
      %select_n3A_155 = arith.select %eq3A_152, %broadcast_in_dim3A_154, %select_n3A_139 : vector<128x8192xi1>, vector<128x8192xf32>
      %reduce_min3A_156 = arith.constant dense<0x7F800000> : vector<128xf32>
      %reduce_min3A_157 = vector.multi_reduction <minimumf>, %select_n3A_155, %reduce_min3A_156 [1] : vector<128x8192xf32> to vector<128xf32>
      %broadcast_in_dim3A_158 = vector.shape_cast %reduce_min3A_157 : vector<128xf32> to vector<128x1xf32>
      %le3A_159 = vector.broadcast %broadcast_in_dim3A_158 : vector<128x1xf32> to vector<128x8192xf32>
      %le3A_160 = arith.cmpf ole, %select_n3A_155, %le3A_159 : vector<128x8192xf32>
      %jit3A_161 = arith.constant 8192 : i32
      %broadcast_in_dim3A_162 = vector.broadcast %jit3A_161 : i32 to vector<128x8192xi32>
      %select_n3A_163 = arith.select %le3A_160, %add3A_45, %broadcast_in_dim3A_162 : vector<128x8192xi1>, vector<128x8192xi32>
      %reduce_min3A_164 = arith.constant dense<2147483647> : vector<128xi32>
      %reduce_min3A_165 = vector.multi_reduction <minsi>, %select_n3A_163, %reduce_min3A_164 [1] : vector<128x8192xi32> to vector<128xi32>
      %broadcast_in_dim3A_166 = vector.shape_cast %reduce_min3A_165 : vector<128xi32> to vector<128x1xi32>
      %eq3A_167 = vector.broadcast %broadcast_in_dim3A_166 : vector<128x1xi32> to vector<128x8192xi32>
      %eq3A_168 = arith.cmpi eq, %add3A_45, %eq3A_167 : vector<128x8192xi32>
      %jit3A_169 = arith.constant 2.000000e+30 : f32
      %broadcast_in_dim3A_170 = vector.broadcast %jit3A_169 : f32 to vector<128x8192xf32>
      %select_n3A_171 = arith.select %eq3A_168, %broadcast_in_dim3A_170, %select_n3A_155 : vector<128x8192xi1>, vector<128x8192xf32>
      %reduce_min3A_172 = arith.constant dense<0x7F800000> : vector<128xf32>
      %reduce_min3A_173 = vector.multi_reduction <minimumf>, %select_n3A_171, %reduce_min3A_172 [1] : vector<128x8192xf32> to vector<128xf32>
      %broadcast_in_dim3A_174 = vector.shape_cast %reduce_min3A_173 : vector<128xf32> to vector<128x1xf32>
      %le3A_175 = vector.broadcast %broadcast_in_dim3A_174 : vector<128x1xf32> to vector<128x8192xf32>
      %le3A_176 = arith.cmpf ole, %select_n3A_171, %le3A_175 : vector<128x8192xf32>
      %jit3A_177 = arith.constant 8192 : i32
      %broadcast_in_dim3A_178 = vector.broadcast %jit3A_177 : i32 to vector<128x8192xi32>
      %select_n3A_179 = arith.select %le3A_176, %add3A_45, %broadcast_in_dim3A_178 : vector<128x8192xi1>, vector<128x8192xi32>
      %reduce_min3A_180 = arith.constant dense<2147483647> : vector<128xi32>
      %reduce_min3A_181 = vector.multi_reduction <minsi>, %select_n3A_179, %reduce_min3A_180 [1] : vector<128x8192xi32> to vector<128xi32>
      %broadcast_in_dim3A_182 = vector.shape_cast %reduce_min3A_181 : vector<128xi32> to vector<128x1xi32>
      %eq3A_183 = vector.broadcast %broadcast_in_dim3A_182 : vector<128x1xi32> to vector<128x8192xi32>
      %eq3A_184 = arith.cmpi eq, %add3A_45, %eq3A_183 : vector<128x8192xi32>
      %jit3A_185 = arith.constant 2.000000e+30 : f32
      %broadcast_in_dim3A_186 = vector.broadcast %jit3A_185 : f32 to vector<128x8192xf32>
      %select_n3A_187 = arith.select %eq3A_184, %broadcast_in_dim3A_186, %select_n3A_171 : vector<128x8192xi1>, vector<128x8192xf32>
      %reduce_min3A_188 = arith.constant dense<0x7F800000> : vector<128xf32>
      %reduce_min3A_189 = vector.multi_reduction <minimumf>, %select_n3A_187, %reduce_min3A_188 [1] : vector<128x8192xf32> to vector<128xf32>
      %broadcast_in_dim3A_190 = vector.shape_cast %reduce_min3A_189 : vector<128xf32> to vector<128x1xf32>
      %le3A_191 = vector.broadcast %broadcast_in_dim3A_190 : vector<128x1xf32> to vector<128x8192xf32>
      %le3A_192 = arith.cmpf ole, %select_n3A_187, %le3A_191 : vector<128x8192xf32>
      %jit3A_193 = arith.constant 8192 : i32
      %broadcast_in_dim3A_194 = vector.broadcast %jit3A_193 : i32 to vector<128x8192xi32>
      %select_n3A_195 = arith.select %le3A_192, %add3A_45, %broadcast_in_dim3A_194 : vector<128x8192xi1>, vector<128x8192xi32>
      %reduce_min3A_196 = arith.constant dense<2147483647> : vector<128xi32>
      %reduce_min3A_197 = vector.multi_reduction <minsi>, %select_n3A_195, %reduce_min3A_196 [1] : vector<128x8192xi32> to vector<128xi32>
      %broadcast_in_dim3A_198 = vector.shape_cast %reduce_min3A_197 : vector<128xi32> to vector<128x1xi32>
      %eq3A_199 = vector.broadcast %broadcast_in_dim3A_198 : vector<128x1xi32> to vector<128x8192xi32>
      %eq3A_200 = arith.cmpi eq, %add3A_45, %eq3A_199 : vector<128x8192xi32>
      %jit3A_201 = arith.constant 2.000000e+30 : f32
      %broadcast_in_dim3A_202 = vector.broadcast %jit3A_201 : f32 to vector<128x8192xf32>
      %select_n3A_203 = arith.select %eq3A_200, %broadcast_in_dim3A_202, %select_n3A_187 : vector<128x8192xi1>, vector<128x8192xf32>
      %reduce_min3A_204 = arith.constant dense<0x7F800000> : vector<128xf32>
      %reduce_min3A_205 = vector.multi_reduction <minimumf>, %select_n3A_203, %reduce_min3A_204 [1] : vector<128x8192xf32> to vector<128xf32>
      %broadcast_in_dim3A_206 = vector.shape_cast %reduce_min3A_205 : vector<128xf32> to vector<128x1xf32>
      %le3A_207 = vector.broadcast %broadcast_in_dim3A_206 : vector<128x1xf32> to vector<128x8192xf32>
      %le3A_208 = arith.cmpf ole, %select_n3A_203, %le3A_207 : vector<128x8192xf32>
      %jit3A_209 = arith.constant 8192 : i32
      %broadcast_in_dim3A_210 = vector.broadcast %jit3A_209 : i32 to vector<128x8192xi32>
      %select_n3A_211 = arith.select %le3A_208, %add3A_45, %broadcast_in_dim3A_210 : vector<128x8192xi1>, vector<128x8192xi32>
      %reduce_min3A_212 = arith.constant dense<2147483647> : vector<128xi32>
      %reduce_min3A_213 = vector.multi_reduction <minsi>, %select_n3A_211, %reduce_min3A_212 [1] : vector<128x8192xi32> to vector<128xi32>
      %broadcast_in_dim3A_214 = vector.shape_cast %reduce_min3A_213 : vector<128xi32> to vector<128x1xi32>
      %eq3A_215 = vector.broadcast %broadcast_in_dim3A_214 : vector<128x1xi32> to vector<128x8192xi32>
      %eq3A_216 = arith.cmpi eq, %add3A_45, %eq3A_215 : vector<128x8192xi32>
      %jit3A_217 = arith.constant 2.000000e+30 : f32
      %broadcast_in_dim3A_218 = vector.broadcast %jit3A_217 : f32 to vector<128x8192xf32>
      %select_n3A_219 = arith.select %eq3A_216, %broadcast_in_dim3A_218, %select_n3A_203 : vector<128x8192xi1>, vector<128x8192xf32>
      %reduce_min3A_220 = arith.constant dense<0x7F800000> : vector<128xf32>
      %reduce_min3A_221 = vector.multi_reduction <minimumf>, %select_n3A_219, %reduce_min3A_220 [1] : vector<128x8192xf32> to vector<128xf32>
      %broadcast_in_dim3A_222 = vector.shape_cast %reduce_min3A_221 : vector<128xf32> to vector<128x1xf32>
      %le3A_223 = vector.broadcast %broadcast_in_dim3A_222 : vector<128x1xf32> to vector<128x8192xf32>
      %le3A_224 = arith.cmpf ole, %select_n3A_219, %le3A_223 : vector<128x8192xf32>
      %jit3A_225 = arith.constant 8192 : i32
      %broadcast_in_dim3A_226 = vector.broadcast %jit3A_225 : i32 to vector<128x8192xi32>
      %select_n3A_227 = arith.select %le3A_224, %add3A_45, %broadcast_in_dim3A_226 : vector<128x8192xi1>, vector<128x8192xi32>
      %reduce_min3A_228 = arith.constant dense<2147483647> : vector<128xi32>
      %reduce_min3A_229 = vector.multi_reduction <minsi>, %select_n3A_227, %reduce_min3A_228 [1] : vector<128x8192xi32> to vector<128xi32>
      %broadcast_in_dim3A_230 = vector.shape_cast %reduce_min3A_229 : vector<128xi32> to vector<128x1xi32>
      %eq3A_231 = vector.broadcast %broadcast_in_dim3A_230 : vector<128x1xi32> to vector<128x8192xi32>
      %eq3A_232 = arith.cmpi eq, %add3A_45, %eq3A_231 : vector<128x8192xi32>
      %jit3A_233 = arith.constant 2.000000e+30 : f32
      %broadcast_in_dim3A_234 = vector.broadcast %jit3A_233 : f32 to vector<128x8192xf32>
      %select_n3A_235 = arith.select %eq3A_232, %broadcast_in_dim3A_234, %select_n3A_219 : vector<128x8192xi1>, vector<128x8192xf32>
      %reduce_min3A_236 = arith.constant dense<0x7F800000> : vector<128xf32>
      %reduce_min3A_237 = vector.multi_reduction <minimumf>, %select_n3A_235, %reduce_min3A_236 [1] : vector<128x8192xf32> to vector<128xf32>
      %broadcast_in_dim3A_238 = vector.shape_cast %reduce_min3A_237 : vector<128xf32> to vector<128x1xf32>
      %le3A_239 = vector.broadcast %broadcast_in_dim3A_238 : vector<128x1xf32> to vector<128x8192xf32>
      %le3A_240 = arith.cmpf ole, %select_n3A_235, %le3A_239 : vector<128x8192xf32>
      %jit3A_241 = arith.constant 8192 : i32
      %broadcast_in_dim3A_242 = vector.broadcast %jit3A_241 : i32 to vector<128x8192xi32>
      %select_n3A_243 = arith.select %le3A_240, %add3A_45, %broadcast_in_dim3A_242 : vector<128x8192xi1>, vector<128x8192xi32>
      %reduce_min3A_244 = arith.constant dense<2147483647> : vector<128xi32>
      %reduce_min3A_245 = vector.multi_reduction <minsi>, %select_n3A_243, %reduce_min3A_244 [1] : vector<128x8192xi32> to vector<128xi32>
      %broadcast_in_dim3A_246 = vector.shape_cast %reduce_min3A_245 : vector<128xi32> to vector<128x1xi32>
      %eq3A_247 = vector.broadcast %broadcast_in_dim3A_246 : vector<128x1xi32> to vector<128x8192xi32>
      %eq3A_248 = arith.cmpi eq, %add3A_45, %eq3A_247 : vector<128x8192xi32>
      %jit3A_249 = arith.constant 2.000000e+30 : f32
      %broadcast_in_dim3A_250 = vector.broadcast %jit3A_249 : f32 to vector<128x8192xf32>
      %select_n3A_251 = arith.select %eq3A_248, %broadcast_in_dim3A_250, %select_n3A_235 : vector<128x8192xi1>, vector<128x8192xf32>
      %reduce_min3A_252 = arith.constant dense<0x7F800000> : vector<128xf32>
      %reduce_min3A_253 = vector.multi_reduction <minimumf>, %select_n3A_251, %reduce_min3A_252 [1] : vector<128x8192xf32> to vector<128xf32>
      %broadcast_in_dim3A_254 = vector.shape_cast %reduce_min3A_253 : vector<128xf32> to vector<128x1xf32>
      %le3A_255 = vector.broadcast %broadcast_in_dim3A_254 : vector<128x1xf32> to vector<128x8192xf32>
      %le3A_256 = arith.cmpf ole, %select_n3A_251, %le3A_255 : vector<128x8192xf32>
      %jit3A_257 = arith.constant 8192 : i32
      %broadcast_in_dim3A_258 = vector.broadcast %jit3A_257 : i32 to vector<128x8192xi32>
      %select_n3A_259 = arith.select %le3A_256, %add3A_45, %broadcast_in_dim3A_258 : vector<128x8192xi1>, vector<128x8192xi32>
      %reduce_min3A_260 = arith.constant dense<2147483647> : vector<128xi32>
      %reduce_min3A_261 = vector.multi_reduction <minsi>, %select_n3A_259, %reduce_min3A_260 [1] : vector<128x8192xi32> to vector<128xi32>
      %broadcast_in_dim3A_262 = vector.shape_cast %reduce_min3A_261 : vector<128xi32> to vector<128x1xi32>
      %eq3A_263 = vector.broadcast %broadcast_in_dim3A_262 : vector<128x1xi32> to vector<128x8192xi32>
      %eq3A_264 = arith.cmpi eq, %add3A_45, %eq3A_263 : vector<128x8192xi32>
      %jit3A_265 = arith.constant 2.000000e+30 : f32
      %broadcast_in_dim3A_266 = vector.broadcast %jit3A_265 : f32 to vector<128x8192xf32>
      %select_n3A_267 = arith.select %eq3A_264, %broadcast_in_dim3A_266, %select_n3A_251 : vector<128x8192xi1>, vector<128x8192xf32>
      %reduce_min3A_268 = arith.constant dense<0x7F800000> : vector<128xf32>
      %reduce_min3A_269 = vector.multi_reduction <minimumf>, %select_n3A_267, %reduce_min3A_268 [1] : vector<128x8192xf32> to vector<128xf32>
      %broadcast_in_dim3A_270 = vector.shape_cast %reduce_min3A_269 : vector<128xf32> to vector<128x1xf32>
      %le3A_271 = vector.broadcast %broadcast_in_dim3A_270 : vector<128x1xf32> to vector<128x8192xf32>
      %le3A_272 = arith.cmpf ole, %select_n3A_267, %le3A_271 : vector<128x8192xf32>
      %jit3A_273 = arith.constant 8192 : i32
      %broadcast_in_dim3A_274 = vector.broadcast %jit3A_273 : i32 to vector<128x8192xi32>
      %select_n3A_275 = arith.select %le3A_272, %add3A_45, %broadcast_in_dim3A_274 : vector<128x8192xi1>, vector<128x8192xi32>
      %reduce_min3A_276 = arith.constant dense<2147483647> : vector<128xi32>
      %reduce_min3A_277 = vector.multi_reduction <minsi>, %select_n3A_275, %reduce_min3A_276 [1] : vector<128x8192xi32> to vector<128xi32>
      %broadcast_in_dim3A_278 = vector.shape_cast %reduce_min3A_277 : vector<128xi32> to vector<128x1xi32>
      %eq3A_279 = vector.broadcast %broadcast_in_dim3A_278 : vector<128x1xi32> to vector<128x8192xi32>
      %eq3A_280 = arith.cmpi eq, %add3A_45, %eq3A_279 : vector<128x8192xi32>
      %jit3A_281 = arith.constant 2.000000e+30 : f32
      %broadcast_in_dim3A_282 = vector.broadcast %jit3A_281 : f32 to vector<128x8192xf32>
      %select_n3A_283 = arith.select %eq3A_280, %broadcast_in_dim3A_282, %select_n3A_267 : vector<128x8192xi1>, vector<128x8192xf32>
      %reduce_min3A_284 = arith.constant dense<0x7F800000> : vector<128xf32>
      %reduce_min3A_285 = vector.multi_reduction <minimumf>, %select_n3A_283, %reduce_min3A_284 [1] : vector<128x8192xf32> to vector<128xf32>
      %broadcast_in_dim3A_286 = vector.shape_cast %reduce_min3A_285 : vector<128xf32> to vector<128x1xf32>
      %le3A_287 = vector.broadcast %broadcast_in_dim3A_286 : vector<128x1xf32> to vector<128x8192xf32>
      %le3A_288 = arith.cmpf ole, %select_n3A_283, %le3A_287 : vector<128x8192xf32>
      %jit3A_289 = arith.constant 8192 : i32
      %broadcast_in_dim3A_290 = vector.broadcast %jit3A_289 : i32 to vector<128x8192xi32>
      %select_n3A_291 = arith.select %le3A_288, %add3A_45, %broadcast_in_dim3A_290 : vector<128x8192xi1>, vector<128x8192xi32>
      %reduce_min3A_292 = arith.constant dense<2147483647> : vector<128xi32>
      %reduce_min3A_293 = vector.multi_reduction <minsi>, %select_n3A_291, %reduce_min3A_292 [1] : vector<128x8192xi32> to vector<128xi32>
      %broadcast_in_dim3A_294 = vector.shape_cast %reduce_min3A_293 : vector<128xi32> to vector<128x1xi32>
      %eq3A_295 = vector.broadcast %broadcast_in_dim3A_294 : vector<128x1xi32> to vector<128x8192xi32>
      %eq3A_296 = arith.cmpi eq, %add3A_45, %eq3A_295 : vector<128x8192xi32>
      %jit3A_297 = arith.constant 2.000000e+30 : f32
      %broadcast_in_dim3A_298 = vector.broadcast %jit3A_297 : f32 to vector<128x8192xf32>
      %select_n3A_299 = arith.select %eq3A_296, %broadcast_in_dim3A_298, %select_n3A_283 : vector<128x8192xi1>, vector<128x8192xf32>
      %reduce_min3A_300 = arith.constant dense<0x7F800000> : vector<128xf32>
      %reduce_min3A_301 = vector.multi_reduction <minimumf>, %select_n3A_299, %reduce_min3A_300 [1] : vector<128x8192xf32> to vector<128xf32>
      %broadcast_in_dim3A_302 = vector.shape_cast %reduce_min3A_301 : vector<128xf32> to vector<128x1xf32>
      %le3A_303 = vector.broadcast %broadcast_in_dim3A_302 : vector<128x1xf32> to vector<128x8192xf32>
      %le3A_304 = arith.cmpf ole, %select_n3A_299, %le3A_303 : vector<128x8192xf32>
      %jit3A_305 = arith.constant 8192 : i32
      %broadcast_in_dim3A_306 = vector.broadcast %jit3A_305 : i32 to vector<128x8192xi32>
      %select_n3A_307 = arith.select %le3A_304, %add3A_45, %broadcast_in_dim3A_306 : vector<128x8192xi1>, vector<128x8192xi32>
      %reduce_min3A_308 = arith.constant dense<2147483647> : vector<128xi32>
      %reduce_min3A_309 = vector.multi_reduction <minsi>, %select_n3A_307, %reduce_min3A_308 [1] : vector<128x8192xi32> to vector<128xi32>
      %broadcast_in_dim3A_310 = vector.shape_cast %reduce_min3A_309 : vector<128xi32> to vector<128x1xi32>
      %eq3A_311 = vector.broadcast %broadcast_in_dim3A_310 : vector<128x1xi32> to vector<128x8192xi32>
      %eq3A_312 = arith.cmpi eq, %add3A_45, %eq3A_311 : vector<128x8192xi32>
      %jit3A_313 = arith.constant 2.000000e+30 : f32
      %broadcast_in_dim3A_314 = vector.broadcast %jit3A_313 : f32 to vector<128x8192xf32>
      %select_n3A_315 = arith.select %eq3A_312, %broadcast_in_dim3A_314, %select_n3A_299 : vector<128x8192xi1>, vector<128x8192xf32>
      %reduce_min3A_316 = arith.constant dense<0x7F800000> : vector<128xf32>
      %reduce_min3A_317 = vector.multi_reduction <minimumf>, %select_n3A_315, %reduce_min3A_316 [1] : vector<128x8192xf32> to vector<128xf32>
      %broadcast_in_dim3A_318 = vector.shape_cast %reduce_min3A_317 : vector<128xf32> to vector<128x1xf32>
      %le3A_319 = vector.broadcast %broadcast_in_dim3A_318 : vector<128x1xf32> to vector<128x8192xf32>
      %le3A_320 = arith.cmpf ole, %select_n3A_315, %le3A_319 : vector<128x8192xf32>
      %jit3A_321 = arith.constant 8192 : i32
      %broadcast_in_dim3A_322 = vector.broadcast %jit3A_321 : i32 to vector<128x8192xi32>
      %select_n3A_323 = arith.select %le3A_320, %add3A_45, %broadcast_in_dim3A_322 : vector<128x8192xi1>, vector<128x8192xi32>
      %reduce_min3A_324 = arith.constant dense<2147483647> : vector<128xi32>
      %reduce_min3A_325 = vector.multi_reduction <minsi>, %select_n3A_323, %reduce_min3A_324 [1] : vector<128x8192xi32> to vector<128xi32>
      %broadcast_in_dim3A_326 = vector.shape_cast %reduce_min3A_325 : vector<128xi32> to vector<128x1xi32>
      %eq3A_327 = vector.broadcast %broadcast_in_dim3A_326 : vector<128x1xi32> to vector<128x8192xi32>
      %eq3A_328 = arith.cmpi eq, %add3A_45, %eq3A_327 : vector<128x8192xi32>
      %jit3A_329 = arith.constant 2.000000e+30 : f32
      %broadcast_in_dim3A_330 = vector.broadcast %jit3A_329 : f32 to vector<128x8192xf32>
      %select_n3A_331 = arith.select %eq3A_328, %broadcast_in_dim3A_330, %select_n3A_315 : vector<128x8192xi1>, vector<128x8192xf32>
      %reduce_min3A_332 = arith.constant dense<0x7F800000> : vector<128xf32>
      %reduce_min3A_333 = vector.multi_reduction <minimumf>, %select_n3A_331, %reduce_min3A_332 [1] : vector<128x8192xf32> to vector<128xf32>
      %broadcast_in_dim3A_334 = vector.shape_cast %reduce_min3A_333 : vector<128xf32> to vector<128x1xf32>
      %le3A_335 = vector.broadcast %broadcast_in_dim3A_334 : vector<128x1xf32> to vector<128x8192xf32>
      %le3A_336 = arith.cmpf ole, %select_n3A_331, %le3A_335 : vector<128x8192xf32>
      %jit3A_337 = arith.constant 8192 : i32
      %broadcast_in_dim3A_338 = vector.broadcast %jit3A_337 : i32 to vector<128x8192xi32>
      %select_n3A_339 = arith.select %le3A_336, %add3A_45, %broadcast_in_dim3A_338 : vector<128x8192xi1>, vector<128x8192xi32>
      %reduce_min3A_340 = arith.constant dense<2147483647> : vector<128xi32>
      %reduce_min3A_341 = vector.multi_reduction <minsi>, %select_n3A_339, %reduce_min3A_340 [1] : vector<128x8192xi32> to vector<128xi32>
      %broadcast_in_dim3A_342 = vector.shape_cast %reduce_min3A_341 : vector<128xi32> to vector<128x1xi32>
      %eq3A_343 = vector.broadcast %broadcast_in_dim3A_342 : vector<128x1xi32> to vector<128x8192xi32>
      %eq3A_344 = arith.cmpi eq, %add3A_45, %eq3A_343 : vector<128x8192xi32>
      %jit3A_345 = arith.constant 2.000000e+30 : f32
      %broadcast_in_dim3A_346 = vector.broadcast %jit3A_345 : f32 to vector<128x8192xf32>
      %select_n3A_347 = arith.select %eq3A_344, %broadcast_in_dim3A_346, %select_n3A_331 : vector<128x8192xi1>, vector<128x8192xf32>
      %reduce_min3A_348 = arith.constant dense<0x7F800000> : vector<128xf32>
      %reduce_min3A_349 = vector.multi_reduction <minimumf>, %select_n3A_347, %reduce_min3A_348 [1] : vector<128x8192xf32> to vector<128xf32>
      %broadcast_in_dim3A_350 = vector.shape_cast %reduce_min3A_349 : vector<128xf32> to vector<128x1xf32>
      %le3A_351 = vector.broadcast %broadcast_in_dim3A_350 : vector<128x1xf32> to vector<128x8192xf32>
      %le3A_352 = arith.cmpf ole, %select_n3A_347, %le3A_351 : vector<128x8192xf32>
      %jit3A_353 = arith.constant 8192 : i32
      %broadcast_in_dim3A_354 = vector.broadcast %jit3A_353 : i32 to vector<128x8192xi32>
      %select_n3A_355 = arith.select %le3A_352, %add3A_45, %broadcast_in_dim3A_354 : vector<128x8192xi1>, vector<128x8192xi32>
      %reduce_min3A_356 = arith.constant dense<2147483647> : vector<128xi32>
      %reduce_min3A_357 = vector.multi_reduction <minsi>, %select_n3A_355, %reduce_min3A_356 [1] : vector<128x8192xi32> to vector<128xi32>
      %broadcast_in_dim3A_358 = vector.shape_cast %reduce_min3A_357 : vector<128xi32> to vector<128x1xi32>
      %concatenate3A = tpu.concatenate %broadcast_in_dim3A_54, %broadcast_in_dim3A_70, %broadcast_in_dim3A_86, %broadcast_in_dim3A_102, %broadcast_in_dim3A_118, %broadcast_in_dim3A_134, %broadcast_in_dim3A_150, %broadcast_in_dim3A_166, %broadcast_in_dim3A_182, %broadcast_in_dim3A_198, %broadcast_in_dim3A_214, %broadcast_in_dim3A_230, %broadcast_in_dim3A_246, %broadcast_in_dim3A_262, %broadcast_in_dim3A_278, %broadcast_in_dim3A_294, %broadcast_in_dim3A_310, %broadcast_in_dim3A_326, %broadcast_in_dim3A_342, %broadcast_in_dim3A_358 in 1 : vector<128x1xi32>, vector<128x1xi32>, vector<128x1xi32>, vector<128x1xi32>, vector<128x1xi32>, vector<128x1xi32>, vector<128x1xi32>, vector<128x1xi32>, vector<128x1xi32>, vector<128x1xi32>, vector<128x1xi32>, vector<128x1xi32>, vector<128x1xi32>, vector<128x1xi32>, vector<128x1xi32>, vector<128x1xi32>, vector<128x1xi32>, vector<128x1xi32>, vector<128x1xi32>, vector<128x1xi32> -> vector<128x20xi32>
      %swap3A = arith.constant 0 : index
      %swap3A_359 = arith.constant 0 : index
      %swap3A_360 = vector.load %arg6[%swap3A, %swap3A_359] : memref<128x20xi32, #tpu.memory_space<vmem>>, vector<128x20xi32>
      tpu.vector_store %arg6[%swap3A, %swap3A_359], %concatenate3A {strides = array<i32>} : memref<128x20xi32, #tpu.memory_space<vmem>>, vector<128x20xi32>,
    } else {
    }
    return
  }
  func.func @transform_0(%arg0: i32, %arg1: memref<2x64xi32, #tpu.memory_space<smem>>) -> (i32, i32) {
    %c0_i32 = arith.constant 0 : i32
    %c0_i32_0 = arith.constant 0 : i32
    return %arg0, %c0_i32 : i32, i32
  }
  func.func @transform_1(%arg0: i32, %arg1: memref<2x64xi32, #tpu.memory_space<smem>>) -> (i32, i32) {
    %c0_i32 = arith.constant 0 : i32
    %c0_i32_0 = arith.constant 0 : i32
    %c0_i32_1 = arith.constant 0 : i32
    return %c0_i32, %c0_i32_0 : i32, i32
  }
  func.func @transform_2(%arg0: i32, %arg1: memref<2x64xi32, #tpu.memory_space<smem>>) -> (i32, i32) {
    %c0_i32 = arith.constant 0 : i32
    %c0_i32_0 = arith.constant 0 : i32
    return %arg0, %c0_i32 : i32, i32
  }
  func.func @transform_3(%arg0: i32, %arg1: memref<2x64xi32, #tpu.memory_space<smem>>) -> (i32, i32) {
    %c0_i32 = arith.constant 0 : i32
    %c0_i32_0 = arith.constant 0 : i32
    %c0_i32_1 = arith.constant 0 : i32
    return %c0_i32, %c0_i32_0 : i32, i32
  }
  func.func @transform_4(%arg0: i32, %arg1: memref<2x64xi32, #tpu.memory_space<smem>>) -> (i32, i32) {
    %c0_i32 = arith.constant 0 : i32
    %c0_i32_0 = arith.constant 0 : i32
    return %arg0, %c0_i32 : i32, i32
  }
}

module attributes {stable_mosaic.version = 14 : i64} {
  func.func @_conv2_body(%arg0: i32, %arg1: memref<20x256x64xf32, #tpu.memory_space<vmem>>, %arg2: memref<256x64xf32, #tpu.memory_space<vmem>>, %arg3: memref<64x128xf32, #tpu.memory_space<vmem>>, %arg4: memref<64x128xf32, #tpu.memory_space<vmem>>, %arg5: memref<1x128xf32, #tpu.memory_space<vmem>>, %arg6: memref<256x128xf32, #tpu.memory_space<vmem>>) attributes {dimension_semantics = [#tpu.dimension_semantics<arbitrary>], iteration_bounds = array<i64: 32>, scalar_prefetch = 0 : i64, scratch_operands = 0 : i64, tpu.core_type = #tpu.core_type<tc>, window_params = [{transform_indices = @transform_0, window_bounds = array<i64: 20, 256, 64>}, {transform_indices = @transform_1, window_bounds = array<i64: 256, 64>}, {pipeline_mode = #tpu.pipeline_mode<synchronous>, transform_indices = @transform_2, window_bounds = array<i64: 64, 128>}, {pipeline_mode = #tpu.pipeline_mode<synchronous>, transform_indices = @transform_3, window_bounds = array<i64: 64, 128>}, {pipeline_mode = #tpu.pipeline_mode<synchronous>, transform_indices = @transform_4, window_bounds = array<i64: 1, 128>}, {transform_indices = @transform_5, window_bounds = array<i64: 256, 128>}]} {
    %get3A = arith.constant 0 : index
    %get3A_0 = arith.constant 0 : index
    %get3A_1 = vector.load %arg2[%get3A, %get3A_0] : memref<256x64xf32, #tpu.memory_space<vmem>>, vector<256x64xf32>
    %get3A_2 = arith.constant 0 : index
    %get3A_3 = arith.constant 0 : index
    %get3A_4 = vector.load %arg3[%get3A_2, %get3A_3] : memref<64x128xf32, #tpu.memory_space<vmem>>, vector<64x128xf32>
    %dot_general3A = arith.constant dense<0.000000e+00> : vector<256x128xf32>
    %dot_general3A_5 = tpu.matmul %get3A_1, %get3A_4, %dot_general3A {dimension_numbers = #tpu.dot_dimension_numbers<[1], [0], [0], [1], [0, 0, 1, 1], [], []>, transpose_lhs_hint = false} : vector<256x64xf32>, vector<64x128xf32>, vector<256x128xf32> -> vector<256x128xf32>
    %get3A_6 = arith.constant 0 : index
    %get3A_7 = arith.constant 0 : index
    %get3A_8 = vector.load %arg5[%get3A_6, %get3A_7] : memref<1x128xf32, #tpu.memory_space<vmem>>, vector<1x128xf32>
    %add3A = vector.broadcast %get3A_8 : vector<1x128xf32> to vector<256x128xf32>
    %add3A_9 = arith.addf %dot_general3A_5, %add3A : vector<256x128xf32>
    %get3A_10 = arith.constant 0 : index
    %get3A_11 = arith.constant 0 : index
    %get3A_12 = arith.constant 0 : index
    %get3A_13 = vector.load %arg1[%get3A_10, %get3A_11, %get3A_12] : memref<20x256x64xf32, #tpu.memory_space<vmem>>, vector<1x256x64xf32>
    %get3A_14 = vector.shape_cast %get3A_13 : vector<1x256x64xf32> to vector<256x64xf32>
    %sub3A = arith.subf %get3A_14, %get3A_1 : vector<256x64xf32>
    %get3A_15 = arith.constant 0 : index
    %get3A_16 = arith.constant 0 : index
    %get3A_17 = vector.load %arg4[%get3A_15, %get3A_16] : memref<64x128xf32, #tpu.memory_space<vmem>>, vector<64x128xf32>
    %dot_general3A_18 = arith.constant dense<0.000000e+00> : vector<256x128xf32>
    %dot_general3A_19 = tpu.matmul %sub3A, %get3A_17, %dot_general3A_18 {dimension_numbers = #tpu.dot_dimension_numbers<[1], [0], [0], [1], [0, 0, 1, 1], [], []>, transpose_lhs_hint = false} : vector<256x64xf32>, vector<64x128xf32>, vector<256x128xf32> -> vector<256x128xf32>
    %add3A_20 = arith.addf %add3A_9, %dot_general3A_19 : vector<256x128xf32>
    %get3A_21 = arith.constant 1 : index
    %get3A_22 = arith.constant 0 : index
    %get3A_23 = arith.constant 0 : index
    %get3A_24 = vector.load %arg1[%get3A_21, %get3A_22, %get3A_23] : memref<20x256x64xf32, #tpu.memory_space<vmem>>, vector<1x256x64xf32>
    %get3A_25 = vector.shape_cast %get3A_24 : vector<1x256x64xf32> to vector<256x64xf32>
    %sub3A_26 = arith.subf %get3A_25, %get3A_1 : vector<256x64xf32>
    %get3A_27 = arith.constant 0 : index
    %get3A_28 = arith.constant 0 : index
    %get3A_29 = vector.load %arg4[%get3A_27, %get3A_28] : memref<64x128xf32, #tpu.memory_space<vmem>>, vector<64x128xf32>
    %dot_general3A_30 = arith.constant dense<0.000000e+00> : vector<256x128xf32>
    %dot_general3A_31 = tpu.matmul %sub3A_26, %get3A_29, %dot_general3A_30 {dimension_numbers = #tpu.dot_dimension_numbers<[1], [0], [0], [1], [0, 0, 1, 1], [], []>, transpose_lhs_hint = false} : vector<256x64xf32>, vector<64x128xf32>, vector<256x128xf32> -> vector<256x128xf32>
    %add3A_32 = arith.addf %add3A_9, %dot_general3A_31 : vector<256x128xf32>
    %max3A = arith.maximumf %add3A_20, %add3A_32 : vector<256x128xf32>
    %get3A_33 = arith.constant 2 : index
    %get3A_34 = arith.constant 0 : index
    %get3A_35 = arith.constant 0 : index
    %get3A_36 = vector.load %arg1[%get3A_33, %get3A_34, %get3A_35] : memref<20x256x64xf32, #tpu.memory_space<vmem>>, vector<1x256x64xf32>
    %get3A_37 = vector.shape_cast %get3A_36 : vector<1x256x64xf32> to vector<256x64xf32>
    %sub3A_38 = arith.subf %get3A_37, %get3A_1 : vector<256x64xf32>
    %get3A_39 = arith.constant 0 : index
    %get3A_40 = arith.constant 0 : index
    %get3A_41 = vector.load %arg4[%get3A_39, %get3A_40] : memref<64x128xf32, #tpu.memory_space<vmem>>, vector<64x128xf32>
    %dot_general3A_42 = arith.constant dense<0.000000e+00> : vector<256x128xf32>
    %dot_general3A_43 = tpu.matmul %sub3A_38, %get3A_41, %dot_general3A_42 {dimension_numbers = #tpu.dot_dimension_numbers<[1], [0], [0], [1], [0, 0, 1, 1], [], []>, transpose_lhs_hint = false} : vector<256x64xf32>, vector<64x128xf32>, vector<256x128xf32> -> vector<256x128xf32>
    %add3A_44 = arith.addf %add3A_9, %dot_general3A_43 : vector<256x128xf32>
    %max3A_45 = arith.maximumf %max3A, %add3A_44 : vector<256x128xf32>
    %get3A_46 = arith.constant 3 : index
    %get3A_47 = arith.constant 0 : index
    %get3A_48 = arith.constant 0 : index
    %get3A_49 = vector.load %arg1[%get3A_46, %get3A_47, %get3A_48] : memref<20x256x64xf32, #tpu.memory_space<vmem>>, vector<1x256x64xf32>
    %get3A_50 = vector.shape_cast %get3A_49 : vector<1x256x64xf32> to vector<256x64xf32>
    %sub3A_51 = arith.subf %get3A_50, %get3A_1 : vector<256x64xf32>
    %get3A_52 = arith.constant 0 : index
    %get3A_53 = arith.constant 0 : index
    %get3A_54 = vector.load %arg4[%get3A_52, %get3A_53] : memref<64x128xf32, #tpu.memory_space<vmem>>, vector<64x128xf32>
    %dot_general3A_55 = arith.constant dense<0.000000e+00> : vector<256x128xf32>
    %dot_general3A_56 = tpu.matmul %sub3A_51, %get3A_54, %dot_general3A_55 {dimension_numbers = #tpu.dot_dimension_numbers<[1], [0], [0], [1], [0, 0, 1, 1], [], []>, transpose_lhs_hint = false} : vector<256x64xf32>, vector<64x128xf32>, vector<256x128xf32> -> vector<256x128xf32>
    %add3A_57 = arith.addf %add3A_9, %dot_general3A_56 : vector<256x128xf32>
    %max3A_58 = arith.maximumf %max3A_45, %add3A_57 : vector<256x128xf32>
    %get3A_59 = arith.constant 4 : index
    %get3A_60 = arith.constant 0 : index
    %get3A_61 = arith.constant 0 : index
    %get3A_62 = vector.load %arg1[%get3A_59, %get3A_60, %get3A_61] : memref<20x256x64xf32, #tpu.memory_space<vmem>>, vector<1x256x64xf32>
    %get3A_63 = vector.shape_cast %get3A_62 : vector<1x256x64xf32> to vector<256x64xf32>
    %sub3A_64 = arith.subf %get3A_63, %get3A_1 : vector<256x64xf32>
    %get3A_65 = arith.constant 0 : index
    %get3A_66 = arith.constant 0 : index
    %get3A_67 = vector.load %arg4[%get3A_65, %get3A_66] : memref<64x128xf32, #tpu.memory_space<vmem>>, vector<64x128xf32>
    %dot_general3A_68 = arith.constant dense<0.000000e+00> : vector<256x128xf32>
    %dot_general3A_69 = tpu.matmul %sub3A_64, %get3A_67, %dot_general3A_68 {dimension_numbers = #tpu.dot_dimension_numbers<[1], [0], [0], [1], [0, 0, 1, 1], [], []>, transpose_lhs_hint = false} : vector<256x64xf32>, vector<64x128xf32>, vector<256x128xf32> -> vector<256x128xf32>
    %add3A_70 = arith.addf %add3A_9, %dot_general3A_69 : vector<256x128xf32>
    %max3A_71 = arith.maximumf %max3A_58, %add3A_70 : vector<256x128xf32>
    %get3A_72 = arith.constant 5 : index
    %get3A_73 = arith.constant 0 : index
    %get3A_74 = arith.constant 0 : index
    %get3A_75 = vector.load %arg1[%get3A_72, %get3A_73, %get3A_74] : memref<20x256x64xf32, #tpu.memory_space<vmem>>, vector<1x256x64xf32>
    %get3A_76 = vector.shape_cast %get3A_75 : vector<1x256x64xf32> to vector<256x64xf32>
    %sub3A_77 = arith.subf %get3A_76, %get3A_1 : vector<256x64xf32>
    %get3A_78 = arith.constant 0 : index
    %get3A_79 = arith.constant 0 : index
    %get3A_80 = vector.load %arg4[%get3A_78, %get3A_79] : memref<64x128xf32, #tpu.memory_space<vmem>>, vector<64x128xf32>
    %dot_general3A_81 = arith.constant dense<0.000000e+00> : vector<256x128xf32>
    %dot_general3A_82 = tpu.matmul %sub3A_77, %get3A_80, %dot_general3A_81 {dimension_numbers = #tpu.dot_dimension_numbers<[1], [0], [0], [1], [0, 0, 1, 1], [], []>, transpose_lhs_hint = false} : vector<256x64xf32>, vector<64x128xf32>, vector<256x128xf32> -> vector<256x128xf32>
    %add3A_83 = arith.addf %add3A_9, %dot_general3A_82 : vector<256x128xf32>
    %max3A_84 = arith.maximumf %max3A_71, %add3A_83 : vector<256x128xf32>
    %get3A_85 = arith.constant 6 : index
    %get3A_86 = arith.constant 0 : index
    %get3A_87 = arith.constant 0 : index
    %get3A_88 = vector.load %arg1[%get3A_85, %get3A_86, %get3A_87] : memref<20x256x64xf32, #tpu.memory_space<vmem>>, vector<1x256x64xf32>
    %get3A_89 = vector.shape_cast %get3A_88 : vector<1x256x64xf32> to vector<256x64xf32>
    %sub3A_90 = arith.subf %get3A_89, %get3A_1 : vector<256x64xf32>
    %get3A_91 = arith.constant 0 : index
    %get3A_92 = arith.constant 0 : index
    %get3A_93 = vector.load %arg4[%get3A_91, %get3A_92] : memref<64x128xf32, #tpu.memory_space<vmem>>, vector<64x128xf32>
    %dot_general3A_94 = arith.constant dense<0.000000e+00> : vector<256x128xf32>
    %dot_general3A_95 = tpu.matmul %sub3A_90, %get3A_93, %dot_general3A_94 {dimension_numbers = #tpu.dot_dimension_numbers<[1], [0], [0], [1], [0, 0, 1, 1], [], []>, transpose_lhs_hint = false} : vector<256x64xf32>, vector<64x128xf32>, vector<256x128xf32> -> vector<256x128xf32>
    %add3A_96 = arith.addf %add3A_9, %dot_general3A_95 : vector<256x128xf32>
    %max3A_97 = arith.maximumf %max3A_84, %add3A_96 : vector<256x128xf32>
    %get3A_98 = arith.constant 7 : index
    %get3A_99 = arith.constant 0 : index
    %get3A_100 = arith.constant 0 : index
    %get3A_101 = vector.load %arg1[%get3A_98, %get3A_99, %get3A_100] : memref<20x256x64xf32, #tpu.memory_space<vmem>>, vector<1x256x64xf32>
    %get3A_102 = vector.shape_cast %get3A_101 : vector<1x256x64xf32> to vector<256x64xf32>
    %sub3A_103 = arith.subf %get3A_102, %get3A_1 : vector<256x64xf32>
    %get3A_104 = arith.constant 0 : index
    %get3A_105 = arith.constant 0 : index
    %get3A_106 = vector.load %arg4[%get3A_104, %get3A_105] : memref<64x128xf32, #tpu.memory_space<vmem>>, vector<64x128xf32>
    %dot_general3A_107 = arith.constant dense<0.000000e+00> : vector<256x128xf32>
    %dot_general3A_108 = tpu.matmul %sub3A_103, %get3A_106, %dot_general3A_107 {dimension_numbers = #tpu.dot_dimension_numbers<[1], [0], [0], [1], [0, 0, 1, 1], [], []>, transpose_lhs_hint = false} : vector<256x64xf32>, vector<64x128xf32>, vector<256x128xf32> -> vector<256x128xf32>
    %add3A_109 = arith.addf %add3A_9, %dot_general3A_108 : vector<256x128xf32>
    %max3A_110 = arith.maximumf %max3A_97, %add3A_109 : vector<256x128xf32>
    %get3A_111 = arith.constant 8 : index
    %get3A_112 = arith.constant 0 : index
    %get3A_113 = arith.constant 0 : index
    %get3A_114 = vector.load %arg1[%get3A_111, %get3A_112, %get3A_113] : memref<20x256x64xf32, #tpu.memory_space<vmem>>, vector<1x256x64xf32>
    %get3A_115 = vector.shape_cast %get3A_114 : vector<1x256x64xf32> to vector<256x64xf32>
    %sub3A_116 = arith.subf %get3A_115, %get3A_1 : vector<256x64xf32>
    %get3A_117 = arith.constant 0 : index
    %get3A_118 = arith.constant 0 : index
    %get3A_119 = vector.load %arg4[%get3A_117, %get3A_118] : memref<64x128xf32, #tpu.memory_space<vmem>>, vector<64x128xf32>
    %dot_general3A_120 = arith.constant dense<0.000000e+00> : vector<256x128xf32>
    %dot_general3A_121 = tpu.matmul %sub3A_116, %get3A_119, %dot_general3A_120 {dimension_numbers = #tpu.dot_dimension_numbers<[1], [0], [0], [1], [0, 0, 1, 1], [], []>, transpose_lhs_hint = false} : vector<256x64xf32>, vector<64x128xf32>, vector<256x128xf32> -> vector<256x128xf32>
    %add3A_122 = arith.addf %add3A_9, %dot_general3A_121 : vector<256x128xf32>
    %max3A_123 = arith.maximumf %max3A_110, %add3A_122 : vector<256x128xf32>
    %get3A_124 = arith.constant 9 : index
    %get3A_125 = arith.constant 0 : index
    %get3A_126 = arith.constant 0 : index
    %get3A_127 = vector.load %arg1[%get3A_124, %get3A_125, %get3A_126] : memref<20x256x64xf32, #tpu.memory_space<vmem>>, vector<1x256x64xf32>
    %get3A_128 = vector.shape_cast %get3A_127 : vector<1x256x64xf32> to vector<256x64xf32>
    %sub3A_129 = arith.subf %get3A_128, %get3A_1 : vector<256x64xf32>
    %get3A_130 = arith.constant 0 : index
    %get3A_131 = arith.constant 0 : index
    %get3A_132 = vector.load %arg4[%get3A_130, %get3A_131] : memref<64x128xf32, #tpu.memory_space<vmem>>, vector<64x128xf32>
    %dot_general3A_133 = arith.constant dense<0.000000e+00> : vector<256x128xf32>
    %dot_general3A_134 = tpu.matmul %sub3A_129, %get3A_132, %dot_general3A_133 {dimension_numbers = #tpu.dot_dimension_numbers<[1], [0], [0], [1], [0, 0, 1, 1], [], []>, transpose_lhs_hint = false} : vector<256x64xf32>, vector<64x128xf32>, vector<256x128xf32> -> vector<256x128xf32>
    %add3A_135 = arith.addf %add3A_9, %dot_general3A_134 : vector<256x128xf32>
    %max3A_136 = arith.maximumf %max3A_123, %add3A_135 : vector<256x128xf32>
    %get3A_137 = arith.constant 10 : index
    %get3A_138 = arith.constant 0 : index
    %get3A_139 = arith.constant 0 : index
    %get3A_140 = vector.load %arg1[%get3A_137, %get3A_138, %get3A_139] : memref<20x256x64xf32, #tpu.memory_space<vmem>>, vector<1x256x64xf32>
    %get3A_141 = vector.shape_cast %get3A_140 : vector<1x256x64xf32> to vector<256x64xf32>
    %sub3A_142 = arith.subf %get3A_141, %get3A_1 : vector<256x64xf32>
    %get3A_143 = arith.constant 0 : index
    %get3A_144 = arith.constant 0 : index
    %get3A_145 = vector.load %arg4[%get3A_143, %get3A_144] : memref<64x128xf32, #tpu.memory_space<vmem>>, vector<64x128xf32>
    %dot_general3A_146 = arith.constant dense<0.000000e+00> : vector<256x128xf32>
    %dot_general3A_147 = tpu.matmul %sub3A_142, %get3A_145, %dot_general3A_146 {dimension_numbers = #tpu.dot_dimension_numbers<[1], [0], [0], [1], [0, 0, 1, 1], [], []>, transpose_lhs_hint = false} : vector<256x64xf32>, vector<64x128xf32>, vector<256x128xf32> -> vector<256x128xf32>
    %add3A_148 = arith.addf %add3A_9, %dot_general3A_147 : vector<256x128xf32>
    %max3A_149 = arith.maximumf %max3A_136, %add3A_148 : vector<256x128xf32>
    %get3A_150 = arith.constant 11 : index
    %get3A_151 = arith.constant 0 : index
    %get3A_152 = arith.constant 0 : index
    %get3A_153 = vector.load %arg1[%get3A_150, %get3A_151, %get3A_152] : memref<20x256x64xf32, #tpu.memory_space<vmem>>, vector<1x256x64xf32>
    %get3A_154 = vector.shape_cast %get3A_153 : vector<1x256x64xf32> to vector<256x64xf32>
    %sub3A_155 = arith.subf %get3A_154, %get3A_1 : vector<256x64xf32>
    %get3A_156 = arith.constant 0 : index
    %get3A_157 = arith.constant 0 : index
    %get3A_158 = vector.load %arg4[%get3A_156, %get3A_157] : memref<64x128xf32, #tpu.memory_space<vmem>>, vector<64x128xf32>
    %dot_general3A_159 = arith.constant dense<0.000000e+00> : vector<256x128xf32>
    %dot_general3A_160 = tpu.matmul %sub3A_155, %get3A_158, %dot_general3A_159 {dimension_numbers = #tpu.dot_dimension_numbers<[1], [0], [0], [1], [0, 0, 1, 1], [], []>, transpose_lhs_hint = false} : vector<256x64xf32>, vector<64x128xf32>, vector<256x128xf32> -> vector<256x128xf32>
    %add3A_161 = arith.addf %add3A_9, %dot_general3A_160 : vector<256x128xf32>
    %max3A_162 = arith.maximumf %max3A_149, %add3A_161 : vector<256x128xf32>
    %get3A_163 = arith.constant 12 : index
    %get3A_164 = arith.constant 0 : index
    %get3A_165 = arith.constant 0 : index
    %get3A_166 = vector.load %arg1[%get3A_163, %get3A_164, %get3A_165] : memref<20x256x64xf32, #tpu.memory_space<vmem>>, vector<1x256x64xf32>
    %get3A_167 = vector.shape_cast %get3A_166 : vector<1x256x64xf32> to vector<256x64xf32>
    %sub3A_168 = arith.subf %get3A_167, %get3A_1 : vector<256x64xf32>
    %get3A_169 = arith.constant 0 : index
    %get3A_170 = arith.constant 0 : index
    %get3A_171 = vector.load %arg4[%get3A_169, %get3A_170] : memref<64x128xf32, #tpu.memory_space<vmem>>, vector<64x128xf32>
    %dot_general3A_172 = arith.constant dense<0.000000e+00> : vector<256x128xf32>
    %dot_general3A_173 = tpu.matmul %sub3A_168, %get3A_171, %dot_general3A_172 {dimension_numbers = #tpu.dot_dimension_numbers<[1], [0], [0], [1], [0, 0, 1, 1], [], []>, transpose_lhs_hint = false} : vector<256x64xf32>, vector<64x128xf32>, vector<256x128xf32> -> vector<256x128xf32>
    %add3A_174 = arith.addf %add3A_9, %dot_general3A_173 : vector<256x128xf32>
    %max3A_175 = arith.maximumf %max3A_162, %add3A_174 : vector<256x128xf32>
    %get3A_176 = arith.constant 13 : index
    %get3A_177 = arith.constant 0 : index
    %get3A_178 = arith.constant 0 : index
    %get3A_179 = vector.load %arg1[%get3A_176, %get3A_177, %get3A_178] : memref<20x256x64xf32, #tpu.memory_space<vmem>>, vector<1x256x64xf32>
    %get3A_180 = vector.shape_cast %get3A_179 : vector<1x256x64xf32> to vector<256x64xf32>
    %sub3A_181 = arith.subf %get3A_180, %get3A_1 : vector<256x64xf32>
    %get3A_182 = arith.constant 0 : index
    %get3A_183 = arith.constant 0 : index
    %get3A_184 = vector.load %arg4[%get3A_182, %get3A_183] : memref<64x128xf32, #tpu.memory_space<vmem>>, vector<64x128xf32>
    %dot_general3A_185 = arith.constant dense<0.000000e+00> : vector<256x128xf32>
    %dot_general3A_186 = tpu.matmul %sub3A_181, %get3A_184, %dot_general3A_185 {dimension_numbers = #tpu.dot_dimension_numbers<[1], [0], [0], [1], [0, 0, 1, 1], [], []>, transpose_lhs_hint = false} : vector<256x64xf32>, vector<64x128xf32>, vector<256x128xf32> -> vector<256x128xf32>
    %add3A_187 = arith.addf %add3A_9, %dot_general3A_186 : vector<256x128xf32>
    %max3A_188 = arith.maximumf %max3A_175, %add3A_187 : vector<256x128xf32>
    %get3A_189 = arith.constant 14 : index
    %get3A_190 = arith.constant 0 : index
    %get3A_191 = arith.constant 0 : index
    %get3A_192 = vector.load %arg1[%get3A_189, %get3A_190, %get3A_191] : memref<20x256x64xf32, #tpu.memory_space<vmem>>, vector<1x256x64xf32>
    %get3A_193 = vector.shape_cast %get3A_192 : vector<1x256x64xf32> to vector<256x64xf32>
    %sub3A_194 = arith.subf %get3A_193, %get3A_1 : vector<256x64xf32>
    %get3A_195 = arith.constant 0 : index
    %get3A_196 = arith.constant 0 : index
    %get3A_197 = vector.load %arg4[%get3A_195, %get3A_196] : memref<64x128xf32, #tpu.memory_space<vmem>>, vector<64x128xf32>
    %dot_general3A_198 = arith.constant dense<0.000000e+00> : vector<256x128xf32>
    %dot_general3A_199 = tpu.matmul %sub3A_194, %get3A_197, %dot_general3A_198 {dimension_numbers = #tpu.dot_dimension_numbers<[1], [0], [0], [1], [0, 0, 1, 1], [], []>, transpose_lhs_hint = false} : vector<256x64xf32>, vector<64x128xf32>, vector<256x128xf32> -> vector<256x128xf32>
    %add3A_200 = arith.addf %add3A_9, %dot_general3A_199 : vector<256x128xf32>
    %max3A_201 = arith.maximumf %max3A_188, %add3A_200 : vector<256x128xf32>
    %get3A_202 = arith.constant 15 : index
    %get3A_203 = arith.constant 0 : index
    %get3A_204 = arith.constant 0 : index
    %get3A_205 = vector.load %arg1[%get3A_202, %get3A_203, %get3A_204] : memref<20x256x64xf32, #tpu.memory_space<vmem>>, vector<1x256x64xf32>
    %get3A_206 = vector.shape_cast %get3A_205 : vector<1x256x64xf32> to vector<256x64xf32>
    %sub3A_207 = arith.subf %get3A_206, %get3A_1 : vector<256x64xf32>
    %get3A_208 = arith.constant 0 : index
    %get3A_209 = arith.constant 0 : index
    %get3A_210 = vector.load %arg4[%get3A_208, %get3A_209] : memref<64x128xf32, #tpu.memory_space<vmem>>, vector<64x128xf32>
    %dot_general3A_211 = arith.constant dense<0.000000e+00> : vector<256x128xf32>
    %dot_general3A_212 = tpu.matmul %sub3A_207, %get3A_210, %dot_general3A_211 {dimension_numbers = #tpu.dot_dimension_numbers<[1], [0], [0], [1], [0, 0, 1, 1], [], []>, transpose_lhs_hint = false} : vector<256x64xf32>, vector<64x128xf32>, vector<256x128xf32> -> vector<256x128xf32>
    %add3A_213 = arith.addf %add3A_9, %dot_general3A_212 : vector<256x128xf32>
    %max3A_214 = arith.maximumf %max3A_201, %add3A_213 : vector<256x128xf32>
    %get3A_215 = arith.constant 16 : index
    %get3A_216 = arith.constant 0 : index
    %get3A_217 = arith.constant 0 : index
    %get3A_218 = vector.load %arg1[%get3A_215, %get3A_216, %get3A_217] : memref<20x256x64xf32, #tpu.memory_space<vmem>>, vector<1x256x64xf32>
    %get3A_219 = vector.shape_cast %get3A_218 : vector<1x256x64xf32> to vector<256x64xf32>
    %sub3A_220 = arith.subf %get3A_219, %get3A_1 : vector<256x64xf32>
    %get3A_221 = arith.constant 0 : index
    %get3A_222 = arith.constant 0 : index
    %get3A_223 = vector.load %arg4[%get3A_221, %get3A_222] : memref<64x128xf32, #tpu.memory_space<vmem>>, vector<64x128xf32>
    %dot_general3A_224 = arith.constant dense<0.000000e+00> : vector<256x128xf32>
    %dot_general3A_225 = tpu.matmul %sub3A_220, %get3A_223, %dot_general3A_224 {dimension_numbers = #tpu.dot_dimension_numbers<[1], [0], [0], [1], [0, 0, 1, 1], [], []>, transpose_lhs_hint = false} : vector<256x64xf32>, vector<64x128xf32>, vector<256x128xf32> -> vector<256x128xf32>
    %add3A_226 = arith.addf %add3A_9, %dot_general3A_225 : vector<256x128xf32>
    %max3A_227 = arith.maximumf %max3A_214, %add3A_226 : vector<256x128xf32>
    %get3A_228 = arith.constant 17 : index
    %get3A_229 = arith.constant 0 : index
    %get3A_230 = arith.constant 0 : index
    %get3A_231 = vector.load %arg1[%get3A_228, %get3A_229, %get3A_230] : memref<20x256x64xf32, #tpu.memory_space<vmem>>, vector<1x256x64xf32>
    %get3A_232 = vector.shape_cast %get3A_231 : vector<1x256x64xf32> to vector<256x64xf32>
    %sub3A_233 = arith.subf %get3A_232, %get3A_1 : vector<256x64xf32>
    %get3A_234 = arith.constant 0 : index
    %get3A_235 = arith.constant 0 : index
    %get3A_236 = vector.load %arg4[%get3A_234, %get3A_235] : memref<64x128xf32, #tpu.memory_space<vmem>>, vector<64x128xf32>
    %dot_general3A_237 = arith.constant dense<0.000000e+00> : vector<256x128xf32>
    %dot_general3A_238 = tpu.matmul %sub3A_233, %get3A_236, %dot_general3A_237 {dimension_numbers = #tpu.dot_dimension_numbers<[1], [0], [0], [1], [0, 0, 1, 1], [], []>, transpose_lhs_hint = false} : vector<256x64xf32>, vector<64x128xf32>, vector<256x128xf32> -> vector<256x128xf32>
    %add3A_239 = arith.addf %add3A_9, %dot_general3A_238 : vector<256x128xf32>
    %max3A_240 = arith.maximumf %max3A_227, %add3A_239 : vector<256x128xf32>
    %get3A_241 = arith.constant 18 : index
    %get3A_242 = arith.constant 0 : index
    %get3A_243 = arith.constant 0 : index
    %get3A_244 = vector.load %arg1[%get3A_241, %get3A_242, %get3A_243] : memref<20x256x64xf32, #tpu.memory_space<vmem>>, vector<1x256x64xf32>
    %get3A_245 = vector.shape_cast %get3A_244 : vector<1x256x64xf32> to vector<256x64xf32>
    %sub3A_246 = arith.subf %get3A_245, %get3A_1 : vector<256x64xf32>
    %get3A_247 = arith.constant 0 : index
    %get3A_248 = arith.constant 0 : index
    %get3A_249 = vector.load %arg4[%get3A_247, %get3A_248] : memref<64x128xf32, #tpu.memory_space<vmem>>, vector<64x128xf32>
    %dot_general3A_250 = arith.constant dense<0.000000e+00> : vector<256x128xf32>
    %dot_general3A_251 = tpu.matmul %sub3A_246, %get3A_249, %dot_general3A_250 {dimension_numbers = #tpu.dot_dimension_numbers<[1], [0], [0], [1], [0, 0, 1, 1], [], []>, transpose_lhs_hint = false} : vector<256x64xf32>, vector<64x128xf32>, vector<256x128xf32> -> vector<256x128xf32>
    %add3A_252 = arith.addf %add3A_9, %dot_general3A_251 : vector<256x128xf32>
    %max3A_253 = arith.maximumf %max3A_240, %add3A_252 : vector<256x128xf32>
    %get3A_254 = arith.constant 19 : index
    %get3A_255 = arith.constant 0 : index
    %get3A_256 = arith.constant 0 : index
    %get3A_257 = vector.load %arg1[%get3A_254, %get3A_255, %get3A_256] : memref<20x256x64xf32, #tpu.memory_space<vmem>>, vector<1x256x64xf32>
    %get3A_258 = vector.shape_cast %get3A_257 : vector<1x256x64xf32> to vector<256x64xf32>
    %sub3A_259 = arith.subf %get3A_258, %get3A_1 : vector<256x64xf32>
    %get3A_260 = arith.constant 0 : index
    %get3A_261 = arith.constant 0 : index
    %get3A_262 = vector.load %arg4[%get3A_260, %get3A_261] : memref<64x128xf32, #tpu.memory_space<vmem>>, vector<64x128xf32>
    %dot_general3A_263 = arith.constant dense<0.000000e+00> : vector<256x128xf32>
    %dot_general3A_264 = tpu.matmul %sub3A_259, %get3A_262, %dot_general3A_263 {dimension_numbers = #tpu.dot_dimension_numbers<[1], [0], [0], [1], [0, 0, 1, 1], [], []>, transpose_lhs_hint = false} : vector<256x64xf32>, vector<64x128xf32>, vector<256x128xf32> -> vector<256x128xf32>
    %add3A_265 = arith.addf %add3A_9, %dot_general3A_264 : vector<256x128xf32>
    %max3A_266 = arith.maximumf %max3A_253, %add3A_265 : vector<256x128xf32>
    %swap3A = arith.constant 0 : index
    %swap3A_267 = arith.constant 0 : index
    %swap3A_268 = vector.load %arg6[%swap3A, %swap3A_267] : memref<256x128xf32, #tpu.memory_space<vmem>>, vector<256x128xf32>
    tpu.vector_store %arg6[%swap3A, %swap3A_267], %max3A_266 {strides = array<i32>} : memref<256x128xf32, #tpu.memory_space<vmem>>, vector<256x128xf32>,
    return
  }
  func.func @transform_0(%arg0: i32) -> (i32, i32, i32) {
    %c0_i32 = arith.constant 0 : i32
    %c0_i32_0 = arith.constant 0 : i32
    %c0_i32_1 = arith.constant 0 : i32
    return %c0_i32, %arg0, %c0_i32_0 : i32, i32, i32
  }
  func.func @transform_1(%arg0: i32) -> (i32, i32) {
    %c0_i32 = arith.constant 0 : i32
    %c0_i32_0 = arith.constant 0 : i32
    return %arg0, %c0_i32 : i32, i32
  }
  func.func @transform_2(%arg0: i32) -> (i32, i32) {
    %c0_i32 = arith.constant 0 : i32
    %c0_i32_0 = arith.constant 0 : i32
    %c0_i32_1 = arith.constant 0 : i32
    return %c0_i32, %c0_i32_0 : i32, i32
  }
  func.func @transform_3(%arg0: i32) -> (i32, i32) {
    %c0_i32 = arith.constant 0 : i32
    %c0_i32_0 = arith.constant 0 : i32
    %c0_i32_1 = arith.constant 0 : i32
    return %c0_i32, %c0_i32_0 : i32, i32
  }
  func.func @transform_4(%arg0: i32) -> (i32, i32) {
    %c0_i32 = arith.constant 0 : i32
    %c0_i32_0 = arith.constant 0 : i32
    %c0_i32_1 = arith.constant 0 : i32
    return %c0_i32, %c0_i32_0 : i32, i32
  }
  func.func @transform_5(%arg0: i32) -> (i32, i32) {
    %c0_i32 = arith.constant 0 : i32
    %c0_i32_0 = arith.constant 0 : i32
    return %arg0, %c0_i32 : i32, i32
  }
}

module attributes {stable_mosaic.version = 14 : i64} {
  func.func @_pool_head_body(%arg0: i32, %arg1: memref<256x64xf32, #tpu.memory_space<vmem>>, %arg2: memref<256x128xf32, #tpu.memory_space<vmem>>, %arg3: memref<256x1xi32, #tpu.memory_space<vmem>>, %arg4: memref<64x1024xf32, #tpu.memory_space<vmem>>, %arg5: memref<128x1024xf32, #tpu.memory_space<vmem>>, %arg6: memref<1x1024xf32, #tpu.memory_space<vmem>>, %arg7: memref<1024x512xf32, #tpu.memory_space<vmem>>, %arg8: memref<1x512xf32, #tpu.memory_space<vmem>>, %arg9: memref<512x256xf32, #tpu.memory_space<vmem>>, %arg10: memref<1x256xf32, #tpu.memory_space<vmem>>, %arg11: memref<256x40xf32, #tpu.memory_space<vmem>>, %arg12: memref<1x40xf32, #tpu.memory_space<vmem>>, %arg13: memref<8x40xf32, #tpu.memory_space<vmem>>, %arg14: memref<8x1024xf32, #tpu.memory_space<vmem>>) attributes {dimension_semantics = [#tpu.dimension_semantics<arbitrary>], iteration_bounds = array<i64: 32>, scalar_prefetch = 0 : i64, scratch_operands = 1 : i64, tpu.core_type = #tpu.core_type<tc>, window_params = [{transform_indices = @transform_0, window_bounds = array<i64: 256, 64>}, {transform_indices = @transform_1, window_bounds = array<i64: 256, 128>}, {transform_indices = @transform_2, window_bounds = array<i64: 256, 1>}, {pipeline_mode = #tpu.pipeline_mode<synchronous>, transform_indices = @transform_3, window_bounds = array<i64: 64, 1024>}, {pipeline_mode = #tpu.pipeline_mode<synchronous>, transform_indices = @transform_4, window_bounds = array<i64: 128, 1024>}, {pipeline_mode = #tpu.pipeline_mode<synchronous>, transform_indices = @transform_5, window_bounds = array<i64: 1, 1024>}, {pipeline_mode = #tpu.pipeline_mode<synchronous>, transform_indices = @transform_6, window_bounds = array<i64: 1024, 512>}, {pipeline_mode = #tpu.pipeline_mode<synchronous>, transform_indices = @transform_7, window_bounds = array<i64: 1, 512>}, {pipeline_mode = #tpu.pipeline_mode<synchronous>, transform_indices = @transform_8, window_bounds = array<i64: 512, 256>}, {pipeline_mode = #tpu.pipeline_mode<synchronous>, transform_indices = @transform_9, window_bounds = array<i64: 1, 256>}, {pipeline_mode = #tpu.pipeline_mode<synchronous>, transform_indices = @transform_10, window_bounds = array<i64: 256, 40>}, {pipeline_mode = #tpu.pipeline_mode<synchronous>, transform_indices = @transform_11, window_bounds = array<i64: 1, 40>}, {pipeline_mode = #tpu.pipeline_mode<synchronous>, transform_indices = @transform_12, window_bounds = array<i64: 8, 40>}]} {
    %eq3A = arith.constant 0 : i32
    %eq3A_0 = arith.cmpi eq, %arg0, %eq3A : i32
    %convert_element_type3A = arith.extui %eq3A_0 : i1 to i32
    %cond3A = arith.constant 0 : i32
    %cond3A_1 = arith.cmpi ne, %convert_element_type3A, %cond3A : i32
    scf.if %cond3A_1 {
      %broadcast_in_dim3A_167 = arith.constant 0xFF800000 : f32
      %broadcast_in_dim3A_168 = vector.broadcast %broadcast_in_dim3A_167 : f32 to vector<8x1024xf32>
      %swap3A_169 = arith.constant 0 : index
      %swap3A_170 = arith.constant 0 : index
      %swap3A_171 = vector.load %arg14[%swap3A_169, %swap3A_170] : memref<8x1024xf32, #tpu.memory_space<vmem>>, vector<8x1024xf32>
      tpu.vector_store %arg14[%swap3A_169, %swap3A_170], %broadcast_in_dim3A_168 {strides = array<i32>} : memref<8x1024xf32, #tpu.memory_space<vmem>>, vector<8x1024xf32>,
    } else {
    }
    %get3A = arith.constant 0 : index
    %get3A_2 = arith.constant 0 : index
    %get3A_3 = vector.load %arg1[%get3A, %get3A_2] : memref<256x64xf32, #tpu.memory_space<vmem>>, vector<256x64xf32>
    %get3A_4 = arith.constant 0 : index
    %get3A_5 = arith.constant 0 : index
    %get3A_6 = vector.load %arg4[%get3A_4, %get3A_5] : memref<64x1024xf32, #tpu.memory_space<vmem>>, vector<64x1024xf32>
    %dot_general3A = arith.constant dense<0.000000e+00> : vector<256x1024xf32>
    %dot_general3A_7 = tpu.matmul %get3A_3, %get3A_6, %dot_general3A {dimension_numbers = #tpu.dot_dimension_numbers<[1], [0], [0], [1], [0, 0, 1, 1], [], []>, transpose_lhs_hint = false} : vector<256x64xf32>, vector<64x1024xf32>, vector<256x1024xf32> -> vector<256x1024xf32>
    %get3A_8 = arith.constant 0 : index
    %get3A_9 = arith.constant 0 : index
    %get3A_10 = vector.load %arg2[%get3A_8, %get3A_9] : memref<256x128xf32, #tpu.memory_space<vmem>>, vector<256x128xf32>
    %get3A_11 = arith.constant 0 : index
    %get3A_12 = arith.constant 0 : index
    %get3A_13 = vector.load %arg5[%get3A_11, %get3A_12] : memref<128x1024xf32, #tpu.memory_space<vmem>>, vector<128x1024xf32>
    %dot_general3A_14 = arith.constant dense<0.000000e+00> : vector<256x1024xf32>
    %dot_general3A_15 = tpu.matmul %get3A_10, %get3A_13, %dot_general3A_14 {dimension_numbers = #tpu.dot_dimension_numbers<[1], [0], [0], [1], [0, 0, 1, 1], [], []>, transpose_lhs_hint = false} : vector<256x128xf32>, vector<128x1024xf32>, vector<256x1024xf32> -> vector<256x1024xf32>
    %add3A = arith.addf %dot_general3A_7, %dot_general3A_15 : vector<256x1024xf32>
    %get3A_16 = arith.constant 0 : index
    %get3A_17 = arith.constant 0 : index
    %get3A_18 = vector.load %arg6[%get3A_16, %get3A_17] : memref<1x1024xf32, #tpu.memory_space<vmem>>, vector<1x1024xf32>
    %add3A_19 = vector.broadcast %get3A_18 : vector<1x1024xf32> to vector<256x1024xf32>
    %add3A_20 = arith.addf %add3A, %add3A_19 : vector<256x1024xf32>
    %get3A_21 = arith.constant 0 : index
    %get3A_22 = arith.constant 0 : index
    %get3A_23 = vector.load %arg3[%get3A_21, %get3A_22] : memref<256x1xi32, #tpu.memory_space<vmem>>, vector<256x1xi32>
    %eq3A_24 = arith.constant 0 : i32
    %eq3A_25 = vector.broadcast %eq3A_24 : i32 to vector<256x1xi32>
    %eq3A_26 = arith.cmpi eq, %get3A_23, %eq3A_25 : vector<256x1xi32>
    %jit3A = arith.constant 0xFF800000 : f32
    %broadcast_in_dim3A = vector.shape_cast %eq3A_26 : vector<256x1xi1> to vector<256x1xi1>
    %broadcast_in_dim3A_27 = vector.broadcast %broadcast_in_dim3A : vector<256x1xi1> to vector<256x1024xi1>
    %broadcast_in_dim3A_28 = vector.broadcast %jit3A : f32 to vector<256x1024xf32>
    %select_n3A = arith.select %broadcast_in_dim3A_27, %add3A_20, %broadcast_in_dim3A_28 : vector<256x1024xi1>, vector<256x1024xf32>
    %reduce_max3A = arith.constant dense<0xFF800000> : vector<1024xf32>
    %reduce_max3A_29 = vector.multi_reduction <maximumf>, %select_n3A, %reduce_max3A [0] : vector<256x1024xf32> to vector<1024xf32>
    %broadcast_in_dim3A_30 = vector.shape_cast %reduce_max3A_29 : vector<1024xf32> to vector<1x1024xf32>
    %get3A_31 = arith.constant 0 : index
    %get3A_32 = arith.constant 0 : index
    %get3A_33 = vector.load %arg14[%get3A_31, %get3A_32] : memref<8x1024xf32, #tpu.memory_space<vmem>>, vector<1x1024xf32>
    %max3A = arith.maximumf %get3A_33, %broadcast_in_dim3A_30 : vector<1x1024xf32>
    %swap3A = arith.constant 0 : index
    %swap3A_34 = arith.constant 0 : index
    %swap3A_35 = vector.load %arg14[%swap3A, %swap3A_34] : memref<8x1024xf32, #tpu.memory_space<vmem>>, vector<1x1024xf32>
    tpu.vector_store %arg14[%swap3A, %swap3A_34], %max3A {strides = array<i32>} : memref<8x1024xf32, #tpu.memory_space<vmem>>, vector<1x1024xf32>,
    %eq3A_36 = arith.constant 1 : i32
    %eq3A_37 = vector.broadcast %eq3A_36 : i32 to vector<256x1xi32>
    %eq3A_38 = arith.cmpi eq, %get3A_23, %eq3A_37 : vector<256x1xi32>
    %jit3A_39 = arith.constant 0xFF800000 : f32
    %broadcast_in_dim3A_40 = vector.shape_cast %eq3A_38 : vector<256x1xi1> to vector<256x1xi1>
    %broadcast_in_dim3A_41 = vector.broadcast %broadcast_in_dim3A_40 : vector<256x1xi1> to vector<256x1024xi1>
    %broadcast_in_dim3A_42 = vector.broadcast %jit3A_39 : f32 to vector<256x1024xf32>
    %select_n3A_43 = arith.select %broadcast_in_dim3A_41, %add3A_20, %broadcast_in_dim3A_42 : vector<256x1024xi1>, vector<256x1024xf32>
    %reduce_max3A_44 = arith.constant dense<0xFF800000> : vector<1024xf32>
    %reduce_max3A_45 = vector.multi_reduction <maximumf>, %select_n3A_43, %reduce_max3A_44 [0] : vector<256x1024xf32> to vector<1024xf32>
    %broadcast_in_dim3A_46 = vector.shape_cast %reduce_max3A_45 : vector<1024xf32> to vector<1x1024xf32>
    %get3A_47 = arith.constant 1 : index
    %get3A_48 = arith.constant 0 : index
    %get3A_49 = vector.load %arg14[%get3A_47, %get3A_48] : memref<8x1024xf32, #tpu.memory_space<vmem>>, vector<1x1024xf32>
    %max3A_50 = arith.maximumf %get3A_49, %broadcast_in_dim3A_46 : vector<1x1024xf32>
    %swap3A_51 = arith.constant 1 : index
    %swap3A_52 = arith.constant 0 : index
    %swap3A_53 = vector.load %arg14[%swap3A_51, %swap3A_52] : memref<8x1024xf32, #tpu.memory_space<vmem>>, vector<1x1024xf32>
    tpu.vector_store %arg14[%swap3A_51, %swap3A_52], %max3A_50 {strides = array<i32>} : memref<8x1024xf32, #tpu.memory_space<vmem>>, vector<1x1024xf32>,
    %eq3A_54 = arith.constant 2 : i32
    %eq3A_55 = vector.broadcast %eq3A_54 : i32 to vector<256x1xi32>
    %eq3A_56 = arith.cmpi eq, %get3A_23, %eq3A_55 : vector<256x1xi32>
    %jit3A_57 = arith.constant 0xFF800000 : f32
    %broadcast_in_dim3A_58 = vector.shape_cast %eq3A_56 : vector<256x1xi1> to vector<256x1xi1>
    %broadcast_in_dim3A_59 = vector.broadcast %broadcast_in_dim3A_58 : vector<256x1xi1> to vector<256x1024xi1>
    %broadcast_in_dim3A_60 = vector.broadcast %jit3A_57 : f32 to vector<256x1024xf32>
    %select_n3A_61 = arith.select %broadcast_in_dim3A_59, %add3A_20, %broadcast_in_dim3A_60 : vector<256x1024xi1>, vector<256x1024xf32>
    %reduce_max3A_62 = arith.constant dense<0xFF800000> : vector<1024xf32>
    %reduce_max3A_63 = vector.multi_reduction <maximumf>, %select_n3A_61, %reduce_max3A_62 [0] : vector<256x1024xf32> to vector<1024xf32>
    %broadcast_in_dim3A_64 = vector.shape_cast %reduce_max3A_63 : vector<1024xf32> to vector<1x1024xf32>
    %get3A_65 = arith.constant 2 : index
    %get3A_66 = arith.constant 0 : index
    %get3A_67 = vector.load %arg14[%get3A_65, %get3A_66] : memref<8x1024xf32, #tpu.memory_space<vmem>>, vector<1x1024xf32>
    %max3A_68 = arith.maximumf %get3A_67, %broadcast_in_dim3A_64 : vector<1x1024xf32>
    %swap3A_69 = arith.constant 2 : index
    %swap3A_70 = arith.constant 0 : index
    %swap3A_71 = vector.load %arg14[%swap3A_69, %swap3A_70] : memref<8x1024xf32, #tpu.memory_space<vmem>>, vector<1x1024xf32>
    tpu.vector_store %arg14[%swap3A_69, %swap3A_70], %max3A_68 {strides = array<i32>} : memref<8x1024xf32, #tpu.memory_space<vmem>>, vector<1x1024xf32>,
    %eq3A_72 = arith.constant 3 : i32
    %eq3A_73 = vector.broadcast %eq3A_72 : i32 to vector<256x1xi32>
    %eq3A_74 = arith.cmpi eq, %get3A_23, %eq3A_73 : vector<256x1xi32>
    %jit3A_75 = arith.constant 0xFF800000 : f32
    %broadcast_in_dim3A_76 = vector.shape_cast %eq3A_74 : vector<256x1xi1> to vector<256x1xi1>
    %broadcast_in_dim3A_77 = vector.broadcast %broadcast_in_dim3A_76 : vector<256x1xi1> to vector<256x1024xi1>
    %broadcast_in_dim3A_78 = vector.broadcast %jit3A_75 : f32 to vector<256x1024xf32>
    %select_n3A_79 = arith.select %broadcast_in_dim3A_77, %add3A_20, %broadcast_in_dim3A_78 : vector<256x1024xi1>, vector<256x1024xf32>
    %reduce_max3A_80 = arith.constant dense<0xFF800000> : vector<1024xf32>
    %reduce_max3A_81 = vector.multi_reduction <maximumf>, %select_n3A_79, %reduce_max3A_80 [0] : vector<256x1024xf32> to vector<1024xf32>
    %broadcast_in_dim3A_82 = vector.shape_cast %reduce_max3A_81 : vector<1024xf32> to vector<1x1024xf32>
    %get3A_83 = arith.constant 3 : index
    %get3A_84 = arith.constant 0 : index
    %get3A_85 = vector.load %arg14[%get3A_83, %get3A_84] : memref<8x1024xf32, #tpu.memory_space<vmem>>, vector<1x1024xf32>
    %max3A_86 = arith.maximumf %get3A_85, %broadcast_in_dim3A_82 : vector<1x1024xf32>
    %swap3A_87 = arith.constant 3 : index
    %swap3A_88 = arith.constant 0 : index
    %swap3A_89 = vector.load %arg14[%swap3A_87, %swap3A_88] : memref<8x1024xf32, #tpu.memory_space<vmem>>, vector<1x1024xf32>
    tpu.vector_store %arg14[%swap3A_87, %swap3A_88], %max3A_86 {strides = array<i32>} : memref<8x1024xf32, #tpu.memory_space<vmem>>, vector<1x1024xf32>,
    %eq3A_90 = arith.constant 4 : i32
    %eq3A_91 = vector.broadcast %eq3A_90 : i32 to vector<256x1xi32>
    %eq3A_92 = arith.cmpi eq, %get3A_23, %eq3A_91 : vector<256x1xi32>
    %jit3A_93 = arith.constant 0xFF800000 : f32
    %broadcast_in_dim3A_94 = vector.shape_cast %eq3A_92 : vector<256x1xi1> to vector<256x1xi1>
    %broadcast_in_dim3A_95 = vector.broadcast %broadcast_in_dim3A_94 : vector<256x1xi1> to vector<256x1024xi1>
    %broadcast_in_dim3A_96 = vector.broadcast %jit3A_93 : f32 to vector<256x1024xf32>
    %select_n3A_97 = arith.select %broadcast_in_dim3A_95, %add3A_20, %broadcast_in_dim3A_96 : vector<256x1024xi1>, vector<256x1024xf32>
    %reduce_max3A_98 = arith.constant dense<0xFF800000> : vector<1024xf32>
    %reduce_max3A_99 = vector.multi_reduction <maximumf>, %select_n3A_97, %reduce_max3A_98 [0] : vector<256x1024xf32> to vector<1024xf32>
    %broadcast_in_dim3A_100 = vector.shape_cast %reduce_max3A_99 : vector<1024xf32> to vector<1x1024xf32>
    %get3A_101 = arith.constant 4 : index
    %get3A_102 = arith.constant 0 : index
    %get3A_103 = vector.load %arg14[%get3A_101, %get3A_102] : memref<8x1024xf32, #tpu.memory_space<vmem>>, vector<1x1024xf32>
    %max3A_104 = arith.maximumf %get3A_103, %broadcast_in_dim3A_100 : vector<1x1024xf32>
    %swap3A_105 = arith.constant 4 : index
    %swap3A_106 = arith.constant 0 : index
    %swap3A_107 = vector.load %arg14[%swap3A_105, %swap3A_106] : memref<8x1024xf32, #tpu.memory_space<vmem>>, vector<1x1024xf32>
    tpu.vector_store %arg14[%swap3A_105, %swap3A_106], %max3A_104 {strides = array<i32>} : memref<8x1024xf32, #tpu.memory_space<vmem>>, vector<1x1024xf32>,
    %eq3A_108 = arith.constant 5 : i32
    %eq3A_109 = vector.broadcast %eq3A_108 : i32 to vector<256x1xi32>
    %eq3A_110 = arith.cmpi eq, %get3A_23, %eq3A_109 : vector<256x1xi32>
    %jit3A_111 = arith.constant 0xFF800000 : f32
    %broadcast_in_dim3A_112 = vector.shape_cast %eq3A_110 : vector<256x1xi1> to vector<256x1xi1>
    %broadcast_in_dim3A_113 = vector.broadcast %broadcast_in_dim3A_112 : vector<256x1xi1> to vector<256x1024xi1>
    %broadcast_in_dim3A_114 = vector.broadcast %jit3A_111 : f32 to vector<256x1024xf32>
    %select_n3A_115 = arith.select %broadcast_in_dim3A_113, %add3A_20, %broadcast_in_dim3A_114 : vector<256x1024xi1>, vector<256x1024xf32>
    %reduce_max3A_116 = arith.constant dense<0xFF800000> : vector<1024xf32>
    %reduce_max3A_117 = vector.multi_reduction <maximumf>, %select_n3A_115, %reduce_max3A_116 [0] : vector<256x1024xf32> to vector<1024xf32>
    %broadcast_in_dim3A_118 = vector.shape_cast %reduce_max3A_117 : vector<1024xf32> to vector<1x1024xf32>
    %get3A_119 = arith.constant 5 : index
    %get3A_120 = arith.constant 0 : index
    %get3A_121 = vector.load %arg14[%get3A_119, %get3A_120] : memref<8x1024xf32, #tpu.memory_space<vmem>>, vector<1x1024xf32>
    %max3A_122 = arith.maximumf %get3A_121, %broadcast_in_dim3A_118 : vector<1x1024xf32>
    %swap3A_123 = arith.constant 5 : index
    %swap3A_124 = arith.constant 0 : index
    %swap3A_125 = vector.load %arg14[%swap3A_123, %swap3A_124] : memref<8x1024xf32, #tpu.memory_space<vmem>>, vector<1x1024xf32>
    tpu.vector_store %arg14[%swap3A_123, %swap3A_124], %max3A_122 {strides = array<i32>} : memref<8x1024xf32, #tpu.memory_space<vmem>>, vector<1x1024xf32>,
    %eq3A_126 = arith.constant 6 : i32
    %eq3A_127 = vector.broadcast %eq3A_126 : i32 to vector<256x1xi32>
    %eq3A_128 = arith.cmpi eq, %get3A_23, %eq3A_127 : vector<256x1xi32>
    %jit3A_129 = arith.constant 0xFF800000 : f32
    %broadcast_in_dim3A_130 = vector.shape_cast %eq3A_128 : vector<256x1xi1> to vector<256x1xi1>
    %broadcast_in_dim3A_131 = vector.broadcast %broadcast_in_dim3A_130 : vector<256x1xi1> to vector<256x1024xi1>
    %broadcast_in_dim3A_132 = vector.broadcast %jit3A_129 : f32 to vector<256x1024xf32>
    %select_n3A_133 = arith.select %broadcast_in_dim3A_131, %add3A_20, %broadcast_in_dim3A_132 : vector<256x1024xi1>, vector<256x1024xf32>
    %reduce_max3A_134 = arith.constant dense<0xFF800000> : vector<1024xf32>
    %reduce_max3A_135 = vector.multi_reduction <maximumf>, %select_n3A_133, %reduce_max3A_134 [0] : vector<256x1024xf32> to vector<1024xf32>
    %broadcast_in_dim3A_136 = vector.shape_cast %reduce_max3A_135 : vector<1024xf32> to vector<1x1024xf32>
    %get3A_137 = arith.constant 6 : index
    %get3A_138 = arith.constant 0 : index
    %get3A_139 = vector.load %arg14[%get3A_137, %get3A_138] : memref<8x1024xf32, #tpu.memory_space<vmem>>, vector<1x1024xf32>
    %max3A_140 = arith.maximumf %get3A_139, %broadcast_in_dim3A_136 : vector<1x1024xf32>
    %swap3A_141 = arith.constant 6 : index
    %swap3A_142 = arith.constant 0 : index
    %swap3A_143 = vector.load %arg14[%swap3A_141, %swap3A_142] : memref<8x1024xf32, #tpu.memory_space<vmem>>, vector<1x1024xf32>
    tpu.vector_store %arg14[%swap3A_141, %swap3A_142], %max3A_140 {strides = array<i32>} : memref<8x1024xf32, #tpu.memory_space<vmem>>, vector<1x1024xf32>,
    %eq3A_144 = arith.constant 7 : i32
    %eq3A_145 = vector.broadcast %eq3A_144 : i32 to vector<256x1xi32>
    %eq3A_146 = arith.cmpi eq, %get3A_23, %eq3A_145 : vector<256x1xi32>
    %jit3A_147 = arith.constant 0xFF800000 : f32
    %broadcast_in_dim3A_148 = vector.shape_cast %eq3A_146 : vector<256x1xi1> to vector<256x1xi1>
    %broadcast_in_dim3A_149 = vector.broadcast %broadcast_in_dim3A_148 : vector<256x1xi1> to vector<256x1024xi1>
    %broadcast_in_dim3A_150 = vector.broadcast %jit3A_147 : f32 to vector<256x1024xf32>
    %select_n3A_151 = arith.select %broadcast_in_dim3A_149, %add3A_20, %broadcast_in_dim3A_150 : vector<256x1024xi1>, vector<256x1024xf32>
    %reduce_max3A_152 = arith.constant dense<0xFF800000> : vector<1024xf32>
    %reduce_max3A_153 = vector.multi_reduction <maximumf>, %select_n3A_151, %reduce_max3A_152 [0] : vector<256x1024xf32> to vector<1024xf32>
    %broadcast_in_dim3A_154 = vector.shape_cast %reduce_max3A_153 : vector<1024xf32> to vector<1x1024xf32>
    %get3A_155 = arith.constant 7 : index
    %get3A_156 = arith.constant 0 : index
    %get3A_157 = vector.load %arg14[%get3A_155, %get3A_156] : memref<8x1024xf32, #tpu.memory_space<vmem>>, vector<1x1024xf32>
    %max3A_158 = arith.maximumf %get3A_157, %broadcast_in_dim3A_154 : vector<1x1024xf32>
    %swap3A_159 = arith.constant 7 : index
    %swap3A_160 = arith.constant 0 : index
    %swap3A_161 = vector.load %arg14[%swap3A_159, %swap3A_160] : memref<8x1024xf32, #tpu.memory_space<vmem>>, vector<1x1024xf32>
    tpu.vector_store %arg14[%swap3A_159, %swap3A_160], %max3A_158 {strides = array<i32>} : memref<8x1024xf32, #tpu.memory_space<vmem>>, vector<1x1024xf32>,
    %eq3A_162 = arith.constant 31 : i32
    %eq3A_163 = arith.cmpi eq, %arg0, %eq3A_162 : i32
    %convert_element_type3A_164 = arith.extui %eq3A_163 : i1 to i32
    %cond3A_165 = arith.constant 0 : i32
    %cond3A_166 = arith.cmpi ne, %convert_element_type3A_164, %cond3A_165 : i32
    scf.if %cond3A_166 {
      %get3A_167 = arith.constant 0 : index
      %get3A_168 = arith.constant 0 : index
      %get3A_169 = vector.load %arg14[%get3A_167, %get3A_168] : memref<8x1024xf32, #tpu.memory_space<vmem>>, vector<8x1024xf32>
      %get3A_170 = arith.constant 0 : index
      %get3A_171 = arith.constant 0 : index
      %get3A_172 = vector.load %arg7[%get3A_170, %get3A_171] : memref<1024x512xf32, #tpu.memory_space<vmem>>, vector<1024x512xf32>
      %dot_general3A_173 = arith.constant dense<0.000000e+00> : vector<8x512xf32>
      %dot_general3A_174 = tpu.matmul %get3A_169, %get3A_172, %dot_general3A_173 {dimension_numbers = #tpu.dot_dimension_numbers<[1], [0], [0], [1], [0, 0, 1, 1], [], []>, transpose_lhs_hint = false} : vector<8x1024xf32>, vector<1024x512xf32>, vector<8x512xf32> -> vector<8x512xf32>
      %get3A_175 = arith.constant 0 : index
      %get3A_176 = arith.constant 0 : index
      %get3A_177 = vector.load %arg8[%get3A_175, %get3A_176] : memref<1x512xf32, #tpu.memory_space<vmem>>, vector<1x512xf32>
      %add3A_178 = vector.broadcast %get3A_177 : vector<1x512xf32> to vector<8x512xf32>
      %add3A_179 = arith.addf %dot_general3A_174, %add3A_178 : vector<8x512xf32>
      %max3A_180 = arith.constant 0.000000e+00 : f32
      %max3A_181 = vector.broadcast %max3A_180 : f32 to vector<8x512xf32>
      %max3A_182 = arith.maximumf %add3A_179, %max3A_181 : vector<8x512xf32>
      %get3A_183 = arith.constant 0 : index
      %get3A_184 = arith.constant 0 : index
      %get3A_185 = vector.load %arg9[%get3A_183, %get3A_184] : memref<512x256xf32, #tpu.memory_space<vmem>>, vector<512x256xf32>
      %dot_general3A_186 = arith.constant dense<0.000000e+00> : vector<8x256xf32>
      %dot_general3A_187 = tpu.matmul %max3A_182, %get3A_185, %dot_general3A_186 {dimension_numbers = #tpu.dot_dimension_numbers<[1], [0], [0], [1], [0, 0, 1, 1], [], []>, transpose_lhs_hint = false} : vector<8x512xf32>, vector<512x256xf32>, vector<8x256xf32> -> vector<8x256xf32>
      %get3A_188 = arith.constant 0 : index
      %get3A_189 = arith.constant 0 : index
      %get3A_190 = vector.load %arg10[%get3A_188, %get3A_189] : memref<1x256xf32, #tpu.memory_space<vmem>>, vector<1x256xf32>
      %add3A_191 = vector.broadcast %get3A_190 : vector<1x256xf32> to vector<8x256xf32>
      %add3A_192 = arith.addf %dot_general3A_187, %add3A_191 : vector<8x256xf32>
      %max3A_193 = arith.constant 0.000000e+00 : f32
      %max3A_194 = vector.broadcast %max3A_193 : f32 to vector<8x256xf32>
      %max3A_195 = arith.maximumf %add3A_192, %max3A_194 : vector<8x256xf32>
      %get3A_196 = arith.constant 0 : index
      %get3A_197 = arith.constant 0 : index
      %get3A_198 = vector.load %arg11[%get3A_196, %get3A_197] : memref<256x40xf32, #tpu.memory_space<vmem>>, vector<256x40xf32>
      %dot_general3A_199 = arith.constant dense<0.000000e+00> : vector<8x40xf32>
      %dot_general3A_200 = tpu.matmul %max3A_195, %get3A_198, %dot_general3A_199 {dimension_numbers = #tpu.dot_dimension_numbers<[1], [0], [0], [1], [0, 0, 1, 1], [], []>, transpose_lhs_hint = false} : vector<8x256xf32>, vector<256x40xf32>, vector<8x40xf32> -> vector<8x40xf32>
      %get3A_201 = arith.constant 0 : index
      %get3A_202 = arith.constant 0 : index
      %get3A_203 = vector.load %arg12[%get3A_201, %get3A_202] : memref<1x40xf32, #tpu.memory_space<vmem>>, vector<1x40xf32>
      %add3A_204 = vector.broadcast %get3A_203 : vector<1x40xf32> to vector<8x40xf32>
      %add3A_205 = arith.addf %dot_general3A_200, %add3A_204 : vector<8x40xf32>
      %swap3A_206 = arith.constant 0 : index
      %swap3A_207 = arith.constant 0 : index
      %swap3A_208 = vector.load %arg13[%swap3A_206, %swap3A_207] : memref<8x40xf32, #tpu.memory_space<vmem>>, vector<8x40xf32>
      tpu.vector_store %arg13[%swap3A_206, %swap3A_207], %add3A_205 {strides = array<i32>} : memref<8x40xf32, #tpu.memory_space<vmem>>, vector<8x40xf32>,
    } else {
    }
    return
  }
  func.func @transform_0(%arg0: i32) -> (i32, i32) {
    %c0_i32 = arith.constant 0 : i32
    %c0_i32_0 = arith.constant 0 : i32
    return %arg0, %c0_i32 : i32, i32
  }
  func.func @transform_1(%arg0: i32) -> (i32, i32) {
    %c0_i32 = arith.constant 0 : i32
    %c0_i32_0 = arith.constant 0 : i32
    return %arg0, %c0_i32 : i32, i32
  }
  func.func @transform_2(%arg0: i32) -> (i32, i32) {
    %c0_i32 = arith.constant 0 : i32
    %c0_i32_0 = arith.constant 0 : i32
    return %arg0, %c0_i32 : i32, i32
  }
  func.func @transform_3(%arg0: i32) -> (i32, i32) {
    %c0_i32 = arith.constant 0 : i32
    %c0_i32_0 = arith.constant 0 : i32
    %c0_i32_1 = arith.constant 0 : i32
    return %c0_i32, %c0_i32_0 : i32, i32
  }
  func.func @transform_4(%arg0: i32) -> (i32, i32) {
    %c0_i32 = arith.constant 0 : i32
    %c0_i32_0 = arith.constant 0 : i32
    %c0_i32_1 = arith.constant 0 : i32
    return %c0_i32, %c0_i32_0 : i32, i32
  }
  func.func @transform_5(%arg0: i32) -> (i32, i32) {
    %c0_i32 = arith.constant 0 : i32
    %c0_i32_0 = arith.constant 0 : i32
    %c0_i32_1 = arith.constant 0 : i32
    return %c0_i32, %c0_i32_0 : i32, i32
  }
  func.func @transform_6(%arg0: i32) -> (i32, i32) {
    %c0_i32 = arith.constant 0 : i32
    %c0_i32_0 = arith.constant 0 : i32
    %c0_i32_1 = arith.constant 0 : i32
    return %c0_i32, %c0_i32_0 : i32, i32
  }
  func.func @transform_7(%arg0: i32) -> (i32, i32) {
    %c0_i32 = arith.constant 0 : i32
    %c0_i32_0 = arith.constant 0 : i32
    %c0_i32_1 = arith.constant 0 : i32
    return %c0_i32, %c0_i32_0 : i32, i32
  }
  func.func @transform_8(%arg0: i32) -> (i32, i32) {
    %c0_i32 = arith.constant 0 : i32
    %c0_i32_0 = arith.constant 0 : i32
    %c0_i32_1 = arith.constant 0 : i32
    return %c0_i32, %c0_i32_0 : i32, i32
  }
  func.func @transform_9(%arg0: i32) -> (i32, i32) {
    %c0_i32 = arith.constant 0 : i32
    %c0_i32_0 = arith.constant 0 : i32
    %c0_i32_1 = arith.constant 0 : i32
    return %c0_i32, %c0_i32_0 : i32, i32
  }
  func.func @transform_10(%arg0: i32) -> (i32, i32) {
    %c0_i32 = arith.constant 0 : i32
    %c0_i32_0 = arith.constant 0 : i32
    %c0_i32_1 = arith.constant 0 : i32
    return %c0_i32, %c0_i32_0 : i32, i32
  }
  func.func @transform_11(%arg0: i32) -> (i32, i32) {
    %c0_i32 = arith.constant 0 : i32
    %c0_i32_0 = arith.constant 0 : i32
    %c0_i32_1 = arith.constant 0 : i32
    return %c0_i32, %c0_i32_0 : i32, i32
  }
  func.func @transform_12(%arg0: i32) -> (i32, i32) {
    %c0_i32 = arith.constant 0 : i32
    %c0_i32_0 = arith.constant 0 : i32
    %c0_i32_1 = arith.constant 0 : i32
    return %c0_i32, %c0_i32_0 : i32, i32
  }
}

</mosaic_0001>

<sc_bundles>
// kernel: kernel.11.cloned.1.call-start
scs
__scs_entry_jumppad:
0x0: {  	(pc) =	sbr.rel $0x88, $3  }
0x1: {  	(tag) =	ssettag $0x0;
	lr =	simm.s32 $0x1  }
0x2: {  	[smem:$0x3F8B] =	sst lr;
	_ =	strace $0xD0000000  }
0x3: {  	_ = 	snop  }
0x4: {  	_ = 	snop  }
0x5: {  	_ = 	snop  }
0x6: {  	_ = 	snop  }
0x7: {  	_ = 	snop  }
__scs_overlays_trampoline_lowered:
0x8: {  	[smem:$0x3F9A] =	sst s0  }
0x9: {  	[smem:$0x3F9B] =	sst s1  }
0xa: {  	[smem:$0x3F9C] =	sst s2  }
0xb: {  	[smem:$0x3F9D] =	sst s3  }
0xc: {  	[smem:$0x3F9E] =	sst s4  }
0xd: {  	[smem:$0x3F9F] =	sst s5  }
0xe: {  	[smem:$0x3FA0] =	sst s6  }
0xf: {  	[smem:$0x3FA1] =	sst s7  }
0x10: {  	[smem:$0x3FA2] =	sst s8  }
0x11: {  	[smem:$0x3FA3] =	sst s9;
	s0 =	simm.s32 @!p0 $0x0  }
0x12: {  	s1 =	sld [smem:$0x3F89];
	s0 =	simm.s32 @p0 $0x1  }
0x13: {  	[smem:$0x3FA4] =	sst s0;
	s0 =	simm.s32 @!p1 $0x0  }
0x14: {  	s2 =	sld [smem:$0x3F88];
	s0 =	simm.s32 @p1 $0x1  }
0x15: {  	[smem:$0x3FA5] =	sst s0;
	s0 =	simm.s32 @!p2 $0x0  }
0x16: {  	s3 =	sld [smem:$0x3FDB];
	s0 =	simm.s32 @p2 $0x1  }
0x17: {  	s4 =	simm.s32 $0x1BF5;
	[smem:$0x3FA7] =	sst s0  }
0x18: {  	s0 =	sld [smem:$0x3F8A];
	_ =	swait.ge [sflag:s4], $0x0  }
0x19: {  	s7 =	sld [smem:$0x3F8B]  }
0x1a: {  	s8 =	sadd.s32 $0xFFFFE003, lr  }
0x1b: {  	s9 =	sadd.s32 $0xFFFFFEF7, lr;
	s5 =	simm.s32 $0xFFFFFFFF;
	p2 =	slt.u32 s8, $0xFFFFF086  }
0x1c: {  	p1 =	slt.u32 s9, $0xF7A;
	s5 =	simm.s32 @!p2 $0x0  }
0x1d: {  	s5 =	simm.s32 @p1 $0x1;
	p0 =	seq.s32 s7, s2  }
0x1e: {  	s7 =	smul.u32 @!p0 $0xF7A, s2;
	p2 =	seq.s32 @!p0 s5, $0x0  }
0x1f: {  	s9 =	smul.u32 $0xF7A, s1;
	s8 =	simm.s32 @!p0 $0x1BF5;
	p2 =	por !p2, p0  }
0x20: {  	[sflag:s8] =	ssyncset.s32 @!p0 $0xFFFFF086;
	s6 =	sadd.s32 @!p0 s3, s7;
	s7 =	simm.s32 @!p0 $0x108  }
0x21: {  	s3 =	sadd.s32 s3, s9;
	s6 =	sadd.s32 @!p0 $0x88, s6;
	s7 =	simm.s32 @p2 $0x1082  }
0x22: {  	[simem:s7], [sflag:s8] =	dma.local @!p0 [hbm:s6], $0xF7A  }
0x23: {  	s9 =	sor.u32 $0xD0000000, s2;
	s6 =	simm.s32 $0x108;
	_ =	swait.ge @!p0 [sflag:s8], $0x0  }
0x24: {  	s3 =	sadd.s32 $0x88, s3;
	s6 =	simm.s32 @!p1 $0x1082;
	[sflag:s4] =	ssyncset.s32 $0xFFFFF086  }
0x25: {  	[simem:s6], [sflag:s4] =	dma.local [hbm:s3], $0xF7A  }
0x26: {  	[smem:$0x3F8B] =	sst s1;
	(tag) =	ssettag s2;
	_ =	strace s9  }
0x27: {  	s1 =	sld [smem:$0x3F9B]  }
0x28: {  	s2 =	sld [smem:$0x3F9C]  }
0x29: {  	s4 =	sld [smem:$0x3F9E]  }
0x2a: {  	p0 =	seq.s32 s5, $0x0;
	s5 =	sld [smem:$0x3F9F]  }
0x2b: {  	s6 =	sld [smem:$0x3FA0]  }
0x2c: {  	s7 =	sld [smem:$0x3FA1]  }
0x2d: {  	s3 =	simm.s32 $0x108;
	s8 =	sld [smem:$0x3FA2]  }
0x2e: {  	s3 =	simm.s32 @!p0 $0x1082;
	s9 =	sld [smem:$0x3FA3]  }
0x2f: {  	lr =	sadd.s32 s0, s3;
	s0 =	sld [smem:$0x3F9A]  }
0x30: {  	s3 =	sld [smem:$0x3F9D]  }
0x31: {  	[smem:$0x3FA6] =	sst s10  }
0x32: {  	s10 =	sld [smem:$0x3FA4];
	_ =	sdelay $0x3  }
0x33: {  	p0 =	seq.s32 s10, $0x1;
	s10 =	sld [smem:$0x3FA6];
	_ =	sdelay $0x3  }
0x34: {  	[smem:$0x3FA6] =	sst s10  }
0x35: {  	s10 =	sld [smem:$0x3FA5];
	_ =	sdelay $0x3  }
0x36: {  	p1 =	seq.s32 s10, $0x1;
	s10 =	sld [smem:$0x3FA6];
	_ =	sdelay $0x3  }
0x37: {  	[smem:$0x3FA6] =	sst s10  }
0x38: {  	s10 =	sld [smem:$0x3FA7]  }
0x39: {  	_ = 	snop;
	(pc) =	sbr.ind lr, $3  }
0x3a: {  	_ = 	snop  }
0x3b: {  	_ = 	snop  }
0x3c: {  	p2 =	seq.s32 s10, $0x1;
	s10 =	sld [smem:$0x3FA6]  }
0x3d: {  	_ =	shalt  }
0x3e: {  	_ =	shalt  }
0x3f: {  	_ =	shalt  }
0x40: {  	_ =	shalt  }
0x41: {  	_ =	shalt  }
0x42: {  	_ =	shalt  }
0x43: {  	_ =	shalt  }
0x44: {  	_ =	shalt  }
0x45: {  	_ =	shalt  }
0x46: {  	_ =	shalt  }
0x47: {  	_ =	shalt  }
0x48: {  	_ =	shalt  }
0x49: {  	_ =	shalt  }
0x4a: {  	_ =	shalt  }
0x4b: {  	_ =	shalt  }
0x4c: {  	_ =	shalt  }
0x4d: {  	_ =	shalt  }
0x4e: {  	_ =	shalt  }
0x4f: {  	_ =	shalt  }
0x50: {  	_ =	shalt  }
0x51: {  	_ =	shalt  }
0x52: {  	_ =	shalt  }
0x53: {  	_ =	shalt  }
0x54: {  	_ =	shalt  }
0x55: {  	_ =	shalt  }
0x56: {  	_ =	shalt  }
0x57: {  	_ =	shalt  }
0x58: {  	_ =	shalt  }
0x59: {  	_ =	shalt  }
0x5a: {  	_ =	shalt  }
0x5b: {  	_ =	shalt  }
0x5c: {  	_ =	shalt  }
0x5d: {  	_ =	shalt  }
0x5e: {  	_ =	shalt  }
0x5f: {  	_ =	shalt  }
0x60: {  	_ =	shalt  }
0x61: {  	_ =	shalt  }
0x62: {  	_ =	shalt  }
0x63: {  	_ =	shalt  }
0x64: {  	_ =	shalt  }
0x65: {  	_ =	shalt  }
0x66: {  	_ =	shalt  }
0x67: {  	_ =	shalt  }
0x68: {  	_ =	shalt  }
0x69: {  	_ =	shalt  }
0x6a: {  	_ =	shalt  }
0x6b: {  	_ =	shalt  }
0x6c: {  	_ =	shalt  }
0x6d: {  	_ =	shalt  }
0x6e: {  	_ =	shalt  }
0x6f: {  	_ =	shalt  }
0x70: {  	_ =	shalt  }
0x71: {  	_ =	shalt  }
0x72: {  	_ =	shalt  }
0x73: {  	_ =	shalt  }
0x74: {  	_ =	shalt  }
0x75: {  	_ =	shalt  }
0x76: {  	_ =	shalt  }
0x77: {  	_ =	shalt  }
0x78: {  	_ =	shalt  }
0x79: {  	_ =	shalt  }
0x7a: {  	_ =	shalt  }
0x7b: {  	_ =	shalt  }
0x7c: {  	_ =	shalt  }
0x7d: {  	_ =	shalt  }
0x7e: {  	_ =	shalt  }
0x7f: {  	_ =	shalt  }
0x80: {  	_ =	shalt  }
0x81: {  	_ =	shalt  }
0x82: {  	_ =	shalt  }
0x83: {  	_ =	shalt  }
0x84: {  	_ =	shalt  }
0x85: {  	_ =	shalt  }
0x86: {  	_ =	shalt  }
0x87: {  	_ =	shalt  }
.Lfunc_end0:
.L_simem_size_0:
called_computation_lowered:
.L_overlay_start_0:
0x88: {  	s2 =	sld [smem:$0x3FD9]  }
0x89: {  	s3 =	sld [smem:$0x3FFE];
	_ =	sdelay $0x1  }
0x8a: {  	s1 =	srdreg.scid  }
0x8b: {  	s0 =	sand.u32 $0x1, s1  }
0x8c: {  	s16 =	sshll.u32 s0, $0xA;
	s2 =	sadd.s32 s3, s2  }
0x8d: {  	s2 =	sadd.s32 s2, s16  }
0x8e: {  	[smem:$0x3FB2] =	sst s2  }
0x8f: {  	_ = 	snop  }
0x90: {  	(tm) =	ssettm $0x1  }
0x91: {  	s17 =	sld [smem:$0x3FFB];
	_ =	sdelay $0x3  }
0x92: {  	_ =	strace s17  }
0x93: {  	s2 =	sld [smem:$0x3FFC];
	_ =	sdelay $0x3  }
0x94: {  	_ =	strace s2  }
0x95: {  	s2 =	sld [smem:$0x3FFD];
	_ =	sdelay $0x3  }
0x96: {  	_ =	strace s2  }
0x97: {  	_ =	strace $0x8FFFFFFF  }
0x98: {  	s18 =	sld [smem:$0x3FDB];
	_ =	sdelay $0x1  }
0x99: {  	s19 =	simm.s32 $_scs_section_size  }
0x9a: {  	s4 =	simm.s32 $_size__tile_overlayer_lowered;
	s5 =	simm.s32 $_tile_overlayer_lowered  }
0x9b: {  	s22 =	simm.s32 $0x1BFF;
	s21 =	sshll.u32 s5, $0x1;
	s2 =	sadd.s32 s19, s18  }
0x9c: {  	s6 =	simm.s32 $0x0;
	s20 =	sshll.u32 s4, $0x1;
	s4 =	sadd.s32 s21, s2  }
0x9d: {  	[timem:s6], [sflag:s22] =	dma.local [hbm:s4], s20  }
0x9e: {  	_ =	swait.ge [sflag:s22], s20  }
0x9f: {  	s3 =	ssub.s32 $0x0, s20;
	[sflag:s22] =	ssyncset.done $0x0  }
0xa0: {  	[sflag:s22] =	ssyncadd.s32 s3;
	_ =	sdelay $0x1  }
0xa1: {  	s23 =	simm.s32 $0x1B8B  }
0xa2: {  	_ =	swait.ge [sflag:s23], $0x1  }
0xa3: {  	[sflag:s23] =	ssyncset.done $0x0  }
0xa4: {  	s25 =	simm.s32 $0x1B8E;
	s24 =	sld [smem:$0x3FFE];
	[sflag:s23] =	ssyncadd.s32 $0xFFFFFFFF  }
0xa5: {  	s26 =	simm.s32 $execute0_lowered;
	[smem:$0x3FD2] =	sst s25  }
0xa6: {  	s4 =	sshll.u32 s26, $0x1;
	_ =	strace $0x80000046;
	[dreg:$0x1] =	wrdreg $0xFFFFFFFF  }
0xa7: {  	s28 =	simm.s32 $_size_execute0_lowered;
	s2 =	sadd.s32 s2, s4;
	[dreg:$0x0] =	wrdreg $0x0  }
0xa8: {  	s4 =	sshll.u32 s28, $0x1;
	[dreg:$0x2] =	wrdreg s2  }
0xa9: {  	[dreg:$0x3] =	wrdreg s4  }
0xaa: {  	[dreg:$0x4] =	wrdreg $0xC0  }
0xab: {  	_ =	task [dreg:s6], $0x5FFFF  }
0xac: {  	[dreg:$0x1] =	wrdreg $0xFFFFFFFF  }
0xad: {  	[dreg:$0x0] =	wrdreg $0x60  }
0xae: {  	[dreg:$0x2] =	wrdreg s24  }
0xaf: {  	[dreg:$0x3] =	wrdreg $0x9  }
0xb0: {  	_ =	task.clear_ibuf [dreg:s6], $0x4FFFF;
	_ =	strace $0x90000046  }
0xb1: {  	s29 =	simm.s32 $0x9;
	_ =	strace $0x80000048  }
0xb2: {  	_ =	swait.ge [sflag:s29], $0x1  }
0xb3: {  	[sflag:s29] =	ssyncadd.s32 $0xFFFFFFFF  }
0xb4: {  	_ =	strace $0x90000048  }
0xb5: {  	_ =	sfence  }
0xb6: {  	s30 =	sld [smem:$0x0];
	_ =	sdelay $0x2  }
0xb7: {  	s31 =	sshll.u32 s1, $0xD;
	s1 =	sshrl.u32 s1, $0x2  }
0xb8: {  	s3 =	sand.u32 $0x4000, s31;
	s1 =	sadd.s32 s1, s30  }
0xb9: {  	s0 =	sor.u32 s3, s0;
	s1 =	sshll.u32 s1, $0x11  }
0xba: {  	s0 =	sor.u32 s1, s0  }
0xbb: {  	s0 =	sadd.s32 $0x8F2B, s0  }
0xbc: {  	[sflag:s0] =	ssyncadd.remote.s32 $0x1  }
0xbd: {  	_ =	sfence.sel $0xFFFF  }
0xbe: {  	[dreg:$0x0] =	wrdreg $0xFFFFFFFF;
	(pc) =	sbr.abs _section_cstart, $3  }
0xbf: {  	[dreg:$0x1] =	wrdreg $0xFFFFFFFF  }
0xc0: {  	_ =	task.clear_ibuf [dreg:s6], $0x2FFFF;
	_ =	strace $0x9FFFFFFF  }
0xc1: {  	(tm) =	ssettm $0x7FFFFFFF  }
tec
execute0_lowered:
.L_overlay_start_1:
0x0: {  	(tag) =	ssettag $0x1  }
0x1: {  	s1 =	srdreg.scid;
	s0 =	stileid.u32  }
0x2: {  	s26 =	sand.u32 $0x1, s1;
	s29 =	sshll.u32 s0, $0x1  }
0x3: {  	s8 =	sor.u32 s26, s29  }
0x4: {  	s9 =	rddreg [dreg:$0x0];
	s28 =	smul.u32 $0x1400, s8  }
0x5: {  	s2 =	simm.s32 $0x0;
	s1 =	rddreg [dreg:$0x1]  }
0x6: {  	[smem:$0x7FF] =	sst s2;
	s25 =	sadd.s32 $0x7600, s9;
	s3 =	sshrl.u32 s28, $0x3  }
0x7: {  	_ =	strace $0x80000047;
	s4 =	sadd.s32 s25, s3;
	s3 =	simm.s32 $0x2  }
0x8: {  	[tilespmem:s2], [sflag:$0x2] =	stream.linear.gather [hbm4b:s4+s2], $0x200, $0x38;
	[tilespmem:$0x2200] =	vst v63  }
0x9: {  	_ =	swait.ge [sflag:s3], $0x200  }
0xa: {  	s6 =	simm.s32 $0x200;
	[sflag:s3] =	ssyncset.done $0x0  }
0xb: {  	s7 =	simm.s32 $0x1;
	s5 =	sadd.s32 $0x3600, s9;
	[sflag:s3] =	ssyncadd.s32 $0xFFFFFE00  }
0xc: {  	[tilespmem:s6], [sflag:$0x1] =	stream.indirect.gather [hbm4b:s5+s6], $0x10, s2, s6, $0xb8;
	[tilespmem:$0x2200] =	vst v63  }
0xd: {  	s8 =	smul.u32 $0x2800, s8;
	_ =	swait.ge [sflag:s7], $0x2000  }
0xe: {  	s29 =	sadd.s32 $0xC600, s9;
	[sflag:s7] =	ssyncset.done $0x0  }
0xf: {  	s8 =	sadd.s32 s29, s8;
	[sflag:s7] =	ssyncadd.s32 $0xFFFFE000  }
0x10: {  	[hbm4b:s8+s2] =	stream.linear.scatter [tilespmem:s6], [sflag:$0x2], $0x2000, $0x38;
	[tilespmem:$0x2200] =	vst v63  }
0x11: {  	s10 =	sor.u32 $0x200, s28;
	_ =	swait.ge [sflag:s3], $0x2000  }
0x12: {  	s30 =	sshrl.u32 s10, $0x3;
	[sflag:s3] =	ssyncset.done $0x0  }
0x13: {  	s9 =	sadd.s32 s25, s30;
	[sflag:s3] =	ssyncadd.s32 $0xFFFFE000  }
0x14: {  	[tilespmem:s2], [sflag:$0x2] =	stream.linear.gather [hbm4b:s9+s2], $0x200, $0x38;
	[tilespmem:$0x2200] =	vst v63  }
0x15: {  	_ =	swait.ge [sflag:s3], $0x200  }
0x16: {  	[sflag:s3] =	ssyncset.done $0x0  }
0x17: {  	[sflag:s3] =	ssyncadd.s32 $0xFFFFFE00  }
0x18: {  	[tilespmem:s6], [sflag:$0x1] =	stream.indirect.gather [hbm4b:s5+s6], $0x10, s2, s6, $0xb8;
	[tilespmem:$0x2200] =	vst v63  }
0x19: {  	_ =	swait.ge [sflag:s7], $0x2000  }
0x1a: {  	s10 =	sshll.u32 s10, $0x1;
	[sflag:s7] =	ssyncset.done $0x0  }
0x1b: {  	s10 =	sadd.s32 s29, s10;
	[sflag:s7] =	ssyncadd.s32 $0xFFFFE000  }
0x1c: {  	[hbm4b:s10+s2] =	stream.linear.scatter [tilespmem:s6], [sflag:$0x2], $0x2000, $0x38;
	[tilespmem:$0x2200] =	vst v63  }
0x1d: {  	s12 =	sadd.s32 $0x400, s28;
	_ =	swait.ge [sflag:s3], $0x2000  }
0x1e: {  	s11 =	sshrl.u32 s12, $0x3;
	[sflag:s3] =	ssyncset.done $0x0  }
0x1f: {  	s11 =	sadd.s32 s25, s11;
	[sflag:s3] =	ssyncadd.s32 $0xFFFFE000  }
0x20: {  	[tilespmem:s2], [sflag:$0x2] =	stream.linear.gather [hbm4b:s11+s2], $0x200, $0x38;
	[tilespmem:$0x2200] =	vst v63  }
0x21: {  	_ =	swait.ge [sflag:s3], $0x200  }
0x22: {  	[sflag:s3] =	ssyncset.done $0x0  }
0x23: {  	[sflag:s3] =	ssyncadd.s32 $0xFFFFFE00  }
0x24: {  	[tilespmem:s6], [sflag:$0x1] =	stream.indirect.gather [hbm4b:s5+s6], $0x10, s2, s6, $0xb8;
	[tilespmem:$0x2200] =	vst v63  }
0x25: {  	_ =	swait.ge [sflag:s7], $0x2000  }
0x26: {  	s12 =	sshll.u32 s12, $0x1;
	[sflag:s7] =	ssyncset.done $0x0  }
0x27: {  	s12 =	sadd.s32 s29, s12;
	[sflag:s7] =	ssyncadd.s32 $0xFFFFE000  }
0x28: {  	[hbm4b:s12+s2] =	stream.linear.scatter [tilespmem:s6], [sflag:$0x2], $0x2000, $0x38;
	[tilespmem:$0x2200] =	vst v63  }
0x29: {  	s14 =	sadd.s32 $0x600, s28;
	_ =	swait.ge [sflag:s3], $0x2000  }
0x2a: {  	s13 =	sshrl.u32 s14, $0x3;
	[sflag:s3] =	ssyncset.done $0x0  }
0x2b: {  	s13 =	sadd.s32 s25, s13;
	[sflag:s3] =	ssyncadd.s32 $0xFFFFE000  }
0x2c: {  	[tilespmem:s2], [sflag:$0x2] =	stream.linear.gather [hbm4b:s13+s2], $0x200, $0x38;
	[tilespmem:$0x2200] =	vst v63  }
0x2d: {  	_ =	swait.ge [sflag:s3], $0x200  }
0x2e: {  	[sflag:s3] =	ssyncset.done $0x0  }
0x2f: {  	[sflag:s3] =	ssyncadd.s32 $0xFFFFFE00  }
0x30: {  	[tilespmem:s6], [sflag:$0x1] =	stream.indirect.gather [hbm4b:s5+s6], $0x10, s2, s6, $0xb8;
	[tilespmem:$0x2200] =	vst v63  }
0x31: {  	_ =	swait.ge [sflag:s7], $0x2000  }
0x32: {  	s14 =	sshll.u32 s14, $0x1;
	[sflag:s7] =	ssyncset.done $0x0  }
0x33: {  	s14 =	sadd.s32 s29, s14;
	[sflag:s7] =	ssyncadd.s32 $0xFFFFE000  }
0x34: {  	[hbm4b:s14+s2] =	stream.linear.scatter [tilespmem:s6], [sflag:$0x2], $0x2000, $0x38;
	[tilespmem:$0x2200] =	vst v63  }
0x35: {  	s16 =	sadd.s32 $0x800, s28;
	_ =	swait.ge [sflag:s3], $0x2000  }
0x36: {  	s15 =	sshrl.u32 s16, $0x3;
	[sflag:s3] =	ssyncset.done $0x0  }
0x37: {  	s15 =	sadd.s32 s25, s15;
	[sflag:s3] =	ssyncadd.s32 $0xFFFFE000  }
0x38: {  	[tilespmem:s2], [sflag:$0x2] =	stream.linear.gather [hbm4b:s15+s2], $0x200, $0x38;
	[tilespmem:$0x2200] =	vst v63  }
0x39: {  	_ =	swait.ge [sflag:s3], $0x200  }
0x3a: {  	[sflag:s3] =	ssyncset.done $0x0  }
0x3b: {  	[sflag:s3] =	ssyncadd.s32 $0xFFFFFE00  }
0x3c: {  	[tilespmem:s6], [sflag:$0x1] =	stream.indirect.gather [hbm4b:s5+s6], $0x10, s2, s6, $0xb8;
	[tilespmem:$0x2200] =	vst v63  }
0x3d: {  	_ =	swait.ge [sflag:s7], $0x2000  }
0x3e: {  	s16 =	sshll.u32 s16, $0x1;
	[sflag:s7] =	ssyncset.done $0x0  }
0x3f: {  	s16 =	sadd.s32 s29, s16;
	[sflag:s7] =	ssyncadd.s32 $0xFFFFE000  }
0x40: {  	[hbm4b:s16+s2] =	stream.linear.scatter [tilespmem:s6], [sflag:$0x2], $0x2000, $0x38;
	[tilespmem:$0x2200] =	vst v63  }
0x41: {  	s18 =	sadd.s32 $0xA00, s28;
	_ =	swait.ge [sflag:s3], $0x2000  }
0x42: {  	s17 =	sshrl.u32 s18, $0x3;
	[sflag:s3] =	ssyncset.done $0x0  }
0x43: {  	s17 =	sadd.s32 s25, s17;
	[sflag:s3] =	ssyncadd.s32 $0xFFFFE000  }
0x44: {  	[tilespmem:s2], [sflag:$0x2] =	stream.linear.gather [hbm4b:s17+s2], $0x200, $0x38;
	[tilespmem:$0x2200] =	vst v63  }
0x45: {  	_ =	swait.ge [sflag:s3], $0x200  }
0x46: {  	[sflag:s3] =	ssyncset.done $0x0  }
0x47: {  	[sflag:s3] =	ssyncadd.s32 $0xFFFFFE00  }
0x48: {  	[tilespmem:s6], [sflag:$0x1] =	stream.indirect.gather [hbm4b:s5+s6], $0x10, s2, s6, $0xb8;
	[tilespmem:$0x2200] =	vst v63  }
0x49: {  	_ =	swait.ge [sflag:s7], $0x2000  }
0x4a: {  	s18 =	sshll.u32 s18, $0x1;
	[sflag:s7] =	ssyncset.done $0x0  }
0x4b: {  	s18 =	sadd.s32 s29, s18;
	[sflag:s7] =	ssyncadd.s32 $0xFFFFE000  }
0x4c: {  	[hbm4b:s18+s2] =	stream.linear.scatter [tilespmem:s6], [sflag:$0x2], $0x2000, $0x38;
	[tilespmem:$0x2200] =	vst v63  }
0x4d: {  	s20 =	sadd.s32 $0xC00, s28;
	_ =	swait.ge [sflag:s3], $0x2000  }
0x4e: {  	s19 =	sshrl.u32 s20, $0x3;
	[sflag:s3] =	ssyncset.done $0x0  }
0x4f: {  	s19 =	sadd.s32 s25, s19;
	[sflag:s3] =	ssyncadd.s32 $0xFFFFE000  }
0x50: {  	[tilespmem:s2], [sflag:$0x2] =	stream.linear.gather [hbm4b:s19+s2], $0x200, $0x38;
	[tilespmem:$0x2200] =	vst v63  }
0x51: {  	_ =	swait.ge [sflag:s3], $0x200  }
0x52: {  	[sflag:s3] =	ssyncset.done $0x0  }
0x53: {  	[sflag:s3] =	ssyncadd.s32 $0xFFFFFE00  }
0x54: {  	[tilespmem:s6], [sflag:$0x1] =	stream.indirect.gather [hbm4b:s5+s6], $0x10, s2, s6, $0xb8;
	[tilespmem:$0x2200] =	vst v63  }
0x55: {  	_ =	swait.ge [sflag:s7], $0x2000  }
0x56: {  	s20 =	sshll.u32 s20, $0x1;
	[sflag:s7] =	ssyncset.done $0x0  }
0x57: {  	s20 =	sadd.s32 s29, s20;
	[sflag:s7] =	ssyncadd.s32 $0xFFFFE000  }
0x58: {  	[hbm4b:s20+s2] =	stream.linear.scatter [tilespmem:s6], [sflag:$0x2], $0x2000, $0x38;
	[tilespmem:$0x2200] =	vst v63  }
0x59: {  	s22 =	sadd.s32 $0xE00, s28;
	_ =	swait.ge [sflag:s3], $0x2000  }
0x5a: {  	s21 =	sshrl.u32 s22, $0x3;
	[sflag:s3] =	ssyncset.done $0x0  }
0x5b: {  	s21 =	sadd.s32 s25, s21;
	[sflag:s3] =	ssyncadd.s32 $0xFFFFE000  }
0x5c: {  	[tilespmem:s2], [sflag:$0x2] =	stream.linear.gather [hbm4b:s21+s2], $0x200, $0x38;
	[tilespmem:$0x2200] =	vst v63  }
0x5d: {  	_ =	swait.ge [sflag:s3], $0x200  }
0x5e: {  	[sflag:s3] =	ssyncset.done $0x0  }
0x5f: {  	[sflag:s3] =	ssyncadd.s32 $0xFFFFFE00  }
0x60: {  	[tilespmem:s6], [sflag:$0x1] =	stream.indirect.gather [hbm4b:s5+s6], $0x10, s2, s6, $0xb8;
	[tilespmem:$0x2200] =	vst v63  }
0x61: {  	_ =	swait.ge [sflag:s7], $0x2000  }
0x62: {  	s22 =	sshll.u32 s22, $0x1;
	[sflag:s7] =	ssyncset.done $0x0  }
0x63: {  	s22 =	sadd.s32 s29, s22;
	[sflag:s7] =	ssyncadd.s32 $0xFFFFE000  }
0x64: {  	[hbm4b:s22+s2] =	stream.linear.scatter [tilespmem:s6], [sflag:$0x2], $0x2000, $0x38;
	[tilespmem:$0x2200] =	vst v63  }
0x65: {  	s24 =	sadd.s32 $0x1000, s28;
	_ =	swait.ge [sflag:s3], $0x2000  }
0x66: {  	s23 =	sshrl.u32 s24, $0x3;
	[sflag:s3] =	ssyncset.done $0x0  }
0x67: {  	s23 =	sadd.s32 s25, s23;
	[sflag:s3] =	ssyncadd.s32 $0xFFFFE000  }
0x68: {  	[tilespmem:s2], [sflag:$0x2] =	stream.linear.gather [hbm4b:s23+s2], $0x200, $0x38;
	[tilespmem:$0x2200] =	vst v63  }
0x69: {  	_ =	swait.ge [sflag:s3], $0x200  }
0x6a: {  	[sflag:s3] =	ssyncset.done $0x0  }
0x6b: {  	[sflag:s3] =	ssyncadd.s32 $0xFFFFFE00  }
0x6c: {  	[tilespmem:s6], [sflag:$0x1] =	stream.indirect.gather [hbm4b:s5+s6], $0x10, s2, s6, $0xb8;
	[tilespmem:$0x2200] =	vst v63  }
0x6d: {  	_ =	swait.ge [sflag:s7], $0x2000  }
0x6e: {  	s24 =	sshll.u32 s24, $0x1;
	[sflag:s7] =	ssyncset.done $0x0  }
0x6f: {  	s24 =	sadd.s32 s29, s24;
	[sflag:s7] =	ssyncadd.s32 $0xFFFFE000  }
0x70: {  	[hbm4b:s24+s2] =	stream.linear.scatter [tilespmem:s6], [sflag:$0x2], $0x2000, $0x38;
	[tilespmem:$0x2200] =	vst v63  }
0x71: {  	s28 =	sadd.s32 $0x1200, s28;
	_ =	swait.ge [sflag:s3], $0x2000  }
0x72: {  	s30 =	sshrl.u32 s28, $0x3;
	[sflag:s3] =	ssyncset.done $0x0  }
0x73: {  	s26 =	ssub.s32 $0x2, s26;
	s25 =	sadd.s32 s25, s30;
	[sflag:s3] =	ssyncadd.s32 $0xFFFFE000  }
0x74: {  	[tilespmem:s2], [sflag:$0x2] =	stream.linear.gather [hbm4b:s25+s2], $0x200, $0x38;
	[tilespmem:$0x2200] =	vst v63  }
0x75: {  	s31 =	sshrl.u32 s26, $0x1;
	_ =	swait.ge [sflag:s3], $0x200  }
0x76: {  	s30 =	ssub.s32 s26, s31;
	[sflag:s3] =	ssyncset.done $0x0  }
0x77: {  	s31 =	sshll.u32 s28, $0x1;
	s28 =	smax.u32 s30, $0x1;
	[sflag:s3] =	ssyncadd.s32 $0xFFFFFE00  }
0x78: {  	[tilespmem:s6], [sflag:$0x1] =	stream.indirect.gather [hbm4b:s5+s6], $0x10, s2, s6, $0xb8;
	[tilespmem:$0x2200] =	vst v63  }
0x79: {  	p0 =	sne.s32 s28, $0x1;
	_ =	swait.ge [sflag:s7], $0x2000  }
.Ltmp0:
0x7a: {  	[sflag:s7] =	ssyncset.done $0x0;
	(pc) =	sbr.rel @!p0 .LBB2_2-.Ltmp0, $4  }
0x7b: {  	s26 =	sadd.s32 s29, s31;
	[sflag:s7] =	ssyncadd.s32 $0xFFFFE000  }
0x7c: {  	[hbm4b:s26+s2] =	stream.linear.scatter [tilespmem:s6], [sflag:$0x2], $0x2000, $0x38;
	[tilespmem:$0x2200] =	vst v63  }
0x7d: {  	_ =	swait.ge [sflag:s3], $0x2000  }
0x7e: {  	s28 =	sadd.s32 $0xFFFFFFFF, s28;
	[sflag:s3] =	ssyncset.done $0x0  }
.LBB2_1:
0x7f: {  	p0 =	sne.s32 s28, $0x1;
	s28 =	sadd.s32 $0xFFFFFFFF, s28;
	[sflag:s3] =	ssyncadd.s32 $0xFFFFE000  }
0x80: {  	[tilespmem:s2], [sflag:$0x2] =	stream.linear.gather [hbm4b:s4+s2], $0x200, $0x38;
	[tilespmem:$0x2200] =	vst v63  }
0x81: {  	_ =	swait.ge [sflag:s3], $0x200  }
0x82: {  	[sflag:s3] =	ssyncset.done $0x0  }
0x83: {  	[sflag:s3] =	ssyncadd.s32 $0xFFFFFE00  }
0x84: {  	[tilespmem:s6], [sflag:$0x1] =	stream.indirect.gather [hbm4b:s5+s6], $0x10, s2, s6, $0xb8;
	[tilespmem:$0x2200] =	vst v63  }
0x85: {  	_ =	swait.ge [sflag:s7], $0x2000  }
0x86: {  	[sflag:s7] =	ssyncset.done $0x0  }
0x87: {  	[sflag:s7] =	ssyncadd.s32 $0xFFFFE000  }
0x88: {  	[hbm4b:s8+s2] =	stream.linear.scatter [tilespmem:s6], [sflag:$0x2], $0x2000, $0x38;
	[tilespmem:$0x2200] =	vst v63  }
0x89: {  	_ =	swait.ge [sflag:s3], $0x2000  }
0x8a: {  	[sflag:s3] =	ssyncset.done $0x0  }
0x8b: {  	[sflag:s3] =	ssyncadd.s32 $0xFFFFE000  }
0x8c: {  	[tilespmem:s2], [sflag:$0x2] =	stream.linear.gather [hbm4b:s9+s2], $0x200, $0x38;
	[tilespmem:$0x2200] =	vst v63  }
0x8d: {  	_ =	swait.ge [sflag:s3], $0x200  }
0x8e: {  	[sflag:s3] =	ssyncset.done $0x0  }
0x8f: {  	[sflag:s3] =	ssyncadd.s32 $0xFFFFFE00  }
0x90: {  	[tilespmem:s6], [sflag:$0x1] =	stream.indirect.gather [hbm4b:s5+s6], $0x10, s2, s6, $0xb8;
	[tilespmem:$0x2200] =	vst v63  }
0x91: {  	_ =	swait.ge [sflag:s7], $0x2000  }
0x92: {  	[sflag:s7] =	ssyncset.done $0x0  }
0x93: {  	[sflag:s7] =	ssyncadd.s32 $0xFFFFE000  }
0x94: {  	[hbm4b:s10+s2] =	stream.linear.scatter [tilespmem:s6], [sflag:$0x2], $0x2000, $0x38;
	[tilespmem:$0x2200] =	vst v63  }
0x95: {  	_ =	swait.ge [sflag:s3], $0x2000  }
0x96: {  	[sflag:s3] =	ssyncset.done $0x0  }
0x97: {  	[sflag:s3] =	ssyncadd.s32 $0xFFFFE000  }
0x98: {  	[tilespmem:s2], [sflag:$0x2] =	stream.linear.gather [hbm4b:s11+s2], $0x200, $0x38;
	[tilespmem:$0x2200] =	vst v63  }
0x99: {  	_ =	swait.ge [sflag:s3], $0x200  }
0x9a: {  	[sflag:s3] =	ssyncset.done $0x0  }
0x9b: {  	[sflag:s3] =	ssyncadd.s32 $0xFFFFFE00  }
0x9c: {  	[tilespmem:s6], [sflag:$0x1] =	stream.indirect.gather [hbm4b:s5+s6], $0x10, s2, s6, $0xb8;
	[tilespmem:$0x2200] =	vst v63  }
0x9d: {  	_ =	swait.ge [sflag:s7], $0x2000  }
0x9e: {  	[sflag:s7] =	ssyncset.done $0x0  }
0x9f: {  	[sflag:s7] =	ssyncadd.s32 $0xFFFFE000  }
0xa0: {  	[hbm4b:s12+s2] =	stream.linear.scatter [tilespmem:s6], [sflag:$0x2], $0x2000, $0x38;
	[tilespmem:$0x2200] =	vst v63  }
0xa1: {  	_ =	swait.ge [sflag:s3], $0x2000  }
0xa2: {  	[sflag:s3] =	ssyncset.done $0x0  }
0xa3: {  	[sflag:s3] =	ssyncadd.s32 $0xFFFFE000  }
0xa4: {  	[tilespmem:s2], [sflag:$0x2] =	stream.linear.gather [hbm4b:s13+s2], $0x200, $0x38;
	[tilespmem:$0x2200] =	vst v63  }
0xa5: {  	_ =	swait.ge [sflag:s3], $0x200  }
0xa6: {  	[sflag:s3] =	ssyncset.done $0x0  }
0xa7: {  	[sflag:s3] =	ssyncadd.s32 $0xFFFFFE00  }
0xa8: {  	[tilespmem:s6], [sflag:$0x1] =	stream.indirect.gather [hbm4b:s5+s6], $0x10, s2, s6, $0xb8;
	[tilespmem:$0x2200] =	vst v63  }
0xa9: {  	_ =	swait.ge [sflag:s7], $0x2000  }
0xaa: {  	[sflag:s7] =	ssyncset.done $0x0  }
0xab: {  	[sflag:s7] =	ssyncadd.s32 $0xFFFFE000  }
0xac: {  	[hbm4b:s14+s2] =	stream.linear.scatter [tilespmem:s6], [sflag:$0x2], $0x2000, $0x38;
	[tilespmem:$0x2200] =	vst v63  }
0xad: {  	_ =	swait.ge [sflag:s3], $0x2000  }
0xae: {  	[sflag:s3] =	ssyncset.done $0x0  }
0xaf: {  	[sflag:s3] =	ssyncadd.s32 $0xFFFFE000  }
0xb0: {  	[tilespmem:s2], [sflag:$0x2] =	stream.linear.gather [hbm4b:s15+s2], $0x200, $0x38;
	[tilespmem:$0x2200] =	vst v63  }
0xb1: {  	_ =	swait.ge [sflag:s3], $0x200  }
0xb2: {  	[sflag:s3] =	ssyncset.done $0x0  }
0xb3: {  	[sflag:s3] =	ssyncadd.s32 $0xFFFFFE00  }
0xb4: {  	[tilespmem:s6], [sflag:$0x1] =	stream.indirect.gather [hbm4b:s5+s6], $0x10, s2, s6, $0xb8;
	[tilespmem:$0x2200] =	vst v63  }
0xb5: {  	_ =	swait.ge [sflag:s7], $0x2000  }
0xb6: {  	[sflag:s7] =	ssyncset.done $0x0  }
0xb7: {  	[sflag:s7] =	ssyncadd.s32 $0xFFFFE000  }
0xb8: {  	[hbm4b:s16+s2] =	stream.linear.scatter [tilespmem:s6], [sflag:$0x2], $0x2000, $0x38;
	[tilespmem:$0x2200] =	vst v63  }
0xb9: {  	_ =	swait.ge [sflag:s3], $0x2000  }
0xba: {  	[sflag:s3] =	ssyncset.done $0x0  }
0xbb: {  	[sflag:s3] =	ssyncadd.s32 $0xFFFFE000  }
0xbc: {  	[tilespmem:s2], [sflag:$0x2] =	stream.linear.gather [hbm4b:s17+s2], $0x200, $0x38;
	[tilespmem:$0x2200] =	vst v63  }
0xbd: {  	_ =	swait.ge [sflag:s3], $0x200  }
0xbe: {  	[sflag:s3] =	ssyncset.done $0x0  }
0xbf: {  	[sflag:s3] =	ssyncadd.s32 $0xFFFFFE00  }
0xc0: {  	[tilespmem:s6], [sflag:$0x1] =	stream.indirect.gather [hbm4b:s5+s6], $0x10, s2, s6, $0xb8;
	[tilespmem:$0x2200] =	vst v63  }
0xc1: {  	_ =	swait.ge [sflag:s7], $0x2000  }
0xc2: {  	[sflag:s7] =	ssyncset.done $0x0  }
0xc3: {  	[sflag:s7] =	ssyncadd.s32 $0xFFFFE000  }
0xc4: {  	[hbm4b:s18+s2] =	stream.linear.scatter [tilespmem:s6], [sflag:$0x2], $0x2000, $0x38;
	[tilespmem:$0x2200] =	vst v63  }
0xc5: {  	_ =	swait.ge [sflag:s3], $0x2000  }
0xc6: {  	[sflag:s3] =	ssyncset.done $0x0  }
0xc7: {  	[sflag:s3] =	ssyncadd.s32 $0xFFFFE000  }
0xc8: {  	[tilespmem:s2], [sflag:$0x2] =	stream.linear.gather [hbm4b:s19+s2], $0x200, $0x38;
	[tilespmem:$0x2200] =	vst v63  }
0xc9: {  	_ =	swait.ge [sflag:s3], $0x200  }
0xca: {  	[sflag:s3] =	ssyncset.done $0x0  }
0xcb: {  	[sflag:s3] =	ssyncadd.s32 $0xFFFFFE00  }
0xcc: {  	[tilespmem:s6], [sflag:$0x1] =	stream.indirect.gather [hbm4b:s5+s6], $0x10, s2, s6, $0xb8;
	[tilespmem:$0x2200] =	vst v63  }
0xcd: {  	_ =	swait.ge [sflag:s7], $0x2000  }
0xce: {  	[sflag:s7] =	ssyncset.done $0x0  }
0xcf: {  	[sflag:s7] =	ssyncadd.s32 $0xFFFFE000  }
0xd0: {  	[hbm4b:s20+s2] =	stream.linear.scatter [tilespmem:s6], [sflag:$0x2], $0x2000, $0x38;
	[tilespmem:$0x2200] =	vst v63  }
0xd1: {  	_ =	swait.ge [sflag:s3], $0x2000  }
0xd2: {  	[sflag:s3] =	ssyncset.done $0x0  }
0xd3: {  	[sflag:s3] =	ssyncadd.s32 $0xFFFFE000  }
0xd4: {  	[tilespmem:s2], [sflag:$0x2] =	stream.linear.gather [hbm4b:s21+s2], $0x200, $0x38;
	[tilespmem:$0x2200] =	vst v63  }
0xd5: {  	_ =	swait.ge [sflag:s3], $0x200  }
0xd6: {  	[sflag:s3] =	ssyncset.done $0x0  }
0xd7: {  	[sflag:s3] =	ssyncadd.s32 $0xFFFFFE00  }
0xd8: {  	[tilespmem:s6], [sflag:$0x1] =	stream.indirect.gather [hbm4b:s5+s6], $0x10, s2, s6, $0xb8;
	[tilespmem:$0x2200] =	vst v63  }
0xd9: {  	_ =	swait.ge [sflag:s7], $0x2000  }
0xda: {  	[sflag:s7] =	ssyncset.done $0x0  }
0xdb: {  	[sflag:s7] =	ssyncadd.s32 $0xFFFFE000  }
0xdc: {  	[hbm4b:s22+s2] =	stream.linear.scatter [tilespmem:s6], [sflag:$0x2], $0x2000, $0x38;
	[tilespmem:$0x2200] =	vst v63  }
0xdd: {  	_ =	swait.ge [sflag:s3], $0x2000  }
0xde: {  	[sflag:s3] =	ssyncset.done $0x0  }
0xdf: {  	[sflag:s3] =	ssyncadd.s32 $0xFFFFE000  }
0xe0: {  	[tilespmem:s2], [sflag:$0x2] =	stream.linear.gather [hbm4b:s23+s2], $0x200, $0x38;
	[tilespmem:$0x2200] =	vst v63  }
0xe1: {  	_ =	swait.ge [sflag:s3], $0x200  }
0xe2: {  	[sflag:s3] =	ssyncset.done $0x0  }
0xe3: {  	[sflag:s3] =	ssyncadd.s32 $0xFFFFFE00  }
0xe4: {  	[tilespmem:s6], [sflag:$0x1] =	stream.indirect.gather [hbm4b:s5+s6], $0x10, s2, s6, $0xb8;
	[tilespmem:$0x2200] =	vst v63  }
0xe5: {  	_ =	swait.ge [sflag:s7], $0x2000  }
0xe6: {  	[sflag:s7] =	ssyncset.done $0x0  }
0xe7: {  	[sflag:s7] =	ssyncadd.s32 $0xFFFFE000  }
0xe8: {  	[hbm4b:s24+s2] =	stream.linear.scatter [tilespmem:s6], [sflag:$0x2], $0x2000, $0x38;
	[tilespmem:$0x2200] =	vst v63  }
0xe9: {  	_ =	swait.ge [sflag:s3], $0x2000  }
0xea: {  	[sflag:s3] =	ssyncset.done $0x0  }
0xeb: {  	[sflag:s3] =	ssyncadd.s32 $0xFFFFE000  }
0xec: {  	[tilespmem:s2], [sflag:$0x2] =	stream.linear.gather [hbm4b:s25+s2], $0x200, $0x38;
	[tilespmem:$0x2200] =	vst v63  }
0xed: {  	_ =	swait.ge [sflag:s3], $0x200  }
0xee: {  	[sflag:s3] =	ssyncset.done $0x0  }
0xef: {  	[sflag:s3] =	ssyncadd.s32 $0xFFFFFE00  }
0xf0: {  	[tilespmem:s6], [sflag:$0x1] =	stream.indirect.gather [hbm4b:s5+s6], $0x10, s2, s6, $0xb8;
	[tilespmem:$0x2200] =	vst v63  }
0xf1: {  	_ =	swait.ge [sflag:s7], $0x2000  }
.Ltmp1:
0xf2: {  	[sflag:s7] =	ssyncset.done $0x0;
	(pc) =	sbr.rel @p0 .LBB2_1-.Ltmp1, $4  }
0xf3: {  	[sflag:s7] =	ssyncadd.s32 $0xFFFFE000  }
0xf4: {  	[hbm4b:s26+s2] =	stream.linear.scatter [tilespmem:s6], [sflag:$0x2], $0x2000, $0x38;
	[tilespmem:$0x2200] =	vst v63  }
0xf5: {  	_ =	swait.ge [sflag:s3], $0x2000  }
0xf6: {  	[sflag:s3] =	ssyncset.done $0x0  }
.LBB2_2:
0xf7: {  	[sflag:s3] =	ssyncadd.s32 $0xFFFFE000  }
0xf8: {  	_ =	sfence.sel $0x180000  }
0xf9: {  	[bflag:$0x0] =	sbarrier.arrive $0xFFFF  }
0xfa: {  	p0 =	sne.s32 s0, $0x0;
	_ =	strace $0x90000047  }
0xfb: {  	s0 =	sadd.s32 @!p0 $0x100000, s1;
	[bflag:$0x2] =	sbarrier.arrive $0xFFFF  }
0xfc: {  	[sflag:s0] =	ssyncadd.tile.s32 @!p0 $0x1;
	_ =	shalt  }
.Lfunc_end2:
_tile_overlayer_lowered:
.L_overlay_start_2:
0xfd: {  	(tag) =	ssettag $0x2  }
0xfe: {  	s0 =	rddreg [dreg:$0x0];
	s2 =	stileid.u32  }
0xff: {  	s1 =	rddreg [dreg:$0x1];
	p0 =	sne.s32 s2, $0x0  }
0x100: {  	s3 =	rddreg [dreg:$0x2];
	[bflag:$0x3] =	sbarrier.arrive $0xFFFF;
	s2 =	simm.s32 @!p0 $0x1C02  }
0x101: {  	[timem:s3], [sflag:s2] =	dma.local @!p0 [hbm:s0], s1  }
0x102: {  	s0 =	simm.s32 @!p0 $0x2  }
0x103: {  	_ =	swait.ge @!p0 [sflag:s0], s1  }
0x104: {  	s1 =	ssub.s32 @!p0 $0x0, s1;
	[sflag:s0] =	ssyncset.done @!p0 $0x0  }
0x105: {  	[sflag:s0] =	ssyncadd.s32 @!p0 s1  }
0x106: {  	[bflag:$0x3] =	sbarrier.arrive $0xFFFF  }
0x107: {  	_ =	shalt  }

// kernel: kernel.14.cloned.1.call-start
scs
__scs_entry_jumppad:
0x0: {  	(pc) =	sbr.rel $0x88, $3  }
0x1: {  	(tag) =	ssettag $0x0;
	lr =	simm.s32 $0x1  }
0x2: {  	[smem:$0x3F8B] =	sst lr;
	_ =	strace $0xD0000000  }
0x3: {  	_ = 	snop  }
0x4: {  	_ = 	snop  }
0x5: {  	_ = 	snop  }
0x6: {  	_ = 	snop  }
0x7: {  	_ = 	snop  }
__scs_overlays_trampoline_lowered:
0x8: {  	[smem:$0x3F9A] =	sst s0  }
0x9: {  	[smem:$0x3F9B] =	sst s1  }
0xa: {  	[smem:$0x3F9C] =	sst s2  }
0xb: {  	[smem:$0x3F9D] =	sst s3  }
0xc: {  	[smem:$0x3F9E] =	sst s4  }
0xd: {  	[smem:$0x3F9F] =	sst s5  }
0xe: {  	[smem:$0x3FA0] =	sst s6  }
0xf: {  	[smem:$0x3FA1] =	sst s7  }
0x10: {  	[smem:$0x3FA2] =	sst s8  }
0x11: {  	[smem:$0x3FA3] =	sst s9;
	s0 =	simm.s32 @!p0 $0x0  }
0x12: {  	s1 =	sld [smem:$0x3F89];
	s0 =	simm.s32 @p0 $0x1  }
0x13: {  	[smem:$0x3FA4] =	sst s0;
	s0 =	simm.s32 @!p1 $0x0  }
0x14: {  	s2 =	sld [smem:$0x3F88];
	s0 =	simm.s32 @p1 $0x1  }
0x15: {  	[smem:$0x3FA5] =	sst s0;
	s0 =	simm.s32 @!p2 $0x0  }
0x16: {  	s3 =	sld [smem:$0x3FDB];
	s0 =	simm.s32 @p2 $0x1  }
0x17: {  	s4 =	simm.s32 $0x1BF5;
	[smem:$0x3FA7] =	sst s0  }
0x18: {  	s0 =	sld [smem:$0x3F8A];
	_ =	swait.ge [sflag:s4], $0x0  }
0x19: {  	s7 =	sld [smem:$0x3F8B]  }
0x1a: {  	s8 =	sadd.s32 $0xFFFFE003, lr  }
0x1b: {  	s9 =	sadd.s32 $0xFFFFFEF7, lr;
	s5 =	simm.s32 $0xFFFFFFFF;
	p2 =	slt.u32 s8, $0xFFFFF086  }
0x1c: {  	p1 =	slt.u32 s9, $0xF7A;
	s5 =	simm.s32 @!p2 $0x0  }
0x1d: {  	s5 =	simm.s32 @p1 $0x1;
	p0 =	seq.s32 s7, s2  }
0x1e: {  	s7 =	smul.u32 @!p0 $0xF7A, s2;
	p2 =	seq.s32 @!p0 s5, $0x0  }
0x1f: {  	s9 =	smul.u32 $0xF7A, s1;
	s8 =	simm.s32 @!p0 $0x1BF5;
	p2 =	por !p2, p0  }
0x20: {  	[sflag:s8] =	ssyncset.s32 @!p0 $0xFFFFF086;
	s6 =	sadd.s32 @!p0 s3, s7;
	s7 =	simm.s32 @!p0 $0x108  }
0x21: {  	s3 =	sadd.s32 s3, s9;
	s6 =	sadd.s32 @!p0 $0x88, s6;
	s7 =	simm.s32 @p2 $0x1082  }
0x22: {  	[simem:s7], [sflag:s8] =	dma.local @!p0 [hbm:s6], $0xF7A  }
0x23: {  	s9 =	sor.u32 $0xD0000000, s2;
	s6 =	simm.s32 $0x108;
	_ =	swait.ge @!p0 [sflag:s8], $0x0  }
0x24: {  	s3 =	sadd.s32 $0x88, s3;
	s6 =	simm.s32 @!p1 $0x1082;
	[sflag:s4] =	ssyncset.s32 $0xFFFFF086  }
0x25: {  	[simem:s6], [sflag:s4] =	dma.local [hbm:s3], $0xF7A  }
0x26: {  	[smem:$0x3F8B] =	sst s1;
	(tag) =	ssettag s2;
	_ =	strace s9  }
0x27: {  	s1 =	sld [smem:$0x3F9B]  }
0x28: {  	s2 =	sld [smem:$0x3F9C]  }
0x29: {  	s4 =	sld [smem:$0x3F9E]  }
0x2a: {  	p0 =	seq.s32 s5, $0x0;
	s5 =	sld [smem:$0x3F9F]  }
0x2b: {  	s6 =	sld [smem:$0x3FA0]  }
0x2c: {  	s7 =	sld [smem:$0x3FA1]  }
0x2d: {  	s3 =	simm.s32 $0x108;
	s8 =	sld [smem:$0x3FA2]  }
0x2e: {  	s3 =	simm.s32 @!p0 $0x1082;
	s9 =	sld [smem:$0x3FA3]  }
0x2f: {  	lr =	sadd.s32 s0, s3;
	s0 =	sld [smem:$0x3F9A]  }
0x30: {  	s3 =	sld [smem:$0x3F9D]  }
0x31: {  	[smem:$0x3FA6] =	sst s10  }
0x32: {  	s10 =	sld [smem:$0x3FA4];
	_ =	sdelay $0x3  }
0x33: {  	p0 =	seq.s32 s10, $0x1;
	s10 =	sld [smem:$0x3FA6];
	_ =	sdelay $0x3  }
0x34: {  	[smem:$0x3FA6] =	sst s10  }
0x35: {  	s10 =	sld [smem:$0x3FA5];
	_ =	sdelay $0x3  }
0x36: {  	p1 =	seq.s32 s10, $0x1;
	s10 =	sld [smem:$0x3FA6];
	_ =	sdelay $0x3  }
0x37: {  	[smem:$0x3FA6] =	sst s10  }
0x38: {  	s10 =	sld [smem:$0x3FA7]  }
0x39: {  	_ = 	snop;
	(pc) =	sbr.ind lr, $3  }
0x3a: {  	_ = 	snop  }
0x3b: {  	_ = 	snop  }
0x3c: {  	p2 =	seq.s32 s10, $0x1;
	s10 =	sld [smem:$0x3FA6]  }
0x3d: {  	_ =	shalt  }
0x3e: {  	_ =	shalt  }
0x3f: {  	_ =	shalt  }
0x40: {  	_ =	shalt  }
0x41: {  	_ =	shalt  }
0x42: {  	_ =	shalt  }
0x43: {  	_ =	shalt  }
0x44: {  	_ =	shalt  }
0x45: {  	_ =	shalt  }
0x46: {  	_ =	shalt  }
0x47: {  	_ =	shalt  }
0x48: {  	_ =	shalt  }
0x49: {  	_ =	shalt  }
0x4a: {  	_ =	shalt  }
0x4b: {  	_ =	shalt  }
0x4c: {  	_ =	shalt  }
0x4d: {  	_ =	shalt  }
0x4e: {  	_ =	shalt  }
0x4f: {  	_ =	shalt  }
0x50: {  	_ =	shalt  }
0x51: {  	_ =	shalt  }
0x52: {  	_ =	shalt  }
0x53: {  	_ =	shalt  }
0x54: {  	_ =	shalt  }
0x55: {  	_ =	shalt  }
0x56: {  	_ =	shalt  }
0x57: {  	_ =	shalt  }
0x58: {  	_ =	shalt  }
0x59: {  	_ =	shalt  }
0x5a: {  	_ =	shalt  }
0x5b: {  	_ =	shalt  }
0x5c: {  	_ =	shalt  }
0x5d: {  	_ =	shalt  }
0x5e: {  	_ =	shalt  }
0x5f: {  	_ =	shalt  }
0x60: {  	_ =	shalt  }
0x61: {  	_ =	shalt  }
0x62: {  	_ =	shalt  }
0x63: {  	_ =	shalt  }
0x64: {  	_ =	shalt  }
0x65: {  	_ =	shalt  }
0x66: {  	_ =	shalt  }
0x67: {  	_ =	shalt  }
0x68: {  	_ =	shalt  }
0x69: {  	_ =	shalt  }
0x6a: {  	_ =	shalt  }
0x6b: {  	_ =	shalt  }
0x6c: {  	_ =	shalt  }
0x6d: {  	_ =	shalt  }
0x6e: {  	_ =	shalt  }
0x6f: {  	_ =	shalt  }
0x70: {  	_ =	shalt  }
0x71: {  	_ =	shalt  }
0x72: {  	_ =	shalt  }
0x73: {  	_ =	shalt  }
0x74: {  	_ =	shalt  }
0x75: {  	_ =	shalt  }
0x76: {  	_ =	shalt  }
0x77: {  	_ =	shalt  }
0x78: {  	_ =	shalt  }
0x79: {  	_ =	shalt  }
0x7a: {  	_ =	shalt  }
0x7b: {  	_ =	shalt  }
0x7c: {  	_ =	shalt  }
0x7d: {  	_ =	shalt  }
0x7e: {  	_ =	shalt  }
0x7f: {  	_ =	shalt  }
0x80: {  	_ =	shalt  }
0x81: {  	_ =	shalt  }
0x82: {  	_ =	shalt  }
0x83: {  	_ =	shalt  }
0x84: {  	_ =	shalt  }
0x85: {  	_ =	shalt  }
0x86: {  	_ =	shalt  }
0x87: {  	_ =	shalt  }
.Lfunc_end0:
.L_simem_size_0:
called_computation.1_lowered:
.L_overlay_start_0:
0x88: {  	s2 =	sld [smem:$0x3FD9]  }
0x89: {  	s3 =	sld [smem:$0x3FFE];
	_ =	sdelay $0x1  }
0x8a: {  	s1 =	srdreg.scid  }
0x8b: {  	s0 =	sand.u32 $0x1, s1  }
0x8c: {  	s16 =	sshll.u32 s0, $0xA;
	s2 =	sadd.s32 s3, s2  }
0x8d: {  	s2 =	sadd.s32 s2, s16  }
0x8e: {  	[smem:$0x3FB2] =	sst s2  }
0x8f: {  	_ = 	snop  }
0x90: {  	(tm) =	ssettm $0x1  }
0x91: {  	s17 =	sld [smem:$0x3FFB];
	_ =	sdelay $0x3  }
0x92: {  	_ =	strace s17  }
0x93: {  	s2 =	sld [smem:$0x3FFC];
	_ =	sdelay $0x3  }
0x94: {  	_ =	strace s2  }
0x95: {  	s2 =	sld [smem:$0x3FFD];
	_ =	sdelay $0x3  }
0x96: {  	_ =	strace s2  }
0x97: {  	_ =	strace $0x8FFFFFFF  }
0x98: {  	s18 =	sld [smem:$0x3FDB];
	_ =	sdelay $0x1  }
0x99: {  	s19 =	simm.s32 $_scs_section_size  }
0x9a: {  	s4 =	simm.s32 $_size__tile_overlayer_lowered;
	s5 =	simm.s32 $_tile_overlayer_lowered  }
0x9b: {  	s22 =	simm.s32 $0x1BFF;
	s21 =	sshll.u32 s5, $0x1;
	s2 =	sadd.s32 s19, s18  }
0x9c: {  	s6 =	simm.s32 $0x0;
	s20 =	sshll.u32 s4, $0x1;
	s4 =	sadd.s32 s21, s2  }
0x9d: {  	[timem:s6], [sflag:s22] =	dma.local [hbm:s4], s20  }
0x9e: {  	_ =	swait.ge [sflag:s22], s20  }
0x9f: {  	s3 =	ssub.s32 $0x0, s20;
	[sflag:s22] =	ssyncset.done $0x0  }
0xa0: {  	[sflag:s22] =	ssyncadd.s32 s3;
	_ =	sdelay $0x1  }
0xa1: {  	s23 =	simm.s32 $0x1B8B  }
0xa2: {  	_ =	swait.ge [sflag:s23], $0x1  }
0xa3: {  	[sflag:s23] =	ssyncset.done $0x0  }
0xa4: {  	s25 =	simm.s32 $0x1B8E;
	s24 =	sld [smem:$0x3FFE];
	[sflag:s23] =	ssyncadd.s32 $0xFFFFFFFF  }
0xa5: {  	s26 =	simm.s32 $execute0_lowered;
	[smem:$0x3FD2] =	sst s25  }
0xa6: {  	s4 =	sshll.u32 s26, $0x1;
	_ =	strace $0x80000049;
	[dreg:$0x1] =	wrdreg $0xFFFFFFFF  }
0xa7: {  	s28 =	simm.s32 $_size_execute0_lowered;
	s2 =	sadd.s32 s2, s4;
	[dreg:$0x0] =	wrdreg $0x0  }
0xa8: {  	s4 =	sshll.u32 s28, $0x1;
	[dreg:$0x2] =	wrdreg s2  }
0xa9: {  	[dreg:$0x3] =	wrdreg s4  }
0xaa: {  	[dreg:$0x4] =	wrdreg $0xC0  }
0xab: {  	_ =	task [dreg:s6], $0x5FFFF  }
0xac: {  	[dreg:$0x1] =	wrdreg $0xFFFFFFFF  }
0xad: {  	[dreg:$0x0] =	wrdreg $0x60  }
0xae: {  	[dreg:$0x2] =	wrdreg s24  }
0xaf: {  	[dreg:$0x3] =	wrdreg $0x9  }
0xb0: {  	_ =	task.clear_ibuf [dreg:s6], $0x4FFFF;
	_ =	strace $0x90000049  }
0xb1: {  	s29 =	simm.s32 $0x9;
	_ =	strace $0x8000004B  }
0xb2: {  	_ =	swait.ge [sflag:s29], $0x1  }
0xb3: {  	[sflag:s29] =	ssyncadd.s32 $0xFFFFFFFF  }
0xb4: {  	_ =	strace $0x9000004B  }
0xb5: {  	_ =	sfence  }
0xb6: {  	s30 =	sld [smem:$0x0];
	_ =	sdelay $0x2  }
0xb7: {  	s31 =	sshll.u32 s1, $0xD;
	s1 =	sshrl.u32 s1, $0x2  }
0xb8: {  	s3 =	sand.u32 $0x4000, s31;
	s1 =	sadd.s32 s1, s30  }
0xb9: {  	s0 =	sor.u32 s3, s0;
	s1 =	sshll.u32 s1, $0x11  }
0xba: {  	s0 =	sor.u32 s1, s0  }
0xbb: {  	s0 =	sadd.s32 $0x8F2B, s0  }
0xbc: {  	[sflag:s0] =	ssyncadd.remote.s32 $0x1  }
0xbd: {  	_ =	sfence.sel $0xFFFF  }
0xbe: {  	[dreg:$0x0] =	wrdreg $0xFFFFFFFF;
	(pc) =	sbr.abs _section_cstart, $3  }
0xbf: {  	[dreg:$0x1] =	wrdreg $0xFFFFFFFF  }
0xc0: {  	_ =	task.clear_ibuf [dreg:s6], $0x2FFFF;
	_ =	strace $0x9FFFFFFF  }
0xc1: {  	(tm) =	ssettm $0x7FFFFFFF  }
tec
execute0_lowered:
.L_overlay_start_1:
0x0: {  	(tag) =	ssettag $0x1  }
0x1: {  	s1 =	srdreg.scid;
	s0 =	stileid.u32  }
0x2: {  	s26 =	sand.u32 $0x1, s1;
	s29 =	sshll.u32 s0, $0x1  }
0x3: {  	s8 =	sor.u32 s26, s29  }
0x4: {  	s9 =	rddreg [dreg:$0x0];
	s28 =	smul.u32 $0x1400, s8  }
0x5: {  	s2 =	simm.s32 $0x0;
	s1 =	rddreg [dreg:$0x1]  }
0x6: {  	[smem:$0x7FF] =	sst s2;
	s25 =	sadd.s32 $0x13600, s9;
	s3 =	sshrl.u32 s28, $0x3  }
0x7: {  	_ =	strace $0x8000004A;
	s4 =	sadd.s32 s25, s3;
	s3 =	simm.s32 $0x2  }
0x8: {  	[tilespmem:s2], [sflag:$0x2] =	stream.linear.gather [hbm4b:s4+s2], $0x200, $0x38;
	[tilespmem:$0x8200] =	vst v63  }
0x9: {  	_ =	swait.ge [sflag:s3], $0x200  }
0xa: {  	s6 =	simm.s32 $0x200;
	[sflag:s3] =	ssyncset.done $0x0  }
0xb: {  	s7 =	simm.s32 $0x1;
	s5 =	sadd.s32 $0x3600, s9;
	[sflag:s3] =	ssyncadd.s32 $0xFFFFFE00  }
0xc: {  	[tilespmem:s6], [sflag:$0x1] =	stream.indirect.gather [hbm4b:s5+s6], $0x40, s2, s6, $0xb8;
	[tilespmem:$0x8200] =	vst v63  }
0xd: {  	s8 =	smul.u32 $0xA000, s8;
	_ =	swait.ge [sflag:s7], $0x8000  }
0xe: {  	s29 =	sadd.s32 $0x18600, s9;
	[sflag:s7] =	ssyncset.done $0x0  }
0xf: {  	s8 =	sadd.s32 s29, s8;
	[sflag:s7] =	ssyncadd.s32 $0xFFFF8000  }
0x10: {  	[hbm4b:s8+s2] =	stream.linear.scatter [tilespmem:s6], [sflag:$0x2], $0x8000, $0x38;
	[tilespmem:$0x8200] =	vst v63  }
0x11: {  	s10 =	sor.u32 $0x200, s28;
	_ =	swait.ge [sflag:s3], $0x8000  }
0x12: {  	s30 =	sshrl.u32 s10, $0x3;
	[sflag:s3] =	ssyncset.done $0x0  }
0x13: {  	s9 =	sadd.s32 s25, s30;
	[sflag:s3] =	ssyncadd.s32 $0xFFFF8000  }
0x14: {  	[tilespmem:s2], [sflag:$0x2] =	stream.linear.gather [hbm4b:s9+s2], $0x200, $0x38;
	[tilespmem:$0x8200] =	vst v63  }
0x15: {  	_ =	swait.ge [sflag:s3], $0x200  }
0x16: {  	[sflag:s3] =	ssyncset.done $0x0  }
0x17: {  	[sflag:s3] =	ssyncadd.s32 $0xFFFFFE00  }
0x18: {  	[tilespmem:s6], [sflag:$0x1] =	stream.indirect.gather [hbm4b:s5+s6], $0x40, s2, s6, $0xb8;
	[tilespmem:$0x8200] =	vst v63  }
0x19: {  	_ =	swait.ge [sflag:s7], $0x8000  }
0x1a: {  	s10 =	sshll.u32 s10, $0x3;
	[sflag:s7] =	ssyncset.done $0x0  }
0x1b: {  	s10 =	sadd.s32 s29, s10;
	[sflag:s7] =	ssyncadd.s32 $0xFFFF8000  }
0x1c: {  	[hbm4b:s10+s2] =	stream.linear.scatter [tilespmem:s6], [sflag:$0x2], $0x8000, $0x38;
	[tilespmem:$0x8200] =	vst v63  }
0x1d: {  	s12 =	sadd.s32 $0x400, s28;
	_ =	swait.ge [sflag:s3], $0x8000  }
0x1e: {  	s11 =	sshrl.u32 s12, $0x3;
	[sflag:s3] =	ssyncset.done $0x0  }
0x1f: {  	s11 =	sadd.s32 s25, s11;
	[sflag:s3] =	ssyncadd.s32 $0xFFFF8000  }
0x20: {  	[tilespmem:s2], [sflag:$0x2] =	stream.linear.gather [hbm4b:s11+s2], $0x200, $0x38;
	[tilespmem:$0x8200] =	vst v63  }
0x21: {  	_ =	swait.ge [sflag:s3], $0x200  }
0x22: {  	[sflag:s3] =	ssyncset.done $0x0  }
0x23: {  	[sflag:s3] =	ssyncadd.s32 $0xFFFFFE00  }
0x24: {  	[tilespmem:s6], [sflag:$0x1] =	stream.indirect.gather [hbm4b:s5+s6], $0x40, s2, s6, $0xb8;
	[tilespmem:$0x8200] =	vst v63  }
0x25: {  	_ =	swait.ge [sflag:s7], $0x8000  }
0x26: {  	s12 =	sshll.u32 s12, $0x3;
	[sflag:s7] =	ssyncset.done $0x0  }
0x27: {  	s12 =	sadd.s32 s29, s12;
	[sflag:s7] =	ssyncadd.s32 $0xFFFF8000  }
0x28: {  	[hbm4b:s12+s2] =	stream.linear.scatter [tilespmem:s6], [sflag:$0x2], $0x8000, $0x38;
	[tilespmem:$0x8200] =	vst v63  }
0x29: {  	s14 =	sadd.s32 $0x600, s28;
	_ =	swait.ge [sflag:s3], $0x8000  }
0x2a: {  	s13 =	sshrl.u32 s14, $0x3;
	[sflag:s3] =	ssyncset.done $0x0  }
0x2b: {  	s13 =	sadd.s32 s25, s13;
	[sflag:s3] =	ssyncadd.s32 $0xFFFF8000  }
0x2c: {  	[tilespmem:s2], [sflag:$0x2] =	stream.linear.gather [hbm4b:s13+s2], $0x200, $0x38;
	[tilespmem:$0x8200] =	vst v63  }
0x2d: {  	_ =	swait.ge [sflag:s3], $0x200  }
0x2e: {  	[sflag:s3] =	ssyncset.done $0x0  }
0x2f: {  	[sflag:s3] =	ssyncadd.s32 $0xFFFFFE00  }
0x30: {  	[tilespmem:s6], [sflag:$0x1] =	stream.indirect.gather [hbm4b:s5+s6], $0x40, s2, s6, $0xb8;
	[tilespmem:$0x8200] =	vst v63  }
0x31: {  	_ =	swait.ge [sflag:s7], $0x8000  }
0x32: {  	s14 =	sshll.u32 s14, $0x3;
	[sflag:s7] =	ssyncset.done $0x0  }
0x33: {  	s14 =	sadd.s32 s29, s14;
	[sflag:s7] =	ssyncadd.s32 $0xFFFF8000  }
0x34: {  	[hbm4b:s14+s2] =	stream.linear.scatter [tilespmem:s6], [sflag:$0x2], $0x8000, $0x38;
	[tilespmem:$0x8200] =	vst v63  }
0x35: {  	s16 =	sadd.s32 $0x800, s28;
	_ =	swait.ge [sflag:s3], $0x8000  }
0x36: {  	s15 =	sshrl.u32 s16, $0x3;
	[sflag:s3] =	ssyncset.done $0x0  }
0x37: {  	s15 =	sadd.s32 s25, s15;
	[sflag:s3] =	ssyncadd.s32 $0xFFFF8000  }
0x38: {  	[tilespmem:s2], [sflag:$0x2] =	stream.linear.gather [hbm4b:s15+s2], $0x200, $0x38;
	[tilespmem:$0x8200] =	vst v63  }
0x39: {  	_ =	swait.ge [sflag:s3], $0x200  }
0x3a: {  	[sflag:s3] =	ssyncset.done $0x0  }
0x3b: {  	[sflag:s3] =	ssyncadd.s32 $0xFFFFFE00  }
0x3c: {  	[tilespmem:s6], [sflag:$0x1] =	stream.indirect.gather [hbm4b:s5+s6], $0x40, s2, s6, $0xb8;
	[tilespmem:$0x8200] =	vst v63  }
0x3d: {  	_ =	swait.ge [sflag:s7], $0x8000  }
0x3e: {  	s16 =	sshll.u32 s16, $0x3;
	[sflag:s7] =	ssyncset.done $0x0  }
0x3f: {  	s16 =	sadd.s32 s29, s16;
	[sflag:s7] =	ssyncadd.s32 $0xFFFF8000  }
0x40: {  	[hbm4b:s16+s2] =	stream.linear.scatter [tilespmem:s6], [sflag:$0x2], $0x8000, $0x38;
	[tilespmem:$0x8200] =	vst v63  }
0x41: {  	s18 =	sadd.s32 $0xA00, s28;
	_ =	swait.ge [sflag:s3], $0x8000  }
0x42: {  	s17 =	sshrl.u32 s18, $0x3;
	[sflag:s3] =	ssyncset.done $0x0  }
0x43: {  	s17 =	sadd.s32 s25, s17;
	[sflag:s3] =	ssyncadd.s32 $0xFFFF8000  }
0x44: {  	[tilespmem:s2], [sflag:$0x2] =	stream.linear.gather [hbm4b:s17+s2], $0x200, $0x38;
	[tilespmem:$0x8200] =	vst v63  }
0x45: {  	_ =	swait.ge [sflag:s3], $0x200  }
0x46: {  	[sflag:s3] =	ssyncset.done $0x0  }
0x47: {  	[sflag:s3] =	ssyncadd.s32 $0xFFFFFE00  }
0x48: {  	[tilespmem:s6], [sflag:$0x1] =	stream.indirect.gather [hbm4b:s5+s6], $0x40, s2, s6, $0xb8;
	[tilespmem:$0x8200] =	vst v63  }
0x49: {  	_ =	swait.ge [sflag:s7], $0x8000  }
0x4a: {  	s18 =	sshll.u32 s18, $0x3;
	[sflag:s7] =	ssyncset.done $0x0  }
0x4b: {  	s18 =	sadd.s32 s29, s18;
	[sflag:s7] =	ssyncadd.s32 $0xFFFF8000  }
0x4c: {  	[hbm4b:s18+s2] =	stream.linear.scatter [tilespmem:s6], [sflag:$0x2], $0x8000, $0x38;
	[tilespmem:$0x8200] =	vst v63  }
0x4d: {  	s20 =	sadd.s32 $0xC00, s28;
	_ =	swait.ge [sflag:s3], $0x8000  }
0x4e: {  	s19 =	sshrl.u32 s20, $0x3;
	[sflag:s3] =	ssyncset.done $0x0  }
0x4f: {  	s19 =	sadd.s32 s25, s19;
	[sflag:s3] =	ssyncadd.s32 $0xFFFF8000  }
0x50: {  	[tilespmem:s2], [sflag:$0x2] =	stream.linear.gather [hbm4b:s19+s2], $0x200, $0x38;
	[tilespmem:$0x8200] =	vst v63  }
0x51: {  	_ =	swait.ge [sflag:s3], $0x200  }
0x52: {  	[sflag:s3] =	ssyncset.done $0x0  }
0x53: {  	[sflag:s3] =	ssyncadd.s32 $0xFFFFFE00  }
0x54: {  	[tilespmem:s6], [sflag:$0x1] =	stream.indirect.gather [hbm4b:s5+s6], $0x40, s2, s6, $0xb8;
	[tilespmem:$0x8200] =	vst v63  }
0x55: {  	_ =	swait.ge [sflag:s7], $0x8000  }
0x56: {  	s20 =	sshll.u32 s20, $0x3;
	[sflag:s7] =	ssyncset.done $0x0  }
0x57: {  	s20 =	sadd.s32 s29, s20;
	[sflag:s7] =	ssyncadd.s32 $0xFFFF8000  }
0x58: {  	[hbm4b:s20+s2] =	stream.linear.scatter [tilespmem:s6], [sflag:$0x2], $0x8000, $0x38;
	[tilespmem:$0x8200] =	vst v63  }
0x59: {  	s22 =	sadd.s32 $0xE00, s28;
	_ =	swait.ge [sflag:s3], $0x8000  }
0x5a: {  	s21 =	sshrl.u32 s22, $0x3;
	[sflag:s3] =	ssyncset.done $0x0  }
0x5b: {  	s21 =	sadd.s32 s25, s21;
	[sflag:s3] =	ssyncadd.s32 $0xFFFF8000  }
0x5c: {  	[tilespmem:s2], [sflag:$0x2] =	stream.linear.gather [hbm4b:s21+s2], $0x200, $0x38;
	[tilespmem:$0x8200] =	vst v63  }
0x5d: {  	_ =	swait.ge [sflag:s3], $0x200  }
0x5e: {  	[sflag:s3] =	ssyncset.done $0x0  }
0x5f: {  	[sflag:s3] =	ssyncadd.s32 $0xFFFFFE00  }
0x60: {  	[tilespmem:s6], [sflag:$0x1] =	stream.indirect.gather [hbm4b:s5+s6], $0x40, s2, s6, $0xb8;
	[tilespmem:$0x8200] =	vst v63  }
0x61: {  	_ =	swait.ge [sflag:s7], $0x8000  }
0x62: {  	s22 =	sshll.u32 s22, $0x3;
	[sflag:s7] =	ssyncset.done $0x0  }
0x63: {  	s22 =	sadd.s32 s29, s22;
	[sflag:s7] =	ssyncadd.s32 $0xFFFF8000  }
0x64: {  	[hbm4b:s22+s2] =	stream.linear.scatter [tilespmem:s6], [sflag:$0x2], $0x8000, $0x38;
	[tilespmem:$0x8200] =	vst v63  }
0x65: {  	s24 =	sadd.s32 $0x1000, s28;
	_ =	swait.ge [sflag:s3], $0x8000  }
0x66: {  	s23 =	sshrl.u32 s24, $0x3;
	[sflag:s3] =	ssyncset.done $0x0  }
0x67: {  	s23 =	sadd.s32 s25, s23;
	[sflag:s3] =	ssyncadd.s32 $0xFFFF8000  }
0x68: {  	[tilespmem:s2], [sflag:$0x2] =	stream.linear.gather [hbm4b:s23+s2], $0x200, $0x38;
	[tilespmem:$0x8200] =	vst v63  }
0x69: {  	_ =	swait.ge [sflag:s3], $0x200  }
0x6a: {  	[sflag:s3] =	ssyncset.done $0x0  }
0x6b: {  	[sflag:s3] =	ssyncadd.s32 $0xFFFFFE00  }
0x6c: {  	[tilespmem:s6], [sflag:$0x1] =	stream.indirect.gather [hbm4b:s5+s6], $0x40, s2, s6, $0xb8;
	[tilespmem:$0x8200] =	vst v63  }
0x6d: {  	_ =	swait.ge [sflag:s7], $0x8000  }
0x6e: {  	s24 =	sshll.u32 s24, $0x3;
	[sflag:s7] =	ssyncset.done $0x0  }
0x6f: {  	s24 =	sadd.s32 s29, s24;
	[sflag:s7] =	ssyncadd.s32 $0xFFFF8000  }
0x70: {  	[hbm4b:s24+s2] =	stream.linear.scatter [tilespmem:s6], [sflag:$0x2], $0x8000, $0x38;
	[tilespmem:$0x8200] =	vst v63  }
0x71: {  	s28 =	sadd.s32 $0x1200, s28;
	_ =	swait.ge [sflag:s3], $0x8000  }
0x72: {  	s30 =	sshrl.u32 s28, $0x3;
	[sflag:s3] =	ssyncset.done $0x0  }
0x73: {  	s26 =	ssub.s32 $0x2, s26;
	s25 =	sadd.s32 s25, s30;
	[sflag:s3] =	ssyncadd.s32 $0xFFFF8000  }
0x74: {  	[tilespmem:s2], [sflag:$0x2] =	stream.linear.gather [hbm4b:s25+s2], $0x200, $0x38;
	[tilespmem:$0x8200] =	vst v63  }
0x75: {  	s31 =	sshrl.u32 s26, $0x1;
	_ =	swait.ge [sflag:s3], $0x200  }
0x76: {  	s30 =	ssub.s32 s26, s31;
	[sflag:s3] =	ssyncset.done $0x0  }
0x77: {  	s31 =	sshll.u32 s28, $0x3;
	s28 =	smax.u32 s30, $0x1;
	[sflag:s3] =	ssyncadd.s32 $0xFFFFFE00  }
0x78: {  	[tilespmem:s6], [sflag:$0x1] =	stream.indirect.gather [hbm4b:s5+s6], $0x40, s2, s6, $0xb8;
	[tilespmem:$0x8200] =	vst v63  }
0x79: {  	p0 =	sne.s32 s28, $0x1;
	_ =	swait.ge [sflag:s7], $0x8000  }
.Ltmp0:
0x7a: {  	[sflag:s7] =	ssyncset.done $0x0;
	(pc) =	sbr.rel @!p0 .LBB2_2-.Ltmp0, $4  }
0x7b: {  	s26 =	sadd.s32 s29, s31;
	[sflag:s7] =	ssyncadd.s32 $0xFFFF8000  }
0x7c: {  	[hbm4b:s26+s2] =	stream.linear.scatter [tilespmem:s6], [sflag:$0x2], $0x8000, $0x38;
	[tilespmem:$0x8200] =	vst v63  }
0x7d: {  	_ =	swait.ge [sflag:s3], $0x8000  }
0x7e: {  	s28 =	sadd.s32 $0xFFFFFFFF, s28;
	[sflag:s3] =	ssyncset.done $0x0  }
.LBB2_1:
0x7f: {  	p0 =	sne.s32 s28, $0x1;
	s28 =	sadd.s32 $0xFFFFFFFF, s28;
	[sflag:s3] =	ssyncadd.s32 $0xFFFF8000  }
0x80: {  	[tilespmem:s2], [sflag:$0x2] =	stream.linear.gather [hbm4b:s4+s2], $0x200, $0x38;
	[tilespmem:$0x8200] =	vst v63  }
0x81: {  	_ =	swait.ge [sflag:s3], $0x200  }
0x82: {  	[sflag:s3] =	ssyncset.done $0x0  }
0x83: {  	[sflag:s3] =	ssyncadd.s32 $0xFFFFFE00  }
0x84: {  	[tilespmem:s6], [sflag:$0x1] =	stream.indirect.gather [hbm4b:s5+s6], $0x40, s2, s6, $0xb8;
	[tilespmem:$0x8200] =	vst v63  }
0x85: {  	_ =	swait.ge [sflag:s7], $0x8000  }
0x86: {  	[sflag:s7] =	ssyncset.done $0x0  }
0x87: {  	[sflag:s7] =	ssyncadd.s32 $0xFFFF8000  }
0x88: {  	[hbm4b:s8+s2] =	stream.linear.scatter [tilespmem:s6], [sflag:$0x2], $0x8000, $0x38;
	[tilespmem:$0x8200] =	vst v63  }
0x89: {  	_ =	swait.ge [sflag:s3], $0x8000  }
0x8a: {  	[sflag:s3] =	ssyncset.done $0x0  }
0x8b: {  	[sflag:s3] =	ssyncadd.s32 $0xFFFF8000  }
0x8c: {  	[tilespmem:s2], [sflag:$0x2] =	stream.linear.gather [hbm4b:s9+s2], $0x200, $0x38;
	[tilespmem:$0x8200] =	vst v63  }
0x8d: {  	_ =	swait.ge [sflag:s3], $0x200  }
0x8e: {  	[sflag:s3] =	ssyncset.done $0x0  }
0x8f: {  	[sflag:s3] =	ssyncadd.s32 $0xFFFFFE00  }
0x90: {  	[tilespmem:s6], [sflag:$0x1] =	stream.indirect.gather [hbm4b:s5+s6], $0x40, s2, s6, $0xb8;
	[tilespmem:$0x8200] =	vst v63  }
0x91: {  	_ =	swait.ge [sflag:s7], $0x8000  }
0x92: {  	[sflag:s7] =	ssyncset.done $0x0  }
0x93: {  	[sflag:s7] =	ssyncadd.s32 $0xFFFF8000  }
0x94: {  	[hbm4b:s10+s2] =	stream.linear.scatter [tilespmem:s6], [sflag:$0x2], $0x8000, $0x38;
	[tilespmem:$0x8200] =	vst v63  }
0x95: {  	_ =	swait.ge [sflag:s3], $0x8000  }
0x96: {  	[sflag:s3] =	ssyncset.done $0x0  }
0x97: {  	[sflag:s3] =	ssyncadd.s32 $0xFFFF8000  }
0x98: {  	[tilespmem:s2], [sflag:$0x2] =	stream.linear.gather [hbm4b:s11+s2], $0x200, $0x38;
	[tilespmem:$0x8200] =	vst v63  }
0x99: {  	_ =	swait.ge [sflag:s3], $0x200  }
0x9a: {  	[sflag:s3] =	ssyncset.done $0x0  }
0x9b: {  	[sflag:s3] =	ssyncadd.s32 $0xFFFFFE00  }
0x9c: {  	[tilespmem:s6], [sflag:$0x1] =	stream.indirect.gather [hbm4b:s5+s6], $0x40, s2, s6, $0xb8;
	[tilespmem:$0x8200] =	vst v63  }
0x9d: {  	_ =	swait.ge [sflag:s7], $0x8000  }
0x9e: {  	[sflag:s7] =	ssyncset.done $0x0  }
0x9f: {  	[sflag:s7] =	ssyncadd.s32 $0xFFFF8000  }
0xa0: {  	[hbm4b:s12+s2] =	stream.linear.scatter [tilespmem:s6], [sflag:$0x2], $0x8000, $0x38;
	[tilespmem:$0x8200] =	vst v63  }
0xa1: {  	_ =	swait.ge [sflag:s3], $0x8000  }
0xa2: {  	[sflag:s3] =	ssyncset.done $0x0  }
0xa3: {  	[sflag:s3] =	ssyncadd.s32 $0xFFFF8000  }
0xa4: {  	[tilespmem:s2], [sflag:$0x2] =	stream.linear.gather [hbm4b:s13+s2], $0x200, $0x38;
	[tilespmem:$0x8200] =	vst v63  }
0xa5: {  	_ =	swait.ge [sflag:s3], $0x200  }
0xa6: {  	[sflag:s3] =	ssyncset.done $0x0  }
0xa7: {  	[sflag:s3] =	ssyncadd.s32 $0xFFFFFE00  }
0xa8: {  	[tilespmem:s6], [sflag:$0x1] =	stream.indirect.gather [hbm4b:s5+s6], $0x40, s2, s6, $0xb8;
	[tilespmem:$0x8200] =	vst v63  }
0xa9: {  	_ =	swait.ge [sflag:s7], $0x8000  }
0xaa: {  	[sflag:s7] =	ssyncset.done $0x0  }
0xab: {  	[sflag:s7] =	ssyncadd.s32 $0xFFFF8000  }
0xac: {  	[hbm4b:s14+s2] =	stream.linear.scatter [tilespmem:s6], [sflag:$0x2], $0x8000, $0x38;
	[tilespmem:$0x8200] =	vst v63  }
0xad: {  	_ =	swait.ge [sflag:s3], $0x8000  }
0xae: {  	[sflag:s3] =	ssyncset.done $0x0  }
0xaf: {  	[sflag:s3] =	ssyncadd.s32 $0xFFFF8000  }
0xb0: {  	[tilespmem:s2], [sflag:$0x2] =	stream.linear.gather [hbm4b:s15+s2], $0x200, $0x38;
	[tilespmem:$0x8200] =	vst v63  }
0xb1: {  	_ =	swait.ge [sflag:s3], $0x200  }
0xb2: {  	[sflag:s3] =	ssyncset.done $0x0  }
0xb3: {  	[sflag:s3] =	ssyncadd.s32 $0xFFFFFE00  }
0xb4: {  	[tilespmem:s6], [sflag:$0x1] =	stream.indirect.gather [hbm4b:s5+s6], $0x40, s2, s6, $0xb8;
	[tilespmem:$0x8200] =	vst v63  }
0xb5: {  	_ =	swait.ge [sflag:s7], $0x8000  }
0xb6: {  	[sflag:s7] =	ssyncset.done $0x0  }
0xb7: {  	[sflag:s7] =	ssyncadd.s32 $0xFFFF8000  }
0xb8: {  	[hbm4b:s16+s2] =	stream.linear.scatter [tilespmem:s6], [sflag:$0x2], $0x8000, $0x38;
	[tilespmem:$0x8200] =	vst v63  }
0xb9: {  	_ =	swait.ge [sflag:s3], $0x8000  }
0xba: {  	[sflag:s3] =	ssyncset.done $0x0  }
0xbb: {  	[sflag:s3] =	ssyncadd.s32 $0xFFFF8000  }
0xbc: {  	[tilespmem:s2], [sflag:$0x2] =	stream.linear.gather [hbm4b:s17+s2], $0x200, $0x38;
	[tilespmem:$0x8200] =	vst v63  }
0xbd: {  	_ =	swait.ge [sflag:s3], $0x200  }
0xbe: {  	[sflag:s3] =	ssyncset.done $0x0  }
0xbf: {  	[sflag:s3] =	ssyncadd.s32 $0xFFFFFE00  }
0xc0: {  	[tilespmem:s6], [sflag:$0x1] =	stream.indirect.gather [hbm4b:s5+s6], $0x40, s2, s6, $0xb8;
	[tilespmem:$0x8200] =	vst v63  }
0xc1: {  	_ =	swait.ge [sflag:s7], $0x8000  }
0xc2: {  	[sflag:s7] =	ssyncset.done $0x0  }
0xc3: {  	[sflag:s7] =	ssyncadd.s32 $0xFFFF8000  }
0xc4: {  	[hbm4b:s18+s2] =	stream.linear.scatter [tilespmem:s6], [sflag:$0x2], $0x8000, $0x38;
	[tilespmem:$0x8200] =	vst v63  }
0xc5: {  	_ =	swait.ge [sflag:s3], $0x8000  }
0xc6: {  	[sflag:s3] =	ssyncset.done $0x0  }
0xc7: {  	[sflag:s3] =	ssyncadd.s32 $0xFFFF8000  }
0xc8: {  	[tilespmem:s2], [sflag:$0x2] =	stream.linear.gather [hbm4b:s19+s2], $0x200, $0x38;
	[tilespmem:$0x8200] =	vst v63  }
0xc9: {  	_ =	swait.ge [sflag:s3], $0x200  }
0xca: {  	[sflag:s3] =	ssyncset.done $0x0  }
0xcb: {  	[sflag:s3] =	ssyncadd.s32 $0xFFFFFE00  }
0xcc: {  	[tilespmem:s6], [sflag:$0x1] =	stream.indirect.gather [hbm4b:s5+s6], $0x40, s2, s6, $0xb8;
	[tilespmem:$0x8200] =	vst v63  }
0xcd: {  	_ =	swait.ge [sflag:s7], $0x8000  }
0xce: {  	[sflag:s7] =	ssyncset.done $0x0  }
0xcf: {  	[sflag:s7] =	ssyncadd.s32 $0xFFFF8000  }
0xd0: {  	[hbm4b:s20+s2] =	stream.linear.scatter [tilespmem:s6], [sflag:$0x2], $0x8000, $0x38;
	[tilespmem:$0x8200] =	vst v63  }
0xd1: {  	_ =	swait.ge [sflag:s3], $0x8000  }
0xd2: {  	[sflag:s3] =	ssyncset.done $0x0  }
0xd3: {  	[sflag:s3] =	ssyncadd.s32 $0xFFFF8000  }
0xd4: {  	[tilespmem:s2], [sflag:$0x2] =	stream.linear.gather [hbm4b:s21+s2], $0x200, $0x38;
	[tilespmem:$0x8200] =	vst v63  }
0xd5: {  	_ =	swait.ge [sflag:s3], $0x200  }
0xd6: {  	[sflag:s3] =	ssyncset.done $0x0  }
0xd7: {  	[sflag:s3] =	ssyncadd.s32 $0xFFFFFE00  }
0xd8: {  	[tilespmem:s6], [sflag:$0x1] =	stream.indirect.gather [hbm4b:s5+s6], $0x40, s2, s6, $0xb8;
	[tilespmem:$0x8200] =	vst v63  }
0xd9: {  	_ =	swait.ge [sflag:s7], $0x8000  }
0xda: {  	[sflag:s7] =	ssyncset.done $0x0  }
0xdb: {  	[sflag:s7] =	ssyncadd.s32 $0xFFFF8000  }
0xdc: {  	[hbm4b:s22+s2] =	stream.linear.scatter [tilespmem:s6], [sflag:$0x2], $0x8000, $0x38;
	[tilespmem:$0x8200] =	vst v63  }
0xdd: {  	_ =	swait.ge [sflag:s3], $0x8000  }
0xde: {  	[sflag:s3] =	ssyncset.done $0x0  }
0xdf: {  	[sflag:s3] =	ssyncadd.s32 $0xFFFF8000  }
0xe0: {  	[tilespmem:s2], [sflag:$0x2] =	stream.linear.gather [hbm4b:s23+s2], $0x200, $0x38;
	[tilespmem:$0x8200] =	vst v63  }
0xe1: {  	_ =	swait.ge [sflag:s3], $0x200  }
0xe2: {  	[sflag:s3] =	ssyncset.done $0x0  }
0xe3: {  	[sflag:s3] =	ssyncadd.s32 $0xFFFFFE00  }
0xe4: {  	[tilespmem:s6], [sflag:$0x1] =	stream.indirect.gather [hbm4b:s5+s6], $0x40, s2, s6, $0xb8;
	[tilespmem:$0x8200] =	vst v63  }
0xe5: {  	_ =	swait.ge [sflag:s7], $0x8000  }
0xe6: {  	[sflag:s7] =	ssyncset.done $0x0  }
0xe7: {  	[sflag:s7] =	ssyncadd.s32 $0xFFFF8000  }
0xe8: {  	[hbm4b:s24+s2] =	stream.linear.scatter [tilespmem:s6], [sflag:$0x2], $0x8000, $0x38;
	[tilespmem:$0x8200] =	vst v63  }
0xe9: {  	_ =	swait.ge [sflag:s3], $0x8000  }
0xea: {  	[sflag:s3] =	ssyncset.done $0x0  }
0xeb: {  	[sflag:s3] =	ssyncadd.s32 $0xFFFF8000  }
0xec: {  	[tilespmem:s2], [sflag:$0x2] =	stream.linear.gather [hbm4b:s25+s2], $0x200, $0x38;
	[tilespmem:$0x8200] =	vst v63  }
0xed: {  	_ =	swait.ge [sflag:s3], $0x200  }
0xee: {  	[sflag:s3] =	ssyncset.done $0x0  }
0xef: {  	[sflag:s3] =	ssyncadd.s32 $0xFFFFFE00  }
0xf0: {  	[tilespmem:s6], [sflag:$0x1] =	stream.indirect.gather [hbm4b:s5+s6], $0x40, s2, s6, $0xb8;
	[tilespmem:$0x8200] =	vst v63  }
0xf1: {  	_ =	swait.ge [sflag:s7], $0x8000  }
.Ltmp1:
0xf2: {  	[sflag:s7] =	ssyncset.done $0x0;
	(pc) =	sbr.rel @p0 .LBB2_1-.Ltmp1, $4  }
0xf3: {  	[sflag:s7] =	ssyncadd.s32 $0xFFFF8000  }
0xf4: {  	[hbm4b:s26+s2] =	stream.linear.scatter [tilespmem:s6], [sflag:$0x2], $0x8000, $0x38;
	[tilespmem:$0x8200] =	vst v63  }
0xf5: {  	_ =	swait.ge [sflag:s3], $0x8000  }
0xf6: {  	[sflag:s3] =	ssyncset.done $0x0  }
.LBB2_2:
0xf7: {  	[sflag:s3] =	ssyncadd.s32 $0xFFFF8000  }
0xf8: {  	_ =	sfence.sel $0x180000  }
0xf9: {  	[bflag:$0x0] =	sbarrier.arrive $0xFFFF  }
0xfa: {  	p0 =	sne.s32 s0, $0x0;
	_ =	strace $0x9000004A  }
0xfb: {  	s0 =	sadd.s32 @!p0 $0x100000, s1;
	[bflag:$0x2] =	sbarrier.arrive $0xFFFF  }
0xfc: {  	[sflag:s0] =	ssyncadd.tile.s32 @!p0 $0x1;
	_ =	shalt  }
.Lfunc_end2:
_tile_overlayer_lowered:
.L_overlay_start_2:
0xfd: {  	(tag) =	ssettag $0x2  }
0xfe: {  	s0 =	rddreg [dreg:$0x0];
	s2 =	stileid.u32  }
0xff: {  	s1 =	rddreg [dreg:$0x1];
	p0 =	sne.s32 s2, $0x0  }
0x100: {  	s3 =	rddreg [dreg:$0x2];
	[bflag:$0x3] =	sbarrier.arrive $0xFFFF;
	s2 =	simm.s32 @!p0 $0x1C02  }
0x101: {  	[timem:s3], [sflag:s2] =	dma.local @!p0 [hbm:s0], s1  }
0x102: {  	s0 =	simm.s32 @!p0 $0x2  }
0x103: {  	_ =	swait.ge @!p0 [sflag:s0], s1  }
0x104: {  	s1 =	ssub.s32 @!p0 $0x0, s1;
	[sflag:s0] =	ssyncset.done @!p0 $0x0  }
0x105: {  	[sflag:s0] =	ssyncadd.s32 @!p0 s1  }
0x106: {  	[bflag:$0x3] =	sbarrier.arrive $0xFFFF  }
0x107: {  	_ =	shalt  }

</sc_bundles>
